<compile_context>
chip_gen: v7x
topology: tpu7x:2x2x1
jax: 0.10.2.dev20260603
libtpu: 0.0.44.dev20260713+nightly
codegen_flags: <defaults>
</compile_context>

<pallas_src>
import functools

import jax
import jax.numpy as jnp
from jax import lax
from jax.experimental import pallas as pl
from jax.experimental.pallas import tpu as pltpu
from jax.experimental.pallas import tpu_sc as plsc

NUM_FIELDS = 26
VOCAB = 100000
EMBED_DIM = 32
BATCH = 16384

_NC = 2
_NS = 16
_NW = _NC * _NS

_TOTAL = BATCH * NUM_FIELDS
_GATHER = 128
_NGATH = 13
_CHUNK = _GATHER * _NGATH
_NCHUNKS = _TOTAL // _CHUNK
_CHUNKS_PER_W = _NCHUNKS // _NW
_PERIOD = 208


def _sc_gather_kernel(
    idx_hbm, tab_hbm, out_hbm,
    patt_v, idx0, idx1, rows0, rows1,
    isem0, isem1, gsem0, gsem1, wsem0, wsem1,
):
    wid = lax.axis_index("s") * _NC + lax.axis_index("c")
    base = wid * _CHUNKS_PER_W

    pltpu.async_copy(idx_hbm.at[base], idx0, isem0)

    lanes = lax.iota(jnp.int32, 16)
    for k in range(_PERIOD // 16):
        q = lanes + (16 * k)
        patt_v[pl.ds(16 * k, 16)] = (q % NUM_FIELDS) * VOCAB

    def body(c, carry):
        @pl.when(c % 2 == 0)
        def _():
            step_even(c)

        @pl.when(c % 2 == 1)
        def _():
            step_odd(c)

        return carry

    def step_even(c):
        chunk_id = base + c
        pltpu.make_async_copy(idx_hbm.at[base], idx0, isem0).wait()
        for j in range(_NGATH):
            for i in range(_GATHER // 16):
                off = (j * _GATHER + i * 16) % _PERIOD
                idx0[j, pl.ds(i * 16, 16)] = (
                    idx0[j, pl.ds(i * 16, 16)] + patt_v[pl.ds(off, 16)]
                )
        @pl.when(c >= 2)
        def _():
            pltpu.make_async_copy(out_hbm.at[base], rows0, wsem0).wait()

        for j in range(_NGATH):
            pltpu.async_copy(
                tab_hbm.at[idx0.at[j]],
                rows0.at[pl.ds(j * _GATHER, _GATHER)],
                gsem0,
            )

        @pl.when(c >= 1)
        def _():
            for j in range(_NGATH):
                pltpu.make_async_copy(
                    tab_hbm.at[idx1.at[j]],
                    rows1.at[pl.ds(j * _GATHER, _GATHER)],
                    gsem1,
                ).wait()
            pltpu.async_copy(rows1, out_hbm.at[chunk_id - 1], wsem1)

        @pl.when(c + 1 < _CHUNKS_PER_W)
        def _():
            pltpu.async_copy(idx_hbm.at[chunk_id + 1], idx1, isem1)

    def step_odd(c):
        chunk_id = base + c
        pltpu.make_async_copy(idx_hbm.at[base], idx1, isem1).wait()
        for j in range(_NGATH):
            for i in range(_GATHER // 16):
                off = (j * _GATHER + i * 16) % _PERIOD
                idx1[j, pl.ds(i * 16, 16)] = (
                    idx1[j, pl.ds(i * 16, 16)] + patt_v[pl.ds(off, 16)]
                )
        @pl.when(c >= 2)
        def _():
            pltpu.make_async_copy(out_hbm.at[base], rows1, wsem1).wait()

        for j in range(_NGATH):
            pltpu.async_copy(
                tab_hbm.at[idx1.at[j]],
                rows1.at[pl.ds(j * _GATHER, _GATHER)],
                gsem1,
            )

        for j in range(_NGATH):
            pltpu.make_async_copy(
                tab_hbm.at[idx0.at[j]],
                rows0.at[pl.ds(j * _GATHER, _GATHER)],
                gsem0,
            ).wait()
        pltpu.async_copy(rows0, out_hbm.at[chunk_id - 1], wsem0)

        @pl.when(c + 1 < _CHUNKS_PER_W)
        def _():
            pltpu.async_copy(idx_hbm.at[chunk_id + 1], idx0, isem0)

    lax.fori_loop(0, _CHUNKS_PER_W, body, 0)

    for j in range(_NGATH):
        pltpu.make_async_copy(
            tab_hbm.at[idx1.at[j]],
            rows1.at[pl.ds(j * _GATHER, _GATHER)],
            gsem1,
        ).wait()
    pltpu.async_copy(rows1, out_hbm.at[base + _CHUNKS_PER_W - 1], wsem1)
    pltpu.make_async_copy(out_hbm.at[base], rows0, wsem0).wait()
    pltpu.make_async_copy(out_hbm.at[base], rows1, wsem1).wait()


@jax.jit
def kernel(category_inputs, tables):
    idx3 = category_inputs.reshape(_NCHUNKS, _NGATH, _GATHER)
    tab2 = tables.reshape(NUM_FIELDS * VOCAB, EMBED_DIM)

    mesh = plsc.VectorSubcoreMesh(core_axis_name="c", subcore_axis_name="s")
    run = functools.partial(
        pl.kernel,
        out_type=jax.ShapeDtypeStruct((_NCHUNKS, _CHUNK, EMBED_DIM), jnp.float32),
        mesh=mesh,
        scratch_types=[
            pltpu.VMEM((_PERIOD,), jnp.int32),
            pltpu.VMEM((_NGATH, _GATHER), jnp.int32),
            pltpu.VMEM((_NGATH, _GATHER), jnp.int32),
            pltpu.VMEM((_CHUNK, EMBED_DIM), jnp.float32),
            pltpu.VMEM((_CHUNK, EMBED_DIM), jnp.float32),
            pltpu.SemaphoreType.DMA,
            pltpu.SemaphoreType.DMA,
            pltpu.SemaphoreType.DMA,
            pltpu.SemaphoreType.DMA,
            pltpu.SemaphoreType.DMA,
            pltpu.SemaphoreType.DMA,
        ],
        compiler_params=pltpu.CompilerParams(use_tc_tiling_on_sc=False),
    )(_sc_gather_kernel)
    out = run(idx3, tab2)
    return out.reshape(BATCH, NUM_FIELDS * EMBED_DIM)

# --- scband reference (transcript-rebuilt; emitter-appended) ---
"""Pipeline reference for scband-feature-extractor-89945205113455 (READ-ONLY COPY).

The authoritative reference and input builder live on the scoring server;
editing this copy changes nothing except your own understanding.
"""

import jax, jax.numpy as jnp
import numpy as np

NUM_FIELDS = 26
VOCAB = 100000
EMBED_DIM = 32
BATCH = 16384

def setup_inputs(seed: int = 0) -> dict:
    key = jax.random.key(seed)
    k_idx, k_tab = jax.random.split(key)
    category_inputs = jax.random.randint(k_idx, (BATCH, NUM_FIELDS), 0, VOCAB, dtype=jnp.int32)
    # All 26 embedding tables have identical (vocab, dim) so stack them: [F, V, D]
    tables = jax.random.normal(k_tab, (NUM_FIELDS, VOCAB, EMBED_DIM), dtype=jnp.float32) * 0.01
    return {"category_inputs": category_inputs, "tables": tables}

def reference(category_inputs, tables):
    # For each field i: h_i = tables[i][category_inputs[:, i]]  -> [B, D]
    # Concatenate along feature dim -> [B, F*D]
    F = tables.shape[0]
    field_ids = jnp.arange(F)[None, :]              # [1, F]
    gathered = tables[field_ids, category_inputs]   # [B, F, D] via per-field gather
    h = gathered.reshape(category_inputs.shape[0], -1)  # equivalent to torch.cat(h, dim=1)
    return h

if __name__ == "__main__":
    import jax
    _d = setup_inputs()
    print(jax.jit(kernel)(*tuple(_d.values())))

</pallas_src>

<mosaic_0001>
#map = affine_map<(d0, d1) -> (0, 0, 0)>
#map1 = affine_map<(d0, d1) -> (0, 0)>
module attributes {stable_mosaic.version = 14 : i64} {
  func.func @_sc_gather_kernel(%arg0: i32, %arg1: i32, %arg2: memref<256x13x128xi32, #tpu.memory_space<hbm>>, %arg3: memref<2600000x32xf32, #tpu.memory_space<hbm>>, %arg4: memref<256x1664x32xf32, #tpu.memory_space<hbm>>, %arg5: memref<208xi32, #tpu.memory_space<vmem>>, %arg6: memref<13x128xi32, #tpu.memory_space<vmem>>, %arg7: memref<13x128xi32, #tpu.memory_space<vmem>>, %arg8: memref<1664x32xf32, #tpu.memory_space<vmem>>, %arg9: memref<1664x32xf32, #tpu.memory_space<vmem>>, %arg10: memref<!tpu.dma_semaphore, #tpu.memory_space<semaphore_mem>>, %arg11: memref<!tpu.dma_semaphore, #tpu.memory_space<semaphore_mem>>, %arg12: memref<!tpu.dma_semaphore, #tpu.memory_space<semaphore_mem>>, %arg13: memref<!tpu.dma_semaphore, #tpu.memory_space<semaphore_mem>>, %arg14: memref<!tpu.dma_semaphore, #tpu.memory_space<semaphore_mem>>, %arg15: memref<!tpu.dma_semaphore, #tpu.memory_space<semaphore_mem>>) attributes {dimension_semantics = [#tpu.dimension_semantics<core_parallel>, #tpu.dimension_semantics<subcore_parallel>], iteration_bounds = array<i64: 2, 16>, scalar_prefetch = 0 : i64, scratch_operands = 11 : i64, tpu.core_type = #tpu.core_type<sc_vector_subcore>, window_params = [{transform_indices = #map}, {transform_indices = #map1}, {transform_indices = #map}]} {
    %mul3A = arith.constant 2 : i32
    %mul3A_0 = arith.muli %arg1, %mul3A : i32
    %add3A = arith.addi %mul3A_0, %arg0 : i32
    %mul3A_1 = arith.constant 8 : i32
    %mul3A_2 = arith.muli %add3A, %mul3A_1 : i32
    %dma_start3A = arith.constant 0 : i32
    %dma_start3A_3 = arith.constant 0 : i32
    %dma_start3A_4 = tpu.memref_slice %arg2[%mul3A_2, %dma_start3A, %dma_start3A_3] : memref<256x13x128xi32, #tpu.memory_space<hbm>> -> memref<1x13x128xi32, #tpu.memory_space<hbm>>
    %dma_start3A_5 = tpu.memref_squeeze %dma_start3A_4 : memref<1x13x128xi32, #tpu.memory_space<hbm>> -> memref<13x128xi32, #tpu.memory_space<hbm>>
    %dma_start3A_6 = arith.constant 0 : i32
    %dma_start3A_7 = arith.constant 0 : i32
    %dma_start3A_8 = tpu.memref_slice %arg2[%mul3A_2, %dma_start3A_6, %dma_start3A_7] : memref<256x13x128xi32, #tpu.memory_space<hbm>> -> memref<1x13x128xi32, #tpu.memory_space<hbm>>
    %dma_start3A_9 = tpu.memref_squeeze %dma_start3A_8 : memref<1x13x128xi32, #tpu.memory_space<hbm>> -> memref<13x128xi32, #tpu.memory_space<hbm>>
    tpu.enqueue_dma source(%dma_start3A_9 : memref<13x128xi32, #tpu.memory_space<hbm>>) target(%arg6 : memref<13x128xi32, #tpu.memory_space<vmem>>) target_semaphore(%arg10 : memref<!tpu.dma_semaphore, #tpu.memory_space<semaphore_mem>>)
    %iota3A = tpu.iota {dimensions = array<i32: 0>} : vector<16xi32>
    %add3A_10 = arith.constant 0 : i32
    %add3A_11 = vector.broadcast %add3A_10 : i32 to vector<16xi32>
    %add3A_12 = arith.addi %iota3A, %add3A_11 : vector<16xi32>
    %jit3A = arith.constant 26 : i32
    %eq3A = arith.constant 0 : i32
    %eq3A_13 = arith.cmpi eq, %jit3A, %eq3A : i32
    %jit3A_14 = arith.constant 1 : i32
    %select_n3A = arith.select %eq3A_13, %jit3A_14, %jit3A : i32
    %rem3A = vector.broadcast %select_n3A : i32 to vector<16xi32>
    %rem3A_15 = arith.remsi %add3A_12, %rem3A : vector<16xi32>
    %ne3A = arith.constant 0 : i32
    %ne3A_16 = vector.broadcast %ne3A : i32 to vector<16xi32>
    %ne3A_17 = arith.cmpi ne, %rem3A_15, %ne3A_16 : vector<16xi32>
    %lt3A = arith.constant 0 : i32
    %lt3A_18 = vector.broadcast %lt3A : i32 to vector<16xi32>
    %lt3A_19 = arith.cmpi slt, %rem3A_15, %lt3A_18 : vector<16xi32>
    %lt3A_20 = arith.constant 0 : i32
    %lt3A_21 = arith.cmpi slt, %select_n3A, %lt3A_20 : i32
    %ne3A_22 = vector.broadcast %lt3A_21 : i1 to vector<16xi1>
    %ne3A_23 = vector.broadcast %ne3A_22 : vector<16xi1> to vector<16xi1>
    %ne3A_24 = arith.xori %lt3A_19, %ne3A_23 : vector<16xi1>
    %and3A = arith.andi %ne3A_24, %ne3A_17 : vector<16xi1>
    %add3A_25 = vector.broadcast %select_n3A : i32 to vector<16xi32>
    %add3A_26 = arith.addi %rem3A_15, %add3A_25 : vector<16xi32>
    %select_n3A_27 = arith.select %and3A, %add3A_26, %rem3A_15 : vector<16xi1>, vector<16xi32>
    %mul3A_28 = arith.constant 100000 : i32
    %mul3A_29 = vector.broadcast %mul3A_28 : i32 to vector<16xi32>
    %mul3A_30 = arith.muli %select_n3A_27, %mul3A_29 : vector<16xi32>
    %swap3A = arith.constant 0 : index
    %swap3A_31 = tpu.vector_load %arg5[%swap3A] {strides = array<i32>} : memref<208xi32, #tpu.memory_space<vmem>>, vector<16xi32>,
    %swap3A_32 = vector.shape_cast %swap3A_31 : vector<16xi32> to vector<16xi32>
    %swap3A_33 = vector.shape_cast %mul3A_30 : vector<16xi32> to vector<16xi32>
    tpu.vector_store %arg5[%swap3A], %swap3A_33 {strides = array<i32>} : memref<208xi32, #tpu.memory_space<vmem>>, vector<16xi32>,
    %add3A_34 = arith.constant 16 : i32
    %add3A_35 = vector.broadcast %add3A_34 : i32 to vector<16xi32>
    %add3A_36 = arith.addi %iota3A, %add3A_35 : vector<16xi32>
    %jit3A_37 = arith.constant 26 : i32
    %eq3A_38 = arith.constant 0 : i32
    %eq3A_39 = arith.cmpi eq, %jit3A_37, %eq3A_38 : i32
    %jit3A_40 = arith.constant 1 : i32
    %select_n3A_41 = arith.select %eq3A_39, %jit3A_40, %jit3A_37 : i32
    %rem3A_42 = vector.broadcast %select_n3A_41 : i32 to vector<16xi32>
    %rem3A_43 = arith.remsi %add3A_36, %rem3A_42 : vector<16xi32>
    %ne3A_44 = arith.constant 0 : i32
    %ne3A_45 = vector.broadcast %ne3A_44 : i32 to vector<16xi32>
    %ne3A_46 = arith.cmpi ne, %rem3A_43, %ne3A_45 : vector<16xi32>
    %lt3A_47 = arith.constant 0 : i32
    %lt3A_48 = vector.broadcast %lt3A_47 : i32 to vector<16xi32>
    %lt3A_49 = arith.cmpi slt, %rem3A_43, %lt3A_48 : vector<16xi32>
    %lt3A_50 = arith.constant 0 : i32
    %lt3A_51 = arith.cmpi slt, %select_n3A_41, %lt3A_50 : i32
    %ne3A_52 = vector.broadcast %lt3A_51 : i1 to vector<16xi1>
    %ne3A_53 = vector.broadcast %ne3A_52 : vector<16xi1> to vector<16xi1>
    %ne3A_54 = arith.xori %lt3A_49, %ne3A_53 : vector<16xi1>
    %and3A_55 = arith.andi %ne3A_54, %ne3A_46 : vector<16xi1>
    %add3A_56 = vector.broadcast %select_n3A_41 : i32 to vector<16xi32>
    %add3A_57 = arith.addi %rem3A_43, %add3A_56 : vector<16xi32>
    %select_n3A_58 = arith.select %and3A_55, %add3A_57, %rem3A_43 : vector<16xi1>, vector<16xi32>
    %mul3A_59 = arith.constant 100000 : i32
    %mul3A_60 = vector.broadcast %mul3A_59 : i32 to vector<16xi32>
    %mul3A_61 = arith.muli %select_n3A_58, %mul3A_60 : vector<16xi32>
    %swap3A_62 = arith.constant 16 : index
    %swap3A_63 = tpu.vector_load %arg5[%swap3A_62] {strides = array<i32>} : memref<208xi32, #tpu.memory_space<vmem>>, vector<16xi32>,
    %swap3A_64 = vector.shape_cast %swap3A_63 : vector<16xi32> to vector<16xi32>
    %swap3A_65 = vector.shape_cast %mul3A_61 : vector<16xi32> to vector<16xi32>
    tpu.vector_store %arg5[%swap3A_62], %swap3A_65 {strides = array<i32>} : memref<208xi32, #tpu.memory_space<vmem>>, vector<16xi32>,
    %add3A_66 = arith.constant 32 : i32
    %add3A_67 = vector.broadcast %add3A_66 : i32 to vector<16xi32>
    %add3A_68 = arith.addi %iota3A, %add3A_67 : vector<16xi32>
    %jit3A_69 = arith.constant 26 : i32
    %eq3A_70 = arith.constant 0 : i32
    %eq3A_71 = arith.cmpi eq, %jit3A_69, %eq3A_70 : i32
    %jit3A_72 = arith.constant 1 : i32
    %select_n3A_73 = arith.select %eq3A_71, %jit3A_72, %jit3A_69 : i32
    %rem3A_74 = vector.broadcast %select_n3A_73 : i32 to vector<16xi32>
    %rem3A_75 = arith.remsi %add3A_68, %rem3A_74 : vector<16xi32>
    %ne3A_76 = arith.constant 0 : i32
    %ne3A_77 = vector.broadcast %ne3A_76 : i32 to vector<16xi32>
    %ne3A_78 = arith.cmpi ne, %rem3A_75, %ne3A_77 : vector<16xi32>
    %lt3A_79 = arith.constant 0 : i32
    %lt3A_80 = vector.broadcast %lt3A_79 : i32 to vector<16xi32>
    %lt3A_81 = arith.cmpi slt, %rem3A_75, %lt3A_80 : vector<16xi32>
    %lt3A_82 = arith.constant 0 : i32
    %lt3A_83 = arith.cmpi slt, %select_n3A_73, %lt3A_82 : i32
    %ne3A_84 = vector.broadcast %lt3A_83 : i1 to vector<16xi1>
    %ne3A_85 = vector.broadcast %ne3A_84 : vector<16xi1> to vector<16xi1>
    %ne3A_86 = arith.xori %lt3A_81, %ne3A_85 : vector<16xi1>
    %and3A_87 = arith.andi %ne3A_86, %ne3A_78 : vector<16xi1>
    %add3A_88 = vector.broadcast %select_n3A_73 : i32 to vector<16xi32>
    %add3A_89 = arith.addi %rem3A_75, %add3A_88 : vector<16xi32>
    %select_n3A_90 = arith.select %and3A_87, %add3A_89, %rem3A_75 : vector<16xi1>, vector<16xi32>
    %mul3A_91 = arith.constant 100000 : i32
    %mul3A_92 = vector.broadcast %mul3A_91 : i32 to vector<16xi32>
    %mul3A_93 = arith.muli %select_n3A_90, %mul3A_92 : vector<16xi32>
    %swap3A_94 = arith.constant 32 : index
    %swap3A_95 = tpu.vector_load %arg5[%swap3A_94] {strides = array<i32>} : memref<208xi32, #tpu.memory_space<vmem>>, vector<16xi32>,
    %swap3A_96 = vector.shape_cast %swap3A_95 : vector<16xi32> to vector<16xi32>
    %swap3A_97 = vector.shape_cast %mul3A_93 : vector<16xi32> to vector<16xi32>
    tpu.vector_store %arg5[%swap3A_94], %swap3A_97 {strides = array<i32>} : memref<208xi32, #tpu.memory_space<vmem>>, vector<16xi32>,
    %add3A_98 = arith.constant 48 : i32
    %add3A_99 = vector.broadcast %add3A_98 : i32 to vector<16xi32>
    %add3A_100 = arith.addi %iota3A, %add3A_99 : vector<16xi32>
    %jit3A_101 = arith.constant 26 : i32
    %eq3A_102 = arith.constant 0 : i32
    %eq3A_103 = arith.cmpi eq, %jit3A_101, %eq3A_102 : i32
    %jit3A_104 = arith.constant 1 : i32
    %select_n3A_105 = arith.select %eq3A_103, %jit3A_104, %jit3A_101 : i32
    %rem3A_106 = vector.broadcast %select_n3A_105 : i32 to vector<16xi32>
    %rem3A_107 = arith.remsi %add3A_100, %rem3A_106 : vector<16xi32>
    %ne3A_108 = arith.constant 0 : i32
    %ne3A_109 = vector.broadcast %ne3A_108 : i32 to vector<16xi32>
    %ne3A_110 = arith.cmpi ne, %rem3A_107, %ne3A_109 : vector<16xi32>
    %lt3A_111 = arith.constant 0 : i32
    %lt3A_112 = vector.broadcast %lt3A_111 : i32 to vector<16xi32>
    %lt3A_113 = arith.cmpi slt, %rem3A_107, %lt3A_112 : vector<16xi32>
    %lt3A_114 = arith.constant 0 : i32
    %lt3A_115 = arith.cmpi slt, %select_n3A_105, %lt3A_114 : i32
    %ne3A_116 = vector.broadcast %lt3A_115 : i1 to vector<16xi1>
    %ne3A_117 = vector.broadcast %ne3A_116 : vector<16xi1> to vector<16xi1>
    %ne3A_118 = arith.xori %lt3A_113, %ne3A_117 : vector<16xi1>
    %and3A_119 = arith.andi %ne3A_118, %ne3A_110 : vector<16xi1>
    %add3A_120 = vector.broadcast %select_n3A_105 : i32 to vector<16xi32>
    %add3A_121 = arith.addi %rem3A_107, %add3A_120 : vector<16xi32>
    %select_n3A_122 = arith.select %and3A_119, %add3A_121, %rem3A_107 : vector<16xi1>, vector<16xi32>
    %mul3A_123 = arith.constant 100000 : i32
    %mul3A_124 = vector.broadcast %mul3A_123 : i32 to vector<16xi32>
    %mul3A_125 = arith.muli %select_n3A_122, %mul3A_124 : vector<16xi32>
    %swap3A_126 = arith.constant 48 : index
    %swap3A_127 = tpu.vector_load %arg5[%swap3A_126] {strides = array<i32>} : memref<208xi32, #tpu.memory_space<vmem>>, vector<16xi32>,
    %swap3A_128 = vector.shape_cast %swap3A_127 : vector<16xi32> to vector<16xi32>
    %swap3A_129 = vector.shape_cast %mul3A_125 : vector<16xi32> to vector<16xi32>
    tpu.vector_store %arg5[%swap3A_126], %swap3A_129 {strides = array<i32>} : memref<208xi32, #tpu.memory_space<vmem>>, vector<16xi32>,
    %add3A_130 = arith.constant 64 : i32
    %add3A_131 = vector.broadcast %add3A_130 : i32 to vector<16xi32>
    %add3A_132 = arith.addi %iota3A, %add3A_131 : vector<16xi32>
    %jit3A_133 = arith.constant 26 : i32
    %eq3A_134 = arith.constant 0 : i32
    %eq3A_135 = arith.cmpi eq, %jit3A_133, %eq3A_134 : i32
    %jit3A_136 = arith.constant 1 : i32
    %select_n3A_137 = arith.select %eq3A_135, %jit3A_136, %jit3A_133 : i32
    %rem3A_138 = vector.broadcast %select_n3A_137 : i32 to vector<16xi32>
    %rem3A_139 = arith.remsi %add3A_132, %rem3A_138 : vector<16xi32>
    %ne3A_140 = arith.constant 0 : i32
    %ne3A_141 = vector.broadcast %ne3A_140 : i32 to vector<16xi32>
    %ne3A_142 = arith.cmpi ne, %rem3A_139, %ne3A_141 : vector<16xi32>
    %lt3A_143 = arith.constant 0 : i32
    %lt3A_144 = vector.broadcast %lt3A_143 : i32 to vector<16xi32>
    %lt3A_145 = arith.cmpi slt, %rem3A_139, %lt3A_144 : vector<16xi32>
    %lt3A_146 = arith.constant 0 : i32
    %lt3A_147 = arith.cmpi slt, %select_n3A_137, %lt3A_146 : i32
    %ne3A_148 = vector.broadcast %lt3A_147 : i1 to vector<16xi1>
    %ne3A_149 = vector.broadcast %ne3A_148 : vector<16xi1> to vector<16xi1>
    %ne3A_150 = arith.xori %lt3A_145, %ne3A_149 : vector<16xi1>
    %and3A_151 = arith.andi %ne3A_150, %ne3A_142 : vector<16xi1>
    %add3A_152 = vector.broadcast %select_n3A_137 : i32 to vector<16xi32>
    %add3A_153 = arith.addi %rem3A_139, %add3A_152 : vector<16xi32>
    %select_n3A_154 = arith.select %and3A_151, %add3A_153, %rem3A_139 : vector<16xi1>, vector<16xi32>
    %mul3A_155 = arith.constant 100000 : i32
    %mul3A_156 = vector.broadcast %mul3A_155 : i32 to vector<16xi32>
    %mul3A_157 = arith.muli %select_n3A_154, %mul3A_156 : vector<16xi32>
    %swap3A_158 = arith.constant 64 : index
    %swap3A_159 = tpu.vector_load %arg5[%swap3A_158] {strides = array<i32>} : memref<208xi32, #tpu.memory_space<vmem>>, vector<16xi32>,
    %swap3A_160 = vector.shape_cast %swap3A_159 : vector<16xi32> to vector<16xi32>
    %swap3A_161 = vector.shape_cast %mul3A_157 : vector<16xi32> to vector<16xi32>
    tpu.vector_store %arg5[%swap3A_158], %swap3A_161 {strides = array<i32>} : memref<208xi32, #tpu.memory_space<vmem>>, vector<16xi32>,
    %add3A_162 = arith.constant 80 : i32
    %add3A_163 = vector.broadcast %add3A_162 : i32 to vector<16xi32>
    %add3A_164 = arith.addi %iota3A, %add3A_163 : vector<16xi32>
    %jit3A_165 = arith.constant 26 : i32
    %eq3A_166 = arith.constant 0 : i32
    %eq3A_167 = arith.cmpi eq, %jit3A_165, %eq3A_166 : i32
    %jit3A_168 = arith.constant 1 : i32
    %select_n3A_169 = arith.select %eq3A_167, %jit3A_168, %jit3A_165 : i32
    %rem3A_170 = vector.broadcast %select_n3A_169 : i32 to vector<16xi32>
    %rem3A_171 = arith.remsi %add3A_164, %rem3A_170 : vector<16xi32>
    %ne3A_172 = arith.constant 0 : i32
    %ne3A_173 = vector.broadcast %ne3A_172 : i32 to vector<16xi32>
    %ne3A_174 = arith.cmpi ne, %rem3A_171, %ne3A_173 : vector<16xi32>
    %lt3A_175 = arith.constant 0 : i32
    %lt3A_176 = vector.broadcast %lt3A_175 : i32 to vector<16xi32>
    %lt3A_177 = arith.cmpi slt, %rem3A_171, %lt3A_176 : vector<16xi32>
    %lt3A_178 = arith.constant 0 : i32
    %lt3A_179 = arith.cmpi slt, %select_n3A_169, %lt3A_178 : i32
    %ne3A_180 = vector.broadcast %lt3A_179 : i1 to vector<16xi1>
    %ne3A_181 = vector.broadcast %ne3A_180 : vector<16xi1> to vector<16xi1>
    %ne3A_182 = arith.xori %lt3A_177, %ne3A_181 : vector<16xi1>
    %and3A_183 = arith.andi %ne3A_182, %ne3A_174 : vector<16xi1>
    %add3A_184 = vector.broadcast %select_n3A_169 : i32 to vector<16xi32>
    %add3A_185 = arith.addi %rem3A_171, %add3A_184 : vector<16xi32>
    %select_n3A_186 = arith.select %and3A_183, %add3A_185, %rem3A_171 : vector<16xi1>, vector<16xi32>
    %mul3A_187 = arith.constant 100000 : i32
    %mul3A_188 = vector.broadcast %mul3A_187 : i32 to vector<16xi32>
    %mul3A_189 = arith.muli %select_n3A_186, %mul3A_188 : vector<16xi32>
    %swap3A_190 = arith.constant 80 : index
    %swap3A_191 = tpu.vector_load %arg5[%swap3A_190] {strides = array<i32>} : memref<208xi32, #tpu.memory_space<vmem>>, vector<16xi32>,
    %swap3A_192 = vector.shape_cast %swap3A_191 : vector<16xi32> to vector<16xi32>
    %swap3A_193 = vector.shape_cast %mul3A_189 : vector<16xi32> to vector<16xi32>
    tpu.vector_store %arg5[%swap3A_190], %swap3A_193 {strides = array<i32>} : memref<208xi32, #tpu.memory_space<vmem>>, vector<16xi32>,
    %add3A_194 = arith.constant 96 : i32
    %add3A_195 = vector.broadcast %add3A_194 : i32 to vector<16xi32>
    %add3A_196 = arith.addi %iota3A, %add3A_195 : vector<16xi32>
    %jit3A_197 = arith.constant 26 : i32
    %eq3A_198 = arith.constant 0 : i32
    %eq3A_199 = arith.cmpi eq, %jit3A_197, %eq3A_198 : i32
    %jit3A_200 = arith.constant 1 : i32
    %select_n3A_201 = arith.select %eq3A_199, %jit3A_200, %jit3A_197 : i32
    %rem3A_202 = vector.broadcast %select_n3A_201 : i32 to vector<16xi32>
    %rem3A_203 = arith.remsi %add3A_196, %rem3A_202 : vector<16xi32>
    %ne3A_204 = arith.constant 0 : i32
    %ne3A_205 = vector.broadcast %ne3A_204 : i32 to vector<16xi32>
    %ne3A_206 = arith.cmpi ne, %rem3A_203, %ne3A_205 : vector<16xi32>
    %lt3A_207 = arith.constant 0 : i32
    %lt3A_208 = vector.broadcast %lt3A_207 : i32 to vector<16xi32>
    %lt3A_209 = arith.cmpi slt, %rem3A_203, %lt3A_208 : vector<16xi32>
    %lt3A_210 = arith.constant 0 : i32
    %lt3A_211 = arith.cmpi slt, %select_n3A_201, %lt3A_210 : i32
    %ne3A_212 = vector.broadcast %lt3A_211 : i1 to vector<16xi1>
    %ne3A_213 = vector.broadcast %ne3A_212 : vector<16xi1> to vector<16xi1>
    %ne3A_214 = arith.xori %lt3A_209, %ne3A_213 : vector<16xi1>
    %and3A_215 = arith.andi %ne3A_214, %ne3A_206 : vector<16xi1>
    %add3A_216 = vector.broadcast %select_n3A_201 : i32 to vector<16xi32>
    %add3A_217 = arith.addi %rem3A_203, %add3A_216 : vector<16xi32>
    %select_n3A_218 = arith.select %and3A_215, %add3A_217, %rem3A_203 : vector<16xi1>, vector<16xi32>
    %mul3A_219 = arith.constant 100000 : i32
    %mul3A_220 = vector.broadcast %mul3A_219 : i32 to vector<16xi32>
    %mul3A_221 = arith.muli %select_n3A_218, %mul3A_220 : vector<16xi32>
    %swap3A_222 = arith.constant 96 : index
    %swap3A_223 = tpu.vector_load %arg5[%swap3A_222] {strides = array<i32>} : memref<208xi32, #tpu.memory_space<vmem>>, vector<16xi32>,
    %swap3A_224 = vector.shape_cast %swap3A_223 : vector<16xi32> to vector<16xi32>
    %swap3A_225 = vector.shape_cast %mul3A_221 : vector<16xi32> to vector<16xi32>
    tpu.vector_store %arg5[%swap3A_222], %swap3A_225 {strides = array<i32>} : memref<208xi32, #tpu.memory_space<vmem>>, vector<16xi32>,
    %add3A_226 = arith.constant 112 : i32
    %add3A_227 = vector.broadcast %add3A_226 : i32 to vector<16xi32>
    %add3A_228 = arith.addi %iota3A, %add3A_227 : vector<16xi32>
    %jit3A_229 = arith.constant 26 : i32
    %eq3A_230 = arith.constant 0 : i32
    %eq3A_231 = arith.cmpi eq, %jit3A_229, %eq3A_230 : i32
    %jit3A_232 = arith.constant 1 : i32
    %select_n3A_233 = arith.select %eq3A_231, %jit3A_232, %jit3A_229 : i32
    %rem3A_234 = vector.broadcast %select_n3A_233 : i32 to vector<16xi32>
    %rem3A_235 = arith.remsi %add3A_228, %rem3A_234 : vector<16xi32>
    %ne3A_236 = arith.constant 0 : i32
    %ne3A_237 = vector.broadcast %ne3A_236 : i32 to vector<16xi32>
    %ne3A_238 = arith.cmpi ne, %rem3A_235, %ne3A_237 : vector<16xi32>
    %lt3A_239 = arith.constant 0 : i32
    %lt3A_240 = vector.broadcast %lt3A_239 : i32 to vector<16xi32>
    %lt3A_241 = arith.cmpi slt, %rem3A_235, %lt3A_240 : vector<16xi32>
    %lt3A_242 = arith.constant 0 : i32
    %lt3A_243 = arith.cmpi slt, %select_n3A_233, %lt3A_242 : i32
    %ne3A_244 = vector.broadcast %lt3A_243 : i1 to vector<16xi1>
    %ne3A_245 = vector.broadcast %ne3A_244 : vector<16xi1> to vector<16xi1>
    %ne3A_246 = arith.xori %lt3A_241, %ne3A_245 : vector<16xi1>
    %and3A_247 = arith.andi %ne3A_246, %ne3A_238 : vector<16xi1>
    %add3A_248 = vector.broadcast %select_n3A_233 : i32 to vector<16xi32>
    %add3A_249 = arith.addi %rem3A_235, %add3A_248 : vector<16xi32>
    %select_n3A_250 = arith.select %and3A_247, %add3A_249, %rem3A_235 : vector<16xi1>, vector<16xi32>
    %mul3A_251 = arith.constant 100000 : i32
    %mul3A_252 = vector.broadcast %mul3A_251 : i32 to vector<16xi32>
    %mul3A_253 = arith.muli %select_n3A_250, %mul3A_252 : vector<16xi32>
    %swap3A_254 = arith.constant 112 : index
    %swap3A_255 = tpu.vector_load %arg5[%swap3A_254] {strides = array<i32>} : memref<208xi32, #tpu.memory_space<vmem>>, vector<16xi32>,
    %swap3A_256 = vector.shape_cast %swap3A_255 : vector<16xi32> to vector<16xi32>
    %swap3A_257 = vector.shape_cast %mul3A_253 : vector<16xi32> to vector<16xi32>
    tpu.vector_store %arg5[%swap3A_254], %swap3A_257 {strides = array<i32>} : memref<208xi32, #tpu.memory_space<vmem>>, vector<16xi32>,
    %add3A_258 = arith.constant 128 : i32
    %add3A_259 = vector.broadcast %add3A_258 : i32 to vector<16xi32>
    %add3A_260 = arith.addi %iota3A, %add3A_259 : vector<16xi32>
    %jit3A_261 = arith.constant 26 : i32
    %eq3A_262 = arith.constant 0 : i32
    %eq3A_263 = arith.cmpi eq, %jit3A_261, %eq3A_262 : i32
    %jit3A_264 = arith.constant 1 : i32
    %select_n3A_265 = arith.select %eq3A_263, %jit3A_264, %jit3A_261 : i32
    %rem3A_266 = vector.broadcast %select_n3A_265 : i32 to vector<16xi32>
    %rem3A_267 = arith.remsi %add3A_260, %rem3A_266 : vector<16xi32>
    %ne3A_268 = arith.constant 0 : i32
    %ne3A_269 = vector.broadcast %ne3A_268 : i32 to vector<16xi32>
    %ne3A_270 = arith.cmpi ne, %rem3A_267, %ne3A_269 : vector<16xi32>
    %lt3A_271 = arith.constant 0 : i32
    %lt3A_272 = vector.broadcast %lt3A_271 : i32 to vector<16xi32>
    %lt3A_273 = arith.cmpi slt, %rem3A_267, %lt3A_272 : vector<16xi32>
    %lt3A_274 = arith.constant 0 : i32
    %lt3A_275 = arith.cmpi slt, %select_n3A_265, %lt3A_274 : i32
    %ne3A_276 = vector.broadcast %lt3A_275 : i1 to vector<16xi1>
    %ne3A_277 = vector.broadcast %ne3A_276 : vector<16xi1> to vector<16xi1>
    %ne3A_278 = arith.xori %lt3A_273, %ne3A_277 : vector<16xi1>
    %and3A_279 = arith.andi %ne3A_278, %ne3A_270 : vector<16xi1>
    %add3A_280 = vector.broadcast %select_n3A_265 : i32 to vector<16xi32>
    %add3A_281 = arith.addi %rem3A_267, %add3A_280 : vector<16xi32>
    %select_n3A_282 = arith.select %and3A_279, %add3A_281, %rem3A_267 : vector<16xi1>, vector<16xi32>
    %mul3A_283 = arith.constant 100000 : i32
    %mul3A_284 = vector.broadcast %mul3A_283 : i32 to vector<16xi32>
    %mul3A_285 = arith.muli %select_n3A_282, %mul3A_284 : vector<16xi32>
    %swap3A_286 = arith.constant 128 : index
    %swap3A_287 = tpu.vector_load %arg5[%swap3A_286] {strides = array<i32>} : memref<208xi32, #tpu.memory_space<vmem>>, vector<16xi32>,
    %swap3A_288 = vector.shape_cast %swap3A_287 : vector<16xi32> to vector<16xi32>
    %swap3A_289 = vector.shape_cast %mul3A_285 : vector<16xi32> to vector<16xi32>
    tpu.vector_store %arg5[%swap3A_286], %swap3A_289 {strides = array<i32>} : memref<208xi32, #tpu.memory_space<vmem>>, vector<16xi32>,
    %add3A_290 = arith.constant 144 : i32
    %add3A_291 = vector.broadcast %add3A_290 : i32 to vector<16xi32>
    %add3A_292 = arith.addi %iota3A, %add3A_291 : vector<16xi32>
    %jit3A_293 = arith.constant 26 : i32
    %eq3A_294 = arith.constant 0 : i32
    %eq3A_295 = arith.cmpi eq, %jit3A_293, %eq3A_294 : i32
    %jit3A_296 = arith.constant 1 : i32
    %select_n3A_297 = arith.select %eq3A_295, %jit3A_296, %jit3A_293 : i32
    %rem3A_298 = vector.broadcast %select_n3A_297 : i32 to vector<16xi32>
    %rem3A_299 = arith.remsi %add3A_292, %rem3A_298 : vector<16xi32>
    %ne3A_300 = arith.constant 0 : i32
    %ne3A_301 = vector.broadcast %ne3A_300 : i32 to vector<16xi32>
    %ne3A_302 = arith.cmpi ne, %rem3A_299, %ne3A_301 : vector<16xi32>
    %lt3A_303 = arith.constant 0 : i32
    %lt3A_304 = vector.broadcast %lt3A_303 : i32 to vector<16xi32>
    %lt3A_305 = arith.cmpi slt, %rem3A_299, %lt3A_304 : vector<16xi32>
    %lt3A_306 = arith.constant 0 : i32
    %lt3A_307 = arith.cmpi slt, %select_n3A_297, %lt3A_306 : i32
    %ne3A_308 = vector.broadcast %lt3A_307 : i1 to vector<16xi1>
    %ne3A_309 = vector.broadcast %ne3A_308 : vector<16xi1> to vector<16xi1>
    %ne3A_310 = arith.xori %lt3A_305, %ne3A_309 : vector<16xi1>
    %and3A_311 = arith.andi %ne3A_310, %ne3A_302 : vector<16xi1>
    %add3A_312 = vector.broadcast %select_n3A_297 : i32 to vector<16xi32>
    %add3A_313 = arith.addi %rem3A_299, %add3A_312 : vector<16xi32>
    %select_n3A_314 = arith.select %and3A_311, %add3A_313, %rem3A_299 : vector<16xi1>, vector<16xi32>
    %mul3A_315 = arith.constant 100000 : i32
    %mul3A_316 = vector.broadcast %mul3A_315 : i32 to vector<16xi32>
    %mul3A_317 = arith.muli %select_n3A_314, %mul3A_316 : vector<16xi32>
    %swap3A_318 = arith.constant 144 : index
    %swap3A_319 = tpu.vector_load %arg5[%swap3A_318] {strides = array<i32>} : memref<208xi32, #tpu.memory_space<vmem>>, vector<16xi32>,
    %swap3A_320 = vector.shape_cast %swap3A_319 : vector<16xi32> to vector<16xi32>
    %swap3A_321 = vector.shape_cast %mul3A_317 : vector<16xi32> to vector<16xi32>
    tpu.vector_store %arg5[%swap3A_318], %swap3A_321 {strides = array<i32>} : memref<208xi32, #tpu.memory_space<vmem>>, vector<16xi32>,
    %add3A_322 = arith.constant 160 : i32
    %add3A_323 = vector.broadcast %add3A_322 : i32 to vector<16xi32>
    %add3A_324 = arith.addi %iota3A, %add3A_323 : vector<16xi32>
    %jit3A_325 = arith.constant 26 : i32
    %eq3A_326 = arith.constant 0 : i32
    %eq3A_327 = arith.cmpi eq, %jit3A_325, %eq3A_326 : i32
    %jit3A_328 = arith.constant 1 : i32
    %select_n3A_329 = arith.select %eq3A_327, %jit3A_328, %jit3A_325 : i32
    %rem3A_330 = vector.broadcast %select_n3A_329 : i32 to vector<16xi32>
    %rem3A_331 = arith.remsi %add3A_324, %rem3A_330 : vector<16xi32>
    %ne3A_332 = arith.constant 0 : i32
    %ne3A_333 = vector.broadcast %ne3A_332 : i32 to vector<16xi32>
    %ne3A_334 = arith.cmpi ne, %rem3A_331, %ne3A_333 : vector<16xi32>
    %lt3A_335 = arith.constant 0 : i32
    %lt3A_336 = vector.broadcast %lt3A_335 : i32 to vector<16xi32>
    %lt3A_337 = arith.cmpi slt, %rem3A_331, %lt3A_336 : vector<16xi32>
    %lt3A_338 = arith.constant 0 : i32
    %lt3A_339 = arith.cmpi slt, %select_n3A_329, %lt3A_338 : i32
    %ne3A_340 = vector.broadcast %lt3A_339 : i1 to vector<16xi1>
    %ne3A_341 = vector.broadcast %ne3A_340 : vector<16xi1> to vector<16xi1>
    %ne3A_342 = arith.xori %lt3A_337, %ne3A_341 : vector<16xi1>
    %and3A_343 = arith.andi %ne3A_342, %ne3A_334 : vector<16xi1>
    %add3A_344 = vector.broadcast %select_n3A_329 : i32 to vector<16xi32>
    %add3A_345 = arith.addi %rem3A_331, %add3A_344 : vector<16xi32>
    %select_n3A_346 = arith.select %and3A_343, %add3A_345, %rem3A_331 : vector<16xi1>, vector<16xi32>
    %mul3A_347 = arith.constant 100000 : i32
    %mul3A_348 = vector.broadcast %mul3A_347 : i32 to vector<16xi32>
    %mul3A_349 = arith.muli %select_n3A_346, %mul3A_348 : vector<16xi32>
    %swap3A_350 = arith.constant 160 : index
    %swap3A_351 = tpu.vector_load %arg5[%swap3A_350] {strides = array<i32>} : memref<208xi32, #tpu.memory_space<vmem>>, vector<16xi32>,
    %swap3A_352 = vector.shape_cast %swap3A_351 : vector<16xi32> to vector<16xi32>
    %swap3A_353 = vector.shape_cast %mul3A_349 : vector<16xi32> to vector<16xi32>
    tpu.vector_store %arg5[%swap3A_350], %swap3A_353 {strides = array<i32>} : memref<208xi32, #tpu.memory_space<vmem>>, vector<16xi32>,
    %add3A_354 = arith.constant 176 : i32
    %add3A_355 = vector.broadcast %add3A_354 : i32 to vector<16xi32>
    %add3A_356 = arith.addi %iota3A, %add3A_355 : vector<16xi32>
    %jit3A_357 = arith.constant 26 : i32
    %eq3A_358 = arith.constant 0 : i32
    %eq3A_359 = arith.cmpi eq, %jit3A_357, %eq3A_358 : i32
    %jit3A_360 = arith.constant 1 : i32
    %select_n3A_361 = arith.select %eq3A_359, %jit3A_360, %jit3A_357 : i32
    %rem3A_362 = vector.broadcast %select_n3A_361 : i32 to vector<16xi32>
    %rem3A_363 = arith.remsi %add3A_356, %rem3A_362 : vector<16xi32>
    %ne3A_364 = arith.constant 0 : i32
    %ne3A_365 = vector.broadcast %ne3A_364 : i32 to vector<16xi32>
    %ne3A_366 = arith.cmpi ne, %rem3A_363, %ne3A_365 : vector<16xi32>
    %lt3A_367 = arith.constant 0 : i32
    %lt3A_368 = vector.broadcast %lt3A_367 : i32 to vector<16xi32>
    %lt3A_369 = arith.cmpi slt, %rem3A_363, %lt3A_368 : vector<16xi32>
    %lt3A_370 = arith.constant 0 : i32
    %lt3A_371 = arith.cmpi slt, %select_n3A_361, %lt3A_370 : i32
    %ne3A_372 = vector.broadcast %lt3A_371 : i1 to vector<16xi1>
    %ne3A_373 = vector.broadcast %ne3A_372 : vector<16xi1> to vector<16xi1>
    %ne3A_374 = arith.xori %lt3A_369, %ne3A_373 : vector<16xi1>
    %and3A_375 = arith.andi %ne3A_374, %ne3A_366 : vector<16xi1>
    %add3A_376 = vector.broadcast %select_n3A_361 : i32 to vector<16xi32>
    %add3A_377 = arith.addi %rem3A_363, %add3A_376 : vector<16xi32>
    %select_n3A_378 = arith.select %and3A_375, %add3A_377, %rem3A_363 : vector<16xi1>, vector<16xi32>
    %mul3A_379 = arith.constant 100000 : i32
    %mul3A_380 = vector.broadcast %mul3A_379 : i32 to vector<16xi32>
    %mul3A_381 = arith.muli %select_n3A_378, %mul3A_380 : vector<16xi32>
    %swap3A_382 = arith.constant 176 : index
    %swap3A_383 = tpu.vector_load %arg5[%swap3A_382] {strides = array<i32>} : memref<208xi32, #tpu.memory_space<vmem>>, vector<16xi32>,
    %swap3A_384 = vector.shape_cast %swap3A_383 : vector<16xi32> to vector<16xi32>
    %swap3A_385 = vector.shape_cast %mul3A_381 : vector<16xi32> to vector<16xi32>
    tpu.vector_store %arg5[%swap3A_382], %swap3A_385 {strides = array<i32>} : memref<208xi32, #tpu.memory_space<vmem>>, vector<16xi32>,
    %add3A_386 = arith.constant 192 : i32
    %add3A_387 = vector.broadcast %add3A_386 : i32 to vector<16xi32>
    %add3A_388 = arith.addi %iota3A, %add3A_387 : vector<16xi32>
    %jit3A_389 = arith.constant 26 : i32
    %eq3A_390 = arith.constant 0 : i32
    %eq3A_391 = arith.cmpi eq, %jit3A_389, %eq3A_390 : i32
    %jit3A_392 = arith.constant 1 : i32
    %select_n3A_393 = arith.select %eq3A_391, %jit3A_392, %jit3A_389 : i32
    %rem3A_394 = vector.broadcast %select_n3A_393 : i32 to vector<16xi32>
    %rem3A_395 = arith.remsi %add3A_388, %rem3A_394 : vector<16xi32>
    %ne3A_396 = arith.constant 0 : i32
    %ne3A_397 = vector.broadcast %ne3A_396 : i32 to vector<16xi32>
    %ne3A_398 = arith.cmpi ne, %rem3A_395, %ne3A_397 : vector<16xi32>
    %lt3A_399 = arith.constant 0 : i32
    %lt3A_400 = vector.broadcast %lt3A_399 : i32 to vector<16xi32>
    %lt3A_401 = arith.cmpi slt, %rem3A_395, %lt3A_400 : vector<16xi32>
    %lt3A_402 = arith.constant 0 : i32
    %lt3A_403 = arith.cmpi slt, %select_n3A_393, %lt3A_402 : i32
    %ne3A_404 = vector.broadcast %lt3A_403 : i1 to vector<16xi1>
    %ne3A_405 = vector.broadcast %ne3A_404 : vector<16xi1> to vector<16xi1>
    %ne3A_406 = arith.xori %lt3A_401, %ne3A_405 : vector<16xi1>
    %and3A_407 = arith.andi %ne3A_406, %ne3A_398 : vector<16xi1>
    %add3A_408 = vector.broadcast %select_n3A_393 : i32 to vector<16xi32>
    %add3A_409 = arith.addi %rem3A_395, %add3A_408 : vector<16xi32>
    %select_n3A_410 = arith.select %and3A_407, %add3A_409, %rem3A_395 : vector<16xi1>, vector<16xi32>
    %mul3A_411 = arith.constant 100000 : i32
    %mul3A_412 = vector.broadcast %mul3A_411 : i32 to vector<16xi32>
    %mul3A_413 = arith.muli %select_n3A_410, %mul3A_412 : vector<16xi32>
    %swap3A_414 = arith.constant 192 : index
    %swap3A_415 = tpu.vector_load %arg5[%swap3A_414] {strides = array<i32>} : memref<208xi32, #tpu.memory_space<vmem>>, vector<16xi32>,
    %swap3A_416 = vector.shape_cast %swap3A_415 : vector<16xi32> to vector<16xi32>
    %swap3A_417 = vector.shape_cast %mul3A_413 : vector<16xi32> to vector<16xi32>
    tpu.vector_store %arg5[%swap3A_414], %swap3A_417 {strides = array<i32>} : memref<208xi32, #tpu.memory_space<vmem>>, vector<16xi32>,
    %scan3A = arith.constant 0 : i32
    %scan3A_418 = arith.constant 0 : i32
    %scan3A_419 = arith.constant 8 : i32
    %scan3A_420 = arith.addi %scan3A_418, %scan3A_419 : i32
    %scan3A_421 = arith.constant 1 : i32
    scf.for %scan3A_579 = %scan3A_418 to %scan3A_420 step %scan3A_421  : i32 {
      %jit3A_580 = arith.constant 2 : i32
      %eq3A_581 = arith.constant 0 : i32
      %eq3A_582 = arith.cmpi eq, %jit3A_580, %eq3A_581 : i32
      %jit3A_583 = arith.constant 1 : i32
      %select_n3A_584 = arith.select %eq3A_582, %jit3A_583, %jit3A_580 : i32
      %rem3A_585 = arith.remsi %scan3A_579, %select_n3A_584 : i32
      %ne3A_586 = arith.constant 0 : i32
      %ne3A_587 = arith.cmpi ne, %rem3A_585, %ne3A_586 : i32
      %lt3A_588 = arith.constant 0 : i32
      %lt3A_589 = arith.cmpi slt, %rem3A_585, %lt3A_588 : i32
      %lt3A_590 = arith.constant 0 : i32
      %lt3A_591 = arith.cmpi slt, %select_n3A_584, %lt3A_590 : i32
      %ne3A_592 = arith.xori %lt3A_589, %lt3A_591 : i1
      %and3A_593 = arith.andi %ne3A_592, %ne3A_587 : i1
      %add3A_594 = arith.addi %rem3A_585, %select_n3A_584 : i32
      %select_n3A_595 = arith.select %and3A_593, %add3A_594, %rem3A_585 : i32
      %eq3A_596 = arith.constant 0 : i32
      %eq3A_597 = arith.cmpi eq, %select_n3A_595, %eq3A_596 : i32
      %convert_element_type3A = arith.extui %eq3A_597 : i1 to i32
      %cond3A = arith.constant 0 : i32
      %cond3A_598 = arith.cmpi ne, %convert_element_type3A, %cond3A : i32
      scf.if %cond3A_598 {
        %add3A_620 = arith.addi %mul3A_2, %scan3A_579 : i32
        %dma_wait3A_621 = arith.constant 0 : i32
        %dma_wait3A_622 = arith.constant 0 : i32
        %dma_wait3A_623 = tpu.memref_slice %arg2[%mul3A_2, %dma_wait3A_621, %dma_wait3A_622] : memref<256x13x128xi32, #tpu.memory_space<hbm>> -> memref<1x13x128xi32, #tpu.memory_space<hbm>>
        %dma_wait3A_624 = tpu.memref_squeeze %dma_wait3A_623 : memref<1x13x128xi32, #tpu.memory_space<hbm>> -> memref<13x128xi32, #tpu.memory_space<hbm>>
        %dma_wait3A_625 = arith.constant 0 : i32
        %dma_wait3A_626 = arith.constant 0 : i32
        %dma_wait3A_627 = tpu.memref_slice %arg2[%mul3A_2, %dma_wait3A_625, %dma_wait3A_626] : memref<256x13x128xi32, #tpu.memory_space<hbm>> -> memref<1x13x128xi32, #tpu.memory_space<hbm>>
        %dma_wait3A_628 = tpu.memref_squeeze %dma_wait3A_627 : memref<1x13x128xi32, #tpu.memory_space<hbm>> -> memref<13x128xi32, #tpu.memory_space<hbm>>
        tpu.wait_dma2 semaphore(%arg10 : memref<!tpu.dma_semaphore, #tpu.memory_space<semaphore_mem>>) src(%dma_wait3A_628 : memref<13x128xi32, #tpu.memory_space<hbm>>) dst(%arg6 : memref<13x128xi32, #tpu.memory_space<vmem>>)
        %get3A = arith.constant 0 : i32
        %get3A_629 = arith.index_cast %get3A : i32 to index
        %get3A_630 = arith.constant 0 : index
        %get3A_631 = tpu.vector_load %arg6[%get3A_629, %get3A_630] {strides = array<i32>} : memref<13x128xi32, #tpu.memory_space<vmem>>, vector<1x16xi32>,
        %get3A_632 = vector.shape_cast %get3A_631 : vector<1x16xi32> to vector<16xi32>
        %get3A_633 = arith.constant 0 : index
        %get3A_634 = tpu.vector_load %arg5[%get3A_633] {strides = array<i32>} : memref<208xi32, #tpu.memory_space<vmem>>, vector<16xi32>,
        %get3A_635 = vector.shape_cast %get3A_634 : vector<16xi32> to vector<16xi32>
        %add3A_636 = arith.addi %get3A_632, %get3A_635 : vector<16xi32>
        %swap3A_637 = arith.constant 0 : i32
        %swap3A_638 = arith.index_cast %swap3A_637 : i32 to index
        %swap3A_639 = arith.constant 0 : index
        %swap3A_640 = tpu.vector_load %arg6[%swap3A_638, %swap3A_639] {strides = array<i32>} : memref<13x128xi32, #tpu.memory_space<vmem>>, vector<1x16xi32>,
        %swap3A_641 = vector.shape_cast %swap3A_640 : vector<1x16xi32> to vector<16xi32>
        %swap3A_642 = vector.shape_cast %add3A_636 : vector<16xi32> to vector<1x16xi32>
        tpu.vector_store %arg6[%swap3A_638, %swap3A_639], %swap3A_642 {strides = array<i32>} : memref<13x128xi32, #tpu.memory_space<vmem>>, vector<1x16xi32>,
        %get3A_643 = arith.constant 0 : i32
        %get3A_644 = arith.index_cast %get3A_643 : i32 to index
        %get3A_645 = arith.constant 16 : index
        %get3A_646 = tpu.vector_load %arg6[%get3A_644, %get3A_645] {strides = array<i32>} : memref<13x128xi32, #tpu.memory_space<vmem>>, vector<1x16xi32>,
        %get3A_647 = vector.shape_cast %get3A_646 : vector<1x16xi32> to vector<16xi32>
        %get3A_648 = arith.constant 16 : index
        %get3A_649 = tpu.vector_load %arg5[%get3A_648] {strides = array<i32>} : memref<208xi32, #tpu.memory_space<vmem>>, vector<16xi32>,
        %get3A_650 = vector.shape_cast %get3A_649 : vector<16xi32> to vector<16xi32>
        %add3A_651 = arith.addi %get3A_647, %get3A_650 : vector<16xi32>
        %swap3A_652 = arith.constant 0 : i32
        %swap3A_653 = arith.index_cast %swap3A_652 : i32 to index
        %swap3A_654 = arith.constant 16 : index
        %swap3A_655 = tpu.vector_load %arg6[%swap3A_653, %swap3A_654] {strides = array<i32>} : memref<13x128xi32, #tpu.memory_space<vmem>>, vector<1x16xi32>,
        %swap3A_656 = vector.shape_cast %swap3A_655 : vector<1x16xi32> to vector<16xi32>
        %swap3A_657 = vector.shape_cast %add3A_651 : vector<16xi32> to vector<1x16xi32>
        tpu.vector_store %arg6[%swap3A_653, %swap3A_654], %swap3A_657 {strides = array<i32>} : memref<13x128xi32, #tpu.memory_space<vmem>>, vector<1x16xi32>,
        %get3A_658 = arith.constant 0 : i32
        %get3A_659 = arith.index_cast %get3A_658 : i32 to index
        %get3A_660 = arith.constant 32 : index
        %get3A_661 = tpu.vector_load %arg6[%get3A_659, %get3A_660] {strides = array<i32>} : memref<13x128xi32, #tpu.memory_space<vmem>>, vector<1x16xi32>,
        %get3A_662 = vector.shape_cast %get3A_661 : vector<1x16xi32> to vector<16xi32>
        %get3A_663 = arith.constant 32 : index
        %get3A_664 = tpu.vector_load %arg5[%get3A_663] {strides = array<i32>} : memref<208xi32, #tpu.memory_space<vmem>>, vector<16xi32>,
        %get3A_665 = vector.shape_cast %get3A_664 : vector<16xi32> to vector<16xi32>
        %add3A_666 = arith.addi %get3A_662, %get3A_665 : vector<16xi32>
        %swap3A_667 = arith.constant 0 : i32
        %swap3A_668 = arith.index_cast %swap3A_667 : i32 to index
        %swap3A_669 = arith.constant 32 : index
        %swap3A_670 = tpu.vector_load %arg6[%swap3A_668, %swap3A_669] {strides = array<i32>} : memref<13x128xi32, #tpu.memory_space<vmem>>, vector<1x16xi32>,
        %swap3A_671 = vector.shape_cast %swap3A_670 : vector<1x16xi32> to vector<16xi32>
        %swap3A_672 = vector.shape_cast %add3A_666 : vector<16xi32> to vector<1x16xi32>
        tpu.vector_store %arg6[%swap3A_668, %swap3A_669], %swap3A_672 {strides = array<i32>} : memref<13x128xi32, #tpu.memory_space<vmem>>, vector<1x16xi32>,
        %get3A_673 = arith.constant 0 : i32
        %get3A_674 = arith.index_cast %get3A_673 : i32 to index
        %get3A_675 = arith.constant 48 : index
        %get3A_676 = tpu.vector_load %arg6[%get3A_674, %get3A_675] {strides = array<i32>} : memref<13x128xi32, #tpu.memory_space<vmem>>, vector<1x16xi32>,
        %get3A_677 = vector.shape_cast %get3A_676 : vector<1x16xi32> to vector<16xi32>
        %get3A_678 = arith.constant 48 : index
        %get3A_679 = tpu.vector_load %arg5[%get3A_678] {strides = array<i32>} : memref<208xi32, #tpu.memory_space<vmem>>, vector<16xi32>,
        %get3A_680 = vector.shape_cast %get3A_679 : vector<16xi32> to vector<16xi32>
        %add3A_681 = arith.addi %get3A_677, %get3A_680 : vector<16xi32>
        %swap3A_682 = arith.constant 0 : i32
        %swap3A_683 = arith.index_cast %swap3A_682 : i32 to index
        %swap3A_684 = arith.constant 48 : index
        %swap3A_685 = tpu.vector_load %arg6[%swap3A_683, %swap3A_684] {strides = array<i32>} : memref<13x128xi32, #tpu.memory_space<vmem>>, vector<1x16xi32>,
        %swap3A_686 = vector.shape_cast %swap3A_685 : vector<1x16xi32> to vector<16xi32>
        %swap3A_687 = vector.shape_cast %add3A_681 : vector<16xi32> to vector<1x16xi32>
        tpu.vector_store %arg6[%swap3A_683, %swap3A_684], %swap3A_687 {strides = array<i32>} : memref<13x128xi32, #tpu.memory_space<vmem>>, vector<1x16xi32>,
        %get3A_688 = arith.constant 0 : i32
        %get3A_689 = arith.index_cast %get3A_688 : i32 to index
        %get3A_690 = arith.constant 64 : index
        %get3A_691 = tpu.vector_load %arg6[%get3A_689, %get3A_690] {strides = array<i32>} : memref<13x128xi32, #tpu.memory_space<vmem>>, vector<1x16xi32>,
        %get3A_692 = vector.shape_cast %get3A_691 : vector<1x16xi32> to vector<16xi32>
        %get3A_693 = arith.constant 64 : index
        %get3A_694 = tpu.vector_load %arg5[%get3A_693] {strides = array<i32>} : memref<208xi32, #tpu.memory_space<vmem>>, vector<16xi32>,
        %get3A_695 = vector.shape_cast %get3A_694 : vector<16xi32> to vector<16xi32>
        %add3A_696 = arith.addi %get3A_692, %get3A_695 : vector<16xi32>
        %swap3A_697 = arith.constant 0 : i32
        %swap3A_698 = arith.index_cast %swap3A_697 : i32 to index
        %swap3A_699 = arith.constant 64 : index
        %swap3A_700 = tpu.vector_load %arg6[%swap3A_698, %swap3A_699] {strides = array<i32>} : memref<13x128xi32, #tpu.memory_space<vmem>>, vector<1x16xi32>,
        %swap3A_701 = vector.shape_cast %swap3A_700 : vector<1x16xi32> to vector<16xi32>
        %swap3A_702 = vector.shape_cast %add3A_696 : vector<16xi32> to vector<1x16xi32>
        tpu.vector_store %arg6[%swap3A_698, %swap3A_699], %swap3A_702 {strides = array<i32>} : memref<13x128xi32, #tpu.memory_space<vmem>>, vector<1x16xi32>,
        %get3A_703 = arith.constant 0 : i32
        %get3A_704 = arith.index_cast %get3A_703 : i32 to index
        %get3A_705 = arith.constant 80 : index
        %get3A_706 = tpu.vector_load %arg6[%get3A_704, %get3A_705] {strides = array<i32>} : memref<13x128xi32, #tpu.memory_space<vmem>>, vector<1x16xi32>,
        %get3A_707 = vector.shape_cast %get3A_706 : vector<1x16xi32> to vector<16xi32>
        %get3A_708 = arith.constant 80 : index
        %get3A_709 = tpu.vector_load %arg5[%get3A_708] {strides = array<i32>} : memref<208xi32, #tpu.memory_space<vmem>>, vector<16xi32>,
        %get3A_710 = vector.shape_cast %get3A_709 : vector<16xi32> to vector<16xi32>
        %add3A_711 = arith.addi %get3A_707, %get3A_710 : vector<16xi32>
        %swap3A_712 = arith.constant 0 : i32
        %swap3A_713 = arith.index_cast %swap3A_712 : i32 to index
        %swap3A_714 = arith.constant 80 : index
        %swap3A_715 = tpu.vector_load %arg6[%swap3A_713, %swap3A_714] {strides = array<i32>} : memref<13x128xi32, #tpu.memory_space<vmem>>, vector<1x16xi32>,
        %swap3A_716 = vector.shape_cast %swap3A_715 : vector<1x16xi32> to vector<16xi32>
        %swap3A_717 = vector.shape_cast %add3A_711 : vector<16xi32> to vector<1x16xi32>
        tpu.vector_store %arg6[%swap3A_713, %swap3A_714], %swap3A_717 {strides = array<i32>} : memref<13x128xi32, #tpu.memory_space<vmem>>, vector<1x16xi32>,
        %get3A_718 = arith.constant 0 : i32
        %get3A_719 = arith.index_cast %get3A_718 : i32 to index
        %get3A_720 = arith.constant 96 : index
        %get3A_721 = tpu.vector_load %arg6[%get3A_719, %get3A_720] {strides = array<i32>} : memref<13x128xi32, #tpu.memory_space<vmem>>, vector<1x16xi32>,
        %get3A_722 = vector.shape_cast %get3A_721 : vector<1x16xi32> to vector<16xi32>
        %get3A_723 = arith.constant 96 : index
        %get3A_724 = tpu.vector_load %arg5[%get3A_723] {strides = array<i32>} : memref<208xi32, #tpu.memory_space<vmem>>, vector<16xi32>,
        %get3A_725 = vector.shape_cast %get3A_724 : vector<16xi32> to vector<16xi32>
        %add3A_726 = arith.addi %get3A_722, %get3A_725 : vector<16xi32>
        %swap3A_727 = arith.constant 0 : i32
        %swap3A_728 = arith.index_cast %swap3A_727 : i32 to index
        %swap3A_729 = arith.constant 96 : index
        %swap3A_730 = tpu.vector_load %arg6[%swap3A_728, %swap3A_729] {strides = array<i32>} : memref<13x128xi32, #tpu.memory_space<vmem>>, vector<1x16xi32>,
        %swap3A_731 = vector.shape_cast %swap3A_730 : vector<1x16xi32> to vector<16xi32>
        %swap3A_732 = vector.shape_cast %add3A_726 : vector<16xi32> to vector<1x16xi32>
        tpu.vector_store %arg6[%swap3A_728, %swap3A_729], %swap3A_732 {strides = array<i32>} : memref<13x128xi32, #tpu.memory_space<vmem>>, vector<1x16xi32>,
        %get3A_733 = arith.constant 0 : i32
        %get3A_734 = arith.index_cast %get3A_733 : i32 to index
        %get3A_735 = arith.constant 112 : index
        %get3A_736 = tpu.vector_load %arg6[%get3A_734, %get3A_735] {strides = array<i32>} : memref<13x128xi32, #tpu.memory_space<vmem>>, vector<1x16xi32>,
        %get3A_737 = vector.shape_cast %get3A_736 : vector<1x16xi32> to vector<16xi32>
        %get3A_738 = arith.constant 112 : index
        %get3A_739 = tpu.vector_load %arg5[%get3A_738] {strides = array<i32>} : memref<208xi32, #tpu.memory_space<vmem>>, vector<16xi32>,
        %get3A_740 = vector.shape_cast %get3A_739 : vector<16xi32> to vector<16xi32>
        %add3A_741 = arith.addi %get3A_737, %get3A_740 : vector<16xi32>
        %swap3A_742 = arith.constant 0 : i32
        %swap3A_743 = arith.index_cast %swap3A_742 : i32 to index
        %swap3A_744 = arith.constant 112 : index
        %swap3A_745 = tpu.vector_load %arg6[%swap3A_743, %swap3A_744] {strides = array<i32>} : memref<13x128xi32, #tpu.memory_space<vmem>>, vector<1x16xi32>,
        %swap3A_746 = vector.shape_cast %swap3A_745 : vector<1x16xi32> to vector<16xi32>
        %swap3A_747 = vector.shape_cast %add3A_741 : vector<16xi32> to vector<1x16xi32>
        tpu.vector_store %arg6[%swap3A_743, %swap3A_744], %swap3A_747 {strides = array<i32>} : memref<13x128xi32, #tpu.memory_space<vmem>>, vector<1x16xi32>,
        %get3A_748 = arith.constant 1 : i32
        %get3A_749 = arith.index_cast %get3A_748 : i32 to index
        %get3A_750 = arith.constant 0 : index
        %get3A_751 = tpu.vector_load %arg6[%get3A_749, %get3A_750] {strides = array<i32>} : memref<13x128xi32, #tpu.memory_space<vmem>>, vector<1x16xi32>,
        %get3A_752 = vector.shape_cast %get3A_751 : vector<1x16xi32> to vector<16xi32>
        %get3A_753 = arith.constant 128 : index
        %get3A_754 = tpu.vector_load %arg5[%get3A_753] {strides = array<i32>} : memref<208xi32, #tpu.memory_space<vmem>>, vector<16xi32>,
        %get3A_755 = vector.shape_cast %get3A_754 : vector<16xi32> to vector<16xi32>
        %add3A_756 = arith.addi %get3A_752, %get3A_755 : vector<16xi32>
        %swap3A_757 = arith.constant 1 : i32
        %swap3A_758 = arith.index_cast %swap3A_757 : i32 to index
        %swap3A_759 = arith.constant 0 : index
        %swap3A_760 = tpu.vector_load %arg6[%swap3A_758, %swap3A_759] {strides = array<i32>} : memref<13x128xi32, #tpu.memory_space<vmem>>, vector<1x16xi32>,
        %swap3A_761 = vector.shape_cast %swap3A_760 : vector<1x16xi32> to vector<16xi32>
        %swap3A_762 = vector.shape_cast %add3A_756 : vector<16xi32> to vector<1x16xi32>
        tpu.vector_store %arg6[%swap3A_758, %swap3A_759], %swap3A_762 {strides = array<i32>} : memref<13x128xi32, #tpu.memory_space<vmem>>, vector<1x16xi32>,
        %get3A_763 = arith.constant 1 : i32
        %get3A_764 = arith.index_cast %get3A_763 : i32 to index
        %get3A_765 = arith.constant 16 : index
        %get3A_766 = tpu.vector_load %arg6[%get3A_764, %get3A_765] {strides = array<i32>} : memref<13x128xi32, #tpu.memory_space<vmem>>, vector<1x16xi32>,
        %get3A_767 = vector.shape_cast %get3A_766 : vector<1x16xi32> to vector<16xi32>
        %get3A_768 = arith.constant 144 : index
        %get3A_769 = tpu.vector_load %arg5[%get3A_768] {strides = array<i32>} : memref<208xi32, #tpu.memory_space<vmem>>, vector<16xi32>,
        %get3A_770 = vector.shape_cast %get3A_769 : vector<16xi32> to vector<16xi32>
        %add3A_771 = arith.addi %get3A_767, %get3A_770 : vector<16xi32>
        %swap3A_772 = arith.constant 1 : i32
        %swap3A_773 = arith.index_cast %swap3A_772 : i32 to index
        %swap3A_774 = arith.constant 16 : index
        %swap3A_775 = tpu.vector_load %arg6[%swap3A_773, %swap3A_774] {strides = array<i32>} : memref<13x128xi32, #tpu.memory_space<vmem>>, vector<1x16xi32>,
        %swap3A_776 = vector.shape_cast %swap3A_775 : vector<1x16xi32> to vector<16xi32>
        %swap3A_777 = vector.shape_cast %add3A_771 : vector<16xi32> to vector<1x16xi32>
        tpu.vector_store %arg6[%swap3A_773, %swap3A_774], %swap3A_777 {strides = array<i32>} : memref<13x128xi32, #tpu.memory_space<vmem>>, vector<1x16xi32>,
        %get3A_778 = arith.constant 1 : i32
        %get3A_779 = arith.index_cast %get3A_778 : i32 to index
        %get3A_780 = arith.constant 32 : index
        %get3A_781 = tpu.vector_load %arg6[%get3A_779, %get3A_780] {strides = array<i32>} : memref<13x128xi32, #tpu.memory_space<vmem>>, vector<1x16xi32>,
        %get3A_782 = vector.shape_cast %get3A_781 : vector<1x16xi32> to vector<16xi32>
        %get3A_783 = arith.constant 160 : index
        %get3A_784 = tpu.vector_load %arg5[%get3A_783] {strides = array<i32>} : memref<208xi32, #tpu.memory_space<vmem>>, vector<16xi32>,
        %get3A_785 = vector.shape_cast %get3A_784 : vector<16xi32> to vector<16xi32>
        %add3A_786 = arith.addi %get3A_782, %get3A_785 : vector<16xi32>
        %swap3A_787 = arith.constant 1 : i32
        %swap3A_788 = arith.index_cast %swap3A_787 : i32 to index
        %swap3A_789 = arith.constant 32 : index
        %swap3A_790 = tpu.vector_load %arg6[%swap3A_788, %swap3A_789] {strides = array<i32>} : memref<13x128xi32, #tpu.memory_space<vmem>>, vector<1x16xi32>,
        %swap3A_791 = vector.shape_cast %swap3A_790 : vector<1x16xi32> to vector<16xi32>
        %swap3A_792 = vector.shape_cast %add3A_786 : vector<16xi32> to vector<1x16xi32>
        tpu.vector_store %arg6[%swap3A_788, %swap3A_789], %swap3A_792 {strides = array<i32>} : memref<13x128xi32, #tpu.memory_space<vmem>>, vector<1x16xi32>,
        %get3A_793 = arith.constant 1 : i32
        %get3A_794 = arith.index_cast %get3A_793 : i32 to index
        %get3A_795 = arith.constant 48 : index
        %get3A_796 = tpu.vector_load %arg6[%get3A_794, %get3A_795] {strides = array<i32>} : memref<13x128xi32, #tpu.memory_space<vmem>>, vector<1x16xi32>,
        %get3A_797 = vector.shape_cast %get3A_796 : vector<1x16xi32> to vector<16xi32>
        %get3A_798 = arith.constant 176 : index
        %get3A_799 = tpu.vector_load %arg5[%get3A_798] {strides = array<i32>} : memref<208xi32, #tpu.memory_space<vmem>>, vector<16xi32>,
        %get3A_800 = vector.shape_cast %get3A_799 : vector<16xi32> to vector<16xi32>
        %add3A_801 = arith.addi %get3A_797, %get3A_800 : vector<16xi32>
        %swap3A_802 = arith.constant 1 : i32
        %swap3A_803 = arith.index_cast %swap3A_802 : i32 to index
        %swap3A_804 = arith.constant 48 : index
        %swap3A_805 = tpu.vector_load %arg6[%swap3A_803, %swap3A_804] {strides = array<i32>} : memref<13x128xi32, #tpu.memory_space<vmem>>, vector<1x16xi32>,
        %swap3A_806 = vector.shape_cast %swap3A_805 : vector<1x16xi32> to vector<16xi32>
        %swap3A_807 = vector.shape_cast %add3A_801 : vector<16xi32> to vector<1x16xi32>
        tpu.vector_store %arg6[%swap3A_803, %swap3A_804], %swap3A_807 {strides = array<i32>} : memref<13x128xi32, #tpu.memory_space<vmem>>, vector<1x16xi32>,
        %get3A_808 = arith.constant 1 : i32
        %get3A_809 = arith.index_cast %get3A_808 : i32 to index
        %get3A_810 = arith.constant 64 : index
        %get3A_811 = tpu.vector_load %arg6[%get3A_809, %get3A_810] {strides = array<i32>} : memref<13x128xi32, #tpu.memory_space<vmem>>, vector<1x16xi32>,
        %get3A_812 = vector.shape_cast %get3A_811 : vector<1x16xi32> to vector<16xi32>
        %get3A_813 = arith.constant 192 : index
        %get3A_814 = tpu.vector_load %arg5[%get3A_813] {strides = array<i32>} : memref<208xi32, #tpu.memory_space<vmem>>, vector<16xi32>,
        %get3A_815 = vector.shape_cast %get3A_814 : vector<16xi32> to vector<16xi32>
        %add3A_816 = arith.addi %get3A_812, %get3A_815 : vector<16xi32>
        %swap3A_817 = arith.constant 1 : i32
        %swap3A_818 = arith.index_cast %swap3A_817 : i32 to index
        %swap3A_819 = arith.constant 64 : index
        %swap3A_820 = tpu.vector_load %arg6[%swap3A_818, %swap3A_819] {strides = array<i32>} : memref<13x128xi32, #tpu.memory_space<vmem>>, vector<1x16xi32>,
        %swap3A_821 = vector.shape_cast %swap3A_820 : vector<1x16xi32> to vector<16xi32>
        %swap3A_822 = vector.shape_cast %add3A_816 : vector<16xi32> to vector<1x16xi32>
        tpu.vector_store %arg6[%swap3A_818, %swap3A_819], %swap3A_822 {strides = array<i32>} : memref<13x128xi32, #tpu.memory_space<vmem>>, vector<1x16xi32>,
        %get3A_823 = arith.constant 1 : i32
        %get3A_824 = arith.index_cast %get3A_823 : i32 to index
        %get3A_825 = arith.constant 80 : index
        %get3A_826 = tpu.vector_load %arg6[%get3A_824, %get3A_825] {strides = array<i32>} : memref<13x128xi32, #tpu.memory_space<vmem>>, vector<1x16xi32>,
        %get3A_827 = vector.shape_cast %get3A_826 : vector<1x16xi32> to vector<16xi32>
        %get3A_828 = arith.constant 0 : index
        %get3A_829 = tpu.vector_load %arg5[%get3A_828] {strides = array<i32>} : memref<208xi32, #tpu.memory_space<vmem>>, vector<16xi32>,
        %get3A_830 = vector.shape_cast %get3A_829 : vector<16xi32> to vector<16xi32>
        %add3A_831 = arith.addi %get3A_827, %get3A_830 : vector<16xi32>
        %swap3A_832 = arith.constant 1 : i32
        %swap3A_833 = arith.index_cast %swap3A_832 : i32 to index
        %swap3A_834 = arith.constant 80 : index
        %swap3A_835 = tpu.vector_load %arg6[%swap3A_833, %swap3A_834] {strides = array<i32>} : memref<13x128xi32, #tpu.memory_space<vmem>>, vector<1x16xi32>,
        %swap3A_836 = vector.shape_cast %swap3A_835 : vector<1x16xi32> to vector<16xi32>
        %swap3A_837 = vector.shape_cast %add3A_831 : vector<16xi32> to vector<1x16xi32>
        tpu.vector_store %arg6[%swap3A_833, %swap3A_834], %swap3A_837 {strides = array<i32>} : memref<13x128xi32, #tpu.memory_space<vmem>>, vector<1x16xi32>,
        %get3A_838 = arith.constant 1 : i32
        %get3A_839 = arith.index_cast %get3A_838 : i32 to index
        %get3A_840 = arith.constant 96 : index
        %get3A_841 = tpu.vector_load %arg6[%get3A_839, %get3A_840] {strides = array<i32>} : memref<13x128xi32, #tpu.memory_space<vmem>>, vector<1x16xi32>,
        %get3A_842 = vector.shape_cast %get3A_841 : vector<1x16xi32> to vector<16xi32>
        %get3A_843 = arith.constant 16 : index
        %get3A_844 = tpu.vector_load %arg5[%get3A_843] {strides = array<i32>} : memref<208xi32, #tpu.memory_space<vmem>>, vector<16xi32>,
        %get3A_845 = vector.shape_cast %get3A_844 : vector<16xi32> to vector<16xi32>
        %add3A_846 = arith.addi %get3A_842, %get3A_845 : vector<16xi32>
        %swap3A_847 = arith.constant 1 : i32
        %swap3A_848 = arith.index_cast %swap3A_847 : i32 to index
        %swap3A_849 = arith.constant 96 : index
        %swap3A_850 = tpu.vector_load %arg6[%swap3A_848, %swap3A_849] {strides = array<i32>} : memref<13x128xi32, #tpu.memory_space<vmem>>, vector<1x16xi32>,
        %swap3A_851 = vector.shape_cast %swap3A_850 : vector<1x16xi32> to vector<16xi32>
        %swap3A_852 = vector.shape_cast %add3A_846 : vector<16xi32> to vector<1x16xi32>
        tpu.vector_store %arg6[%swap3A_848, %swap3A_849], %swap3A_852 {strides = array<i32>} : memref<13x128xi32, #tpu.memory_space<vmem>>, vector<1x16xi32>,
        %get3A_853 = arith.constant 1 : i32
        %get3A_854 = arith.index_cast %get3A_853 : i32 to index
        %get3A_855 = arith.constant 112 : index
        %get3A_856 = tpu.vector_load %arg6[%get3A_854, %get3A_855] {strides = array<i32>} : memref<13x128xi32, #tpu.memory_space<vmem>>, vector<1x16xi32>,
        %get3A_857 = vector.shape_cast %get3A_856 : vector<1x16xi32> to vector<16xi32>
        %get3A_858 = arith.constant 32 : index
        %get3A_859 = tpu.vector_load %arg5[%get3A_858] {strides = array<i32>} : memref<208xi32, #tpu.memory_space<vmem>>, vector<16xi32>,
        %get3A_860 = vector.shape_cast %get3A_859 : vector<16xi32> to vector<16xi32>
        %add3A_861 = arith.addi %get3A_857, %get3A_860 : vector<16xi32>
        %swap3A_862 = arith.constant 1 : i32
        %swap3A_863 = arith.index_cast %swap3A_862 : i32 to index
        %swap3A_864 = arith.constant 112 : index
        %swap3A_865 = tpu.vector_load %arg6[%swap3A_863, %swap3A_864] {strides = array<i32>} : memref<13x128xi32, #tpu.memory_space<vmem>>, vector<1x16xi32>,
        %swap3A_866 = vector.shape_cast %swap3A_865 : vector<1x16xi32> to vector<16xi32>
        %swap3A_867 = vector.shape_cast %add3A_861 : vector<16xi32> to vector<1x16xi32>
        tpu.vector_store %arg6[%swap3A_863, %swap3A_864], %swap3A_867 {strides = array<i32>} : memref<13x128xi32, #tpu.memory_space<vmem>>, vector<1x16xi32>,
        %get3A_868 = arith.constant 2 : i32
        %get3A_869 = arith.index_cast %get3A_868 : i32 to index
        %get3A_870 = arith.constant 0 : index
        %get3A_871 = tpu.vector_load %arg6[%get3A_869, %get3A_870] {strides = array<i32>} : memref<13x128xi32, #tpu.memory_space<vmem>>, vector<1x16xi32>,
        %get3A_872 = vector.shape_cast %get3A_871 : vector<1x16xi32> to vector<16xi32>
        %get3A_873 = arith.constant 48 : index
        %get3A_874 = tpu.vector_load %arg5[%get3A_873] {strides = array<i32>} : memref<208xi32, #tpu.memory_space<vmem>>, vector<16xi32>,
        %get3A_875 = vector.shape_cast %get3A_874 : vector<16xi32> to vector<16xi32>
        %add3A_876 = arith.addi %get3A_872, %get3A_875 : vector<16xi32>
        %swap3A_877 = arith.constant 2 : i32
        %swap3A_878 = arith.index_cast %swap3A_877 : i32 to index
        %swap3A_879 = arith.constant 0 : index
        %swap3A_880 = tpu.vector_load %arg6[%swap3A_878, %swap3A_879] {strides = array<i32>} : memref<13x128xi32, #tpu.memory_space<vmem>>, vector<1x16xi32>,
        %swap3A_881 = vector.shape_cast %swap3A_880 : vector<1x16xi32> to vector<16xi32>
        %swap3A_882 = vector.shape_cast %add3A_876 : vector<16xi32> to vector<1x16xi32>
        tpu.vector_store %arg6[%swap3A_878, %swap3A_879], %swap3A_882 {strides = array<i32>} : memref<13x128xi32, #tpu.memory_space<vmem>>, vector<1x16xi32>,
        %get3A_883 = arith.constant 2 : i32
        %get3A_884 = arith.index_cast %get3A_883 : i32 to index
        %get3A_885 = arith.constant 16 : index
        %get3A_886 = tpu.vector_load %arg6[%get3A_884, %get3A_885] {strides = array<i32>} : memref<13x128xi32, #tpu.memory_space<vmem>>, vector<1x16xi32>,
        %get3A_887 = vector.shape_cast %get3A_886 : vector<1x16xi32> to vector<16xi32>
        %get3A_888 = arith.constant 64 : index
        %get3A_889 = tpu.vector_load %arg5[%get3A_888] {strides = array<i32>} : memref<208xi32, #tpu.memory_space<vmem>>, vector<16xi32>,
        %get3A_890 = vector.shape_cast %get3A_889 : vector<16xi32> to vector<16xi32>
        %add3A_891 = arith.addi %get3A_887, %get3A_890 : vector<16xi32>
        %swap3A_892 = arith.constant 2 : i32
        %swap3A_893 = arith.index_cast %swap3A_892 : i32 to index
        %swap3A_894 = arith.constant 16 : index
        %swap3A_895 = tpu.vector_load %arg6[%swap3A_893, %swap3A_894] {strides = array<i32>} : memref<13x128xi32, #tpu.memory_space<vmem>>, vector<1x16xi32>,
        %swap3A_896 = vector.shape_cast %swap3A_895 : vector<1x16xi32> to vector<16xi32>
        %swap3A_897 = vector.shape_cast %add3A_891 : vector<16xi32> to vector<1x16xi32>
        tpu.vector_store %arg6[%swap3A_893, %swap3A_894], %swap3A_897 {strides = array<i32>} : memref<13x128xi32, #tpu.memory_space<vmem>>, vector<1x16xi32>,
        %get3A_898 = arith.constant 2 : i32
        %get3A_899 = arith.index_cast %get3A_898 : i32 to index
        %get3A_900 = arith.constant 32 : index
        %get3A_901 = tpu.vector_load %arg6[%get3A_899, %get3A_900] {strides = array<i32>} : memref<13x128xi32, #tpu.memory_space<vmem>>, vector<1x16xi32>,
        %get3A_902 = vector.shape_cast %get3A_901 : vector<1x16xi32> to vector<16xi32>
        %get3A_903 = arith.constant 80 : index
        %get3A_904 = tpu.vector_load %arg5[%get3A_903] {strides = array<i32>} : memref<208xi32, #tpu.memory_space<vmem>>, vector<16xi32>,
        %get3A_905 = vector.shape_cast %get3A_904 : vector<16xi32> to vector<16xi32>
        %add3A_906 = arith.addi %get3A_902, %get3A_905 : vector<16xi32>
        %swap3A_907 = arith.constant 2 : i32
        %swap3A_908 = arith.index_cast %swap3A_907 : i32 to index
        %swap3A_909 = arith.constant 32 : index
        %swap3A_910 = tpu.vector_load %arg6[%swap3A_908, %swap3A_909] {strides = array<i32>} : memref<13x128xi32, #tpu.memory_space<vmem>>, vector<1x16xi32>,
        %swap3A_911 = vector.shape_cast %swap3A_910 : vector<1x16xi32> to vector<16xi32>
        %swap3A_912 = vector.shape_cast %add3A_906 : vector<16xi32> to vector<1x16xi32>
        tpu.vector_store %arg6[%swap3A_908, %swap3A_909], %swap3A_912 {strides = array<i32>} : memref<13x128xi32, #tpu.memory_space<vmem>>, vector<1x16xi32>,
        %get3A_913 = arith.constant 2 : i32
        %get3A_914 = arith.index_cast %get3A_913 : i32 to index
        %get3A_915 = arith.constant 48 : index
        %get3A_916 = tpu.vector_load %arg6[%get3A_914, %get3A_915] {strides = array<i32>} : memref<13x128xi32, #tpu.memory_space<vmem>>, vector<1x16xi32>,
        %get3A_917 = vector.shape_cast %get3A_916 : vector<1x16xi32> to vector<16xi32>
        %get3A_918 = arith.constant 96 : index
        %get3A_919 = tpu.vector_load %arg5[%get3A_918] {strides = array<i32>} : memref<208xi32, #tpu.memory_space<vmem>>, vector<16xi32>,
        %get3A_920 = vector.shape_cast %get3A_919 : vector<16xi32> to vector<16xi32>
        %add3A_921 = arith.addi %get3A_917, %get3A_920 : vector<16xi32>
        %swap3A_922 = arith.constant 2 : i32
        %swap3A_923 = arith.index_cast %swap3A_922 : i32 to index
        %swap3A_924 = arith.constant 48 : index
        %swap3A_925 = tpu.vector_load %arg6[%swap3A_923, %swap3A_924] {strides = array<i32>} : memref<13x128xi32, #tpu.memory_space<vmem>>, vector<1x16xi32>,
        %swap3A_926 = vector.shape_cast %swap3A_925 : vector<1x16xi32> to vector<16xi32>
        %swap3A_927 = vector.shape_cast %add3A_921 : vector<16xi32> to vector<1x16xi32>
        tpu.vector_store %arg6[%swap3A_923, %swap3A_924], %swap3A_927 {strides = array<i32>} : memref<13x128xi32, #tpu.memory_space<vmem>>, vector<1x16xi32>,
        %get3A_928 = arith.constant 2 : i32
        %get3A_929 = arith.index_cast %get3A_928 : i32 to index
        %get3A_930 = arith.constant 64 : index
        %get3A_931 = tpu.vector_load %arg6[%get3A_929, %get3A_930] {strides = array<i32>} : memref<13x128xi32, #tpu.memory_space<vmem>>, vector<1x16xi32>,
        %get3A_932 = vector.shape_cast %get3A_931 : vector<1x16xi32> to vector<16xi32>
        %get3A_933 = arith.constant 112 : index
        %get3A_934 = tpu.vector_load %arg5[%get3A_933] {strides = array<i32>} : memref<208xi32, #tpu.memory_space<vmem>>, vector<16xi32>,
        %get3A_935 = vector.shape_cast %get3A_934 : vector<16xi32> to vector<16xi32>
        %add3A_936 = arith.addi %get3A_932, %get3A_935 : vector<16xi32>
        %swap3A_937 = arith.constant 2 : i32
        %swap3A_938 = arith.index_cast %swap3A_937 : i32 to index
        %swap3A_939 = arith.constant 64 : index
        %swap3A_940 = tpu.vector_load %arg6[%swap3A_938, %swap3A_939] {strides = array<i32>} : memref<13x128xi32, #tpu.memory_space<vmem>>, vector<1x16xi32>,
        %swap3A_941 = vector.shape_cast %swap3A_940 : vector<1x16xi32> to vector<16xi32>
        %swap3A_942 = vector.shape_cast %add3A_936 : vector<16xi32> to vector<1x16xi32>
        tpu.vector_store %arg6[%swap3A_938, %swap3A_939], %swap3A_942 {strides = array<i32>} : memref<13x128xi32, #tpu.memory_space<vmem>>, vector<1x16xi32>,
        %get3A_943 = arith.constant 2 : i32
        %get3A_944 = arith.index_cast %get3A_943 : i32 to index
        %get3A_945 = arith.constant 80 : index
        %get3A_946 = tpu.vector_load %arg6[%get3A_944, %get3A_945] {strides = array<i32>} : memref<13x128xi32, #tpu.memory_space<vmem>>, vector<1x16xi32>,
        %get3A_947 = vector.shape_cast %get3A_946 : vector<1x16xi32> to vector<16xi32>
        %get3A_948 = arith.constant 128 : index
        %get3A_949 = tpu.vector_load %arg5[%get3A_948] {strides = array<i32>} : memref<208xi32, #tpu.memory_space<vmem>>, vector<16xi32>,
        %get3A_950 = vector.shape_cast %get3A_949 : vector<16xi32> to vector<16xi32>
        %add3A_951 = arith.addi %get3A_947, %get3A_950 : vector<16xi32>
        %swap3A_952 = arith.constant 2 : i32
        %swap3A_953 = arith.index_cast %swap3A_952 : i32 to index
        %swap3A_954 = arith.constant 80 : index
        %swap3A_955 = tpu.vector_load %arg6[%swap3A_953, %swap3A_954] {strides = array<i32>} : memref<13x128xi32, #tpu.memory_space<vmem>>, vector<1x16xi32>,
        %swap3A_956 = vector.shape_cast %swap3A_955 : vector<1x16xi32> to vector<16xi32>
        %swap3A_957 = vector.shape_cast %add3A_951 : vector<16xi32> to vector<1x16xi32>
        tpu.vector_store %arg6[%swap3A_953, %swap3A_954], %swap3A_957 {strides = array<i32>} : memref<13x128xi32, #tpu.memory_space<vmem>>, vector<1x16xi32>,
        %get3A_958 = arith.constant 2 : i32
        %get3A_959 = arith.index_cast %get3A_958 : i32 to index
        %get3A_960 = arith.constant 96 : index
        %get3A_961 = tpu.vector_load %arg6[%get3A_959, %get3A_960] {strides = array<i32>} : memref<13x128xi32, #tpu.memory_space<vmem>>, vector<1x16xi32>,
        %get3A_962 = vector.shape_cast %get3A_961 : vector<1x16xi32> to vector<16xi32>
        %get3A_963 = arith.constant 144 : index
        %get3A_964 = tpu.vector_load %arg5[%get3A_963] {strides = array<i32>} : memref<208xi32, #tpu.memory_space<vmem>>, vector<16xi32>,
        %get3A_965 = vector.shape_cast %get3A_964 : vector<16xi32> to vector<16xi32>
        %add3A_966 = arith.addi %get3A_962, %get3A_965 : vector<16xi32>
        %swap3A_967 = arith.constant 2 : i32
        %swap3A_968 = arith.index_cast %swap3A_967 : i32 to index
        %swap3A_969 = arith.constant 96 : index
        %swap3A_970 = tpu.vector_load %arg6[%swap3A_968, %swap3A_969] {strides = array<i32>} : memref<13x128xi32, #tpu.memory_space<vmem>>, vector<1x16xi32>,
        %swap3A_971 = vector.shape_cast %swap3A_970 : vector<1x16xi32> to vector<16xi32>
        %swap3A_972 = vector.shape_cast %add3A_966 : vector<16xi32> to vector<1x16xi32>
        tpu.vector_store %arg6[%swap3A_968, %swap3A_969], %swap3A_972 {strides = array<i32>} : memref<13x128xi32, #tpu.memory_space<vmem>>, vector<1x16xi32>,
        %get3A_973 = arith.constant 2 : i32
        %get3A_974 = arith.index_cast %get3A_973 : i32 to index
        %get3A_975 = arith.constant 112 : index
        %get3A_976 = tpu.vector_load %arg6[%get3A_974, %get3A_975] {strides = array<i32>} : memref<13x128xi32, #tpu.memory_space<vmem>>, vector<1x16xi32>,
        %get3A_977 = vector.shape_cast %get3A_976 : vector<1x16xi32> to vector<16xi32>
        %get3A_978 = arith.constant 160 : index
        %get3A_979 = tpu.vector_load %arg5[%get3A_978] {strides = array<i32>} : memref<208xi32, #tpu.memory_space<vmem>>, vector<16xi32>,
        %get3A_980 = vector.shape_cast %get3A_979 : vector<16xi32> to vector<16xi32>
        %add3A_981 = arith.addi %get3A_977, %get3A_980 : vector<16xi32>
        %swap3A_982 = arith.constant 2 : i32
        %swap3A_983 = arith.index_cast %swap3A_982 : i32 to index
        %swap3A_984 = arith.constant 112 : index
        %swap3A_985 = tpu.vector_load %arg6[%swap3A_983, %swap3A_984] {strides = array<i32>} : memref<13x128xi32, #tpu.memory_space<vmem>>, vector<1x16xi32>,
        %swap3A_986 = vector.shape_cast %swap3A_985 : vector<1x16xi32> to vector<16xi32>
        %swap3A_987 = vector.shape_cast %add3A_981 : vector<16xi32> to vector<1x16xi32>
        tpu.vector_store %arg6[%swap3A_983, %swap3A_984], %swap3A_987 {strides = array<i32>} : memref<13x128xi32, #tpu.memory_space<vmem>>, vector<1x16xi32>,
        %get3A_988 = arith.constant 3 : i32
        %get3A_989 = arith.index_cast %get3A_988 : i32 to index
        %get3A_990 = arith.constant 0 : index
        %get3A_991 = tpu.vector_load %arg6[%get3A_989, %get3A_990] {strides = array<i32>} : memref<13x128xi32, #tpu.memory_space<vmem>>, vector<1x16xi32>,
        %get3A_992 = vector.shape_cast %get3A_991 : vector<1x16xi32> to vector<16xi32>
        %get3A_993 = arith.constant 176 : index
        %get3A_994 = tpu.vector_load %arg5[%get3A_993] {strides = array<i32>} : memref<208xi32, #tpu.memory_space<vmem>>, vector<16xi32>,
        %get3A_995 = vector.shape_cast %get3A_994 : vector<16xi32> to vector<16xi32>
        %add3A_996 = arith.addi %get3A_992, %get3A_995 : vector<16xi32>
        %swap3A_997 = arith.constant 3 : i32
        %swap3A_998 = arith.index_cast %swap3A_997 : i32 to index
        %swap3A_999 = arith.constant 0 : index
        %swap3A_1000 = tpu.vector_load %arg6[%swap3A_998, %swap3A_999] {strides = array<i32>} : memref<13x128xi32, #tpu.memory_space<vmem>>, vector<1x16xi32>,
        %swap3A_1001 = vector.shape_cast %swap3A_1000 : vector<1x16xi32> to vector<16xi32>
        %swap3A_1002 = vector.shape_cast %add3A_996 : vector<16xi32> to vector<1x16xi32>
        tpu.vector_store %arg6[%swap3A_998, %swap3A_999], %swap3A_1002 {strides = array<i32>} : memref<13x128xi32, #tpu.memory_space<vmem>>, vector<1x16xi32>,
        %get3A_1003 = arith.constant 3 : i32
        %get3A_1004 = arith.index_cast %get3A_1003 : i32 to index
        %get3A_1005 = arith.constant 16 : index
        %get3A_1006 = tpu.vector_load %arg6[%get3A_1004, %get3A_1005] {strides = array<i32>} : memref<13x128xi32, #tpu.memory_space<vmem>>, vector<1x16xi32>,
        %get3A_1007 = vector.shape_cast %get3A_1006 : vector<1x16xi32> to vector<16xi32>
        %get3A_1008 = arith.constant 192 : index
        %get3A_1009 = tpu.vector_load %arg5[%get3A_1008] {strides = array<i32>} : memref<208xi32, #tpu.memory_space<vmem>>, vector<16xi32>,
        %get3A_1010 = vector.shape_cast %get3A_1009 : vector<16xi32> to vector<16xi32>
        %add3A_1011 = arith.addi %get3A_1007, %get3A_1010 : vector<16xi32>
        %swap3A_1012 = arith.constant 3 : i32
        %swap3A_1013 = arith.index_cast %swap3A_1012 : i32 to index
        %swap3A_1014 = arith.constant 16 : index
        %swap3A_1015 = tpu.vector_load %arg6[%swap3A_1013, %swap3A_1014] {strides = array<i32>} : memref<13x128xi32, #tpu.memory_space<vmem>>, vector<1x16xi32>,
        %swap3A_1016 = vector.shape_cast %swap3A_1015 : vector<1x16xi32> to vector<16xi32>
        %swap3A_1017 = vector.shape_cast %add3A_1011 : vector<16xi32> to vector<1x16xi32>
        tpu.vector_store %arg6[%swap3A_1013, %swap3A_1014], %swap3A_1017 {strides = array<i32>} : memref<13x128xi32, #tpu.memory_space<vmem>>, vector<1x16xi32>,
        %get3A_1018 = arith.constant 3 : i32
        %get3A_1019 = arith.index_cast %get3A_1018 : i32 to index
        %get3A_1020 = arith.constant 32 : index
        %get3A_1021 = tpu.vector_load %arg6[%get3A_1019, %get3A_1020] {strides = array<i32>} : memref<13x128xi32, #tpu.memory_space<vmem>>, vector<1x16xi32>,
        %get3A_1022 = vector.shape_cast %get3A_1021 : vector<1x16xi32> to vector<16xi32>
        %get3A_1023 = arith.constant 0 : index
        %get3A_1024 = tpu.vector_load %arg5[%get3A_1023] {strides = array<i32>} : memref<208xi32, #tpu.memory_space<vmem>>, vector<16xi32>,
        %get3A_1025 = vector.shape_cast %get3A_1024 : vector<16xi32> to vector<16xi32>
        %add3A_1026 = arith.addi %get3A_1022, %get3A_1025 : vector<16xi32>
        %swap3A_1027 = arith.constant 3 : i32
        %swap3A_1028 = arith.index_cast %swap3A_1027 : i32 to index
        %swap3A_1029 = arith.constant 32 : index
        %swap3A_1030 = tpu.vector_load %arg6[%swap3A_1028, %swap3A_1029] {strides = array<i32>} : memref<13x128xi32, #tpu.memory_space<vmem>>, vector<1x16xi32>,
        %swap3A_1031 = vector.shape_cast %swap3A_1030 : vector<1x16xi32> to vector<16xi32>
        %swap3A_1032 = vector.shape_cast %add3A_1026 : vector<16xi32> to vector<1x16xi32>
        tpu.vector_store %arg6[%swap3A_1028, %swap3A_1029], %swap3A_1032 {strides = array<i32>} : memref<13x128xi32, #tpu.memory_space<vmem>>, vector<1x16xi32>,
        %get3A_1033 = arith.constant 3 : i32
        %get3A_1034 = arith.index_cast %get3A_1033 : i32 to index
        %get3A_1035 = arith.constant 48 : index
        %get3A_1036 = tpu.vector_load %arg6[%get3A_1034, %get3A_1035] {strides = array<i32>} : memref<13x128xi32, #tpu.memory_space<vmem>>, vector<1x16xi32>,
        %get3A_1037 = vector.shape_cast %get3A_1036 : vector<1x16xi32> to vector<16xi32>
        %get3A_1038 = arith.constant 16 : index
        %get3A_1039 = tpu.vector_load %arg5[%get3A_1038] {strides = array<i32>} : memref<208xi32, #tpu.memory_space<vmem>>, vector<16xi32>,
        %get3A_1040 = vector.shape_cast %get3A_1039 : vector<16xi32> to vector<16xi32>
        %add3A_1041 = arith.addi %get3A_1037, %get3A_1040 : vector<16xi32>
        %swap3A_1042 = arith.constant 3 : i32
        %swap3A_1043 = arith.index_cast %swap3A_1042 : i32 to index
        %swap3A_1044 = arith.constant 48 : index
        %swap3A_1045 = tpu.vector_load %arg6[%swap3A_1043, %swap3A_1044] {strides = array<i32>} : memref<13x128xi32, #tpu.memory_space<vmem>>, vector<1x16xi32>,
        %swap3A_1046 = vector.shape_cast %swap3A_1045 : vector<1x16xi32> to vector<16xi32>
        %swap3A_1047 = vector.shape_cast %add3A_1041 : vector<16xi32> to vector<1x16xi32>
        tpu.vector_store %arg6[%swap3A_1043, %swap3A_1044], %swap3A_1047 {strides = array<i32>} : memref<13x128xi32, #tpu.memory_space<vmem>>, vector<1x16xi32>,
        %get3A_1048 = arith.constant 3 : i32
        %get3A_1049 = arith.index_cast %get3A_1048 : i32 to index
        %get3A_1050 = arith.constant 64 : index
        %get3A_1051 = tpu.vector_load %arg6[%get3A_1049, %get3A_1050] {strides = array<i32>} : memref<13x128xi32, #tpu.memory_space<vmem>>, vector<1x16xi32>,
        %get3A_1052 = vector.shape_cast %get3A_1051 : vector<1x16xi32> to vector<16xi32>
        %get3A_1053 = arith.constant 32 : index
        %get3A_1054 = tpu.vector_load %arg5[%get3A_1053] {strides = array<i32>} : memref<208xi32, #tpu.memory_space<vmem>>, vector<16xi32>,
        %get3A_1055 = vector.shape_cast %get3A_1054 : vector<16xi32> to vector<16xi32>
        %add3A_1056 = arith.addi %get3A_1052, %get3A_1055 : vector<16xi32>
        %swap3A_1057 = arith.constant 3 : i32
        %swap3A_1058 = arith.index_cast %swap3A_1057 : i32 to index
        %swap3A_1059 = arith.constant 64 : index
        %swap3A_1060 = tpu.vector_load %arg6[%swap3A_1058, %swap3A_1059] {strides = array<i32>} : memref<13x128xi32, #tpu.memory_space<vmem>>, vector<1x16xi32>,
        %swap3A_1061 = vector.shape_cast %swap3A_1060 : vector<1x16xi32> to vector<16xi32>
        %swap3A_1062 = vector.shape_cast %add3A_1056 : vector<16xi32> to vector<1x16xi32>
        tpu.vector_store %arg6[%swap3A_1058, %swap3A_1059], %swap3A_1062 {strides = array<i32>} : memref<13x128xi32, #tpu.memory_space<vmem>>, vector<1x16xi32>,
        %get3A_1063 = arith.constant 3 : i32
        %get3A_1064 = arith.index_cast %get3A_1063 : i32 to index
        %get3A_1065 = arith.constant 80 : index
        %get3A_1066 = tpu.vector_load %arg6[%get3A_1064, %get3A_1065] {strides = array<i32>} : memref<13x128xi32, #tpu.memory_space<vmem>>, vector<1x16xi32>,
        %get3A_1067 = vector.shape_cast %get3A_1066 : vector<1x16xi32> to vector<16xi32>
        %get3A_1068 = arith.constant 48 : index
        %get3A_1069 = tpu.vector_load %arg5[%get3A_1068] {strides = array<i32>} : memref<208xi32, #tpu.memory_space<vmem>>, vector<16xi32>,
        %get3A_1070 = vector.shape_cast %get3A_1069 : vector<16xi32> to vector<16xi32>
        %add3A_1071 = arith.addi %get3A_1067, %get3A_1070 : vector<16xi32>
        %swap3A_1072 = arith.constant 3 : i32
        %swap3A_1073 = arith.index_cast %swap3A_1072 : i32 to index
        %swap3A_1074 = arith.constant 80 : index
        %swap3A_1075 = tpu.vector_load %arg6[%swap3A_1073, %swap3A_1074] {strides = array<i32>} : memref<13x128xi32, #tpu.memory_space<vmem>>, vector<1x16xi32>,
        %swap3A_1076 = vector.shape_cast %swap3A_1075 : vector<1x16xi32> to vector<16xi32>
        %swap3A_1077 = vector.shape_cast %add3A_1071 : vector<16xi32> to vector<1x16xi32>
        tpu.vector_store %arg6[%swap3A_1073, %swap3A_1074], %swap3A_1077 {strides = array<i32>} : memref<13x128xi32, #tpu.memory_space<vmem>>, vector<1x16xi32>,
        %get3A_1078 = arith.constant 3 : i32
        %get3A_1079 = arith.index_cast %get3A_1078 : i32 to index
        %get3A_1080 = arith.constant 96 : index
        %get3A_1081 = tpu.vector_load %arg6[%get3A_1079, %get3A_1080] {strides = array<i32>} : memref<13x128xi32, #tpu.memory_space<vmem>>, vector<1x16xi32>,
        %get3A_1082 = vector.shape_cast %get3A_1081 : vector<1x16xi32> to vector<16xi32>
        %get3A_1083 = arith.constant 64 : index
        %get3A_1084 = tpu.vector_load %arg5[%get3A_1083] {strides = array<i32>} : memref<208xi32, #tpu.memory_space<vmem>>, vector<16xi32>,
        %get3A_1085 = vector.shape_cast %get3A_1084 : vector<16xi32> to vector<16xi32>
        %add3A_1086 = arith.addi %get3A_1082, %get3A_1085 : vector<16xi32>
        %swap3A_1087 = arith.constant 3 : i32
        %swap3A_1088 = arith.index_cast %swap3A_1087 : i32 to index
        %swap3A_1089 = arith.constant 96 : index
        %swap3A_1090 = tpu.vector_load %arg6[%swap3A_1088, %swap3A_1089] {strides = array<i32>} : memref<13x128xi32, #tpu.memory_space<vmem>>, vector<1x16xi32>,
        %swap3A_1091 = vector.shape_cast %swap3A_1090 : vector<1x16xi32> to vector<16xi32>
        %swap3A_1092 = vector.shape_cast %add3A_1086 : vector<16xi32> to vector<1x16xi32>
        tpu.vector_store %arg6[%swap3A_1088, %swap3A_1089], %swap3A_1092 {strides = array<i32>} : memref<13x128xi32, #tpu.memory_space<vmem>>, vector<1x16xi32>,
        %get3A_1093 = arith.constant 3 : i32
        %get3A_1094 = arith.index_cast %get3A_1093 : i32 to index
        %get3A_1095 = arith.constant 112 : index
        %get3A_1096 = tpu.vector_load %arg6[%get3A_1094, %get3A_1095] {strides = array<i32>} : memref<13x128xi32, #tpu.memory_space<vmem>>, vector<1x16xi32>,
        %get3A_1097 = vector.shape_cast %get3A_1096 : vector<1x16xi32> to vector<16xi32>
        %get3A_1098 = arith.constant 80 : index
        %get3A_1099 = tpu.vector_load %arg5[%get3A_1098] {strides = array<i32>} : memref<208xi32, #tpu.memory_space<vmem>>, vector<16xi32>,
        %get3A_1100 = vector.shape_cast %get3A_1099 : vector<16xi32> to vector<16xi32>
        %add3A_1101 = arith.addi %get3A_1097, %get3A_1100 : vector<16xi32>
        %swap3A_1102 = arith.constant 3 : i32
        %swap3A_1103 = arith.index_cast %swap3A_1102 : i32 to index
        %swap3A_1104 = arith.constant 112 : index
        %swap3A_1105 = tpu.vector_load %arg6[%swap3A_1103, %swap3A_1104] {strides = array<i32>} : memref<13x128xi32, #tpu.memory_space<vmem>>, vector<1x16xi32>,
        %swap3A_1106 = vector.shape_cast %swap3A_1105 : vector<1x16xi32> to vector<16xi32>
        %swap3A_1107 = vector.shape_cast %add3A_1101 : vector<16xi32> to vector<1x16xi32>
        tpu.vector_store %arg6[%swap3A_1103, %swap3A_1104], %swap3A_1107 {strides = array<i32>} : memref<13x128xi32, #tpu.memory_space<vmem>>, vector<1x16xi32>,
        %get3A_1108 = arith.constant 4 : i32
        %get3A_1109 = arith.index_cast %get3A_1108 : i32 to index
        %get3A_1110 = arith.constant 0 : index
        %get3A_1111 = tpu.vector_load %arg6[%get3A_1109, %get3A_1110] {strides = array<i32>} : memref<13x128xi32, #tpu.memory_space<vmem>>, vector<1x16xi32>,
        %get3A_1112 = vector.shape_cast %get3A_1111 : vector<1x16xi32> to vector<16xi32>
        %get3A_1113 = arith.constant 96 : index
        %get3A_1114 = tpu.vector_load %arg5[%get3A_1113] {strides = array<i32>} : memref<208xi32, #tpu.memory_space<vmem>>, vector<16xi32>,
        %get3A_1115 = vector.shape_cast %get3A_1114 : vector<16xi32> to vector<16xi32>
        %add3A_1116 = arith.addi %get3A_1112, %get3A_1115 : vector<16xi32>
        %swap3A_1117 = arith.constant 4 : i32
        %swap3A_1118 = arith.index_cast %swap3A_1117 : i32 to index
        %swap3A_1119 = arith.constant 0 : index
        %swap3A_1120 = tpu.vector_load %arg6[%swap3A_1118, %swap3A_1119] {strides = array<i32>} : memref<13x128xi32, #tpu.memory_space<vmem>>, vector<1x16xi32>,
        %swap3A_1121 = vector.shape_cast %swap3A_1120 : vector<1x16xi32> to vector<16xi32>
        %swap3A_1122 = vector.shape_cast %add3A_1116 : vector<16xi32> to vector<1x16xi32>
        tpu.vector_store %arg6[%swap3A_1118, %swap3A_1119], %swap3A_1122 {strides = array<i32>} : memref<13x128xi32, #tpu.memory_space<vmem>>, vector<1x16xi32>,
        %get3A_1123 = arith.constant 4 : i32
        %get3A_1124 = arith.index_cast %get3A_1123 : i32 to index
        %get3A_1125 = arith.constant 16 : index
        %get3A_1126 = tpu.vector_load %arg6[%get3A_1124, %get3A_1125] {strides = array<i32>} : memref<13x128xi32, #tpu.memory_space<vmem>>, vector<1x16xi32>,
        %get3A_1127 = vector.shape_cast %get3A_1126 : vector<1x16xi32> to vector<16xi32>
        %get3A_1128 = arith.constant 112 : index
        %get3A_1129 = tpu.vector_load %arg5[%get3A_1128] {strides = array<i32>} : memref<208xi32, #tpu.memory_space<vmem>>, vector<16xi32>,
        %get3A_1130 = vector.shape_cast %get3A_1129 : vector<16xi32> to vector<16xi32>
        %add3A_1131 = arith.addi %get3A_1127, %get3A_1130 : vector<16xi32>
        %swap3A_1132 = arith.constant 4 : i32
        %swap3A_1133 = arith.index_cast %swap3A_1132 : i32 to index
        %swap3A_1134 = arith.constant 16 : index
        %swap3A_1135 = tpu.vector_load %arg6[%swap3A_1133, %swap3A_1134] {strides = array<i32>} : memref<13x128xi32, #tpu.memory_space<vmem>>, vector<1x16xi32>,
        %swap3A_1136 = vector.shape_cast %swap3A_1135 : vector<1x16xi32> to vector<16xi32>
        %swap3A_1137 = vector.shape_cast %add3A_1131 : vector<16xi32> to vector<1x16xi32>
        tpu.vector_store %arg6[%swap3A_1133, %swap3A_1134], %swap3A_1137 {strides = array<i32>} : memref<13x128xi32, #tpu.memory_space<vmem>>, vector<1x16xi32>,
        %get3A_1138 = arith.constant 4 : i32
        %get3A_1139 = arith.index_cast %get3A_1138 : i32 to index
        %get3A_1140 = arith.constant 32 : index
        %get3A_1141 = tpu.vector_load %arg6[%get3A_1139, %get3A_1140] {strides = array<i32>} : memref<13x128xi32, #tpu.memory_space<vmem>>, vector<1x16xi32>,
        %get3A_1142 = vector.shape_cast %get3A_1141 : vector<1x16xi32> to vector<16xi32>
        %get3A_1143 = arith.constant 128 : index
        %get3A_1144 = tpu.vector_load %arg5[%get3A_1143] {strides = array<i32>} : memref<208xi32, #tpu.memory_space<vmem>>, vector<16xi32>,
        %get3A_1145 = vector.shape_cast %get3A_1144 : vector<16xi32> to vector<16xi32>
        %add3A_1146 = arith.addi %get3A_1142, %get3A_1145 : vector<16xi32>
        %swap3A_1147 = arith.constant 4 : i32
        %swap3A_1148 = arith.index_cast %swap3A_1147 : i32 to index
        %swap3A_1149 = arith.constant 32 : index
        %swap3A_1150 = tpu.vector_load %arg6[%swap3A_1148, %swap3A_1149] {strides = array<i32>} : memref<13x128xi32, #tpu.memory_space<vmem>>, vector<1x16xi32>,
        %swap3A_1151 = vector.shape_cast %swap3A_1150 : vector<1x16xi32> to vector<16xi32>
        %swap3A_1152 = vector.shape_cast %add3A_1146 : vector<16xi32> to vector<1x16xi32>
        tpu.vector_store %arg6[%swap3A_1148, %swap3A_1149], %swap3A_1152 {strides = array<i32>} : memref<13x128xi32, #tpu.memory_space<vmem>>, vector<1x16xi32>,
        %get3A_1153 = arith.constant 4 : i32
        %get3A_1154 = arith.index_cast %get3A_1153 : i32 to index
        %get3A_1155 = arith.constant 48 : index
        %get3A_1156 = tpu.vector_load %arg6[%get3A_1154, %get3A_1155] {strides = array<i32>} : memref<13x128xi32, #tpu.memory_space<vmem>>, vector<1x16xi32>,
        %get3A_1157 = vector.shape_cast %get3A_1156 : vector<1x16xi32> to vector<16xi32>
        %get3A_1158 = arith.constant 144 : index
        %get3A_1159 = tpu.vector_load %arg5[%get3A_1158] {strides = array<i32>} : memref<208xi32, #tpu.memory_space<vmem>>, vector<16xi32>,
        %get3A_1160 = vector.shape_cast %get3A_1159 : vector<16xi32> to vector<16xi32>
        %add3A_1161 = arith.addi %get3A_1157, %get3A_1160 : vector<16xi32>
        %swap3A_1162 = arith.constant 4 : i32
        %swap3A_1163 = arith.index_cast %swap3A_1162 : i32 to index
        %swap3A_1164 = arith.constant 48 : index
        %swap3A_1165 = tpu.vector_load %arg6[%swap3A_1163, %swap3A_1164] {strides = array<i32>} : memref<13x128xi32, #tpu.memory_space<vmem>>, vector<1x16xi32>,
        %swap3A_1166 = vector.shape_cast %swap3A_1165 : vector<1x16xi32> to vector<16xi32>
        %swap3A_1167 = vector.shape_cast %add3A_1161 : vector<16xi32> to vector<1x16xi32>
        tpu.vector_store %arg6[%swap3A_1163, %swap3A_1164], %swap3A_1167 {strides = array<i32>} : memref<13x128xi32, #tpu.memory_space<vmem>>, vector<1x16xi32>,
        %get3A_1168 = arith.constant 4 : i32
        %get3A_1169 = arith.index_cast %get3A_1168 : i32 to index
        %get3A_1170 = arith.constant 64 : index
        %get3A_1171 = tpu.vector_load %arg6[%get3A_1169, %get3A_1170] {strides = array<i32>} : memref<13x128xi32, #tpu.memory_space<vmem>>, vector<1x16xi32>,
        %get3A_1172 = vector.shape_cast %get3A_1171 : vector<1x16xi32> to vector<16xi32>
        %get3A_1173 = arith.constant 160 : index
        %get3A_1174 = tpu.vector_load %arg5[%get3A_1173] {strides = array<i32>} : memref<208xi32, #tpu.memory_space<vmem>>, vector<16xi32>,
        %get3A_1175 = vector.shape_cast %get3A_1174 : vector<16xi32> to vector<16xi32>
        %add3A_1176 = arith.addi %get3A_1172, %get3A_1175 : vector<16xi32>
        %swap3A_1177 = arith.constant 4 : i32
        %swap3A_1178 = arith.index_cast %swap3A_1177 : i32 to index
        %swap3A_1179 = arith.constant 64 : index
        %swap3A_1180 = tpu.vector_load %arg6[%swap3A_1178, %swap3A_1179] {strides = array<i32>} : memref<13x128xi32, #tpu.memory_space<vmem>>, vector<1x16xi32>,
        %swap3A_1181 = vector.shape_cast %swap3A_1180 : vector<1x16xi32> to vector<16xi32>
        %swap3A_1182 = vector.shape_cast %add3A_1176 : vector<16xi32> to vector<1x16xi32>
        tpu.vector_store %arg6[%swap3A_1178, %swap3A_1179], %swap3A_1182 {strides = array<i32>} : memref<13x128xi32, #tpu.memory_space<vmem>>, vector<1x16xi32>,
        %get3A_1183 = arith.constant 4 : i32
        %get3A_1184 = arith.index_cast %get3A_1183 : i32 to index
        %get3A_1185 = arith.constant 80 : index
        %get3A_1186 = tpu.vector_load %arg6[%get3A_1184, %get3A_1185] {strides = array<i32>} : memref<13x128xi32, #tpu.memory_space<vmem>>, vector<1x16xi32>,
        %get3A_1187 = vector.shape_cast %get3A_1186 : vector<1x16xi32> to vector<16xi32>
        %get3A_1188 = arith.constant 176 : index
        %get3A_1189 = tpu.vector_load %arg5[%get3A_1188] {strides = array<i32>} : memref<208xi32, #tpu.memory_space<vmem>>, vector<16xi32>,
        %get3A_1190 = vector.shape_cast %get3A_1189 : vector<16xi32> to vector<16xi32>
        %add3A_1191 = arith.addi %get3A_1187, %get3A_1190 : vector<16xi32>
        %swap3A_1192 = arith.constant 4 : i32
        %swap3A_1193 = arith.index_cast %swap3A_1192 : i32 to index
        %swap3A_1194 = arith.constant 80 : index
        %swap3A_1195 = tpu.vector_load %arg6[%swap3A_1193, %swap3A_1194] {strides = array<i32>} : memref<13x128xi32, #tpu.memory_space<vmem>>, vector<1x16xi32>,
        %swap3A_1196 = vector.shape_cast %swap3A_1195 : vector<1x16xi32> to vector<16xi32>
        %swap3A_1197 = vector.shape_cast %add3A_1191 : vector<16xi32> to vector<1x16xi32>
        tpu.vector_store %arg6[%swap3A_1193, %swap3A_1194], %swap3A_1197 {strides = array<i32>} : memref<13x128xi32, #tpu.memory_space<vmem>>, vector<1x16xi32>,
        %get3A_1198 = arith.constant 4 : i32
        %get3A_1199 = arith.index_cast %get3A_1198 : i32 to index
        %get3A_1200 = arith.constant 96 : index
        %get3A_1201 = tpu.vector_load %arg6[%get3A_1199, %get3A_1200] {strides = array<i32>} : memref<13x128xi32, #tpu.memory_space<vmem>>, vector<1x16xi32>,
        %get3A_1202 = vector.shape_cast %get3A_1201 : vector<1x16xi32> to vector<16xi32>
        %get3A_1203 = arith.constant 192 : index
        %get3A_1204 = tpu.vector_load %arg5[%get3A_1203] {strides = array<i32>} : memref<208xi32, #tpu.memory_space<vmem>>, vector<16xi32>,
        %get3A_1205 = vector.shape_cast %get3A_1204 : vector<16xi32> to vector<16xi32>
        %add3A_1206 = arith.addi %get3A_1202, %get3A_1205 : vector<16xi32>
        %swap3A_1207 = arith.constant 4 : i32
        %swap3A_1208 = arith.index_cast %swap3A_1207 : i32 to index
        %swap3A_1209 = arith.constant 96 : index
        %swap3A_1210 = tpu.vector_load %arg6[%swap3A_1208, %swap3A_1209] {strides = array<i32>} : memref<13x128xi32, #tpu.memory_space<vmem>>, vector<1x16xi32>,
        %swap3A_1211 = vector.shape_cast %swap3A_1210 : vector<1x16xi32> to vector<16xi32>
        %swap3A_1212 = vector.shape_cast %add3A_1206 : vector<16xi32> to vector<1x16xi32>
        tpu.vector_store %arg6[%swap3A_1208, %swap3A_1209], %swap3A_1212 {strides = array<i32>} : memref<13x128xi32, #tpu.memory_space<vmem>>, vector<1x16xi32>,
        %get3A_1213 = arith.constant 4 : i32
        %get3A_1214 = arith.index_cast %get3A_1213 : i32 to index
        %get3A_1215 = arith.constant 112 : index
        %get3A_1216 = tpu.vector_load %arg6[%get3A_1214, %get3A_1215] {strides = array<i32>} : memref<13x128xi32, #tpu.memory_space<vmem>>, vector<1x16xi32>,
        %get3A_1217 = vector.shape_cast %get3A_1216 : vector<1x16xi32> to vector<16xi32>
        %get3A_1218 = arith.constant 0 : index
        %get3A_1219 = tpu.vector_load %arg5[%get3A_1218] {strides = array<i32>} : memref<208xi32, #tpu.memory_space<vmem>>, vector<16xi32>,
        %get3A_1220 = vector.shape_cast %get3A_1219 : vector<16xi32> to vector<16xi32>
        %add3A_1221 = arith.addi %get3A_1217, %get3A_1220 : vector<16xi32>
        %swap3A_1222 = arith.constant 4 : i32
        %swap3A_1223 = arith.index_cast %swap3A_1222 : i32 to index
        %swap3A_1224 = arith.constant 112 : index
        %swap3A_1225 = tpu.vector_load %arg6[%swap3A_1223, %swap3A_1224] {strides = array<i32>} : memref<13x128xi32, #tpu.memory_space<vmem>>, vector<1x16xi32>,
        %swap3A_1226 = vector.shape_cast %swap3A_1225 : vector<1x16xi32> to vector<16xi32>
        %swap3A_1227 = vector.shape_cast %add3A_1221 : vector<16xi32> to vector<1x16xi32>
        tpu.vector_store %arg6[%swap3A_1223, %swap3A_1224], %swap3A_1227 {strides = array<i32>} : memref<13x128xi32, #tpu.memory_space<vmem>>, vector<1x16xi32>,
        %get3A_1228 = arith.constant 5 : i32
        %get3A_1229 = arith.index_cast %get3A_1228 : i32 to index
        %get3A_1230 = arith.constant 0 : index
        %get3A_1231 = tpu.vector_load %arg6[%get3A_1229, %get3A_1230] {strides = array<i32>} : memref<13x128xi32, #tpu.memory_space<vmem>>, vector<1x16xi32>,
        %get3A_1232 = vector.shape_cast %get3A_1231 : vector<1x16xi32> to vector<16xi32>
        %get3A_1233 = arith.constant 16 : index
        %get3A_1234 = tpu.vector_load %arg5[%get3A_1233] {strides = array<i32>} : memref<208xi32, #tpu.memory_space<vmem>>, vector<16xi32>,
        %get3A_1235 = vector.shape_cast %get3A_1234 : vector<16xi32> to vector<16xi32>
        %add3A_1236 = arith.addi %get3A_1232, %get3A_1235 : vector<16xi32>
        %swap3A_1237 = arith.constant 5 : i32
        %swap3A_1238 = arith.index_cast %swap3A_1237 : i32 to index
        %swap3A_1239 = arith.constant 0 : index
        %swap3A_1240 = tpu.vector_load %arg6[%swap3A_1238, %swap3A_1239] {strides = array<i32>} : memref<13x128xi32, #tpu.memory_space<vmem>>, vector<1x16xi32>,
        %swap3A_1241 = vector.shape_cast %swap3A_1240 : vector<1x16xi32> to vector<16xi32>
        %swap3A_1242 = vector.shape_cast %add3A_1236 : vector<16xi32> to vector<1x16xi32>
        tpu.vector_store %arg6[%swap3A_1238, %swap3A_1239], %swap3A_1242 {strides = array<i32>} : memref<13x128xi32, #tpu.memory_space<vmem>>, vector<1x16xi32>,
        %get3A_1243 = arith.constant 5 : i32
        %get3A_1244 = arith.index_cast %get3A_1243 : i32 to index
        %get3A_1245 = arith.constant 16 : index
        %get3A_1246 = tpu.vector_load %arg6[%get3A_1244, %get3A_1245] {strides = array<i32>} : memref<13x128xi32, #tpu.memory_space<vmem>>, vector<1x16xi32>,
        %get3A_1247 = vector.shape_cast %get3A_1246 : vector<1x16xi32> to vector<16xi32>
        %get3A_1248 = arith.constant 32 : index
        %get3A_1249 = tpu.vector_load %arg5[%get3A_1248] {strides = array<i32>} : memref<208xi32, #tpu.memory_space<vmem>>, vector<16xi32>,
        %get3A_1250 = vector.shape_cast %get3A_1249 : vector<16xi32> to vector<16xi32>
        %add3A_1251 = arith.addi %get3A_1247, %get3A_1250 : vector<16xi32>
        %swap3A_1252 = arith.constant 5 : i32
        %swap3A_1253 = arith.index_cast %swap3A_1252 : i32 to index
        %swap3A_1254 = arith.constant 16 : index
        %swap3A_1255 = tpu.vector_load %arg6[%swap3A_1253, %swap3A_1254] {strides = array<i32>} : memref<13x128xi32, #tpu.memory_space<vmem>>, vector<1x16xi32>,
        %swap3A_1256 = vector.shape_cast %swap3A_1255 : vector<1x16xi32> to vector<16xi32>
        %swap3A_1257 = vector.shape_cast %add3A_1251 : vector<16xi32> to vector<1x16xi32>
        tpu.vector_store %arg6[%swap3A_1253, %swap3A_1254], %swap3A_1257 {strides = array<i32>} : memref<13x128xi32, #tpu.memory_space<vmem>>, vector<1x16xi32>,
        %get3A_1258 = arith.constant 5 : i32
        %get3A_1259 = arith.index_cast %get3A_1258 : i32 to index
        %get3A_1260 = arith.constant 32 : index
        %get3A_1261 = tpu.vector_load %arg6[%get3A_1259, %get3A_1260] {strides = array<i32>} : memref<13x128xi32, #tpu.memory_space<vmem>>, vector<1x16xi32>,
        %get3A_1262 = vector.shape_cast %get3A_1261 : vector<1x16xi32> to vector<16xi32>
        %get3A_1263 = arith.constant 48 : index
        %get3A_1264 = tpu.vector_load %arg5[%get3A_1263] {strides = array<i32>} : memref<208xi32, #tpu.memory_space<vmem>>, vector<16xi32>,
        %get3A_1265 = vector.shape_cast %get3A_1264 : vector<16xi32> to vector<16xi32>
        %add3A_1266 = arith.addi %get3A_1262, %get3A_1265 : vector<16xi32>
        %swap3A_1267 = arith.constant 5 : i32
        %swap3A_1268 = arith.index_cast %swap3A_1267 : i32 to index
        %swap3A_1269 = arith.constant 32 : index
        %swap3A_1270 = tpu.vector_load %arg6[%swap3A_1268, %swap3A_1269] {strides = array<i32>} : memref<13x128xi32, #tpu.memory_space<vmem>>, vector<1x16xi32>,
        %swap3A_1271 = vector.shape_cast %swap3A_1270 : vector<1x16xi32> to vector<16xi32>
        %swap3A_1272 = vector.shape_cast %add3A_1266 : vector<16xi32> to vector<1x16xi32>
        tpu.vector_store %arg6[%swap3A_1268, %swap3A_1269], %swap3A_1272 {strides = array<i32>} : memref<13x128xi32, #tpu.memory_space<vmem>>, vector<1x16xi32>,
        %get3A_1273 = arith.constant 5 : i32
        %get3A_1274 = arith.index_cast %get3A_1273 : i32 to index
        %get3A_1275 = arith.constant 48 : index
        %get3A_1276 = tpu.vector_load %arg6[%get3A_1274, %get3A_1275] {strides = array<i32>} : memref<13x128xi32, #tpu.memory_space<vmem>>, vector<1x16xi32>,
        %get3A_1277 = vector.shape_cast %get3A_1276 : vector<1x16xi32> to vector<16xi32>
        %get3A_1278 = arith.constant 64 : index
        %get3A_1279 = tpu.vector_load %arg5[%get3A_1278] {strides = array<i32>} : memref<208xi32, #tpu.memory_space<vmem>>, vector<16xi32>,
        %get3A_1280 = vector.shape_cast %get3A_1279 : vector<16xi32> to vector<16xi32>
        %add3A_1281 = arith.addi %get3A_1277, %get3A_1280 : vector<16xi32>
        %swap3A_1282 = arith.constant 5 : i32
        %swap3A_1283 = arith.index_cast %swap3A_1282 : i32 to index
        %swap3A_1284 = arith.constant 48 : index
        %swap3A_1285 = tpu.vector_load %arg6[%swap3A_1283, %swap3A_1284] {strides = array<i32>} : memref<13x128xi32, #tpu.memory_space<vmem>>, vector<1x16xi32>,
        %swap3A_1286 = vector.shape_cast %swap3A_1285 : vector<1x16xi32> to vector<16xi32>
        %swap3A_1287 = vector.shape_cast %add3A_1281 : vector<16xi32> to vector<1x16xi32>
        tpu.vector_store %arg6[%swap3A_1283, %swap3A_1284], %swap3A_1287 {strides = array<i32>} : memref<13x128xi32, #tpu.memory_space<vmem>>, vector<1x16xi32>,
        %get3A_1288 = arith.constant 5 : i32
        %get3A_1289 = arith.index_cast %get3A_1288 : i32 to index
        %get3A_1290 = arith.constant 64 : index
        %get3A_1291 = tpu.vector_load %arg6[%get3A_1289, %get3A_1290] {strides = array<i32>} : memref<13x128xi32, #tpu.memory_space<vmem>>, vector<1x16xi32>,
        %get3A_1292 = vector.shape_cast %get3A_1291 : vector<1x16xi32> to vector<16xi32>
        %get3A_1293 = arith.constant 80 : index
        %get3A_1294 = tpu.vector_load %arg5[%get3A_1293] {strides = array<i32>} : memref<208xi32, #tpu.memory_space<vmem>>, vector<16xi32>,
        %get3A_1295 = vector.shape_cast %get3A_1294 : vector<16xi32> to vector<16xi32>
        %add3A_1296 = arith.addi %get3A_1292, %get3A_1295 : vector<16xi32>
        %swap3A_1297 = arith.constant 5 : i32
        %swap3A_1298 = arith.index_cast %swap3A_1297 : i32 to index
        %swap3A_1299 = arith.constant 64 : index
        %swap3A_1300 = tpu.vector_load %arg6[%swap3A_1298, %swap3A_1299] {strides = array<i32>} : memref<13x128xi32, #tpu.memory_space<vmem>>, vector<1x16xi32>,
        %swap3A_1301 = vector.shape_cast %swap3A_1300 : vector<1x16xi32> to vector<16xi32>
        %swap3A_1302 = vector.shape_cast %add3A_1296 : vector<16xi32> to vector<1x16xi32>
        tpu.vector_store %arg6[%swap3A_1298, %swap3A_1299], %swap3A_1302 {strides = array<i32>} : memref<13x128xi32, #tpu.memory_space<vmem>>, vector<1x16xi32>,
        %get3A_1303 = arith.constant 5 : i32
        %get3A_1304 = arith.index_cast %get3A_1303 : i32 to index
        %get3A_1305 = arith.constant 80 : index
        %get3A_1306 = tpu.vector_load %arg6[%get3A_1304, %get3A_1305] {strides = array<i32>} : memref<13x128xi32, #tpu.memory_space<vmem>>, vector<1x16xi32>,
        %get3A_1307 = vector.shape_cast %get3A_1306 : vector<1x16xi32> to vector<16xi32>
        %get3A_1308 = arith.constant 96 : index
        %get3A_1309 = tpu.vector_load %arg5[%get3A_1308] {strides = array<i32>} : memref<208xi32, #tpu.memory_space<vmem>>, vector<16xi32>,
        %get3A_1310 = vector.shape_cast %get3A_1309 : vector<16xi32> to vector<16xi32>
        %add3A_1311 = arith.addi %get3A_1307, %get3A_1310 : vector<16xi32>
        %swap3A_1312 = arith.constant 5 : i32
        %swap3A_1313 = arith.index_cast %swap3A_1312 : i32 to index
        %swap3A_1314 = arith.constant 80 : index
        %swap3A_1315 = tpu.vector_load %arg6[%swap3A_1313, %swap3A_1314] {strides = array<i32>} : memref<13x128xi32, #tpu.memory_space<vmem>>, vector<1x16xi32>,
        %swap3A_1316 = vector.shape_cast %swap3A_1315 : vector<1x16xi32> to vector<16xi32>
        %swap3A_1317 = vector.shape_cast %add3A_1311 : vector<16xi32> to vector<1x16xi32>
        tpu.vector_store %arg6[%swap3A_1313, %swap3A_1314], %swap3A_1317 {strides = array<i32>} : memref<13x128xi32, #tpu.memory_space<vmem>>, vector<1x16xi32>,
        %get3A_1318 = arith.constant 5 : i32
        %get3A_1319 = arith.index_cast %get3A_1318 : i32 to index
        %get3A_1320 = arith.constant 96 : index
        %get3A_1321 = tpu.vector_load %arg6[%get3A_1319, %get3A_1320] {strides = array<i32>} : memref<13x128xi32, #tpu.memory_space<vmem>>, vector<1x16xi32>,
        %get3A_1322 = vector.shape_cast %get3A_1321 : vector<1x16xi32> to vector<16xi32>
        %get3A_1323 = arith.constant 112 : index
        %get3A_1324 = tpu.vector_load %arg5[%get3A_1323] {strides = array<i32>} : memref<208xi32, #tpu.memory_space<vmem>>, vector<16xi32>,
        %get3A_1325 = vector.shape_cast %get3A_1324 : vector<16xi32> to vector<16xi32>
        %add3A_1326 = arith.addi %get3A_1322, %get3A_1325 : vector<16xi32>
        %swap3A_1327 = arith.constant 5 : i32
        %swap3A_1328 = arith.index_cast %swap3A_1327 : i32 to index
        %swap3A_1329 = arith.constant 96 : index
        %swap3A_1330 = tpu.vector_load %arg6[%swap3A_1328, %swap3A_1329] {strides = array<i32>} : memref<13x128xi32, #tpu.memory_space<vmem>>, vector<1x16xi32>,
        %swap3A_1331 = vector.shape_cast %swap3A_1330 : vector<1x16xi32> to vector<16xi32>
        %swap3A_1332 = vector.shape_cast %add3A_1326 : vector<16xi32> to vector<1x16xi32>
        tpu.vector_store %arg6[%swap3A_1328, %swap3A_1329], %swap3A_1332 {strides = array<i32>} : memref<13x128xi32, #tpu.memory_space<vmem>>, vector<1x16xi32>,
        %get3A_1333 = arith.constant 5 : i32
        %get3A_1334 = arith.index_cast %get3A_1333 : i32 to index
        %get3A_1335 = arith.constant 112 : index
        %get3A_1336 = tpu.vector_load %arg6[%get3A_1334, %get3A_1335] {strides = array<i32>} : memref<13x128xi32, #tpu.memory_space<vmem>>, vector<1x16xi32>,
        %get3A_1337 = vector.shape_cast %get3A_1336 : vector<1x16xi32> to vector<16xi32>
        %get3A_1338 = arith.constant 128 : index
        %get3A_1339 = tpu.vector_load %arg5[%get3A_1338] {strides = array<i32>} : memref<208xi32, #tpu.memory_space<vmem>>, vector<16xi32>,
        %get3A_1340 = vector.shape_cast %get3A_1339 : vector<16xi32> to vector<16xi32>
        %add3A_1341 = arith.addi %get3A_1337, %get3A_1340 : vector<16xi32>
        %swap3A_1342 = arith.constant 5 : i32
        %swap3A_1343 = arith.index_cast %swap3A_1342 : i32 to index
        %swap3A_1344 = arith.constant 112 : index
        %swap3A_1345 = tpu.vector_load %arg6[%swap3A_1343, %swap3A_1344] {strides = array<i32>} : memref<13x128xi32, #tpu.memory_space<vmem>>, vector<1x16xi32>,
        %swap3A_1346 = vector.shape_cast %swap3A_1345 : vector<1x16xi32> to vector<16xi32>
        %swap3A_1347 = vector.shape_cast %add3A_1341 : vector<16xi32> to vector<1x16xi32>
        tpu.vector_store %arg6[%swap3A_1343, %swap3A_1344], %swap3A_1347 {strides = array<i32>} : memref<13x128xi32, #tpu.memory_space<vmem>>, vector<1x16xi32>,
        %get3A_1348 = arith.constant 6 : i32
        %get3A_1349 = arith.index_cast %get3A_1348 : i32 to index
        %get3A_1350 = arith.constant 0 : index
        %get3A_1351 = tpu.vector_load %arg6[%get3A_1349, %get3A_1350] {strides = array<i32>} : memref<13x128xi32, #tpu.memory_space<vmem>>, vector<1x16xi32>,
        %get3A_1352 = vector.shape_cast %get3A_1351 : vector<1x16xi32> to vector<16xi32>
        %get3A_1353 = arith.constant 144 : index
        %get3A_1354 = tpu.vector_load %arg5[%get3A_1353] {strides = array<i32>} : memref<208xi32, #tpu.memory_space<vmem>>, vector<16xi32>,
        %get3A_1355 = vector.shape_cast %get3A_1354 : vector<16xi32> to vector<16xi32>
        %add3A_1356 = arith.addi %get3A_1352, %get3A_1355 : vector<16xi32>
        %swap3A_1357 = arith.constant 6 : i32
        %swap3A_1358 = arith.index_cast %swap3A_1357 : i32 to index
        %swap3A_1359 = arith.constant 0 : index
        %swap3A_1360 = tpu.vector_load %arg6[%swap3A_1358, %swap3A_1359] {strides = array<i32>} : memref<13x128xi32, #tpu.memory_space<vmem>>, vector<1x16xi32>,
        %swap3A_1361 = vector.shape_cast %swap3A_1360 : vector<1x16xi32> to vector<16xi32>
        %swap3A_1362 = vector.shape_cast %add3A_1356 : vector<16xi32> to vector<1x16xi32>
        tpu.vector_store %arg6[%swap3A_1358, %swap3A_1359], %swap3A_1362 {strides = array<i32>} : memref<13x128xi32, #tpu.memory_space<vmem>>, vector<1x16xi32>,
        %get3A_1363 = arith.constant 6 : i32
        %get3A_1364 = arith.index_cast %get3A_1363 : i32 to index
        %get3A_1365 = arith.constant 16 : index
        %get3A_1366 = tpu.vector_load %arg6[%get3A_1364, %get3A_1365] {strides = array<i32>} : memref<13x128xi32, #tpu.memory_space<vmem>>, vector<1x16xi32>,
        %get3A_1367 = vector.shape_cast %get3A_1366 : vector<1x16xi32> to vector<16xi32>
        %get3A_1368 = arith.constant 160 : index
        %get3A_1369 = tpu.vector_load %arg5[%get3A_1368] {strides = array<i32>} : memref<208xi32, #tpu.memory_space<vmem>>, vector<16xi32>,
        %get3A_1370 = vector.shape_cast %get3A_1369 : vector<16xi32> to vector<16xi32>
        %add3A_1371 = arith.addi %get3A_1367, %get3A_1370 : vector<16xi32>
        %swap3A_1372 = arith.constant 6 : i32
        %swap3A_1373 = arith.index_cast %swap3A_1372 : i32 to index
        %swap3A_1374 = arith.constant 16 : index
        %swap3A_1375 = tpu.vector_load %arg6[%swap3A_1373, %swap3A_1374] {strides = array<i32>} : memref<13x128xi32, #tpu.memory_space<vmem>>, vector<1x16xi32>,
        %swap3A_1376 = vector.shape_cast %swap3A_1375 : vector<1x16xi32> to vector<16xi32>
        %swap3A_1377 = vector.shape_cast %add3A_1371 : vector<16xi32> to vector<1x16xi32>
        tpu.vector_store %arg6[%swap3A_1373, %swap3A_1374], %swap3A_1377 {strides = array<i32>} : memref<13x128xi32, #tpu.memory_space<vmem>>, vector<1x16xi32>,
        %get3A_1378 = arith.constant 6 : i32
        %get3A_1379 = arith.index_cast %get3A_1378 : i32 to index
        %get3A_1380 = arith.constant 32 : index
        %get3A_1381 = tpu.vector_load %arg6[%get3A_1379, %get3A_1380] {strides = array<i32>} : memref<13x128xi32, #tpu.memory_space<vmem>>, vector<1x16xi32>,
        %get3A_1382 = vector.shape_cast %get3A_1381 : vector<1x16xi32> to vector<16xi32>
        %get3A_1383 = arith.constant 176 : index
        %get3A_1384 = tpu.vector_load %arg5[%get3A_1383] {strides = array<i32>} : memref<208xi32, #tpu.memory_space<vmem>>, vector<16xi32>,
        %get3A_1385 = vector.shape_cast %get3A_1384 : vector<16xi32> to vector<16xi32>
        %add3A_1386 = arith.addi %get3A_1382, %get3A_1385 : vector<16xi32>
        %swap3A_1387 = arith.constant 6 : i32
        %swap3A_1388 = arith.index_cast %swap3A_1387 : i32 to index
        %swap3A_1389 = arith.constant 32 : index
        %swap3A_1390 = tpu.vector_load %arg6[%swap3A_1388, %swap3A_1389] {strides = array<i32>} : memref<13x128xi32, #tpu.memory_space<vmem>>, vector<1x16xi32>,
        %swap3A_1391 = vector.shape_cast %swap3A_1390 : vector<1x16xi32> to vector<16xi32>
        %swap3A_1392 = vector.shape_cast %add3A_1386 : vector<16xi32> to vector<1x16xi32>
        tpu.vector_store %arg6[%swap3A_1388, %swap3A_1389], %swap3A_1392 {strides = array<i32>} : memref<13x128xi32, #tpu.memory_space<vmem>>, vector<1x16xi32>,
        %get3A_1393 = arith.constant 6 : i32
        %get3A_1394 = arith.index_cast %get3A_1393 : i32 to index
        %get3A_1395 = arith.constant 48 : index
        %get3A_1396 = tpu.vector_load %arg6[%get3A_1394, %get3A_1395] {strides = array<i32>} : memref<13x128xi32, #tpu.memory_space<vmem>>, vector<1x16xi32>,
        %get3A_1397 = vector.shape_cast %get3A_1396 : vector<1x16xi32> to vector<16xi32>
        %get3A_1398 = arith.constant 192 : index
        %get3A_1399 = tpu.vector_load %arg5[%get3A_1398] {strides = array<i32>} : memref<208xi32, #tpu.memory_space<vmem>>, vector<16xi32>,
        %get3A_1400 = vector.shape_cast %get3A_1399 : vector<16xi32> to vector<16xi32>
        %add3A_1401 = arith.addi %get3A_1397, %get3A_1400 : vector<16xi32>
        %swap3A_1402 = arith.constant 6 : i32
        %swap3A_1403 = arith.index_cast %swap3A_1402 : i32 to index
        %swap3A_1404 = arith.constant 48 : index
        %swap3A_1405 = tpu.vector_load %arg6[%swap3A_1403, %swap3A_1404] {strides = array<i32>} : memref<13x128xi32, #tpu.memory_space<vmem>>, vector<1x16xi32>,
        %swap3A_1406 = vector.shape_cast %swap3A_1405 : vector<1x16xi32> to vector<16xi32>
        %swap3A_1407 = vector.shape_cast %add3A_1401 : vector<16xi32> to vector<1x16xi32>
        tpu.vector_store %arg6[%swap3A_1403, %swap3A_1404], %swap3A_1407 {strides = array<i32>} : memref<13x128xi32, #tpu.memory_space<vmem>>, vector<1x16xi32>,
        %get3A_1408 = arith.constant 6 : i32
        %get3A_1409 = arith.index_cast %get3A_1408 : i32 to index
        %get3A_1410 = arith.constant 64 : index
        %get3A_1411 = tpu.vector_load %arg6[%get3A_1409, %get3A_1410] {strides = array<i32>} : memref<13x128xi32, #tpu.memory_space<vmem>>, vector<1x16xi32>,
        %get3A_1412 = vector.shape_cast %get3A_1411 : vector<1x16xi32> to vector<16xi32>
        %get3A_1413 = arith.constant 0 : index
        %get3A_1414 = tpu.vector_load %arg5[%get3A_1413] {strides = array<i32>} : memref<208xi32, #tpu.memory_space<vmem>>, vector<16xi32>,
        %get3A_1415 = vector.shape_cast %get3A_1414 : vector<16xi32> to vector<16xi32>
        %add3A_1416 = arith.addi %get3A_1412, %get3A_1415 : vector<16xi32>
        %swap3A_1417 = arith.constant 6 : i32
        %swap3A_1418 = arith.index_cast %swap3A_1417 : i32 to index
        %swap3A_1419 = arith.constant 64 : index
        %swap3A_1420 = tpu.vector_load %arg6[%swap3A_1418, %swap3A_1419] {strides = array<i32>} : memref<13x128xi32, #tpu.memory_space<vmem>>, vector<1x16xi32>,
        %swap3A_1421 = vector.shape_cast %swap3A_1420 : vector<1x16xi32> to vector<16xi32>
        %swap3A_1422 = vector.shape_cast %add3A_1416 : vector<16xi32> to vector<1x16xi32>
        tpu.vector_store %arg6[%swap3A_1418, %swap3A_1419], %swap3A_1422 {strides = array<i32>} : memref<13x128xi32, #tpu.memory_space<vmem>>, vector<1x16xi32>,
        %get3A_1423 = arith.constant 6 : i32
        %get3A_1424 = arith.index_cast %get3A_1423 : i32 to index
        %get3A_1425 = arith.constant 80 : index
        %get3A_1426 = tpu.vector_load %arg6[%get3A_1424, %get3A_1425] {strides = array<i32>} : memref<13x128xi32, #tpu.memory_space<vmem>>, vector<1x16xi32>,
        %get3A_1427 = vector.shape_cast %get3A_1426 : vector<1x16xi32> to vector<16xi32>
        %get3A_1428 = arith.constant 16 : index
        %get3A_1429 = tpu.vector_load %arg5[%get3A_1428] {strides = array<i32>} : memref<208xi32, #tpu.memory_space<vmem>>, vector<16xi32>,
        %get3A_1430 = vector.shape_cast %get3A_1429 : vector<16xi32> to vector<16xi32>
        %add3A_1431 = arith.addi %get3A_1427, %get3A_1430 : vector<16xi32>
        %swap3A_1432 = arith.constant 6 : i32
        %swap3A_1433 = arith.index_cast %swap3A_1432 : i32 to index
        %swap3A_1434 = arith.constant 80 : index
        %swap3A_1435 = tpu.vector_load %arg6[%swap3A_1433, %swap3A_1434] {strides = array<i32>} : memref<13x128xi32, #tpu.memory_space<vmem>>, vector<1x16xi32>,
        %swap3A_1436 = vector.shape_cast %swap3A_1435 : vector<1x16xi32> to vector<16xi32>
        %swap3A_1437 = vector.shape_cast %add3A_1431 : vector<16xi32> to vector<1x16xi32>
        tpu.vector_store %arg6[%swap3A_1433, %swap3A_1434], %swap3A_1437 {strides = array<i32>} : memref<13x128xi32, #tpu.memory_space<vmem>>, vector<1x16xi32>,
        %get3A_1438 = arith.constant 6 : i32
        %get3A_1439 = arith.index_cast %get3A_1438 : i32 to index
        %get3A_1440 = arith.constant 96 : index
        %get3A_1441 = tpu.vector_load %arg6[%get3A_1439, %get3A_1440] {strides = array<i32>} : memref<13x128xi32, #tpu.memory_space<vmem>>, vector<1x16xi32>,
        %get3A_1442 = vector.shape_cast %get3A_1441 : vector<1x16xi32> to vector<16xi32>
        %get3A_1443 = arith.constant 32 : index
        %get3A_1444 = tpu.vector_load %arg5[%get3A_1443] {strides = array<i32>} : memref<208xi32, #tpu.memory_space<vmem>>, vector<16xi32>,
        %get3A_1445 = vector.shape_cast %get3A_1444 : vector<16xi32> to vector<16xi32>
        %add3A_1446 = arith.addi %get3A_1442, %get3A_1445 : vector<16xi32>
        %swap3A_1447 = arith.constant 6 : i32
        %swap3A_1448 = arith.index_cast %swap3A_1447 : i32 to index
        %swap3A_1449 = arith.constant 96 : index
        %swap3A_1450 = tpu.vector_load %arg6[%swap3A_1448, %swap3A_1449] {strides = array<i32>} : memref<13x128xi32, #tpu.memory_space<vmem>>, vector<1x16xi32>,
        %swap3A_1451 = vector.shape_cast %swap3A_1450 : vector<1x16xi32> to vector<16xi32>
        %swap3A_1452 = vector.shape_cast %add3A_1446 : vector<16xi32> to vector<1x16xi32>
        tpu.vector_store %arg6[%swap3A_1448, %swap3A_1449], %swap3A_1452 {strides = array<i32>} : memref<13x128xi32, #tpu.memory_space<vmem>>, vector<1x16xi32>,
        %get3A_1453 = arith.constant 6 : i32
        %get3A_1454 = arith.index_cast %get3A_1453 : i32 to index
        %get3A_1455 = arith.constant 112 : index
        %get3A_1456 = tpu.vector_load %arg6[%get3A_1454, %get3A_1455] {strides = array<i32>} : memref<13x128xi32, #tpu.memory_space<vmem>>, vector<1x16xi32>,
        %get3A_1457 = vector.shape_cast %get3A_1456 : vector<1x16xi32> to vector<16xi32>
        %get3A_1458 = arith.constant 48 : index
        %get3A_1459 = tpu.vector_load %arg5[%get3A_1458] {strides = array<i32>} : memref<208xi32, #tpu.memory_space<vmem>>, vector<16xi32>,
        %get3A_1460 = vector.shape_cast %get3A_1459 : vector<16xi32> to vector<16xi32>
        %add3A_1461 = arith.addi %get3A_1457, %get3A_1460 : vector<16xi32>
        %swap3A_1462 = arith.constant 6 : i32
        %swap3A_1463 = arith.index_cast %swap3A_1462 : i32 to index
        %swap3A_1464 = arith.constant 112 : index
        %swap3A_1465 = tpu.vector_load %arg6[%swap3A_1463, %swap3A_1464] {strides = array<i32>} : memref<13x128xi32, #tpu.memory_space<vmem>>, vector<1x16xi32>,
        %swap3A_1466 = vector.shape_cast %swap3A_1465 : vector<1x16xi32> to vector<16xi32>
        %swap3A_1467 = vector.shape_cast %add3A_1461 : vector<16xi32> to vector<1x16xi32>
        tpu.vector_store %arg6[%swap3A_1463, %swap3A_1464], %swap3A_1467 {strides = array<i32>} : memref<13x128xi32, #tpu.memory_space<vmem>>, vector<1x16xi32>,
        %get3A_1468 = arith.constant 7 : i32
        %get3A_1469 = arith.index_cast %get3A_1468 : i32 to index
        %get3A_1470 = arith.constant 0 : index
        %get3A_1471 = tpu.vector_load %arg6[%get3A_1469, %get3A_1470] {strides = array<i32>} : memref<13x128xi32, #tpu.memory_space<vmem>>, vector<1x16xi32>,
        %get3A_1472 = vector.shape_cast %get3A_1471 : vector<1x16xi32> to vector<16xi32>
        %get3A_1473 = arith.constant 64 : index
        %get3A_1474 = tpu.vector_load %arg5[%get3A_1473] {strides = array<i32>} : memref<208xi32, #tpu.memory_space<vmem>>, vector<16xi32>,
        %get3A_1475 = vector.shape_cast %get3A_1474 : vector<16xi32> to vector<16xi32>
        %add3A_1476 = arith.addi %get3A_1472, %get3A_1475 : vector<16xi32>
        %swap3A_1477 = arith.constant 7 : i32
        %swap3A_1478 = arith.index_cast %swap3A_1477 : i32 to index
        %swap3A_1479 = arith.constant 0 : index
        %swap3A_1480 = tpu.vector_load %arg6[%swap3A_1478, %swap3A_1479] {strides = array<i32>} : memref<13x128xi32, #tpu.memory_space<vmem>>, vector<1x16xi32>,
        %swap3A_1481 = vector.shape_cast %swap3A_1480 : vector<1x16xi32> to vector<16xi32>
        %swap3A_1482 = vector.shape_cast %add3A_1476 : vector<16xi32> to vector<1x16xi32>
        tpu.vector_store %arg6[%swap3A_1478, %swap3A_1479], %swap3A_1482 {strides = array<i32>} : memref<13x128xi32, #tpu.memory_space<vmem>>, vector<1x16xi32>,
        %get3A_1483 = arith.constant 7 : i32
        %get3A_1484 = arith.index_cast %get3A_1483 : i32 to index
        %get3A_1485 = arith.constant 16 : index
        %get3A_1486 = tpu.vector_load %arg6[%get3A_1484, %get3A_1485] {strides = array<i32>} : memref<13x128xi32, #tpu.memory_space<vmem>>, vector<1x16xi32>,
        %get3A_1487 = vector.shape_cast %get3A_1486 : vector<1x16xi32> to vector<16xi32>
        %get3A_1488 = arith.constant 80 : index
        %get3A_1489 = tpu.vector_load %arg5[%get3A_1488] {strides = array<i32>} : memref<208xi32, #tpu.memory_space<vmem>>, vector<16xi32>,
        %get3A_1490 = vector.shape_cast %get3A_1489 : vector<16xi32> to vector<16xi32>
        %add3A_1491 = arith.addi %get3A_1487, %get3A_1490 : vector<16xi32>
        %swap3A_1492 = arith.constant 7 : i32
        %swap3A_1493 = arith.index_cast %swap3A_1492 : i32 to index
        %swap3A_1494 = arith.constant 16 : index
        %swap3A_1495 = tpu.vector_load %arg6[%swap3A_1493, %swap3A_1494] {strides = array<i32>} : memref<13x128xi32, #tpu.memory_space<vmem>>, vector<1x16xi32>,
        %swap3A_1496 = vector.shape_cast %swap3A_1495 : vector<1x16xi32> to vector<16xi32>
        %swap3A_1497 = vector.shape_cast %add3A_1491 : vector<16xi32> to vector<1x16xi32>
        tpu.vector_store %arg6[%swap3A_1493, %swap3A_1494], %swap3A_1497 {strides = array<i32>} : memref<13x128xi32, #tpu.memory_space<vmem>>, vector<1x16xi32>,
        %get3A_1498 = arith.constant 7 : i32
        %get3A_1499 = arith.index_cast %get3A_1498 : i32 to index
        %get3A_1500 = arith.constant 32 : index
        %get3A_1501 = tpu.vector_load %arg6[%get3A_1499, %get3A_1500] {strides = array<i32>} : memref<13x128xi32, #tpu.memory_space<vmem>>, vector<1x16xi32>,
        %get3A_1502 = vector.shape_cast %get3A_1501 : vector<1x16xi32> to vector<16xi32>
        %get3A_1503 = arith.constant 96 : index
        %get3A_1504 = tpu.vector_load %arg5[%get3A_1503] {strides = array<i32>} : memref<208xi32, #tpu.memory_space<vmem>>, vector<16xi32>,
        %get3A_1505 = vector.shape_cast %get3A_1504 : vector<16xi32> to vector<16xi32>
        %add3A_1506 = arith.addi %get3A_1502, %get3A_1505 : vector<16xi32>
        %swap3A_1507 = arith.constant 7 : i32
        %swap3A_1508 = arith.index_cast %swap3A_1507 : i32 to index
        %swap3A_1509 = arith.constant 32 : index
        %swap3A_1510 = tpu.vector_load %arg6[%swap3A_1508, %swap3A_1509] {strides = array<i32>} : memref<13x128xi32, #tpu.memory_space<vmem>>, vector<1x16xi32>,
        %swap3A_1511 = vector.shape_cast %swap3A_1510 : vector<1x16xi32> to vector<16xi32>
        %swap3A_1512 = vector.shape_cast %add3A_1506 : vector<16xi32> to vector<1x16xi32>
        tpu.vector_store %arg6[%swap3A_1508, %swap3A_1509], %swap3A_1512 {strides = array<i32>} : memref<13x128xi32, #tpu.memory_space<vmem>>, vector<1x16xi32>,
        %get3A_1513 = arith.constant 7 : i32
        %get3A_1514 = arith.index_cast %get3A_1513 : i32 to index
        %get3A_1515 = arith.constant 48 : index
        %get3A_1516 = tpu.vector_load %arg6[%get3A_1514, %get3A_1515] {strides = array<i32>} : memref<13x128xi32, #tpu.memory_space<vmem>>, vector<1x16xi32>,
        %get3A_1517 = vector.shape_cast %get3A_1516 : vector<1x16xi32> to vector<16xi32>
        %get3A_1518 = arith.constant 112 : index
        %get3A_1519 = tpu.vector_load %arg5[%get3A_1518] {strides = array<i32>} : memref<208xi32, #tpu.memory_space<vmem>>, vector<16xi32>,
        %get3A_1520 = vector.shape_cast %get3A_1519 : vector<16xi32> to vector<16xi32>
        %add3A_1521 = arith.addi %get3A_1517, %get3A_1520 : vector<16xi32>
        %swap3A_1522 = arith.constant 7 : i32
        %swap3A_1523 = arith.index_cast %swap3A_1522 : i32 to index
        %swap3A_1524 = arith.constant 48 : index
        %swap3A_1525 = tpu.vector_load %arg6[%swap3A_1523, %swap3A_1524] {strides = array<i32>} : memref<13x128xi32, #tpu.memory_space<vmem>>, vector<1x16xi32>,
        %swap3A_1526 = vector.shape_cast %swap3A_1525 : vector<1x16xi32> to vector<16xi32>
        %swap3A_1527 = vector.shape_cast %add3A_1521 : vector<16xi32> to vector<1x16xi32>
        tpu.vector_store %arg6[%swap3A_1523, %swap3A_1524], %swap3A_1527 {strides = array<i32>} : memref<13x128xi32, #tpu.memory_space<vmem>>, vector<1x16xi32>,
        %get3A_1528 = arith.constant 7 : i32
        %get3A_1529 = arith.index_cast %get3A_1528 : i32 to index
        %get3A_1530 = arith.constant 64 : index
        %get3A_1531 = tpu.vector_load %arg6[%get3A_1529, %get3A_1530] {strides = array<i32>} : memref<13x128xi32, #tpu.memory_space<vmem>>, vector<1x16xi32>,
        %get3A_1532 = vector.shape_cast %get3A_1531 : vector<1x16xi32> to vector<16xi32>
        %get3A_1533 = arith.constant 128 : index
        %get3A_1534 = tpu.vector_load %arg5[%get3A_1533] {strides = array<i32>} : memref<208xi32, #tpu.memory_space<vmem>>, vector<16xi32>,
        %get3A_1535 = vector.shape_cast %get3A_1534 : vector<16xi32> to vector<16xi32>
        %add3A_1536 = arith.addi %get3A_1532, %get3A_1535 : vector<16xi32>
        %swap3A_1537 = arith.constant 7 : i32
        %swap3A_1538 = arith.index_cast %swap3A_1537 : i32 to index
        %swap3A_1539 = arith.constant 64 : index
        %swap3A_1540 = tpu.vector_load %arg6[%swap3A_1538, %swap3A_1539] {strides = array<i32>} : memref<13x128xi32, #tpu.memory_space<vmem>>, vector<1x16xi32>,
        %swap3A_1541 = vector.shape_cast %swap3A_1540 : vector<1x16xi32> to vector<16xi32>
        %swap3A_1542 = vector.shape_cast %add3A_1536 : vector<16xi32> to vector<1x16xi32>
        tpu.vector_store %arg6[%swap3A_1538, %swap3A_1539], %swap3A_1542 {strides = array<i32>} : memref<13x128xi32, #tpu.memory_space<vmem>>, vector<1x16xi32>,
        %get3A_1543 = arith.constant 7 : i32
        %get3A_1544 = arith.index_cast %get3A_1543 : i32 to index
        %get3A_1545 = arith.constant 80 : index
        %get3A_1546 = tpu.vector_load %arg6[%get3A_1544, %get3A_1545] {strides = array<i32>} : memref<13x128xi32, #tpu.memory_space<vmem>>, vector<1x16xi32>,
        %get3A_1547 = vector.shape_cast %get3A_1546 : vector<1x16xi32> to vector<16xi32>
        %get3A_1548 = arith.constant 144 : index
        %get3A_1549 = tpu.vector_load %arg5[%get3A_1548] {strides = array<i32>} : memref<208xi32, #tpu.memory_space<vmem>>, vector<16xi32>,
        %get3A_1550 = vector.shape_cast %get3A_1549 : vector<16xi32> to vector<16xi32>
        %add3A_1551 = arith.addi %get3A_1547, %get3A_1550 : vector<16xi32>
        %swap3A_1552 = arith.constant 7 : i32
        %swap3A_1553 = arith.index_cast %swap3A_1552 : i32 to index
        %swap3A_1554 = arith.constant 80 : index
        %swap3A_1555 = tpu.vector_load %arg6[%swap3A_1553, %swap3A_1554] {strides = array<i32>} : memref<13x128xi32, #tpu.memory_space<vmem>>, vector<1x16xi32>,
        %swap3A_1556 = vector.shape_cast %swap3A_1555 : vector<1x16xi32> to vector<16xi32>
        %swap3A_1557 = vector.shape_cast %add3A_1551 : vector<16xi32> to vector<1x16xi32>
        tpu.vector_store %arg6[%swap3A_1553, %swap3A_1554], %swap3A_1557 {strides = array<i32>} : memref<13x128xi32, #tpu.memory_space<vmem>>, vector<1x16xi32>,
        %get3A_1558 = arith.constant 7 : i32
        %get3A_1559 = arith.index_cast %get3A_1558 : i32 to index
        %get3A_1560 = arith.constant 96 : index
        %get3A_1561 = tpu.vector_load %arg6[%get3A_1559, %get3A_1560] {strides = array<i32>} : memref<13x128xi32, #tpu.memory_space<vmem>>, vector<1x16xi32>,
        %get3A_1562 = vector.shape_cast %get3A_1561 : vector<1x16xi32> to vector<16xi32>
        %get3A_1563 = arith.constant 160 : index
        %get3A_1564 = tpu.vector_load %arg5[%get3A_1563] {strides = array<i32>} : memref<208xi32, #tpu.memory_space<vmem>>, vector<16xi32>,
        %get3A_1565 = vector.shape_cast %get3A_1564 : vector<16xi32> to vector<16xi32>
        %add3A_1566 = arith.addi %get3A_1562, %get3A_1565 : vector<16xi32>
        %swap3A_1567 = arith.constant 7 : i32
        %swap3A_1568 = arith.index_cast %swap3A_1567 : i32 to index
        %swap3A_1569 = arith.constant 96 : index
        %swap3A_1570 = tpu.vector_load %arg6[%swap3A_1568, %swap3A_1569] {strides = array<i32>} : memref<13x128xi32, #tpu.memory_space<vmem>>, vector<1x16xi32>,
        %swap3A_1571 = vector.shape_cast %swap3A_1570 : vector<1x16xi32> to vector<16xi32>
        %swap3A_1572 = vector.shape_cast %add3A_1566 : vector<16xi32> to vector<1x16xi32>
        tpu.vector_store %arg6[%swap3A_1568, %swap3A_1569], %swap3A_1572 {strides = array<i32>} : memref<13x128xi32, #tpu.memory_space<vmem>>, vector<1x16xi32>,
        %get3A_1573 = arith.constant 7 : i32
        %get3A_1574 = arith.index_cast %get3A_1573 : i32 to index
        %get3A_1575 = arith.constant 112 : index
        %get3A_1576 = tpu.vector_load %arg6[%get3A_1574, %get3A_1575] {strides = array<i32>} : memref<13x128xi32, #tpu.memory_space<vmem>>, vector<1x16xi32>,
        %get3A_1577 = vector.shape_cast %get3A_1576 : vector<1x16xi32> to vector<16xi32>
        %get3A_1578 = arith.constant 176 : index
        %get3A_1579 = tpu.vector_load %arg5[%get3A_1578] {strides = array<i32>} : memref<208xi32, #tpu.memory_space<vmem>>, vector<16xi32>,
        %get3A_1580 = vector.shape_cast %get3A_1579 : vector<16xi32> to vector<16xi32>
        %add3A_1581 = arith.addi %get3A_1577, %get3A_1580 : vector<16xi32>
        %swap3A_1582 = arith.constant 7 : i32
        %swap3A_1583 = arith.index_cast %swap3A_1582 : i32 to index
        %swap3A_1584 = arith.constant 112 : index
        %swap3A_1585 = tpu.vector_load %arg6[%swap3A_1583, %swap3A_1584] {strides = array<i32>} : memref<13x128xi32, #tpu.memory_space<vmem>>, vector<1x16xi32>,
        %swap3A_1586 = vector.shape_cast %swap3A_1585 : vector<1x16xi32> to vector<16xi32>
        %swap3A_1587 = vector.shape_cast %add3A_1581 : vector<16xi32> to vector<1x16xi32>
        tpu.vector_store %arg6[%swap3A_1583, %swap3A_1584], %swap3A_1587 {strides = array<i32>} : memref<13x128xi32, #tpu.memory_space<vmem>>, vector<1x16xi32>,
        %get3A_1588 = arith.constant 8 : i32
        %get3A_1589 = arith.index_cast %get3A_1588 : i32 to index
        %get3A_1590 = arith.constant 0 : index
        %get3A_1591 = tpu.vector_load %arg6[%get3A_1589, %get3A_1590] {strides = array<i32>} : memref<13x128xi32, #tpu.memory_space<vmem>>, vector<1x16xi32>,
        %get3A_1592 = vector.shape_cast %get3A_1591 : vector<1x16xi32> to vector<16xi32>
        %get3A_1593 = arith.constant 192 : index
        %get3A_1594 = tpu.vector_load %arg5[%get3A_1593] {strides = array<i32>} : memref<208xi32, #tpu.memory_space<vmem>>, vector<16xi32>,
        %get3A_1595 = vector.shape_cast %get3A_1594 : vector<16xi32> to vector<16xi32>
        %add3A_1596 = arith.addi %get3A_1592, %get3A_1595 : vector<16xi32>
        %swap3A_1597 = arith.constant 8 : i32
        %swap3A_1598 = arith.index_cast %swap3A_1597 : i32 to index
        %swap3A_1599 = arith.constant 0 : index
        %swap3A_1600 = tpu.vector_load %arg6[%swap3A_1598, %swap3A_1599] {strides = array<i32>} : memref<13x128xi32, #tpu.memory_space<vmem>>, vector<1x16xi32>,
        %swap3A_1601 = vector.shape_cast %swap3A_1600 : vector<1x16xi32> to vector<16xi32>
        %swap3A_1602 = vector.shape_cast %add3A_1596 : vector<16xi32> to vector<1x16xi32>
        tpu.vector_store %arg6[%swap3A_1598, %swap3A_1599], %swap3A_1602 {strides = array<i32>} : memref<13x128xi32, #tpu.memory_space<vmem>>, vector<1x16xi32>,
        %get3A_1603 = arith.constant 8 : i32
        %get3A_1604 = arith.index_cast %get3A_1603 : i32 to index
        %get3A_1605 = arith.constant 16 : index
        %get3A_1606 = tpu.vector_load %arg6[%get3A_1604, %get3A_1605] {strides = array<i32>} : memref<13x128xi32, #tpu.memory_space<vmem>>, vector<1x16xi32>,
        %get3A_1607 = vector.shape_cast %get3A_1606 : vector<1x16xi32> to vector<16xi32>
        %get3A_1608 = arith.constant 0 : index
        %get3A_1609 = tpu.vector_load %arg5[%get3A_1608] {strides = array<i32>} : memref<208xi32, #tpu.memory_space<vmem>>, vector<16xi32>,
        %get3A_1610 = vector.shape_cast %get3A_1609 : vector<16xi32> to vector<16xi32>
        %add3A_1611 = arith.addi %get3A_1607, %get3A_1610 : vector<16xi32>
        %swap3A_1612 = arith.constant 8 : i32
        %swap3A_1613 = arith.index_cast %swap3A_1612 : i32 to index
        %swap3A_1614 = arith.constant 16 : index
        %swap3A_1615 = tpu.vector_load %arg6[%swap3A_1613, %swap3A_1614] {strides = array<i32>} : memref<13x128xi32, #tpu.memory_space<vmem>>, vector<1x16xi32>,
        %swap3A_1616 = vector.shape_cast %swap3A_1615 : vector<1x16xi32> to vector<16xi32>
        %swap3A_1617 = vector.shape_cast %add3A_1611 : vector<16xi32> to vector<1x16xi32>
        tpu.vector_store %arg6[%swap3A_1613, %swap3A_1614], %swap3A_1617 {strides = array<i32>} : memref<13x128xi32, #tpu.memory_space<vmem>>, vector<1x16xi32>,
        %get3A_1618 = arith.constant 8 : i32
        %get3A_1619 = arith.index_cast %get3A_1618 : i32 to index
        %get3A_1620 = arith.constant 32 : index
        %get3A_1621 = tpu.vector_load %arg6[%get3A_1619, %get3A_1620] {strides = array<i32>} : memref<13x128xi32, #tpu.memory_space<vmem>>, vector<1x16xi32>,
        %get3A_1622 = vector.shape_cast %get3A_1621 : vector<1x16xi32> to vector<16xi32>
        %get3A_1623 = arith.constant 16 : index
        %get3A_1624 = tpu.vector_load %arg5[%get3A_1623] {strides = array<i32>} : memref<208xi32, #tpu.memory_space<vmem>>, vector<16xi32>,
        %get3A_1625 = vector.shape_cast %get3A_1624 : vector<16xi32> to vector<16xi32>
        %add3A_1626 = arith.addi %get3A_1622, %get3A_1625 : vector<16xi32>
        %swap3A_1627 = arith.constant 8 : i32
        %swap3A_1628 = arith.index_cast %swap3A_1627 : i32 to index
        %swap3A_1629 = arith.constant 32 : index
        %swap3A_1630 = tpu.vector_load %arg6[%swap3A_1628, %swap3A_1629] {strides = array<i32>} : memref<13x128xi32, #tpu.memory_space<vmem>>, vector<1x16xi32>,
        %swap3A_1631 = vector.shape_cast %swap3A_1630 : vector<1x16xi32> to vector<16xi32>
        %swap3A_1632 = vector.shape_cast %add3A_1626 : vector<16xi32> to vector<1x16xi32>
        tpu.vector_store %arg6[%swap3A_1628, %swap3A_1629], %swap3A_1632 {strides = array<i32>} : memref<13x128xi32, #tpu.memory_space<vmem>>, vector<1x16xi32>,
        %get3A_1633 = arith.constant 8 : i32
        %get3A_1634 = arith.index_cast %get3A_1633 : i32 to index
        %get3A_1635 = arith.constant 48 : index
        %get3A_1636 = tpu.vector_load %arg6[%get3A_1634, %get3A_1635] {strides = array<i32>} : memref<13x128xi32, #tpu.memory_space<vmem>>, vector<1x16xi32>,
        %get3A_1637 = vector.shape_cast %get3A_1636 : vector<1x16xi32> to vector<16xi32>
        %get3A_1638 = arith.constant 32 : index
        %get3A_1639 = tpu.vector_load %arg5[%get3A_1638] {strides = array<i32>} : memref<208xi32, #tpu.memory_space<vmem>>, vector<16xi32>,
        %get3A_1640 = vector.shape_cast %get3A_1639 : vector<16xi32> to vector<16xi32>
        %add3A_1641 = arith.addi %get3A_1637, %get3A_1640 : vector<16xi32>
        %swap3A_1642 = arith.constant 8 : i32
        %swap3A_1643 = arith.index_cast %swap3A_1642 : i32 to index
        %swap3A_1644 = arith.constant 48 : index
        %swap3A_1645 = tpu.vector_load %arg6[%swap3A_1643, %swap3A_1644] {strides = array<i32>} : memref<13x128xi32, #tpu.memory_space<vmem>>, vector<1x16xi32>,
        %swap3A_1646 = vector.shape_cast %swap3A_1645 : vector<1x16xi32> to vector<16xi32>
        %swap3A_1647 = vector.shape_cast %add3A_1641 : vector<16xi32> to vector<1x16xi32>
        tpu.vector_store %arg6[%swap3A_1643, %swap3A_1644], %swap3A_1647 {strides = array<i32>} : memref<13x128xi32, #tpu.memory_space<vmem>>, vector<1x16xi32>,
        %get3A_1648 = arith.constant 8 : i32
        %get3A_1649 = arith.index_cast %get3A_1648 : i32 to index
        %get3A_1650 = arith.constant 64 : index
        %get3A_1651 = tpu.vector_load %arg6[%get3A_1649, %get3A_1650] {strides = array<i32>} : memref<13x128xi32, #tpu.memory_space<vmem>>, vector<1x16xi32>,
        %get3A_1652 = vector.shape_cast %get3A_1651 : vector<1x16xi32> to vector<16xi32>
        %get3A_1653 = arith.constant 48 : index
        %get3A_1654 = tpu.vector_load %arg5[%get3A_1653] {strides = array<i32>} : memref<208xi32, #tpu.memory_space<vmem>>, vector<16xi32>,
        %get3A_1655 = vector.shape_cast %get3A_1654 : vector<16xi32> to vector<16xi32>
        %add3A_1656 = arith.addi %get3A_1652, %get3A_1655 : vector<16xi32>
        %swap3A_1657 = arith.constant 8 : i32
        %swap3A_1658 = arith.index_cast %swap3A_1657 : i32 to index
        %swap3A_1659 = arith.constant 64 : index
        %swap3A_1660 = tpu.vector_load %arg6[%swap3A_1658, %swap3A_1659] {strides = array<i32>} : memref<13x128xi32, #tpu.memory_space<vmem>>, vector<1x16xi32>,
        %swap3A_1661 = vector.shape_cast %swap3A_1660 : vector<1x16xi32> to vector<16xi32>
        %swap3A_1662 = vector.shape_cast %add3A_1656 : vector<16xi32> to vector<1x16xi32>
        tpu.vector_store %arg6[%swap3A_1658, %swap3A_1659], %swap3A_1662 {strides = array<i32>} : memref<13x128xi32, #tpu.memory_space<vmem>>, vector<1x16xi32>,
        %get3A_1663 = arith.constant 8 : i32
        %get3A_1664 = arith.index_cast %get3A_1663 : i32 to index
        %get3A_1665 = arith.constant 80 : index
        %get3A_1666 = tpu.vector_load %arg6[%get3A_1664, %get3A_1665] {strides = array<i32>} : memref<13x128xi32, #tpu.memory_space<vmem>>, vector<1x16xi32>,
        %get3A_1667 = vector.shape_cast %get3A_1666 : vector<1x16xi32> to vector<16xi32>
        %get3A_1668 = arith.constant 64 : index
        %get3A_1669 = tpu.vector_load %arg5[%get3A_1668] {strides = array<i32>} : memref<208xi32, #tpu.memory_space<vmem>>, vector<16xi32>,
        %get3A_1670 = vector.shape_cast %get3A_1669 : vector<16xi32> to vector<16xi32>
        %add3A_1671 = arith.addi %get3A_1667, %get3A_1670 : vector<16xi32>
        %swap3A_1672 = arith.constant 8 : i32
        %swap3A_1673 = arith.index_cast %swap3A_1672 : i32 to index
        %swap3A_1674 = arith.constant 80 : index
        %swap3A_1675 = tpu.vector_load %arg6[%swap3A_1673, %swap3A_1674] {strides = array<i32>} : memref<13x128xi32, #tpu.memory_space<vmem>>, vector<1x16xi32>,
        %swap3A_1676 = vector.shape_cast %swap3A_1675 : vector<1x16xi32> to vector<16xi32>
        %swap3A_1677 = vector.shape_cast %add3A_1671 : vector<16xi32> to vector<1x16xi32>
        tpu.vector_store %arg6[%swap3A_1673, %swap3A_1674], %swap3A_1677 {strides = array<i32>} : memref<13x128xi32, #tpu.memory_space<vmem>>, vector<1x16xi32>,
        %get3A_1678 = arith.constant 8 : i32
        %get3A_1679 = arith.index_cast %get3A_1678 : i32 to index
        %get3A_1680 = arith.constant 96 : index
        %get3A_1681 = tpu.vector_load %arg6[%get3A_1679, %get3A_1680] {strides = array<i32>} : memref<13x128xi32, #tpu.memory_space<vmem>>, vector<1x16xi32>,
        %get3A_1682 = vector.shape_cast %get3A_1681 : vector<1x16xi32> to vector<16xi32>
        %get3A_1683 = arith.constant 80 : index
        %get3A_1684 = tpu.vector_load %arg5[%get3A_1683] {strides = array<i32>} : memref<208xi32, #tpu.memory_space<vmem>>, vector<16xi32>,
        %get3A_1685 = vector.shape_cast %get3A_1684 : vector<16xi32> to vector<16xi32>
        %add3A_1686 = arith.addi %get3A_1682, %get3A_1685 : vector<16xi32>
        %swap3A_1687 = arith.constant 8 : i32
        %swap3A_1688 = arith.index_cast %swap3A_1687 : i32 to index
        %swap3A_1689 = arith.constant 96 : index
        %swap3A_1690 = tpu.vector_load %arg6[%swap3A_1688, %swap3A_1689] {strides = array<i32>} : memref<13x128xi32, #tpu.memory_space<vmem>>, vector<1x16xi32>,
        %swap3A_1691 = vector.shape_cast %swap3A_1690 : vector<1x16xi32> to vector<16xi32>
        %swap3A_1692 = vector.shape_cast %add3A_1686 : vector<16xi32> to vector<1x16xi32>
        tpu.vector_store %arg6[%swap3A_1688, %swap3A_1689], %swap3A_1692 {strides = array<i32>} : memref<13x128xi32, #tpu.memory_space<vmem>>, vector<1x16xi32>,
        %get3A_1693 = arith.constant 8 : i32
        %get3A_1694 = arith.index_cast %get3A_1693 : i32 to index
        %get3A_1695 = arith.constant 112 : index
        %get3A_1696 = tpu.vector_load %arg6[%get3A_1694, %get3A_1695] {strides = array<i32>} : memref<13x128xi32, #tpu.memory_space<vmem>>, vector<1x16xi32>,
        %get3A_1697 = vector.shape_cast %get3A_1696 : vector<1x16xi32> to vector<16xi32>
        %get3A_1698 = arith.constant 96 : index
        %get3A_1699 = tpu.vector_load %arg5[%get3A_1698] {strides = array<i32>} : memref<208xi32, #tpu.memory_space<vmem>>, vector<16xi32>,
        %get3A_1700 = vector.shape_cast %get3A_1699 : vector<16xi32> to vector<16xi32>
        %add3A_1701 = arith.addi %get3A_1697, %get3A_1700 : vector<16xi32>
        %swap3A_1702 = arith.constant 8 : i32
        %swap3A_1703 = arith.index_cast %swap3A_1702 : i32 to index
        %swap3A_1704 = arith.constant 112 : index
        %swap3A_1705 = tpu.vector_load %arg6[%swap3A_1703, %swap3A_1704] {strides = array<i32>} : memref<13x128xi32, #tpu.memory_space<vmem>>, vector<1x16xi32>,
        %swap3A_1706 = vector.shape_cast %swap3A_1705 : vector<1x16xi32> to vector<16xi32>
        %swap3A_1707 = vector.shape_cast %add3A_1701 : vector<16xi32> to vector<1x16xi32>
        tpu.vector_store %arg6[%swap3A_1703, %swap3A_1704], %swap3A_1707 {strides = array<i32>} : memref<13x128xi32, #tpu.memory_space<vmem>>, vector<1x16xi32>,
        %get3A_1708 = arith.constant 9 : i32
        %get3A_1709 = arith.index_cast %get3A_1708 : i32 to index
        %get3A_1710 = arith.constant 0 : index
        %get3A_1711 = tpu.vector_load %arg6[%get3A_1709, %get3A_1710] {strides = array<i32>} : memref<13x128xi32, #tpu.memory_space<vmem>>, vector<1x16xi32>,
        %get3A_1712 = vector.shape_cast %get3A_1711 : vector<1x16xi32> to vector<16xi32>
        %get3A_1713 = arith.constant 112 : index
        %get3A_1714 = tpu.vector_load %arg5[%get3A_1713] {strides = array<i32>} : memref<208xi32, #tpu.memory_space<vmem>>, vector<16xi32>,
        %get3A_1715 = vector.shape_cast %get3A_1714 : vector<16xi32> to vector<16xi32>
        %add3A_1716 = arith.addi %get3A_1712, %get3A_1715 : vector<16xi32>
        %swap3A_1717 = arith.constant 9 : i32
        %swap3A_1718 = arith.index_cast %swap3A_1717 : i32 to index
        %swap3A_1719 = arith.constant 0 : index
        %swap3A_1720 = tpu.vector_load %arg6[%swap3A_1718, %swap3A_1719] {strides = array<i32>} : memref<13x128xi32, #tpu.memory_space<vmem>>, vector<1x16xi32>,
        %swap3A_1721 = vector.shape_cast %swap3A_1720 : vector<1x16xi32> to vector<16xi32>
        %swap3A_1722 = vector.shape_cast %add3A_1716 : vector<16xi32> to vector<1x16xi32>
        tpu.vector_store %arg6[%swap3A_1718, %swap3A_1719], %swap3A_1722 {strides = array<i32>} : memref<13x128xi32, #tpu.memory_space<vmem>>, vector<1x16xi32>,
        %get3A_1723 = arith.constant 9 : i32
        %get3A_1724 = arith.index_cast %get3A_1723 : i32 to index
        %get3A_1725 = arith.constant 16 : index
        %get3A_1726 = tpu.vector_load %arg6[%get3A_1724, %get3A_1725] {strides = array<i32>} : memref<13x128xi32, #tpu.memory_space<vmem>>, vector<1x16xi32>,
        %get3A_1727 = vector.shape_cast %get3A_1726 : vector<1x16xi32> to vector<16xi32>
        %get3A_1728 = arith.constant 128 : index
        %get3A_1729 = tpu.vector_load %arg5[%get3A_1728] {strides = array<i32>} : memref<208xi32, #tpu.memory_space<vmem>>, vector<16xi32>,
        %get3A_1730 = vector.shape_cast %get3A_1729 : vector<16xi32> to vector<16xi32>
        %add3A_1731 = arith.addi %get3A_1727, %get3A_1730 : vector<16xi32>
        %swap3A_1732 = arith.constant 9 : i32
        %swap3A_1733 = arith.index_cast %swap3A_1732 : i32 to index
        %swap3A_1734 = arith.constant 16 : index
        %swap3A_1735 = tpu.vector_load %arg6[%swap3A_1733, %swap3A_1734] {strides = array<i32>} : memref<13x128xi32, #tpu.memory_space<vmem>>, vector<1x16xi32>,
        %swap3A_1736 = vector.shape_cast %swap3A_1735 : vector<1x16xi32> to vector<16xi32>
        %swap3A_1737 = vector.shape_cast %add3A_1731 : vector<16xi32> to vector<1x16xi32>
        tpu.vector_store %arg6[%swap3A_1733, %swap3A_1734], %swap3A_1737 {strides = array<i32>} : memref<13x128xi32, #tpu.memory_space<vmem>>, vector<1x16xi32>,
        %get3A_1738 = arith.constant 9 : i32
        %get3A_1739 = arith.index_cast %get3A_1738 : i32 to index
        %get3A_1740 = arith.constant 32 : index
        %get3A_1741 = tpu.vector_load %arg6[%get3A_1739, %get3A_1740] {strides = array<i32>} : memref<13x128xi32, #tpu.memory_space<vmem>>, vector<1x16xi32>,
        %get3A_1742 = vector.shape_cast %get3A_1741 : vector<1x16xi32> to vector<16xi32>
        %get3A_1743 = arith.constant 144 : index
        %get3A_1744 = tpu.vector_load %arg5[%get3A_1743] {strides = array<i32>} : memref<208xi32, #tpu.memory_space<vmem>>, vector<16xi32>,
        %get3A_1745 = vector.shape_cast %get3A_1744 : vector<16xi32> to vector<16xi32>
        %add3A_1746 = arith.addi %get3A_1742, %get3A_1745 : vector<16xi32>
        %swap3A_1747 = arith.constant 9 : i32
        %swap3A_1748 = arith.index_cast %swap3A_1747 : i32 to index
        %swap3A_1749 = arith.constant 32 : index
        %swap3A_1750 = tpu.vector_load %arg6[%swap3A_1748, %swap3A_1749] {strides = array<i32>} : memref<13x128xi32, #tpu.memory_space<vmem>>, vector<1x16xi32>,
        %swap3A_1751 = vector.shape_cast %swap3A_1750 : vector<1x16xi32> to vector<16xi32>
        %swap3A_1752 = vector.shape_cast %add3A_1746 : vector<16xi32> to vector<1x16xi32>
        tpu.vector_store %arg6[%swap3A_1748, %swap3A_1749], %swap3A_1752 {strides = array<i32>} : memref<13x128xi32, #tpu.memory_space<vmem>>, vector<1x16xi32>,
        %get3A_1753 = arith.constant 9 : i32
        %get3A_1754 = arith.index_cast %get3A_1753 : i32 to index
        %get3A_1755 = arith.constant 48 : index
        %get3A_1756 = tpu.vector_load %arg6[%get3A_1754, %get3A_1755] {strides = array<i32>} : memref<13x128xi32, #tpu.memory_space<vmem>>, vector<1x16xi32>,
        %get3A_1757 = vector.shape_cast %get3A_1756 : vector<1x16xi32> to vector<16xi32>
        %get3A_1758 = arith.constant 160 : index
        %get3A_1759 = tpu.vector_load %arg5[%get3A_1758] {strides = array<i32>} : memref<208xi32, #tpu.memory_space<vmem>>, vector<16xi32>,
        %get3A_1760 = vector.shape_cast %get3A_1759 : vector<16xi32> to vector<16xi32>
        %add3A_1761 = arith.addi %get3A_1757, %get3A_1760 : vector<16xi32>
        %swap3A_1762 = arith.constant 9 : i32
        %swap3A_1763 = arith.index_cast %swap3A_1762 : i32 to index
        %swap3A_1764 = arith.constant 48 : index
        %swap3A_1765 = tpu.vector_load %arg6[%swap3A_1763, %swap3A_1764] {strides = array<i32>} : memref<13x128xi32, #tpu.memory_space<vmem>>, vector<1x16xi32>,
        %swap3A_1766 = vector.shape_cast %swap3A_1765 : vector<1x16xi32> to vector<16xi32>
        %swap3A_1767 = vector.shape_cast %add3A_1761 : vector<16xi32> to vector<1x16xi32>
        tpu.vector_store %arg6[%swap3A_1763, %swap3A_1764], %swap3A_1767 {strides = array<i32>} : memref<13x128xi32, #tpu.memory_space<vmem>>, vector<1x16xi32>,
        %get3A_1768 = arith.constant 9 : i32
        %get3A_1769 = arith.index_cast %get3A_1768 : i32 to index
        %get3A_1770 = arith.constant 64 : index
        %get3A_1771 = tpu.vector_load %arg6[%get3A_1769, %get3A_1770] {strides = array<i32>} : memref<13x128xi32, #tpu.memory_space<vmem>>, vector<1x16xi32>,
        %get3A_1772 = vector.shape_cast %get3A_1771 : vector<1x16xi32> to vector<16xi32>
        %get3A_1773 = arith.constant 176 : index
        %get3A_1774 = tpu.vector_load %arg5[%get3A_1773] {strides = array<i32>} : memref<208xi32, #tpu.memory_space<vmem>>, vector<16xi32>,
        %get3A_1775 = vector.shape_cast %get3A_1774 : vector<16xi32> to vector<16xi32>
        %add3A_1776 = arith.addi %get3A_1772, %get3A_1775 : vector<16xi32>
        %swap3A_1777 = arith.constant 9 : i32
        %swap3A_1778 = arith.index_cast %swap3A_1777 : i32 to index
        %swap3A_1779 = arith.constant 64 : index
        %swap3A_1780 = tpu.vector_load %arg6[%swap3A_1778, %swap3A_1779] {strides = array<i32>} : memref<13x128xi32, #tpu.memory_space<vmem>>, vector<1x16xi32>,
        %swap3A_1781 = vector.shape_cast %swap3A_1780 : vector<1x16xi32> to vector<16xi32>
        %swap3A_1782 = vector.shape_cast %add3A_1776 : vector<16xi32> to vector<1x16xi32>
        tpu.vector_store %arg6[%swap3A_1778, %swap3A_1779], %swap3A_1782 {strides = array<i32>} : memref<13x128xi32, #tpu.memory_space<vmem>>, vector<1x16xi32>,
        %get3A_1783 = arith.constant 9 : i32
        %get3A_1784 = arith.index_cast %get3A_1783 : i32 to index
        %get3A_1785 = arith.constant 80 : index
        %get3A_1786 = tpu.vector_load %arg6[%get3A_1784, %get3A_1785] {strides = array<i32>} : memref<13x128xi32, #tpu.memory_space<vmem>>, vector<1x16xi32>,
        %get3A_1787 = vector.shape_cast %get3A_1786 : vector<1x16xi32> to vector<16xi32>
        %get3A_1788 = arith.constant 192 : index
        %get3A_1789 = tpu.vector_load %arg5[%get3A_1788] {strides = array<i32>} : memref<208xi32, #tpu.memory_space<vmem>>, vector<16xi32>,
        %get3A_1790 = vector.shape_cast %get3A_1789 : vector<16xi32> to vector<16xi32>
        %add3A_1791 = arith.addi %get3A_1787, %get3A_1790 : vector<16xi32>
        %swap3A_1792 = arith.constant 9 : i32
        %swap3A_1793 = arith.index_cast %swap3A_1792 : i32 to index
        %swap3A_1794 = arith.constant 80 : index
        %swap3A_1795 = tpu.vector_load %arg6[%swap3A_1793, %swap3A_1794] {strides = array<i32>} : memref<13x128xi32, #tpu.memory_space<vmem>>, vector<1x16xi32>,
        %swap3A_1796 = vector.shape_cast %swap3A_1795 : vector<1x16xi32> to vector<16xi32>
        %swap3A_1797 = vector.shape_cast %add3A_1791 : vector<16xi32> to vector<1x16xi32>
        tpu.vector_store %arg6[%swap3A_1793, %swap3A_1794], %swap3A_1797 {strides = array<i32>} : memref<13x128xi32, #tpu.memory_space<vmem>>, vector<1x16xi32>,
        %get3A_1798 = arith.constant 9 : i32
        %get3A_1799 = arith.index_cast %get3A_1798 : i32 to index
        %get3A_1800 = arith.constant 96 : index
        %get3A_1801 = tpu.vector_load %arg6[%get3A_1799, %get3A_1800] {strides = array<i32>} : memref<13x128xi32, #tpu.memory_space<vmem>>, vector<1x16xi32>,
        %get3A_1802 = vector.shape_cast %get3A_1801 : vector<1x16xi32> to vector<16xi32>
        %get3A_1803 = arith.constant 0 : index
        %get3A_1804 = tpu.vector_load %arg5[%get3A_1803] {strides = array<i32>} : memref<208xi32, #tpu.memory_space<vmem>>, vector<16xi32>,
        %get3A_1805 = vector.shape_cast %get3A_1804 : vector<16xi32> to vector<16xi32>
        %add3A_1806 = arith.addi %get3A_1802, %get3A_1805 : vector<16xi32>
        %swap3A_1807 = arith.constant 9 : i32
        %swap3A_1808 = arith.index_cast %swap3A_1807 : i32 to index
        %swap3A_1809 = arith.constant 96 : index
        %swap3A_1810 = tpu.vector_load %arg6[%swap3A_1808, %swap3A_1809] {strides = array<i32>} : memref<13x128xi32, #tpu.memory_space<vmem>>, vector<1x16xi32>,
        %swap3A_1811 = vector.shape_cast %swap3A_1810 : vector<1x16xi32> to vector<16xi32>
        %swap3A_1812 = vector.shape_cast %add3A_1806 : vector<16xi32> to vector<1x16xi32>
        tpu.vector_store %arg6[%swap3A_1808, %swap3A_1809], %swap3A_1812 {strides = array<i32>} : memref<13x128xi32, #tpu.memory_space<vmem>>, vector<1x16xi32>,
        %get3A_1813 = arith.constant 9 : i32
        %get3A_1814 = arith.index_cast %get3A_1813 : i32 to index
        %get3A_1815 = arith.constant 112 : index
        %get3A_1816 = tpu.vector_load %arg6[%get3A_1814, %get3A_1815] {strides = array<i32>} : memref<13x128xi32, #tpu.memory_space<vmem>>, vector<1x16xi32>,
        %get3A_1817 = vector.shape_cast %get3A_1816 : vector<1x16xi32> to vector<16xi32>
        %get3A_1818 = arith.constant 16 : index
        %get3A_1819 = tpu.vector_load %arg5[%get3A_1818] {strides = array<i32>} : memref<208xi32, #tpu.memory_space<vmem>>, vector<16xi32>,
        %get3A_1820 = vector.shape_cast %get3A_1819 : vector<16xi32> to vector<16xi32>
        %add3A_1821 = arith.addi %get3A_1817, %get3A_1820 : vector<16xi32>
        %swap3A_1822 = arith.constant 9 : i32
        %swap3A_1823 = arith.index_cast %swap3A_1822 : i32 to index
        %swap3A_1824 = arith.constant 112 : index
        %swap3A_1825 = tpu.vector_load %arg6[%swap3A_1823, %swap3A_1824] {strides = array<i32>} : memref<13x128xi32, #tpu.memory_space<vmem>>, vector<1x16xi32>,
        %swap3A_1826 = vector.shape_cast %swap3A_1825 : vector<1x16xi32> to vector<16xi32>
        %swap3A_1827 = vector.shape_cast %add3A_1821 : vector<16xi32> to vector<1x16xi32>
        tpu.vector_store %arg6[%swap3A_1823, %swap3A_1824], %swap3A_1827 {strides = array<i32>} : memref<13x128xi32, #tpu.memory_space<vmem>>, vector<1x16xi32>,
        %get3A_1828 = arith.constant 10 : i32
        %get3A_1829 = arith.index_cast %get3A_1828 : i32 to index
        %get3A_1830 = arith.constant 0 : index
        %get3A_1831 = tpu.vector_load %arg6[%get3A_1829, %get3A_1830] {strides = array<i32>} : memref<13x128xi32, #tpu.memory_space<vmem>>, vector<1x16xi32>,
        %get3A_1832 = vector.shape_cast %get3A_1831 : vector<1x16xi32> to vector<16xi32>
        %get3A_1833 = arith.constant 32 : index
        %get3A_1834 = tpu.vector_load %arg5[%get3A_1833] {strides = array<i32>} : memref<208xi32, #tpu.memory_space<vmem>>, vector<16xi32>,
        %get3A_1835 = vector.shape_cast %get3A_1834 : vector<16xi32> to vector<16xi32>
        %add3A_1836 = arith.addi %get3A_1832, %get3A_1835 : vector<16xi32>
        %swap3A_1837 = arith.constant 10 : i32
        %swap3A_1838 = arith.index_cast %swap3A_1837 : i32 to index
        %swap3A_1839 = arith.constant 0 : index
        %swap3A_1840 = tpu.vector_load %arg6[%swap3A_1838, %swap3A_1839] {strides = array<i32>} : memref<13x128xi32, #tpu.memory_space<vmem>>, vector<1x16xi32>,
        %swap3A_1841 = vector.shape_cast %swap3A_1840 : vector<1x16xi32> to vector<16xi32>
        %swap3A_1842 = vector.shape_cast %add3A_1836 : vector<16xi32> to vector<1x16xi32>
        tpu.vector_store %arg6[%swap3A_1838, %swap3A_1839], %swap3A_1842 {strides = array<i32>} : memref<13x128xi32, #tpu.memory_space<vmem>>, vector<1x16xi32>,
        %get3A_1843 = arith.constant 10 : i32
        %get3A_1844 = arith.index_cast %get3A_1843 : i32 to index
        %get3A_1845 = arith.constant 16 : index
        %get3A_1846 = tpu.vector_load %arg6[%get3A_1844, %get3A_1845] {strides = array<i32>} : memref<13x128xi32, #tpu.memory_space<vmem>>, vector<1x16xi32>,
        %get3A_1847 = vector.shape_cast %get3A_1846 : vector<1x16xi32> to vector<16xi32>
        %get3A_1848 = arith.constant 48 : index
        %get3A_1849 = tpu.vector_load %arg5[%get3A_1848] {strides = array<i32>} : memref<208xi32, #tpu.memory_space<vmem>>, vector<16xi32>,
        %get3A_1850 = vector.shape_cast %get3A_1849 : vector<16xi32> to vector<16xi32>
        %add3A_1851 = arith.addi %get3A_1847, %get3A_1850 : vector<16xi32>
        %swap3A_1852 = arith.constant 10 : i32
        %swap3A_1853 = arith.index_cast %swap3A_1852 : i32 to index
        %swap3A_1854 = arith.constant 16 : index
        %swap3A_1855 = tpu.vector_load %arg6[%swap3A_1853, %swap3A_1854] {strides = array<i32>} : memref<13x128xi32, #tpu.memory_space<vmem>>, vector<1x16xi32>,
        %swap3A_1856 = vector.shape_cast %swap3A_1855 : vector<1x16xi32> to vector<16xi32>
        %swap3A_1857 = vector.shape_cast %add3A_1851 : vector<16xi32> to vector<1x16xi32>
        tpu.vector_store %arg6[%swap3A_1853, %swap3A_1854], %swap3A_1857 {strides = array<i32>} : memref<13x128xi32, #tpu.memory_space<vmem>>, vector<1x16xi32>,
        %get3A_1858 = arith.constant 10 : i32
        %get3A_1859 = arith.index_cast %get3A_1858 : i32 to index
        %get3A_1860 = arith.constant 32 : index
        %get3A_1861 = tpu.vector_load %arg6[%get3A_1859, %get3A_1860] {strides = array<i32>} : memref<13x128xi32, #tpu.memory_space<vmem>>, vector<1x16xi32>,
        %get3A_1862 = vector.shape_cast %get3A_1861 : vector<1x16xi32> to vector<16xi32>
        %get3A_1863 = arith.constant 64 : index
        %get3A_1864 = tpu.vector_load %arg5[%get3A_1863] {strides = array<i32>} : memref<208xi32, #tpu.memory_space<vmem>>, vector<16xi32>,
        %get3A_1865 = vector.shape_cast %get3A_1864 : vector<16xi32> to vector<16xi32>
        %add3A_1866 = arith.addi %get3A_1862, %get3A_1865 : vector<16xi32>
        %swap3A_1867 = arith.constant 10 : i32
        %swap3A_1868 = arith.index_cast %swap3A_1867 : i32 to index
        %swap3A_1869 = arith.constant 32 : index
        %swap3A_1870 = tpu.vector_load %arg6[%swap3A_1868, %swap3A_1869] {strides = array<i32>} : memref<13x128xi32, #tpu.memory_space<vmem>>, vector<1x16xi32>,
        %swap3A_1871 = vector.shape_cast %swap3A_1870 : vector<1x16xi32> to vector<16xi32>
        %swap3A_1872 = vector.shape_cast %add3A_1866 : vector<16xi32> to vector<1x16xi32>
        tpu.vector_store %arg6[%swap3A_1868, %swap3A_1869], %swap3A_1872 {strides = array<i32>} : memref<13x128xi32, #tpu.memory_space<vmem>>, vector<1x16xi32>,
        %get3A_1873 = arith.constant 10 : i32
        %get3A_1874 = arith.index_cast %get3A_1873 : i32 to index
        %get3A_1875 = arith.constant 48 : index
        %get3A_1876 = tpu.vector_load %arg6[%get3A_1874, %get3A_1875] {strides = array<i32>} : memref<13x128xi32, #tpu.memory_space<vmem>>, vector<1x16xi32>,
        %get3A_1877 = vector.shape_cast %get3A_1876 : vector<1x16xi32> to vector<16xi32>
        %get3A_1878 = arith.constant 80 : index
        %get3A_1879 = tpu.vector_load %arg5[%get3A_1878] {strides = array<i32>} : memref<208xi32, #tpu.memory_space<vmem>>, vector<16xi32>,
        %get3A_1880 = vector.shape_cast %get3A_1879 : vector<16xi32> to vector<16xi32>
        %add3A_1881 = arith.addi %get3A_1877, %get3A_1880 : vector<16xi32>
        %swap3A_1882 = arith.constant 10 : i32
        %swap3A_1883 = arith.index_cast %swap3A_1882 : i32 to index
        %swap3A_1884 = arith.constant 48 : index
        %swap3A_1885 = tpu.vector_load %arg6[%swap3A_1883, %swap3A_1884] {strides = array<i32>} : memref<13x128xi32, #tpu.memory_space<vmem>>, vector<1x16xi32>,
        %swap3A_1886 = vector.shape_cast %swap3A_1885 : vector<1x16xi32> to vector<16xi32>
        %swap3A_1887 = vector.shape_cast %add3A_1881 : vector<16xi32> to vector<1x16xi32>
        tpu.vector_store %arg6[%swap3A_1883, %swap3A_1884], %swap3A_1887 {strides = array<i32>} : memref<13x128xi32, #tpu.memory_space<vmem>>, vector<1x16xi32>,
        %get3A_1888 = arith.constant 10 : i32
        %get3A_1889 = arith.index_cast %get3A_1888 : i32 to index
        %get3A_1890 = arith.constant 64 : index
        %get3A_1891 = tpu.vector_load %arg6[%get3A_1889, %get3A_1890] {strides = array<i32>} : memref<13x128xi32, #tpu.memory_space<vmem>>, vector<1x16xi32>,
        %get3A_1892 = vector.shape_cast %get3A_1891 : vector<1x16xi32> to vector<16xi32>
        %get3A_1893 = arith.constant 96 : index
        %get3A_1894 = tpu.vector_load %arg5[%get3A_1893] {strides = array<i32>} : memref<208xi32, #tpu.memory_space<vmem>>, vector<16xi32>,
        %get3A_1895 = vector.shape_cast %get3A_1894 : vector<16xi32> to vector<16xi32>
        %add3A_1896 = arith.addi %get3A_1892, %get3A_1895 : vector<16xi32>
        %swap3A_1897 = arith.constant 10 : i32
        %swap3A_1898 = arith.index_cast %swap3A_1897 : i32 to index
        %swap3A_1899 = arith.constant 64 : index
        %swap3A_1900 = tpu.vector_load %arg6[%swap3A_1898, %swap3A_1899] {strides = array<i32>} : memref<13x128xi32, #tpu.memory_space<vmem>>, vector<1x16xi32>,
        %swap3A_1901 = vector.shape_cast %swap3A_1900 : vector<1x16xi32> to vector<16xi32>
        %swap3A_1902 = vector.shape_cast %add3A_1896 : vector<16xi32> to vector<1x16xi32>
        tpu.vector_store %arg6[%swap3A_1898, %swap3A_1899], %swap3A_1902 {strides = array<i32>} : memref<13x128xi32, #tpu.memory_space<vmem>>, vector<1x16xi32>,
        %get3A_1903 = arith.constant 10 : i32
        %get3A_1904 = arith.index_cast %get3A_1903 : i32 to index
        %get3A_1905 = arith.constant 80 : index
        %get3A_1906 = tpu.vector_load %arg6[%get3A_1904, %get3A_1905] {strides = array<i32>} : memref<13x128xi32, #tpu.memory_space<vmem>>, vector<1x16xi32>,
        %get3A_1907 = vector.shape_cast %get3A_1906 : vector<1x16xi32> to vector<16xi32>
        %get3A_1908 = arith.constant 112 : index
        %get3A_1909 = tpu.vector_load %arg5[%get3A_1908] {strides = array<i32>} : memref<208xi32, #tpu.memory_space<vmem>>, vector<16xi32>,
        %get3A_1910 = vector.shape_cast %get3A_1909 : vector<16xi32> to vector<16xi32>
        %add3A_1911 = arith.addi %get3A_1907, %get3A_1910 : vector<16xi32>
        %swap3A_1912 = arith.constant 10 : i32
        %swap3A_1913 = arith.index_cast %swap3A_1912 : i32 to index
        %swap3A_1914 = arith.constant 80 : index
        %swap3A_1915 = tpu.vector_load %arg6[%swap3A_1913, %swap3A_1914] {strides = array<i32>} : memref<13x128xi32, #tpu.memory_space<vmem>>, vector<1x16xi32>,
        %swap3A_1916 = vector.shape_cast %swap3A_1915 : vector<1x16xi32> to vector<16xi32>
        %swap3A_1917 = vector.shape_cast %add3A_1911 : vector<16xi32> to vector<1x16xi32>
        tpu.vector_store %arg6[%swap3A_1913, %swap3A_1914], %swap3A_1917 {strides = array<i32>} : memref<13x128xi32, #tpu.memory_space<vmem>>, vector<1x16xi32>,
        %get3A_1918 = arith.constant 10 : i32
        %get3A_1919 = arith.index_cast %get3A_1918 : i32 to index
        %get3A_1920 = arith.constant 96 : index
        %get3A_1921 = tpu.vector_load %arg6[%get3A_1919, %get3A_1920] {strides = array<i32>} : memref<13x128xi32, #tpu.memory_space<vmem>>, vector<1x16xi32>,
        %get3A_1922 = vector.shape_cast %get3A_1921 : vector<1x16xi32> to vector<16xi32>
        %get3A_1923 = arith.constant 128 : index
        %get3A_1924 = tpu.vector_load %arg5[%get3A_1923] {strides = array<i32>} : memref<208xi32, #tpu.memory_space<vmem>>, vector<16xi32>,
        %get3A_1925 = vector.shape_cast %get3A_1924 : vector<16xi32> to vector<16xi32>
        %add3A_1926 = arith.addi %get3A_1922, %get3A_1925 : vector<16xi32>
        %swap3A_1927 = arith.constant 10 : i32
        %swap3A_1928 = arith.index_cast %swap3A_1927 : i32 to index
        %swap3A_1929 = arith.constant 96 : index
        %swap3A_1930 = tpu.vector_load %arg6[%swap3A_1928, %swap3A_1929] {strides = array<i32>} : memref<13x128xi32, #tpu.memory_space<vmem>>, vector<1x16xi32>,
        %swap3A_1931 = vector.shape_cast %swap3A_1930 : vector<1x16xi32> to vector<16xi32>
        %swap3A_1932 = vector.shape_cast %add3A_1926 : vector<16xi32> to vector<1x16xi32>
        tpu.vector_store %arg6[%swap3A_1928, %swap3A_1929], %swap3A_1932 {strides = array<i32>} : memref<13x128xi32, #tpu.memory_space<vmem>>, vector<1x16xi32>,
        %get3A_1933 = arith.constant 10 : i32
        %get3A_1934 = arith.index_cast %get3A_1933 : i32 to index
        %get3A_1935 = arith.constant 112 : index
        %get3A_1936 = tpu.vector_load %arg6[%get3A_1934, %get3A_1935] {strides = array<i32>} : memref<13x128xi32, #tpu.memory_space<vmem>>, vector<1x16xi32>,
        %get3A_1937 = vector.shape_cast %get3A_1936 : vector<1x16xi32> to vector<16xi32>
        %get3A_1938 = arith.constant 144 : index
        %get3A_1939 = tpu.vector_load %arg5[%get3A_1938] {strides = array<i32>} : memref<208xi32, #tpu.memory_space<vmem>>, vector<16xi32>,
        %get3A_1940 = vector.shape_cast %get3A_1939 : vector<16xi32> to vector<16xi32>
        %add3A_1941 = arith.addi %get3A_1937, %get3A_1940 : vector<16xi32>
        %swap3A_1942 = arith.constant 10 : i32
        %swap3A_1943 = arith.index_cast %swap3A_1942 : i32 to index
        %swap3A_1944 = arith.constant 112 : index
        %swap3A_1945 = tpu.vector_load %arg6[%swap3A_1943, %swap3A_1944] {strides = array<i32>} : memref<13x128xi32, #tpu.memory_space<vmem>>, vector<1x16xi32>,
        %swap3A_1946 = vector.shape_cast %swap3A_1945 : vector<1x16xi32> to vector<16xi32>
        %swap3A_1947 = vector.shape_cast %add3A_1941 : vector<16xi32> to vector<1x16xi32>
        tpu.vector_store %arg6[%swap3A_1943, %swap3A_1944], %swap3A_1947 {strides = array<i32>} : memref<13x128xi32, #tpu.memory_space<vmem>>, vector<1x16xi32>,
        %get3A_1948 = arith.constant 11 : i32
        %get3A_1949 = arith.index_cast %get3A_1948 : i32 to index
        %get3A_1950 = arith.constant 0 : index
        %get3A_1951 = tpu.vector_load %arg6[%get3A_1949, %get3A_1950] {strides = array<i32>} : memref<13x128xi32, #tpu.memory_space<vmem>>, vector<1x16xi32>,
        %get3A_1952 = vector.shape_cast %get3A_1951 : vector<1x16xi32> to vector<16xi32>
        %get3A_1953 = arith.constant 160 : index
        %get3A_1954 = tpu.vector_load %arg5[%get3A_1953] {strides = array<i32>} : memref<208xi32, #tpu.memory_space<vmem>>, vector<16xi32>,
        %get3A_1955 = vector.shape_cast %get3A_1954 : vector<16xi32> to vector<16xi32>
        %add3A_1956 = arith.addi %get3A_1952, %get3A_1955 : vector<16xi32>
        %swap3A_1957 = arith.constant 11 : i32
        %swap3A_1958 = arith.index_cast %swap3A_1957 : i32 to index
        %swap3A_1959 = arith.constant 0 : index
        %swap3A_1960 = tpu.vector_load %arg6[%swap3A_1958, %swap3A_1959] {strides = array<i32>} : memref<13x128xi32, #tpu.memory_space<vmem>>, vector<1x16xi32>,
        %swap3A_1961 = vector.shape_cast %swap3A_1960 : vector<1x16xi32> to vector<16xi32>
        %swap3A_1962 = vector.shape_cast %add3A_1956 : vector<16xi32> to vector<1x16xi32>
        tpu.vector_store %arg6[%swap3A_1958, %swap3A_1959], %swap3A_1962 {strides = array<i32>} : memref<13x128xi32, #tpu.memory_space<vmem>>, vector<1x16xi32>,
        %get3A_1963 = arith.constant 11 : i32
        %get3A_1964 = arith.index_cast %get3A_1963 : i32 to index
        %get3A_1965 = arith.constant 16 : index
        %get3A_1966 = tpu.vector_load %arg6[%get3A_1964, %get3A_1965] {strides = array<i32>} : memref<13x128xi32, #tpu.memory_space<vmem>>, vector<1x16xi32>,
        %get3A_1967 = vector.shape_cast %get3A_1966 : vector<1x16xi32> to vector<16xi32>
        %get3A_1968 = arith.constant 176 : index
        %get3A_1969 = tpu.vector_load %arg5[%get3A_1968] {strides = array<i32>} : memref<208xi32, #tpu.memory_space<vmem>>, vector<16xi32>,
        %get3A_1970 = vector.shape_cast %get3A_1969 : vector<16xi32> to vector<16xi32>
        %add3A_1971 = arith.addi %get3A_1967, %get3A_1970 : vector<16xi32>
        %swap3A_1972 = arith.constant 11 : i32
        %swap3A_1973 = arith.index_cast %swap3A_1972 : i32 to index
        %swap3A_1974 = arith.constant 16 : index
        %swap3A_1975 = tpu.vector_load %arg6[%swap3A_1973, %swap3A_1974] {strides = array<i32>} : memref<13x128xi32, #tpu.memory_space<vmem>>, vector<1x16xi32>,
        %swap3A_1976 = vector.shape_cast %swap3A_1975 : vector<1x16xi32> to vector<16xi32>
        %swap3A_1977 = vector.shape_cast %add3A_1971 : vector<16xi32> to vector<1x16xi32>
        tpu.vector_store %arg6[%swap3A_1973, %swap3A_1974], %swap3A_1977 {strides = array<i32>} : memref<13x128xi32, #tpu.memory_space<vmem>>, vector<1x16xi32>,
        %get3A_1978 = arith.constant 11 : i32
        %get3A_1979 = arith.index_cast %get3A_1978 : i32 to index
        %get3A_1980 = arith.constant 32 : index
        %get3A_1981 = tpu.vector_load %arg6[%get3A_1979, %get3A_1980] {strides = array<i32>} : memref<13x128xi32, #tpu.memory_space<vmem>>, vector<1x16xi32>,
        %get3A_1982 = vector.shape_cast %get3A_1981 : vector<1x16xi32> to vector<16xi32>
        %get3A_1983 = arith.constant 192 : index
        %get3A_1984 = tpu.vector_load %arg5[%get3A_1983] {strides = array<i32>} : memref<208xi32, #tpu.memory_space<vmem>>, vector<16xi32>,
        %get3A_1985 = vector.shape_cast %get3A_1984 : vector<16xi32> to vector<16xi32>
        %add3A_1986 = arith.addi %get3A_1982, %get3A_1985 : vector<16xi32>
        %swap3A_1987 = arith.constant 11 : i32
        %swap3A_1988 = arith.index_cast %swap3A_1987 : i32 to index
        %swap3A_1989 = arith.constant 32 : index
        %swap3A_1990 = tpu.vector_load %arg6[%swap3A_1988, %swap3A_1989] {strides = array<i32>} : memref<13x128xi32, #tpu.memory_space<vmem>>, vector<1x16xi32>,
        %swap3A_1991 = vector.shape_cast %swap3A_1990 : vector<1x16xi32> to vector<16xi32>
        %swap3A_1992 = vector.shape_cast %add3A_1986 : vector<16xi32> to vector<1x16xi32>
        tpu.vector_store %arg6[%swap3A_1988, %swap3A_1989], %swap3A_1992 {strides = array<i32>} : memref<13x128xi32, #tpu.memory_space<vmem>>, vector<1x16xi32>,
        %get3A_1993 = arith.constant 11 : i32
        %get3A_1994 = arith.index_cast %get3A_1993 : i32 to index
        %get3A_1995 = arith.constant 48 : index
        %get3A_1996 = tpu.vector_load %arg6[%get3A_1994, %get3A_1995] {strides = array<i32>} : memref<13x128xi32, #tpu.memory_space<vmem>>, vector<1x16xi32>,
        %get3A_1997 = vector.shape_cast %get3A_1996 : vector<1x16xi32> to vector<16xi32>
        %get3A_1998 = arith.constant 0 : index
        %get3A_1999 = tpu.vector_load %arg5[%get3A_1998] {strides = array<i32>} : memref<208xi32, #tpu.memory_space<vmem>>, vector<16xi32>,
        %get3A_2000 = vector.shape_cast %get3A_1999 : vector<16xi32> to vector<16xi32>
        %add3A_2001 = arith.addi %get3A_1997, %get3A_2000 : vector<16xi32>
        %swap3A_2002 = arith.constant 11 : i32
        %swap3A_2003 = arith.index_cast %swap3A_2002 : i32 to index
        %swap3A_2004 = arith.constant 48 : index
        %swap3A_2005 = tpu.vector_load %arg6[%swap3A_2003, %swap3A_2004] {strides = array<i32>} : memref<13x128xi32, #tpu.memory_space<vmem>>, vector<1x16xi32>,
        %swap3A_2006 = vector.shape_cast %swap3A_2005 : vector<1x16xi32> to vector<16xi32>
        %swap3A_2007 = vector.shape_cast %add3A_2001 : vector<16xi32> to vector<1x16xi32>
        tpu.vector_store %arg6[%swap3A_2003, %swap3A_2004], %swap3A_2007 {strides = array<i32>} : memref<13x128xi32, #tpu.memory_space<vmem>>, vector<1x16xi32>,
        %get3A_2008 = arith.constant 11 : i32
        %get3A_2009 = arith.index_cast %get3A_2008 : i32 to index
        %get3A_2010 = arith.constant 64 : index
        %get3A_2011 = tpu.vector_load %arg6[%get3A_2009, %get3A_2010] {strides = array<i32>} : memref<13x128xi32, #tpu.memory_space<vmem>>, vector<1x16xi32>,
        %get3A_2012 = vector.shape_cast %get3A_2011 : vector<1x16xi32> to vector<16xi32>
        %get3A_2013 = arith.constant 16 : index
        %get3A_2014 = tpu.vector_load %arg5[%get3A_2013] {strides = array<i32>} : memref<208xi32, #tpu.memory_space<vmem>>, vector<16xi32>,
        %get3A_2015 = vector.shape_cast %get3A_2014 : vector<16xi32> to vector<16xi32>
        %add3A_2016 = arith.addi %get3A_2012, %get3A_2015 : vector<16xi32>
        %swap3A_2017 = arith.constant 11 : i32
        %swap3A_2018 = arith.index_cast %swap3A_2017 : i32 to index
        %swap3A_2019 = arith.constant 64 : index
        %swap3A_2020 = tpu.vector_load %arg6[%swap3A_2018, %swap3A_2019] {strides = array<i32>} : memref<13x128xi32, #tpu.memory_space<vmem>>, vector<1x16xi32>,
        %swap3A_2021 = vector.shape_cast %swap3A_2020 : vector<1x16xi32> to vector<16xi32>
        %swap3A_2022 = vector.shape_cast %add3A_2016 : vector<16xi32> to vector<1x16xi32>
        tpu.vector_store %arg6[%swap3A_2018, %swap3A_2019], %swap3A_2022 {strides = array<i32>} : memref<13x128xi32, #tpu.memory_space<vmem>>, vector<1x16xi32>,
        %get3A_2023 = arith.constant 11 : i32
        %get3A_2024 = arith.index_cast %get3A_2023 : i32 to index
        %get3A_2025 = arith.constant 80 : index
        %get3A_2026 = tpu.vector_load %arg6[%get3A_2024, %get3A_2025] {strides = array<i32>} : memref<13x128xi32, #tpu.memory_space<vmem>>, vector<1x16xi32>,
        %get3A_2027 = vector.shape_cast %get3A_2026 : vector<1x16xi32> to vector<16xi32>
        %get3A_2028 = arith.constant 32 : index
        %get3A_2029 = tpu.vector_load %arg5[%get3A_2028] {strides = array<i32>} : memref<208xi32, #tpu.memory_space<vmem>>, vector<16xi32>,
        %get3A_2030 = vector.shape_cast %get3A_2029 : vector<16xi32> to vector<16xi32>
        %add3A_2031 = arith.addi %get3A_2027, %get3A_2030 : vector<16xi32>
        %swap3A_2032 = arith.constant 11 : i32
        %swap3A_2033 = arith.index_cast %swap3A_2032 : i32 to index
        %swap3A_2034 = arith.constant 80 : index
        %swap3A_2035 = tpu.vector_load %arg6[%swap3A_2033, %swap3A_2034] {strides = array<i32>} : memref<13x128xi32, #tpu.memory_space<vmem>>, vector<1x16xi32>,
        %swap3A_2036 = vector.shape_cast %swap3A_2035 : vector<1x16xi32> to vector<16xi32>
        %swap3A_2037 = vector.shape_cast %add3A_2031 : vector<16xi32> to vector<1x16xi32>
        tpu.vector_store %arg6[%swap3A_2033, %swap3A_2034], %swap3A_2037 {strides = array<i32>} : memref<13x128xi32, #tpu.memory_space<vmem>>, vector<1x16xi32>,
        %get3A_2038 = arith.constant 11 : i32
        %get3A_2039 = arith.index_cast %get3A_2038 : i32 to index
        %get3A_2040 = arith.constant 96 : index
        %get3A_2041 = tpu.vector_load %arg6[%get3A_2039, %get3A_2040] {strides = array<i32>} : memref<13x128xi32, #tpu.memory_space<vmem>>, vector<1x16xi32>,
        %get3A_2042 = vector.shape_cast %get3A_2041 : vector<1x16xi32> to vector<16xi32>
        %get3A_2043 = arith.constant 48 : index
        %get3A_2044 = tpu.vector_load %arg5[%get3A_2043] {strides = array<i32>} : memref<208xi32, #tpu.memory_space<vmem>>, vector<16xi32>,
        %get3A_2045 = vector.shape_cast %get3A_2044 : vector<16xi32> to vector<16xi32>
        %add3A_2046 = arith.addi %get3A_2042, %get3A_2045 : vector<16xi32>
        %swap3A_2047 = arith.constant 11 : i32
        %swap3A_2048 = arith.index_cast %swap3A_2047 : i32 to index
        %swap3A_2049 = arith.constant 96 : index
        %swap3A_2050 = tpu.vector_load %arg6[%swap3A_2048, %swap3A_2049] {strides = array<i32>} : memref<13x128xi32, #tpu.memory_space<vmem>>, vector<1x16xi32>,
        %swap3A_2051 = vector.shape_cast %swap3A_2050 : vector<1x16xi32> to vector<16xi32>
        %swap3A_2052 = vector.shape_cast %add3A_2046 : vector<16xi32> to vector<1x16xi32>
        tpu.vector_store %arg6[%swap3A_2048, %swap3A_2049], %swap3A_2052 {strides = array<i32>} : memref<13x128xi32, #tpu.memory_space<vmem>>, vector<1x16xi32>,
        %get3A_2053 = arith.constant 11 : i32
        %get3A_2054 = arith.index_cast %get3A_2053 : i32 to index
        %get3A_2055 = arith.constant 112 : index
        %get3A_2056 = tpu.vector_load %arg6[%get3A_2054, %get3A_2055] {strides = array<i32>} : memref<13x128xi32, #tpu.memory_space<vmem>>, vector<1x16xi32>,
        %get3A_2057 = vector.shape_cast %get3A_2056 : vector<1x16xi32> to vector<16xi32>
        %get3A_2058 = arith.constant 64 : index
        %get3A_2059 = tpu.vector_load %arg5[%get3A_2058] {strides = array<i32>} : memref<208xi32, #tpu.memory_space<vmem>>, vector<16xi32>,
        %get3A_2060 = vector.shape_cast %get3A_2059 : vector<16xi32> to vector<16xi32>
        %add3A_2061 = arith.addi %get3A_2057, %get3A_2060 : vector<16xi32>
        %swap3A_2062 = arith.constant 11 : i32
        %swap3A_2063 = arith.index_cast %swap3A_2062 : i32 to index
        %swap3A_2064 = arith.constant 112 : index
        %swap3A_2065 = tpu.vector_load %arg6[%swap3A_2063, %swap3A_2064] {strides = array<i32>} : memref<13x128xi32, #tpu.memory_space<vmem>>, vector<1x16xi32>,
        %swap3A_2066 = vector.shape_cast %swap3A_2065 : vector<1x16xi32> to vector<16xi32>
        %swap3A_2067 = vector.shape_cast %add3A_2061 : vector<16xi32> to vector<1x16xi32>
        tpu.vector_store %arg6[%swap3A_2063, %swap3A_2064], %swap3A_2067 {strides = array<i32>} : memref<13x128xi32, #tpu.memory_space<vmem>>, vector<1x16xi32>,
        %get3A_2068 = arith.constant 12 : i32
        %get3A_2069 = arith.index_cast %get3A_2068 : i32 to index
        %get3A_2070 = arith.constant 0 : index
        %get3A_2071 = tpu.vector_load %arg6[%get3A_2069, %get3A_2070] {strides = array<i32>} : memref<13x128xi32, #tpu.memory_space<vmem>>, vector<1x16xi32>,
        %get3A_2072 = vector.shape_cast %get3A_2071 : vector<1x16xi32> to vector<16xi32>
        %get3A_2073 = arith.constant 80 : index
        %get3A_2074 = tpu.vector_load %arg5[%get3A_2073] {strides = array<i32>} : memref<208xi32, #tpu.memory_space<vmem>>, vector<16xi32>,
        %get3A_2075 = vector.shape_cast %get3A_2074 : vector<16xi32> to vector<16xi32>
        %add3A_2076 = arith.addi %get3A_2072, %get3A_2075 : vector<16xi32>
        %swap3A_2077 = arith.constant 12 : i32
        %swap3A_2078 = arith.index_cast %swap3A_2077 : i32 to index
        %swap3A_2079 = arith.constant 0 : index
        %swap3A_2080 = tpu.vector_load %arg6[%swap3A_2078, %swap3A_2079] {strides = array<i32>} : memref<13x128xi32, #tpu.memory_space<vmem>>, vector<1x16xi32>,
        %swap3A_2081 = vector.shape_cast %swap3A_2080 : vector<1x16xi32> to vector<16xi32>
        %swap3A_2082 = vector.shape_cast %add3A_2076 : vector<16xi32> to vector<1x16xi32>
        tpu.vector_store %arg6[%swap3A_2078, %swap3A_2079], %swap3A_2082 {strides = array<i32>} : memref<13x128xi32, #tpu.memory_space<vmem>>, vector<1x16xi32>,
        %get3A_2083 = arith.constant 12 : i32
        %get3A_2084 = arith.index_cast %get3A_2083 : i32 to index
        %get3A_2085 = arith.constant 16 : index
        %get3A_2086 = tpu.vector_load %arg6[%get3A_2084, %get3A_2085] {strides = array<i32>} : memref<13x128xi32, #tpu.memory_space<vmem>>, vector<1x16xi32>,
        %get3A_2087 = vector.shape_cast %get3A_2086 : vector<1x16xi32> to vector<16xi32>
        %get3A_2088 = arith.constant 96 : index
        %get3A_2089 = tpu.vector_load %arg5[%get3A_2088] {strides = array<i32>} : memref<208xi32, #tpu.memory_space<vmem>>, vector<16xi32>,
        %get3A_2090 = vector.shape_cast %get3A_2089 : vector<16xi32> to vector<16xi32>
        %add3A_2091 = arith.addi %get3A_2087, %get3A_2090 : vector<16xi32>
        %swap3A_2092 = arith.constant 12 : i32
        %swap3A_2093 = arith.index_cast %swap3A_2092 : i32 to index
        %swap3A_2094 = arith.constant 16 : index
        %swap3A_2095 = tpu.vector_load %arg6[%swap3A_2093, %swap3A_2094] {strides = array<i32>} : memref<13x128xi32, #tpu.memory_space<vmem>>, vector<1x16xi32>,
        %swap3A_2096 = vector.shape_cast %swap3A_2095 : vector<1x16xi32> to vector<16xi32>
        %swap3A_2097 = vector.shape_cast %add3A_2091 : vector<16xi32> to vector<1x16xi32>
        tpu.vector_store %arg6[%swap3A_2093, %swap3A_2094], %swap3A_2097 {strides = array<i32>} : memref<13x128xi32, #tpu.memory_space<vmem>>, vector<1x16xi32>,
        %get3A_2098 = arith.constant 12 : i32
        %get3A_2099 = arith.index_cast %get3A_2098 : i32 to index
        %get3A_2100 = arith.constant 32 : index
        %get3A_2101 = tpu.vector_load %arg6[%get3A_2099, %get3A_2100] {strides = array<i32>} : memref<13x128xi32, #tpu.memory_space<vmem>>, vector<1x16xi32>,
        %get3A_2102 = vector.shape_cast %get3A_2101 : vector<1x16xi32> to vector<16xi32>
        %get3A_2103 = arith.constant 112 : index
        %get3A_2104 = tpu.vector_load %arg5[%get3A_2103] {strides = array<i32>} : memref<208xi32, #tpu.memory_space<vmem>>, vector<16xi32>,
        %get3A_2105 = vector.shape_cast %get3A_2104 : vector<16xi32> to vector<16xi32>
        %add3A_2106 = arith.addi %get3A_2102, %get3A_2105 : vector<16xi32>
        %swap3A_2107 = arith.constant 12 : i32
        %swap3A_2108 = arith.index_cast %swap3A_2107 : i32 to index
        %swap3A_2109 = arith.constant 32 : index
        %swap3A_2110 = tpu.vector_load %arg6[%swap3A_2108, %swap3A_2109] {strides = array<i32>} : memref<13x128xi32, #tpu.memory_space<vmem>>, vector<1x16xi32>,
        %swap3A_2111 = vector.shape_cast %swap3A_2110 : vector<1x16xi32> to vector<16xi32>
        %swap3A_2112 = vector.shape_cast %add3A_2106 : vector<16xi32> to vector<1x16xi32>
        tpu.vector_store %arg6[%swap3A_2108, %swap3A_2109], %swap3A_2112 {strides = array<i32>} : memref<13x128xi32, #tpu.memory_space<vmem>>, vector<1x16xi32>,
        %get3A_2113 = arith.constant 12 : i32
        %get3A_2114 = arith.index_cast %get3A_2113 : i32 to index
        %get3A_2115 = arith.constant 48 : index
        %get3A_2116 = tpu.vector_load %arg6[%get3A_2114, %get3A_2115] {strides = array<i32>} : memref<13x128xi32, #tpu.memory_space<vmem>>, vector<1x16xi32>,
        %get3A_2117 = vector.shape_cast %get3A_2116 : vector<1x16xi32> to vector<16xi32>
        %get3A_2118 = arith.constant 128 : index
        %get3A_2119 = tpu.vector_load %arg5[%get3A_2118] {strides = array<i32>} : memref<208xi32, #tpu.memory_space<vmem>>, vector<16xi32>,
        %get3A_2120 = vector.shape_cast %get3A_2119 : vector<16xi32> to vector<16xi32>
        %add3A_2121 = arith.addi %get3A_2117, %get3A_2120 : vector<16xi32>
        %swap3A_2122 = arith.constant 12 : i32
        %swap3A_2123 = arith.index_cast %swap3A_2122 : i32 to index
        %swap3A_2124 = arith.constant 48 : index
        %swap3A_2125 = tpu.vector_load %arg6[%swap3A_2123, %swap3A_2124] {strides = array<i32>} : memref<13x128xi32, #tpu.memory_space<vmem>>, vector<1x16xi32>,
        %swap3A_2126 = vector.shape_cast %swap3A_2125 : vector<1x16xi32> to vector<16xi32>
        %swap3A_2127 = vector.shape_cast %add3A_2121 : vector<16xi32> to vector<1x16xi32>
        tpu.vector_store %arg6[%swap3A_2123, %swap3A_2124], %swap3A_2127 {strides = array<i32>} : memref<13x128xi32, #tpu.memory_space<vmem>>, vector<1x16xi32>,
        %get3A_2128 = arith.constant 12 : i32
        %get3A_2129 = arith.index_cast %get3A_2128 : i32 to index
        %get3A_2130 = arith.constant 64 : index
        %get3A_2131 = tpu.vector_load %arg6[%get3A_2129, %get3A_2130] {strides = array<i32>} : memref<13x128xi32, #tpu.memory_space<vmem>>, vector<1x16xi32>,
        %get3A_2132 = vector.shape_cast %get3A_2131 : vector<1x16xi32> to vector<16xi32>
        %get3A_2133 = arith.constant 144 : index
        %get3A_2134 = tpu.vector_load %arg5[%get3A_2133] {strides = array<i32>} : memref<208xi32, #tpu.memory_space<vmem>>, vector<16xi32>,
        %get3A_2135 = vector.shape_cast %get3A_2134 : vector<16xi32> to vector<16xi32>
        %add3A_2136 = arith.addi %get3A_2132, %get3A_2135 : vector<16xi32>
        %swap3A_2137 = arith.constant 12 : i32
        %swap3A_2138 = arith.index_cast %swap3A_2137 : i32 to index
        %swap3A_2139 = arith.constant 64 : index
        %swap3A_2140 = tpu.vector_load %arg6[%swap3A_2138, %swap3A_2139] {strides = array<i32>} : memref<13x128xi32, #tpu.memory_space<vmem>>, vector<1x16xi32>,
        %swap3A_2141 = vector.shape_cast %swap3A_2140 : vector<1x16xi32> to vector<16xi32>
        %swap3A_2142 = vector.shape_cast %add3A_2136 : vector<16xi32> to vector<1x16xi32>
        tpu.vector_store %arg6[%swap3A_2138, %swap3A_2139], %swap3A_2142 {strides = array<i32>} : memref<13x128xi32, #tpu.memory_space<vmem>>, vector<1x16xi32>,
        %get3A_2143 = arith.constant 12 : i32
        %get3A_2144 = arith.index_cast %get3A_2143 : i32 to index
        %get3A_2145 = arith.constant 80 : index
        %get3A_2146 = tpu.vector_load %arg6[%get3A_2144, %get3A_2145] {strides = array<i32>} : memref<13x128xi32, #tpu.memory_space<vmem>>, vector<1x16xi32>,
        %get3A_2147 = vector.shape_cast %get3A_2146 : vector<1x16xi32> to vector<16xi32>
        %get3A_2148 = arith.constant 160 : index
        %get3A_2149 = tpu.vector_load %arg5[%get3A_2148] {strides = array<i32>} : memref<208xi32, #tpu.memory_space<vmem>>, vector<16xi32>,
        %get3A_2150 = vector.shape_cast %get3A_2149 : vector<16xi32> to vector<16xi32>
        %add3A_2151 = arith.addi %get3A_2147, %get3A_2150 : vector<16xi32>
        %swap3A_2152 = arith.constant 12 : i32
        %swap3A_2153 = arith.index_cast %swap3A_2152 : i32 to index
        %swap3A_2154 = arith.constant 80 : index
        %swap3A_2155 = tpu.vector_load %arg6[%swap3A_2153, %swap3A_2154] {strides = array<i32>} : memref<13x128xi32, #tpu.memory_space<vmem>>, vector<1x16xi32>,
        %swap3A_2156 = vector.shape_cast %swap3A_2155 : vector<1x16xi32> to vector<16xi32>
        %swap3A_2157 = vector.shape_cast %add3A_2151 : vector<16xi32> to vector<1x16xi32>
        tpu.vector_store %arg6[%swap3A_2153, %swap3A_2154], %swap3A_2157 {strides = array<i32>} : memref<13x128xi32, #tpu.memory_space<vmem>>, vector<1x16xi32>,
        %get3A_2158 = arith.constant 12 : i32
        %get3A_2159 = arith.index_cast %get3A_2158 : i32 to index
        %get3A_2160 = arith.constant 96 : index
        %get3A_2161 = tpu.vector_load %arg6[%get3A_2159, %get3A_2160] {strides = array<i32>} : memref<13x128xi32, #tpu.memory_space<vmem>>, vector<1x16xi32>,
        %get3A_2162 = vector.shape_cast %get3A_2161 : vector<1x16xi32> to vector<16xi32>
        %get3A_2163 = arith.constant 176 : index
        %get3A_2164 = tpu.vector_load %arg5[%get3A_2163] {strides = array<i32>} : memref<208xi32, #tpu.memory_space<vmem>>, vector<16xi32>,
        %get3A_2165 = vector.shape_cast %get3A_2164 : vector<16xi32> to vector<16xi32>
        %add3A_2166 = arith.addi %get3A_2162, %get3A_2165 : vector<16xi32>
        %swap3A_2167 = arith.constant 12 : i32
        %swap3A_2168 = arith.index_cast %swap3A_2167 : i32 to index
        %swap3A_2169 = arith.constant 96 : index
        %swap3A_2170 = tpu.vector_load %arg6[%swap3A_2168, %swap3A_2169] {strides = array<i32>} : memref<13x128xi32, #tpu.memory_space<vmem>>, vector<1x16xi32>,
        %swap3A_2171 = vector.shape_cast %swap3A_2170 : vector<1x16xi32> to vector<16xi32>
        %swap3A_2172 = vector.shape_cast %add3A_2166 : vector<16xi32> to vector<1x16xi32>
        tpu.vector_store %arg6[%swap3A_2168, %swap3A_2169], %swap3A_2172 {strides = array<i32>} : memref<13x128xi32, #tpu.memory_space<vmem>>, vector<1x16xi32>,
        %get3A_2173 = arith.constant 12 : i32
        %get3A_2174 = arith.index_cast %get3A_2173 : i32 to index
        %get3A_2175 = arith.constant 112 : index
        %get3A_2176 = tpu.vector_load %arg6[%get3A_2174, %get3A_2175] {strides = array<i32>} : memref<13x128xi32, #tpu.memory_space<vmem>>, vector<1x16xi32>,
        %get3A_2177 = vector.shape_cast %get3A_2176 : vector<1x16xi32> to vector<16xi32>
        %get3A_2178 = arith.constant 192 : index
        %get3A_2179 = tpu.vector_load %arg5[%get3A_2178] {strides = array<i32>} : memref<208xi32, #tpu.memory_space<vmem>>, vector<16xi32>,
        %get3A_2180 = vector.shape_cast %get3A_2179 : vector<16xi32> to vector<16xi32>
        %add3A_2181 = arith.addi %get3A_2177, %get3A_2180 : vector<16xi32>
        %swap3A_2182 = arith.constant 12 : i32
        %swap3A_2183 = arith.index_cast %swap3A_2182 : i32 to index
        %swap3A_2184 = arith.constant 112 : index
        %swap3A_2185 = tpu.vector_load %arg6[%swap3A_2183, %swap3A_2184] {strides = array<i32>} : memref<13x128xi32, #tpu.memory_space<vmem>>, vector<1x16xi32>,
        %swap3A_2186 = vector.shape_cast %swap3A_2185 : vector<1x16xi32> to vector<16xi32>
        %swap3A_2187 = vector.shape_cast %add3A_2181 : vector<16xi32> to vector<1x16xi32>
        tpu.vector_store %arg6[%swap3A_2183, %swap3A_2184], %swap3A_2187 {strides = array<i32>} : memref<13x128xi32, #tpu.memory_space<vmem>>, vector<1x16xi32>,
        %ge3A = arith.constant 2 : i32
        %ge3A_2188 = arith.cmpi sge, %scan3A_579, %ge3A : i32
        %convert_element_type3A_2189 = arith.extui %ge3A_2188 : i1 to i32
        %cond3A_2190 = arith.constant 0 : i32
        %cond3A_2191 = arith.cmpi ne, %convert_element_type3A_2189, %cond3A_2190 : i32
        scf.if %cond3A_2191 {
          %dma_wait3A_2334 = arith.constant 0 : i32
          %dma_wait3A_2335 = arith.constant 0 : i32
          %dma_wait3A_2336 = tpu.memref_slice %arg4[%mul3A_2, %dma_wait3A_2334, %dma_wait3A_2335] : memref<256x1664x32xf32, #tpu.memory_space<hbm>> -> memref<1x1664x32xf32, #tpu.memory_space<hbm>>
          %dma_wait3A_2337 = tpu.memref_squeeze %dma_wait3A_2336 : memref<1x1664x32xf32, #tpu.memory_space<hbm>> -> memref<1664x32xf32, #tpu.memory_space<hbm>>
          %dma_wait3A_2338 = arith.constant 0 : i32
          %dma_wait3A_2339 = arith.constant 0 : i32
          %dma_wait3A_2340 = tpu.memref_slice %arg4[%mul3A_2, %dma_wait3A_2338, %dma_wait3A_2339] : memref<256x1664x32xf32, #tpu.memory_space<hbm>> -> memref<1x1664x32xf32, #tpu.memory_space<hbm>>
          %dma_wait3A_2341 = tpu.memref_squeeze %dma_wait3A_2340 : memref<1x1664x32xf32, #tpu.memory_space<hbm>> -> memref<1664x32xf32, #tpu.memory_space<hbm>>
          tpu.wait_dma2 semaphore(%arg14 : memref<!tpu.dma_semaphore, #tpu.memory_space<semaphore_mem>>) src(%dma_wait3A_2341 : memref<1664x32xf32, #tpu.memory_space<hbm>>) dst(%arg8 : memref<1664x32xf32, #tpu.memory_space<vmem>>)
        } else {
        }
        %dma_start3A_2192 = arith.constant 0 : i32
        %dma_start3A_2193 = arith.constant 0 : i32
        %dma_start3A_2194 = arith.constant 0 : i32
        %dma_start3A_2195 = tpu.memref_slice %arg8[%dma_start3A_2193, %dma_start3A_2194] : memref<1664x32xf32, #tpu.memory_space<vmem>> -> memref<128x32xf32, #tpu.memory_space<vmem>>
        %dma_start3A_2196 = arith.constant 0 : i32
        %dma_start3A_2197 = tpu.memref_slice %arg6[%dma_start3A_2192, %dma_start3A_2196] : memref<13x128xi32, #tpu.memory_space<vmem>> -> memref<1x128xi32, #tpu.memory_space<vmem>>
        %dma_start3A_2198 = tpu.memref_squeeze %dma_start3A_2197 : memref<1x128xi32, #tpu.memory_space<vmem>> -> memref<128xi32, #tpu.memory_space<vmem>>
        %dma_start3A_2199 = arith.constant 0 : i32
        %dma_start3A_2200 = arith.constant 0 : i32
        %dma_start3A_2201 = tpu.memref_slice %arg3[%dma_start3A_2199, %dma_start3A_2200] : memref<2600000x32xf32, #tpu.memory_space<hbm>> -> memref<2600000x32xf32, #tpu.memory_space<hbm>>
        tpu.enqueue_indirect_dma source(%dma_start3A_2201 : memref<2600000x32xf32, #tpu.memory_space<hbm>>) target(%dma_start3A_2195 : memref<128x32xf32, #tpu.memory_space<vmem>>) offsets(%dma_start3A_2198 : memref<128xi32, #tpu.memory_space<vmem>>) semaphore(%arg12 : memref<!tpu.dma_semaphore, #tpu.memory_space<semaphore_mem>>)
        %dma_start3A_2202 = arith.constant 1 : i32
        %dma_start3A_2203 = arith.constant 128 : i32
        %dma_start3A_2204 = arith.constant 0 : i32
        %dma_start3A_2205 = tpu.memref_slice %arg8[%dma_start3A_2203, %dma_start3A_2204] : memref<1664x32xf32, #tpu.memory_space<vmem>> -> memref<128x32xf32, #tpu.memory_space<vmem>>
        %dma_start3A_2206 = arith.constant 0 : i32
        %dma_start3A_2207 = tpu.memref_slice %arg6[%dma_start3A_2202, %dma_start3A_2206] : memref<13x128xi32, #tpu.memory_space<vmem>> -> memref<1x128xi32, #tpu.memory_space<vmem>>
        %dma_start3A_2208 = tpu.memref_squeeze %dma_start3A_2207 : memref<1x128xi32, #tpu.memory_space<vmem>> -> memref<128xi32, #tpu.memory_space<vmem>>
        %dma_start3A_2209 = arith.constant 0 : i32
        %dma_start3A_2210 = arith.constant 0 : i32
        %dma_start3A_2211 = tpu.memref_slice %arg3[%dma_start3A_2209, %dma_start3A_2210] : memref<2600000x32xf32, #tpu.memory_space<hbm>> -> memref<2600000x32xf32, #tpu.memory_space<hbm>>
        tpu.enqueue_indirect_dma source(%dma_start3A_2211 : memref<2600000x32xf32, #tpu.memory_space<hbm>>) target(%dma_start3A_2205 : memref<128x32xf32, #tpu.memory_space<vmem>>) offsets(%dma_start3A_2208 : memref<128xi32, #tpu.memory_space<vmem>>) semaphore(%arg12 : memref<!tpu.dma_semaphore, #tpu.memory_space<semaphore_mem>>)
        %dma_start3A_2212 = arith.constant 2 : i32
        %dma_start3A_2213 = arith.constant 256 : i32
        %dma_start3A_2214 = arith.constant 0 : i32
        %dma_start3A_2215 = tpu.memref_slice %arg8[%dma_start3A_2213, %dma_start3A_2214] : memref<1664x32xf32, #tpu.memory_space<vmem>> -> memref<128x32xf32, #tpu.memory_space<vmem>>
        %dma_start3A_2216 = arith.constant 0 : i32
        %dma_start3A_2217 = tpu.memref_slice %arg6[%dma_start3A_2212, %dma_start3A_2216] : memref<13x128xi32, #tpu.memory_space<vmem>> -> memref<1x128xi32, #tpu.memory_space<vmem>>
        %dma_start3A_2218 = tpu.memref_squeeze %dma_start3A_2217 : memref<1x128xi32, #tpu.memory_space<vmem>> -> memref<128xi32, #tpu.memory_space<vmem>>
        %dma_start3A_2219 = arith.constant 0 : i32
        %dma_start3A_2220 = arith.constant 0 : i32
        %dma_start3A_2221 = tpu.memref_slice %arg3[%dma_start3A_2219, %dma_start3A_2220] : memref<2600000x32xf32, #tpu.memory_space<hbm>> -> memref<2600000x32xf32, #tpu.memory_space<hbm>>
        tpu.enqueue_indirect_dma source(%dma_start3A_2221 : memref<2600000x32xf32, #tpu.memory_space<hbm>>) target(%dma_start3A_2215 : memref<128x32xf32, #tpu.memory_space<vmem>>) offsets(%dma_start3A_2218 : memref<128xi32, #tpu.memory_space<vmem>>) semaphore(%arg12 : memref<!tpu.dma_semaphore, #tpu.memory_space<semaphore_mem>>)
        %dma_start3A_2222 = arith.constant 3 : i32
        %dma_start3A_2223 = arith.constant 384 : i32
        %dma_start3A_2224 = arith.constant 0 : i32
        %dma_start3A_2225 = tpu.memref_slice %arg8[%dma_start3A_2223, %dma_start3A_2224] : memref<1664x32xf32, #tpu.memory_space<vmem>> -> memref<128x32xf32, #tpu.memory_space<vmem>>
        %dma_start3A_2226 = arith.constant 0 : i32
        %dma_start3A_2227 = tpu.memref_slice %arg6[%dma_start3A_2222, %dma_start3A_2226] : memref<13x128xi32, #tpu.memory_space<vmem>> -> memref<1x128xi32, #tpu.memory_space<vmem>>
        %dma_start3A_2228 = tpu.memref_squeeze %dma_start3A_2227 : memref<1x128xi32, #tpu.memory_space<vmem>> -> memref<128xi32, #tpu.memory_space<vmem>>
        %dma_start3A_2229 = arith.constant 0 : i32
        %dma_start3A_2230 = arith.constant 0 : i32
        %dma_start3A_2231 = tpu.memref_slice %arg3[%dma_start3A_2229, %dma_start3A_2230] : memref<2600000x32xf32, #tpu.memory_space<hbm>> -> memref<2600000x32xf32, #tpu.memory_space<hbm>>
        tpu.enqueue_indirect_dma source(%dma_start3A_2231 : memref<2600000x32xf32, #tpu.memory_space<hbm>>) target(%dma_start3A_2225 : memref<128x32xf32, #tpu.memory_space<vmem>>) offsets(%dma_start3A_2228 : memref<128xi32, #tpu.memory_space<vmem>>) semaphore(%arg12 : memref<!tpu.dma_semaphore, #tpu.memory_space<semaphore_mem>>)
        %dma_start3A_2232 = arith.constant 4 : i32
        %dma_start3A_2233 = arith.constant 512 : i32
        %dma_start3A_2234 = arith.constant 0 : i32
        %dma_start3A_2235 = tpu.memref_slice %arg8[%dma_start3A_2233, %dma_start3A_2234] : memref<1664x32xf32, #tpu.memory_space<vmem>> -> memref<128x32xf32, #tpu.memory_space<vmem>>
        %dma_start3A_2236 = arith.constant 0 : i32
        %dma_start3A_2237 = tpu.memref_slice %arg6[%dma_start3A_2232, %dma_start3A_2236] : memref<13x128xi32, #tpu.memory_space<vmem>> -> memref<1x128xi32, #tpu.memory_space<vmem>>
        %dma_start3A_2238 = tpu.memref_squeeze %dma_start3A_2237 : memref<1x128xi32, #tpu.memory_space<vmem>> -> memref<128xi32, #tpu.memory_space<vmem>>
        %dma_start3A_2239 = arith.constant 0 : i32
        %dma_start3A_2240 = arith.constant 0 : i32
        %dma_start3A_2241 = tpu.memref_slice %arg3[%dma_start3A_2239, %dma_start3A_2240] : memref<2600000x32xf32, #tpu.memory_space<hbm>> -> memref<2600000x32xf32, #tpu.memory_space<hbm>>
        tpu.enqueue_indirect_dma source(%dma_start3A_2241 : memref<2600000x32xf32, #tpu.memory_space<hbm>>) target(%dma_start3A_2235 : memref<128x32xf32, #tpu.memory_space<vmem>>) offsets(%dma_start3A_2238 : memref<128xi32, #tpu.memory_space<vmem>>) semaphore(%arg12 : memref<!tpu.dma_semaphore, #tpu.memory_space<semaphore_mem>>)
        %dma_start3A_2242 = arith.constant 5 : i32
        %dma_start3A_2243 = arith.constant 640 : i32
        %dma_start3A_2244 = arith.constant 0 : i32
        %dma_start3A_2245 = tpu.memref_slice %arg8[%dma_start3A_2243, %dma_start3A_2244] : memref<1664x32xf32, #tpu.memory_space<vmem>> -> memref<128x32xf32, #tpu.memory_space<vmem>>
        %dma_start3A_2246 = arith.constant 0 : i32
        %dma_start3A_2247 = tpu.memref_slice %arg6[%dma_start3A_2242, %dma_start3A_2246] : memref<13x128xi32, #tpu.memory_space<vmem>> -> memref<1x128xi32, #tpu.memory_space<vmem>>
        %dma_start3A_2248 = tpu.memref_squeeze %dma_start3A_2247 : memref<1x128xi32, #tpu.memory_space<vmem>> -> memref<128xi32, #tpu.memory_space<vmem>>
        %dma_start3A_2249 = arith.constant 0 : i32
        %dma_start3A_2250 = arith.constant 0 : i32
        %dma_start3A_2251 = tpu.memref_slice %arg3[%dma_start3A_2249, %dma_start3A_2250] : memref<2600000x32xf32, #tpu.memory_space<hbm>> -> memref<2600000x32xf32, #tpu.memory_space<hbm>>
        tpu.enqueue_indirect_dma source(%dma_start3A_2251 : memref<2600000x32xf32, #tpu.memory_space<hbm>>) target(%dma_start3A_2245 : memref<128x32xf32, #tpu.memory_space<vmem>>) offsets(%dma_start3A_2248 : memref<128xi32, #tpu.memory_space<vmem>>) semaphore(%arg12 : memref<!tpu.dma_semaphore, #tpu.memory_space<semaphore_mem>>)
        %dma_start3A_2252 = arith.constant 6 : i32
        %dma_start3A_2253 = arith.constant 768 : i32
        %dma_start3A_2254 = arith.constant 0 : i32
        %dma_start3A_2255 = tpu.memref_slice %arg8[%dma_start3A_2253, %dma_start3A_2254] : memref<1664x32xf32, #tpu.memory_space<vmem>> -> memref<128x32xf32, #tpu.memory_space<vmem>>
        %dma_start3A_2256 = arith.constant 0 : i32
        %dma_start3A_2257 = tpu.memref_slice %arg6[%dma_start3A_2252, %dma_start3A_2256] : memref<13x128xi32, #tpu.memory_space<vmem>> -> memref<1x128xi32, #tpu.memory_space<vmem>>
        %dma_start3A_2258 = tpu.memref_squeeze %dma_start3A_2257 : memref<1x128xi32, #tpu.memory_space<vmem>> -> memref<128xi32, #tpu.memory_space<vmem>>
        %dma_start3A_2259 = arith.constant 0 : i32
        %dma_start3A_2260 = arith.constant 0 : i32
        %dma_start3A_2261 = tpu.memref_slice %arg3[%dma_start3A_2259, %dma_start3A_2260] : memref<2600000x32xf32, #tpu.memory_space<hbm>> -> memref<2600000x32xf32, #tpu.memory_space<hbm>>
        tpu.enqueue_indirect_dma source(%dma_start3A_2261 : memref<2600000x32xf32, #tpu.memory_space<hbm>>) target(%dma_start3A_2255 : memref<128x32xf32, #tpu.memory_space<vmem>>) offsets(%dma_start3A_2258 : memref<128xi32, #tpu.memory_space<vmem>>) semaphore(%arg12 : memref<!tpu.dma_semaphore, #tpu.memory_space<semaphore_mem>>)
        %dma_start3A_2262 = arith.constant 7 : i32
        %dma_start3A_2263 = arith.constant 896 : i32
        %dma_start3A_2264 = arith.constant 0 : i32
        %dma_start3A_2265 = tpu.memref_slice %arg8[%dma_start3A_2263, %dma_start3A_2264] : memref<1664x32xf32, #tpu.memory_space<vmem>> -> memref<128x32xf32, #tpu.memory_space<vmem>>
        %dma_start3A_2266 = arith.constant 0 : i32
        %dma_start3A_2267 = tpu.memref_slice %arg6[%dma_start3A_2262, %dma_start3A_2266] : memref<13x128xi32, #tpu.memory_space<vmem>> -> memref<1x128xi32, #tpu.memory_space<vmem>>
        %dma_start3A_2268 = tpu.memref_squeeze %dma_start3A_2267 : memref<1x128xi32, #tpu.memory_space<vmem>> -> memref<128xi32, #tpu.memory_space<vmem>>
        %dma_start3A_2269 = arith.constant 0 : i32
        %dma_start3A_2270 = arith.constant 0 : i32
        %dma_start3A_2271 = tpu.memref_slice %arg3[%dma_start3A_2269, %dma_start3A_2270] : memref<2600000x32xf32, #tpu.memory_space<hbm>> -> memref<2600000x32xf32, #tpu.memory_space<hbm>>
        tpu.enqueue_indirect_dma source(%dma_start3A_2271 : memref<2600000x32xf32, #tpu.memory_space<hbm>>) target(%dma_start3A_2265 : memref<128x32xf32, #tpu.memory_space<vmem>>) offsets(%dma_start3A_2268 : memref<128xi32, #tpu.memory_space<vmem>>) semaphore(%arg12 : memref<!tpu.dma_semaphore, #tpu.memory_space<semaphore_mem>>)
        %dma_start3A_2272 = arith.constant 8 : i32
        %dma_start3A_2273 = arith.constant 1024 : i32
        %dma_start3A_2274 = arith.constant 0 : i32
        %dma_start3A_2275 = tpu.memref_slice %arg8[%dma_start3A_2273, %dma_start3A_2274] : memref<1664x32xf32, #tpu.memory_space<vmem>> -> memref<128x32xf32, #tpu.memory_space<vmem>>
        %dma_start3A_2276 = arith.constant 0 : i32
        %dma_start3A_2277 = tpu.memref_slice %arg6[%dma_start3A_2272, %dma_start3A_2276] : memref<13x128xi32, #tpu.memory_space<vmem>> -> memref<1x128xi32, #tpu.memory_space<vmem>>
        %dma_start3A_2278 = tpu.memref_squeeze %dma_start3A_2277 : memref<1x128xi32, #tpu.memory_space<vmem>> -> memref<128xi32, #tpu.memory_space<vmem>>
        %dma_start3A_2279 = arith.constant 0 : i32
        %dma_start3A_2280 = arith.constant 0 : i32
        %dma_start3A_2281 = tpu.memref_slice %arg3[%dma_start3A_2279, %dma_start3A_2280] : memref<2600000x32xf32, #tpu.memory_space<hbm>> -> memref<2600000x32xf32, #tpu.memory_space<hbm>>
        tpu.enqueue_indirect_dma source(%dma_start3A_2281 : memref<2600000x32xf32, #tpu.memory_space<hbm>>) target(%dma_start3A_2275 : memref<128x32xf32, #tpu.memory_space<vmem>>) offsets(%dma_start3A_2278 : memref<128xi32, #tpu.memory_space<vmem>>) semaphore(%arg12 : memref<!tpu.dma_semaphore, #tpu.memory_space<semaphore_mem>>)
        %dma_start3A_2282 = arith.constant 9 : i32
        %dma_start3A_2283 = arith.constant 1152 : i32
        %dma_start3A_2284 = arith.constant 0 : i32
        %dma_start3A_2285 = tpu.memref_slice %arg8[%dma_start3A_2283, %dma_start3A_2284] : memref<1664x32xf32, #tpu.memory_space<vmem>> -> memref<128x32xf32, #tpu.memory_space<vmem>>
        %dma_start3A_2286 = arith.constant 0 : i32
        %dma_start3A_2287 = tpu.memref_slice %arg6[%dma_start3A_2282, %dma_start3A_2286] : memref<13x128xi32, #tpu.memory_space<vmem>> -> memref<1x128xi32, #tpu.memory_space<vmem>>
        %dma_start3A_2288 = tpu.memref_squeeze %dma_start3A_2287 : memref<1x128xi32, #tpu.memory_space<vmem>> -> memref<128xi32, #tpu.memory_space<vmem>>
        %dma_start3A_2289 = arith.constant 0 : i32
        %dma_start3A_2290 = arith.constant 0 : i32
        %dma_start3A_2291 = tpu.memref_slice %arg3[%dma_start3A_2289, %dma_start3A_2290] : memref<2600000x32xf32, #tpu.memory_space<hbm>> -> memref<2600000x32xf32, #tpu.memory_space<hbm>>
        tpu.enqueue_indirect_dma source(%dma_start3A_2291 : memref<2600000x32xf32, #tpu.memory_space<hbm>>) target(%dma_start3A_2285 : memref<128x32xf32, #tpu.memory_space<vmem>>) offsets(%dma_start3A_2288 : memref<128xi32, #tpu.memory_space<vmem>>) semaphore(%arg12 : memref<!tpu.dma_semaphore, #tpu.memory_space<semaphore_mem>>)
        %dma_start3A_2292 = arith.constant 10 : i32
        %dma_start3A_2293 = arith.constant 1280 : i32
        %dma_start3A_2294 = arith.constant 0 : i32
        %dma_start3A_2295 = tpu.memref_slice %arg8[%dma_start3A_2293, %dma_start3A_2294] : memref<1664x32xf32, #tpu.memory_space<vmem>> -> memref<128x32xf32, #tpu.memory_space<vmem>>
        %dma_start3A_2296 = arith.constant 0 : i32
        %dma_start3A_2297 = tpu.memref_slice %arg6[%dma_start3A_2292, %dma_start3A_2296] : memref<13x128xi32, #tpu.memory_space<vmem>> -> memref<1x128xi32, #tpu.memory_space<vmem>>
        %dma_start3A_2298 = tpu.memref_squeeze %dma_start3A_2297 : memref<1x128xi32, #tpu.memory_space<vmem>> -> memref<128xi32, #tpu.memory_space<vmem>>
        %dma_start3A_2299 = arith.constant 0 : i32
        %dma_start3A_2300 = arith.constant 0 : i32
        %dma_start3A_2301 = tpu.memref_slice %arg3[%dma_start3A_2299, %dma_start3A_2300] : memref<2600000x32xf32, #tpu.memory_space<hbm>> -> memref<2600000x32xf32, #tpu.memory_space<hbm>>
        tpu.enqueue_indirect_dma source(%dma_start3A_2301 : memref<2600000x32xf32, #tpu.memory_space<hbm>>) target(%dma_start3A_2295 : memref<128x32xf32, #tpu.memory_space<vmem>>) offsets(%dma_start3A_2298 : memref<128xi32, #tpu.memory_space<vmem>>) semaphore(%arg12 : memref<!tpu.dma_semaphore, #tpu.memory_space<semaphore_mem>>)
        %dma_start3A_2302 = arith.constant 11 : i32
        %dma_start3A_2303 = arith.constant 1408 : i32
        %dma_start3A_2304 = arith.constant 0 : i32
        %dma_start3A_2305 = tpu.memref_slice %arg8[%dma_start3A_2303, %dma_start3A_2304] : memref<1664x32xf32, #tpu.memory_space<vmem>> -> memref<128x32xf32, #tpu.memory_space<vmem>>
        %dma_start3A_2306 = arith.constant 0 : i32
        %dma_start3A_2307 = tpu.memref_slice %arg6[%dma_start3A_2302, %dma_start3A_2306] : memref<13x128xi32, #tpu.memory_space<vmem>> -> memref<1x128xi32, #tpu.memory_space<vmem>>
        %dma_start3A_2308 = tpu.memref_squeeze %dma_start3A_2307 : memref<1x128xi32, #tpu.memory_space<vmem>> -> memref<128xi32, #tpu.memory_space<vmem>>
        %dma_start3A_2309 = arith.constant 0 : i32
        %dma_start3A_2310 = arith.constant 0 : i32
        %dma_start3A_2311 = tpu.memref_slice %arg3[%dma_start3A_2309, %dma_start3A_2310] : memref<2600000x32xf32, #tpu.memory_space<hbm>> -> memref<2600000x32xf32, #tpu.memory_space<hbm>>
        tpu.enqueue_indirect_dma source(%dma_start3A_2311 : memref<2600000x32xf32, #tpu.memory_space<hbm>>) target(%dma_start3A_2305 : memref<128x32xf32, #tpu.memory_space<vmem>>) offsets(%dma_start3A_2308 : memref<128xi32, #tpu.memory_space<vmem>>) semaphore(%arg12 : memref<!tpu.dma_semaphore, #tpu.memory_space<semaphore_mem>>)
        %dma_start3A_2312 = arith.constant 12 : i32
        %dma_start3A_2313 = arith.constant 1536 : i32
        %dma_start3A_2314 = arith.constant 0 : i32
        %dma_start3A_2315 = tpu.memref_slice %arg8[%dma_start3A_2313, %dma_start3A_2314] : memref<1664x32xf32, #tpu.memory_space<vmem>> -> memref<128x32xf32, #tpu.memory_space<vmem>>
        %dma_start3A_2316 = arith.constant 0 : i32
        %dma_start3A_2317 = tpu.memref_slice %arg6[%dma_start3A_2312, %dma_start3A_2316] : memref<13x128xi32, #tpu.memory_space<vmem>> -> memref<1x128xi32, #tpu.memory_space<vmem>>
        %dma_start3A_2318 = tpu.memref_squeeze %dma_start3A_2317 : memref<1x128xi32, #tpu.memory_space<vmem>> -> memref<128xi32, #tpu.memory_space<vmem>>
        %dma_start3A_2319 = arith.constant 0 : i32
        %dma_start3A_2320 = arith.constant 0 : i32
        %dma_start3A_2321 = tpu.memref_slice %arg3[%dma_start3A_2319, %dma_start3A_2320] : memref<2600000x32xf32, #tpu.memory_space<hbm>> -> memref<2600000x32xf32, #tpu.memory_space<hbm>>
        tpu.enqueue_indirect_dma source(%dma_start3A_2321 : memref<2600000x32xf32, #tpu.memory_space<hbm>>) target(%dma_start3A_2315 : memref<128x32xf32, #tpu.memory_space<vmem>>) offsets(%dma_start3A_2318 : memref<128xi32, #tpu.memory_space<vmem>>) semaphore(%arg12 : memref<!tpu.dma_semaphore, #tpu.memory_space<semaphore_mem>>)
        %ge3A_2322 = arith.constant 1 : i32
        %ge3A_2323 = arith.cmpi sge, %scan3A_579, %ge3A_2322 : i32
        %convert_element_type3A_2324 = arith.extui %ge3A_2323 : i1 to i32
        %cond3A_2325 = arith.constant 0 : i32
        %cond3A_2326 = arith.cmpi ne, %convert_element_type3A_2324, %cond3A_2325 : i32
        scf.if %cond3A_2326 {
          %dma_wait3A_2334 = arith.constant 0 : i32
          %dma_wait3A_2335 = arith.constant 0 : i32
          %dma_wait3A_2336 = arith.constant 0 : i32
          %dma_wait3A_2337 = tpu.memref_slice %arg9[%dma_wait3A_2335, %dma_wait3A_2336] : memref<1664x32xf32, #tpu.memory_space<vmem>> -> memref<128x32xf32, #tpu.memory_space<vmem>>
          %dma_wait3A_2338 = arith.constant 0 : i32
          %dma_wait3A_2339 = tpu.memref_slice %arg7[%dma_wait3A_2334, %dma_wait3A_2338] : memref<13x128xi32, #tpu.memory_space<vmem>> -> memref<1x128xi32, #tpu.memory_space<vmem>>
          %dma_wait3A_2340 = tpu.memref_squeeze %dma_wait3A_2339 : memref<1x128xi32, #tpu.memory_space<vmem>> -> memref<128xi32, #tpu.memory_space<vmem>>
          %dma_wait3A_2341 = arith.constant 0 : i32
          %dma_wait3A_2342 = arith.constant 0 : i32
          %dma_wait3A_2343 = tpu.memref_slice %arg3[%dma_wait3A_2341, %dma_wait3A_2342] : memref<2600000x32xf32, #tpu.memory_space<hbm>> -> memref<2600000x32xf32, #tpu.memory_space<hbm>>
          tpu.wait_indirect_dma semaphore(%arg13 : memref<!tpu.dma_semaphore, #tpu.memory_space<semaphore_mem>>) src(%dma_wait3A_2343 : memref<2600000x32xf32, #tpu.memory_space<hbm>>) dst(%dma_wait3A_2337 : memref<128x32xf32, #tpu.memory_space<vmem>>)
          %dma_wait3A_2344 = arith.constant 1 : i32
          %dma_wait3A_2345 = arith.constant 128 : i32
          %dma_wait3A_2346 = arith.constant 0 : i32
          %dma_wait3A_2347 = tpu.memref_slice %arg9[%dma_wait3A_2345, %dma_wait3A_2346] : memref<1664x32xf32, #tpu.memory_space<vmem>> -> memref<128x32xf32, #tpu.memory_space<vmem>>
          %dma_wait3A_2348 = arith.constant 0 : i32
          %dma_wait3A_2349 = tpu.memref_slice %arg7[%dma_wait3A_2344, %dma_wait3A_2348] : memref<13x128xi32, #tpu.memory_space<vmem>> -> memref<1x128xi32, #tpu.memory_space<vmem>>
          %dma_wait3A_2350 = tpu.memref_squeeze %dma_wait3A_2349 : memref<1x128xi32, #tpu.memory_space<vmem>> -> memref<128xi32, #tpu.memory_space<vmem>>
          %dma_wait3A_2351 = arith.constant 0 : i32
          %dma_wait3A_2352 = arith.constant 0 : i32
          %dma_wait3A_2353 = tpu.memref_slice %arg3[%dma_wait3A_2351, %dma_wait3A_2352] : memref<2600000x32xf32, #tpu.memory_space<hbm>> -> memref<2600000x32xf32, #tpu.memory_space<hbm>>
          tpu.wait_indirect_dma semaphore(%arg13 : memref<!tpu.dma_semaphore, #tpu.memory_space<semaphore_mem>>) src(%dma_wait3A_2353 : memref<2600000x32xf32, #tpu.memory_space<hbm>>) dst(%dma_wait3A_2347 : memref<128x32xf32, #tpu.memory_space<vmem>>)
          %dma_wait3A_2354 = arith.constant 2 : i32
          %dma_wait3A_2355 = arith.constant 256 : i32
          %dma_wait3A_2356 = arith.constant 0 : i32
          %dma_wait3A_2357 = tpu.memref_slice %arg9[%dma_wait3A_2355, %dma_wait3A_2356] : memref<1664x32xf32, #tpu.memory_space<vmem>> -> memref<128x32xf32, #tpu.memory_space<vmem>>
          %dma_wait3A_2358 = arith.constant 0 : i32
          %dma_wait3A_2359 = tpu.memref_slice %arg7[%dma_wait3A_2354, %dma_wait3A_2358] : memref<13x128xi32, #tpu.memory_space<vmem>> -> memref<1x128xi32, #tpu.memory_space<vmem>>
          %dma_wait3A_2360 = tpu.memref_squeeze %dma_wait3A_2359 : memref<1x128xi32, #tpu.memory_space<vmem>> -> memref<128xi32, #tpu.memory_space<vmem>>
          %dma_wait3A_2361 = arith.constant 0 : i32
          %dma_wait3A_2362 = arith.constant 0 : i32
          %dma_wait3A_2363 = tpu.memref_slice %arg3[%dma_wait3A_2361, %dma_wait3A_2362] : memref<2600000x32xf32, #tpu.memory_space<hbm>> -> memref<2600000x32xf32, #tpu.memory_space<hbm>>
          tpu.wait_indirect_dma semaphore(%arg13 : memref<!tpu.dma_semaphore, #tpu.memory_space<semaphore_mem>>) src(%dma_wait3A_2363 : memref<2600000x32xf32, #tpu.memory_space<hbm>>) dst(%dma_wait3A_2357 : memref<128x32xf32, #tpu.memory_space<vmem>>)
          %dma_wait3A_2364 = arith.constant 3 : i32
          %dma_wait3A_2365 = arith.constant 384 : i32
          %dma_wait3A_2366 = arith.constant 0 : i32
          %dma_wait3A_2367 = tpu.memref_slice %arg9[%dma_wait3A_2365, %dma_wait3A_2366] : memref<1664x32xf32, #tpu.memory_space<vmem>> -> memref<128x32xf32, #tpu.memory_space<vmem>>
          %dma_wait3A_2368 = arith.constant 0 : i32
          %dma_wait3A_2369 = tpu.memref_slice %arg7[%dma_wait3A_2364, %dma_wait3A_2368] : memref<13x128xi32, #tpu.memory_space<vmem>> -> memref<1x128xi32, #tpu.memory_space<vmem>>
          %dma_wait3A_2370 = tpu.memref_squeeze %dma_wait3A_2369 : memref<1x128xi32, #tpu.memory_space<vmem>> -> memref<128xi32, #tpu.memory_space<vmem>>
          %dma_wait3A_2371 = arith.constant 0 : i32
          %dma_wait3A_2372 = arith.constant 0 : i32
          %dma_wait3A_2373 = tpu.memref_slice %arg3[%dma_wait3A_2371, %dma_wait3A_2372] : memref<2600000x32xf32, #tpu.memory_space<hbm>> -> memref<2600000x32xf32, #tpu.memory_space<hbm>>
          tpu.wait_indirect_dma semaphore(%arg13 : memref<!tpu.dma_semaphore, #tpu.memory_space<semaphore_mem>>) src(%dma_wait3A_2373 : memref<2600000x32xf32, #tpu.memory_space<hbm>>) dst(%dma_wait3A_2367 : memref<128x32xf32, #tpu.memory_space<vmem>>)
          %dma_wait3A_2374 = arith.constant 4 : i32
          %dma_wait3A_2375 = arith.constant 512 : i32
          %dma_wait3A_2376 = arith.constant 0 : i32
          %dma_wait3A_2377 = tpu.memref_slice %arg9[%dma_wait3A_2375, %dma_wait3A_2376] : memref<1664x32xf32, #tpu.memory_space<vmem>> -> memref<128x32xf32, #tpu.memory_space<vmem>>
          %dma_wait3A_2378 = arith.constant 0 : i32
          %dma_wait3A_2379 = tpu.memref_slice %arg7[%dma_wait3A_2374, %dma_wait3A_2378] : memref<13x128xi32, #tpu.memory_space<vmem>> -> memref<1x128xi32, #tpu.memory_space<vmem>>
          %dma_wait3A_2380 = tpu.memref_squeeze %dma_wait3A_2379 : memref<1x128xi32, #tpu.memory_space<vmem>> -> memref<128xi32, #tpu.memory_space<vmem>>
          %dma_wait3A_2381 = arith.constant 0 : i32
          %dma_wait3A_2382 = arith.constant 0 : i32
          %dma_wait3A_2383 = tpu.memref_slice %arg3[%dma_wait3A_2381, %dma_wait3A_2382] : memref<2600000x32xf32, #tpu.memory_space<hbm>> -> memref<2600000x32xf32, #tpu.memory_space<hbm>>
          tpu.wait_indirect_dma semaphore(%arg13 : memref<!tpu.dma_semaphore, #tpu.memory_space<semaphore_mem>>) src(%dma_wait3A_2383 : memref<2600000x32xf32, #tpu.memory_space<hbm>>) dst(%dma_wait3A_2377 : memref<128x32xf32, #tpu.memory_space<vmem>>)
          %dma_wait3A_2384 = arith.constant 5 : i32
          %dma_wait3A_2385 = arith.constant 640 : i32
          %dma_wait3A_2386 = arith.constant 0 : i32
          %dma_wait3A_2387 = tpu.memref_slice %arg9[%dma_wait3A_2385, %dma_wait3A_2386] : memref<1664x32xf32, #tpu.memory_space<vmem>> -> memref<128x32xf32, #tpu.memory_space<vmem>>
          %dma_wait3A_2388 = arith.constant 0 : i32
          %dma_wait3A_2389 = tpu.memref_slice %arg7[%dma_wait3A_2384, %dma_wait3A_2388] : memref<13x128xi32, #tpu.memory_space<vmem>> -> memref<1x128xi32, #tpu.memory_space<vmem>>
          %dma_wait3A_2390 = tpu.memref_squeeze %dma_wait3A_2389 : memref<1x128xi32, #tpu.memory_space<vmem>> -> memref<128xi32, #tpu.memory_space<vmem>>
          %dma_wait3A_2391 = arith.constant 0 : i32
          %dma_wait3A_2392 = arith.constant 0 : i32
          %dma_wait3A_2393 = tpu.memref_slice %arg3[%dma_wait3A_2391, %dma_wait3A_2392] : memref<2600000x32xf32, #tpu.memory_space<hbm>> -> memref<2600000x32xf32, #tpu.memory_space<hbm>>
          tpu.wait_indirect_dma semaphore(%arg13 : memref<!tpu.dma_semaphore, #tpu.memory_space<semaphore_mem>>) src(%dma_wait3A_2393 : memref<2600000x32xf32, #tpu.memory_space<hbm>>) dst(%dma_wait3A_2387 : memref<128x32xf32, #tpu.memory_space<vmem>>)
          %dma_wait3A_2394 = arith.constant 6 : i32
          %dma_wait3A_2395 = arith.constant 768 : i32
          %dma_wait3A_2396 = arith.constant 0 : i32
          %dma_wait3A_2397 = tpu.memref_slice %arg9[%dma_wait3A_2395, %dma_wait3A_2396] : memref<1664x32xf32, #tpu.memory_space<vmem>> -> memref<128x32xf32, #tpu.memory_space<vmem>>
          %dma_wait3A_2398 = arith.constant 0 : i32
          %dma_wait3A_2399 = tpu.memref_slice %arg7[%dma_wait3A_2394, %dma_wait3A_2398] : memref<13x128xi32, #tpu.memory_space<vmem>> -> memref<1x128xi32, #tpu.memory_space<vmem>>
          %dma_wait3A_2400 = tpu.memref_squeeze %dma_wait3A_2399 : memref<1x128xi32, #tpu.memory_space<vmem>> -> memref<128xi32, #tpu.memory_space<vmem>>
          %dma_wait3A_2401 = arith.constant 0 : i32
          %dma_wait3A_2402 = arith.constant 0 : i32
          %dma_wait3A_2403 = tpu.memref_slice %arg3[%dma_wait3A_2401, %dma_wait3A_2402] : memref<2600000x32xf32, #tpu.memory_space<hbm>> -> memref<2600000x32xf32, #tpu.memory_space<hbm>>
          tpu.wait_indirect_dma semaphore(%arg13 : memref<!tpu.dma_semaphore, #tpu.memory_space<semaphore_mem>>) src(%dma_wait3A_2403 : memref<2600000x32xf32, #tpu.memory_space<hbm>>) dst(%dma_wait3A_2397 : memref<128x32xf32, #tpu.memory_space<vmem>>)
          %dma_wait3A_2404 = arith.constant 7 : i32
          %dma_wait3A_2405 = arith.constant 896 : i32
          %dma_wait3A_2406 = arith.constant 0 : i32
          %dma_wait3A_2407 = tpu.memref_slice %arg9[%dma_wait3A_2405, %dma_wait3A_2406] : memref<1664x32xf32, #tpu.memory_space<vmem>> -> memref<128x32xf32, #tpu.memory_space<vmem>>
          %dma_wait3A_2408 = arith.constant 0 : i32
          %dma_wait3A_2409 = tpu.memref_slice %arg7[%dma_wait3A_2404, %dma_wait3A_2408] : memref<13x128xi32, #tpu.memory_space<vmem>> -> memref<1x128xi32, #tpu.memory_space<vmem>>
          %dma_wait3A_2410 = tpu.memref_squeeze %dma_wait3A_2409 : memref<1x128xi32, #tpu.memory_space<vmem>> -> memref<128xi32, #tpu.memory_space<vmem>>
          %dma_wait3A_2411 = arith.constant 0 : i32
          %dma_wait3A_2412 = arith.constant 0 : i32
          %dma_wait3A_2413 = tpu.memref_slice %arg3[%dma_wait3A_2411, %dma_wait3A_2412] : memref<2600000x32xf32, #tpu.memory_space<hbm>> -> memref<2600000x32xf32, #tpu.memory_space<hbm>>
          tpu.wait_indirect_dma semaphore(%arg13 : memref<!tpu.dma_semaphore, #tpu.memory_space<semaphore_mem>>) src(%dma_wait3A_2413 : memref<2600000x32xf32, #tpu.memory_space<hbm>>) dst(%dma_wait3A_2407 : memref<128x32xf32, #tpu.memory_space<vmem>>)
          %dma_wait3A_2414 = arith.constant 8 : i32
          %dma_wait3A_2415 = arith.constant 1024 : i32
          %dma_wait3A_2416 = arith.constant 0 : i32
          %dma_wait3A_2417 = tpu.memref_slice %arg9[%dma_wait3A_2415, %dma_wait3A_2416] : memref<1664x32xf32, #tpu.memory_space<vmem>> -> memref<128x32xf32, #tpu.memory_space<vmem>>
          %dma_wait3A_2418 = arith.constant 0 : i32
          %dma_wait3A_2419 = tpu.memref_slice %arg7[%dma_wait3A_2414, %dma_wait3A_2418] : memref<13x128xi32, #tpu.memory_space<vmem>> -> memref<1x128xi32, #tpu.memory_space<vmem>>
          %dma_wait3A_2420 = tpu.memref_squeeze %dma_wait3A_2419 : memref<1x128xi32, #tpu.memory_space<vmem>> -> memref<128xi32, #tpu.memory_space<vmem>>
          %dma_wait3A_2421 = arith.constant 0 : i32
          %dma_wait3A_2422 = arith.constant 0 : i32
          %dma_wait3A_2423 = tpu.memref_slice %arg3[%dma_wait3A_2421, %dma_wait3A_2422] : memref<2600000x32xf32, #tpu.memory_space<hbm>> -> memref<2600000x32xf32, #tpu.memory_space<hbm>>
          tpu.wait_indirect_dma semaphore(%arg13 : memref<!tpu.dma_semaphore, #tpu.memory_space<semaphore_mem>>) src(%dma_wait3A_2423 : memref<2600000x32xf32, #tpu.memory_space<hbm>>) dst(%dma_wait3A_2417 : memref<128x32xf32, #tpu.memory_space<vmem>>)
          %dma_wait3A_2424 = arith.constant 9 : i32
          %dma_wait3A_2425 = arith.constant 1152 : i32
          %dma_wait3A_2426 = arith.constant 0 : i32
          %dma_wait3A_2427 = tpu.memref_slice %arg9[%dma_wait3A_2425, %dma_wait3A_2426] : memref<1664x32xf32, #tpu.memory_space<vmem>> -> memref<128x32xf32, #tpu.memory_space<vmem>>
          %dma_wait3A_2428 = arith.constant 0 : i32
          %dma_wait3A_2429 = tpu.memref_slice %arg7[%dma_wait3A_2424, %dma_wait3A_2428] : memref<13x128xi32, #tpu.memory_space<vmem>> -> memref<1x128xi32, #tpu.memory_space<vmem>>
          %dma_wait3A_2430 = tpu.memref_squeeze %dma_wait3A_2429 : memref<1x128xi32, #tpu.memory_space<vmem>> -> memref<128xi32, #tpu.memory_space<vmem>>
          %dma_wait3A_2431 = arith.constant 0 : i32
          %dma_wait3A_2432 = arith.constant 0 : i32
          %dma_wait3A_2433 = tpu.memref_slice %arg3[%dma_wait3A_2431, %dma_wait3A_2432] : memref<2600000x32xf32, #tpu.memory_space<hbm>> -> memref<2600000x32xf32, #tpu.memory_space<hbm>>
          tpu.wait_indirect_dma semaphore(%arg13 : memref<!tpu.dma_semaphore, #tpu.memory_space<semaphore_mem>>) src(%dma_wait3A_2433 : memref<2600000x32xf32, #tpu.memory_space<hbm>>) dst(%dma_wait3A_2427 : memref<128x32xf32, #tpu.memory_space<vmem>>)
          %dma_wait3A_2434 = arith.constant 10 : i32
          %dma_wait3A_2435 = arith.constant 1280 : i32
          %dma_wait3A_2436 = arith.constant 0 : i32
          %dma_wait3A_2437 = tpu.memref_slice %arg9[%dma_wait3A_2435, %dma_wait3A_2436] : memref<1664x32xf32, #tpu.memory_space<vmem>> -> memref<128x32xf32, #tpu.memory_space<vmem>>
          %dma_wait3A_2438 = arith.constant 0 : i32
          %dma_wait3A_2439 = tpu.memref_slice %arg7[%dma_wait3A_2434, %dma_wait3A_2438] : memref<13x128xi32, #tpu.memory_space<vmem>> -> memref<1x128xi32, #tpu.memory_space<vmem>>
          %dma_wait3A_2440 = tpu.memref_squeeze %dma_wait3A_2439 : memref<1x128xi32, #tpu.memory_space<vmem>> -> memref<128xi32, #tpu.memory_space<vmem>>
          %dma_wait3A_2441 = arith.constant 0 : i32
          %dma_wait3A_2442 = arith.constant 0 : i32
          %dma_wait3A_2443 = tpu.memref_slice %arg3[%dma_wait3A_2441, %dma_wait3A_2442] : memref<2600000x32xf32, #tpu.memory_space<hbm>> -> memref<2600000x32xf32, #tpu.memory_space<hbm>>
          tpu.wait_indirect_dma semaphore(%arg13 : memref<!tpu.dma_semaphore, #tpu.memory_space<semaphore_mem>>) src(%dma_wait3A_2443 : memref<2600000x32xf32, #tpu.memory_space<hbm>>) dst(%dma_wait3A_2437 : memref<128x32xf32, #tpu.memory_space<vmem>>)
          %dma_wait3A_2444 = arith.constant 11 : i32
          %dma_wait3A_2445 = arith.constant 1408 : i32
          %dma_wait3A_2446 = arith.constant 0 : i32
          %dma_wait3A_2447 = tpu.memref_slice %arg9[%dma_wait3A_2445, %dma_wait3A_2446] : memref<1664x32xf32, #tpu.memory_space<vmem>> -> memref<128x32xf32, #tpu.memory_space<vmem>>
          %dma_wait3A_2448 = arith.constant 0 : i32
          %dma_wait3A_2449 = tpu.memref_slice %arg7[%dma_wait3A_2444, %dma_wait3A_2448] : memref<13x128xi32, #tpu.memory_space<vmem>> -> memref<1x128xi32, #tpu.memory_space<vmem>>
          %dma_wait3A_2450 = tpu.memref_squeeze %dma_wait3A_2449 : memref<1x128xi32, #tpu.memory_space<vmem>> -> memref<128xi32, #tpu.memory_space<vmem>>
          %dma_wait3A_2451 = arith.constant 0 : i32
          %dma_wait3A_2452 = arith.constant 0 : i32
          %dma_wait3A_2453 = tpu.memref_slice %arg3[%dma_wait3A_2451, %dma_wait3A_2452] : memref<2600000x32xf32, #tpu.memory_space<hbm>> -> memref<2600000x32xf32, #tpu.memory_space<hbm>>
          tpu.wait_indirect_dma semaphore(%arg13 : memref<!tpu.dma_semaphore, #tpu.memory_space<semaphore_mem>>) src(%dma_wait3A_2453 : memref<2600000x32xf32, #tpu.memory_space<hbm>>) dst(%dma_wait3A_2447 : memref<128x32xf32, #tpu.memory_space<vmem>>)
          %dma_wait3A_2454 = arith.constant 12 : i32
          %dma_wait3A_2455 = arith.constant 1536 : i32
          %dma_wait3A_2456 = arith.constant 0 : i32
          %dma_wait3A_2457 = tpu.memref_slice %arg9[%dma_wait3A_2455, %dma_wait3A_2456] : memref<1664x32xf32, #tpu.memory_space<vmem>> -> memref<128x32xf32, #tpu.memory_space<vmem>>
          %dma_wait3A_2458 = arith.constant 0 : i32
          %dma_wait3A_2459 = tpu.memref_slice %arg7[%dma_wait3A_2454, %dma_wait3A_2458] : memref<13x128xi32, #tpu.memory_space<vmem>> -> memref<1x128xi32, #tpu.memory_space<vmem>>
          %dma_wait3A_2460 = tpu.memref_squeeze %dma_wait3A_2459 : memref<1x128xi32, #tpu.memory_space<vmem>> -> memref<128xi32, #tpu.memory_space<vmem>>
          %dma_wait3A_2461 = arith.constant 0 : i32
          %dma_wait3A_2462 = arith.constant 0 : i32
          %dma_wait3A_2463 = tpu.memref_slice %arg3[%dma_wait3A_2461, %dma_wait3A_2462] : memref<2600000x32xf32, #tpu.memory_space<hbm>> -> memref<2600000x32xf32, #tpu.memory_space<hbm>>
          tpu.wait_indirect_dma semaphore(%arg13 : memref<!tpu.dma_semaphore, #tpu.memory_space<semaphore_mem>>) src(%dma_wait3A_2463 : memref<2600000x32xf32, #tpu.memory_space<hbm>>) dst(%dma_wait3A_2457 : memref<128x32xf32, #tpu.memory_space<vmem>>)
          %sub3A_2464 = arith.constant 1 : i32
          %sub3A_2465 = arith.subi %add3A_620, %sub3A_2464 : i32
          %dma_start3A_2466 = arith.constant 0 : i32
          %dma_start3A_2467 = arith.constant 0 : i32
          %dma_start3A_2468 = tpu.memref_slice %arg4[%sub3A_2465, %dma_start3A_2466, %dma_start3A_2467] : memref<256x1664x32xf32, #tpu.memory_space<hbm>> -> memref<1x1664x32xf32, #tpu.memory_space<hbm>>
          %dma_start3A_2469 = tpu.memref_squeeze %dma_start3A_2468 : memref<1x1664x32xf32, #tpu.memory_space<hbm>> -> memref<1664x32xf32, #tpu.memory_space<hbm>>
          %dma_start3A_2470 = arith.constant 0 : i32
          %dma_start3A_2471 = arith.constant 0 : i32
          %dma_start3A_2472 = tpu.memref_slice %arg4[%sub3A_2465, %dma_start3A_2470, %dma_start3A_2471] : memref<256x1664x32xf32, #tpu.memory_space<hbm>> -> memref<1x1664x32xf32, #tpu.memory_space<hbm>>
          %dma_start3A_2473 = tpu.memref_squeeze %dma_start3A_2472 : memref<1x1664x32xf32, #tpu.memory_space<hbm>> -> memref<1664x32xf32, #tpu.memory_space<hbm>>
          tpu.enqueue_dma source(%arg9 : memref<1664x32xf32, #tpu.memory_space<vmem>>) target(%dma_start3A_2473 : memref<1664x32xf32, #tpu.memory_space<hbm>>) target_semaphore(%arg15 : memref<!tpu.dma_semaphore, #tpu.memory_space<semaphore_mem>>)
        } else {
        }
        %add3A_2327 = arith.constant 1 : i32
        %add3A_2328 = arith.addi %scan3A_579, %add3A_2327 : i32
        %lt3A_2329 = arith.constant 8 : i32
        %lt3A_2330 = arith.cmpi slt, %add3A_2328, %lt3A_2329 : i32
        %convert_element_type3A_2331 = arith.extui %lt3A_2330 : i1 to i32
        %cond3A_2332 = arith.constant 0 : i32
        %cond3A_2333 = arith.cmpi ne, %convert_element_type3A_2331, %cond3A_2332 : i32
        scf.if %cond3A_2333 {
          %add3A_2334 = arith.constant 1 : i32
          %add3A_2335 = arith.addi %add3A_620, %add3A_2334 : i32
          %dma_start3A_2336 = arith.constant 0 : i32
          %dma_start3A_2337 = arith.constant 0 : i32
          %dma_start3A_2338 = tpu.memref_slice %arg2[%add3A_2335, %dma_start3A_2336, %dma_start3A_2337] : memref<256x13x128xi32, #tpu.memory_space<hbm>> -> memref<1x13x128xi32, #tpu.memory_space<hbm>>
          %dma_start3A_2339 = tpu.memref_squeeze %dma_start3A_2338 : memref<1x13x128xi32, #tpu.memory_space<hbm>> -> memref<13x128xi32, #tpu.memory_space<hbm>>
          %dma_start3A_2340 = arith.constant 0 : i32
          %dma_start3A_2341 = arith.constant 0 : i32
          %dma_start3A_2342 = tpu.memref_slice %arg2[%add3A_2335, %dma_start3A_2340, %dma_start3A_2341] : memref<256x13x128xi32, #tpu.memory_space<hbm>> -> memref<1x13x128xi32, #tpu.memory_space<hbm>>
          %dma_start3A_2343 = tpu.memref_squeeze %dma_start3A_2342 : memref<1x13x128xi32, #tpu.memory_space<hbm>> -> memref<13x128xi32, #tpu.memory_space<hbm>>
          tpu.enqueue_dma source(%dma_start3A_2343 : memref<13x128xi32, #tpu.memory_space<hbm>>) target(%arg7 : memref<13x128xi32, #tpu.memory_space<vmem>>) target_semaphore(%arg11 : memref<!tpu.dma_semaphore, #tpu.memory_space<semaphore_mem>>)
        } else {
        }
      } else {
      }
      %jit3A_599 = arith.constant 2 : i32
      %eq3A_600 = arith.constant 0 : i32
      %eq3A_601 = arith.cmpi eq, %jit3A_599, %eq3A_600 : i32
      %jit3A_602 = arith.constant 1 : i32
      %select_n3A_603 = arith.select %eq3A_601, %jit3A_602, %jit3A_599 : i32
      %rem3A_604 = arith.remsi %scan3A_579, %select_n3A_603 : i32
      %ne3A_605 = arith.constant 0 : i32
      %ne3A_606 = arith.cmpi ne, %rem3A_604, %ne3A_605 : i32
      %lt3A_607 = arith.constant 0 : i32
      %lt3A_608 = arith.cmpi slt, %rem3A_604, %lt3A_607 : i32
      %lt3A_609 = arith.constant 0 : i32
      %lt3A_610 = arith.cmpi slt, %select_n3A_603, %lt3A_609 : i32
      %ne3A_611 = arith.xori %lt3A_608, %lt3A_610 : i1
      %and3A_612 = arith.andi %ne3A_611, %ne3A_606 : i1
      %add3A_613 = arith.addi %rem3A_604, %select_n3A_603 : i32
      %select_n3A_614 = arith.select %and3A_612, %add3A_613, %rem3A_604 : i32
      %eq3A_615 = arith.constant 1 : i32
      %eq3A_616 = arith.cmpi eq, %select_n3A_614, %eq3A_615 : i32
      %convert_element_type3A_617 = arith.extui %eq3A_616 : i1 to i32
      %cond3A_618 = arith.constant 0 : i32
      %cond3A_619 = arith.cmpi ne, %convert_element_type3A_617, %cond3A_618 : i32
      scf.if %cond3A_619 {
        %add3A_620 = arith.addi %mul3A_2, %scan3A_579 : i32
        %dma_wait3A_621 = arith.constant 0 : i32
        %dma_wait3A_622 = arith.constant 0 : i32
        %dma_wait3A_623 = tpu.memref_slice %arg2[%mul3A_2, %dma_wait3A_621, %dma_wait3A_622] : memref<256x13x128xi32, #tpu.memory_space<hbm>> -> memref<1x13x128xi32, #tpu.memory_space<hbm>>
        %dma_wait3A_624 = tpu.memref_squeeze %dma_wait3A_623 : memref<1x13x128xi32, #tpu.memory_space<hbm>> -> memref<13x128xi32, #tpu.memory_space<hbm>>
        %dma_wait3A_625 = arith.constant 0 : i32
        %dma_wait3A_626 = arith.constant 0 : i32
        %dma_wait3A_627 = tpu.memref_slice %arg2[%mul3A_2, %dma_wait3A_625, %dma_wait3A_626] : memref<256x13x128xi32, #tpu.memory_space<hbm>> -> memref<1x13x128xi32, #tpu.memory_space<hbm>>
        %dma_wait3A_628 = tpu.memref_squeeze %dma_wait3A_627 : memref<1x13x128xi32, #tpu.memory_space<hbm>> -> memref<13x128xi32, #tpu.memory_space<hbm>>
        tpu.wait_dma2 semaphore(%arg11 : memref<!tpu.dma_semaphore, #tpu.memory_space<semaphore_mem>>) src(%dma_wait3A_628 : memref<13x128xi32, #tpu.memory_space<hbm>>) dst(%arg7 : memref<13x128xi32, #tpu.memory_space<vmem>>)
        %get3A = arith.constant 0 : i32
        %get3A_629 = arith.index_cast %get3A : i32 to index
        %get3A_630 = arith.constant 0 : index
        %get3A_631 = tpu.vector_load %arg7[%get3A_629, %get3A_630] {strides = array<i32>} : memref<13x128xi32, #tpu.memory_space<vmem>>, vector<1x16xi32>,
        %get3A_632 = vector.shape_cast %get3A_631 : vector<1x16xi32> to vector<16xi32>
        %get3A_633 = arith.constant 0 : index
        %get3A_634 = tpu.vector_load %arg5[%get3A_633] {strides = array<i32>} : memref<208xi32, #tpu.memory_space<vmem>>, vector<16xi32>,
        %get3A_635 = vector.shape_cast %get3A_634 : vector<16xi32> to vector<16xi32>
        %add3A_636 = arith.addi %get3A_632, %get3A_635 : vector<16xi32>
        %swap3A_637 = arith.constant 0 : i32
        %swap3A_638 = arith.index_cast %swap3A_637 : i32 to index
        %swap3A_639 = arith.constant 0 : index
        %swap3A_640 = tpu.vector_load %arg7[%swap3A_638, %swap3A_639] {strides = array<i32>} : memref<13x128xi32, #tpu.memory_space<vmem>>, vector<1x16xi32>,
        %swap3A_641 = vector.shape_cast %swap3A_640 : vector<1x16xi32> to vector<16xi32>
        %swap3A_642 = vector.shape_cast %add3A_636 : vector<16xi32> to vector<1x16xi32>
        tpu.vector_store %arg7[%swap3A_638, %swap3A_639], %swap3A_642 {strides = array<i32>} : memref<13x128xi32, #tpu.memory_space<vmem>>, vector<1x16xi32>,
        %get3A_643 = arith.constant 0 : i32
        %get3A_644 = arith.index_cast %get3A_643 : i32 to index
        %get3A_645 = arith.constant 16 : index
        %get3A_646 = tpu.vector_load %arg7[%get3A_644, %get3A_645] {strides = array<i32>} : memref<13x128xi32, #tpu.memory_space<vmem>>, vector<1x16xi32>,
        %get3A_647 = vector.shape_cast %get3A_646 : vector<1x16xi32> to vector<16xi32>
        %get3A_648 = arith.constant 16 : index
        %get3A_649 = tpu.vector_load %arg5[%get3A_648] {strides = array<i32>} : memref<208xi32, #tpu.memory_space<vmem>>, vector<16xi32>,
        %get3A_650 = vector.shape_cast %get3A_649 : vector<16xi32> to vector<16xi32>
        %add3A_651 = arith.addi %get3A_647, %get3A_650 : vector<16xi32>
        %swap3A_652 = arith.constant 0 : i32
        %swap3A_653 = arith.index_cast %swap3A_652 : i32 to index
        %swap3A_654 = arith.constant 16 : index
        %swap3A_655 = tpu.vector_load %arg7[%swap3A_653, %swap3A_654] {strides = array<i32>} : memref<13x128xi32, #tpu.memory_space<vmem>>, vector<1x16xi32>,
        %swap3A_656 = vector.shape_cast %swap3A_655 : vector<1x16xi32> to vector<16xi32>
        %swap3A_657 = vector.shape_cast %add3A_651 : vector<16xi32> to vector<1x16xi32>
        tpu.vector_store %arg7[%swap3A_653, %swap3A_654], %swap3A_657 {strides = array<i32>} : memref<13x128xi32, #tpu.memory_space<vmem>>, vector<1x16xi32>,
        %get3A_658 = arith.constant 0 : i32
        %get3A_659 = arith.index_cast %get3A_658 : i32 to index
        %get3A_660 = arith.constant 32 : index
        %get3A_661 = tpu.vector_load %arg7[%get3A_659, %get3A_660] {strides = array<i32>} : memref<13x128xi32, #tpu.memory_space<vmem>>, vector<1x16xi32>,
        %get3A_662 = vector.shape_cast %get3A_661 : vector<1x16xi32> to vector<16xi32>
        %get3A_663 = arith.constant 32 : index
        %get3A_664 = tpu.vector_load %arg5[%get3A_663] {strides = array<i32>} : memref<208xi32, #tpu.memory_space<vmem>>, vector<16xi32>,
        %get3A_665 = vector.shape_cast %get3A_664 : vector<16xi32> to vector<16xi32>
        %add3A_666 = arith.addi %get3A_662, %get3A_665 : vector<16xi32>
        %swap3A_667 = arith.constant 0 : i32
        %swap3A_668 = arith.index_cast %swap3A_667 : i32 to index
        %swap3A_669 = arith.constant 32 : index
        %swap3A_670 = tpu.vector_load %arg7[%swap3A_668, %swap3A_669] {strides = array<i32>} : memref<13x128xi32, #tpu.memory_space<vmem>>, vector<1x16xi32>,
        %swap3A_671 = vector.shape_cast %swap3A_670 : vector<1x16xi32> to vector<16xi32>
        %swap3A_672 = vector.shape_cast %add3A_666 : vector<16xi32> to vector<1x16xi32>
        tpu.vector_store %arg7[%swap3A_668, %swap3A_669], %swap3A_672 {strides = array<i32>} : memref<13x128xi32, #tpu.memory_space<vmem>>, vector<1x16xi32>,
        %get3A_673 = arith.constant 0 : i32
        %get3A_674 = arith.index_cast %get3A_673 : i32 to index
        %get3A_675 = arith.constant 48 : index
        %get3A_676 = tpu.vector_load %arg7[%get3A_674, %get3A_675] {strides = array<i32>} : memref<13x128xi32, #tpu.memory_space<vmem>>, vector<1x16xi32>,
        %get3A_677 = vector.shape_cast %get3A_676 : vector<1x16xi32> to vector<16xi32>
        %get3A_678 = arith.constant 48 : index
        %get3A_679 = tpu.vector_load %arg5[%get3A_678] {strides = array<i32>} : memref<208xi32, #tpu.memory_space<vmem>>, vector<16xi32>,
        %get3A_680 = vector.shape_cast %get3A_679 : vector<16xi32> to vector<16xi32>
        %add3A_681 = arith.addi %get3A_677, %get3A_680 : vector<16xi32>
        %swap3A_682 = arith.constant 0 : i32
        %swap3A_683 = arith.index_cast %swap3A_682 : i32 to index
        %swap3A_684 = arith.constant 48 : index
        %swap3A_685 = tpu.vector_load %arg7[%swap3A_683, %swap3A_684] {strides = array<i32>} : memref<13x128xi32, #tpu.memory_space<vmem>>, vector<1x16xi32>,
        %swap3A_686 = vector.shape_cast %swap3A_685 : vector<1x16xi32> to vector<16xi32>
        %swap3A_687 = vector.shape_cast %add3A_681 : vector<16xi32> to vector<1x16xi32>
        tpu.vector_store %arg7[%swap3A_683, %swap3A_684], %swap3A_687 {strides = array<i32>} : memref<13x128xi32, #tpu.memory_space<vmem>>, vector<1x16xi32>,
        %get3A_688 = arith.constant 0 : i32
        %get3A_689 = arith.index_cast %get3A_688 : i32 to index
        %get3A_690 = arith.constant 64 : index
        %get3A_691 = tpu.vector_load %arg7[%get3A_689, %get3A_690] {strides = array<i32>} : memref<13x128xi32, #tpu.memory_space<vmem>>, vector<1x16xi32>,
        %get3A_692 = vector.shape_cast %get3A_691 : vector<1x16xi32> to vector<16xi32>
        %get3A_693 = arith.constant 64 : index
        %get3A_694 = tpu.vector_load %arg5[%get3A_693] {strides = array<i32>} : memref<208xi32, #tpu.memory_space<vmem>>, vector<16xi32>,
        %get3A_695 = vector.shape_cast %get3A_694 : vector<16xi32> to vector<16xi32>
        %add3A_696 = arith.addi %get3A_692, %get3A_695 : vector<16xi32>
        %swap3A_697 = arith.constant 0 : i32
        %swap3A_698 = arith.index_cast %swap3A_697 : i32 to index
        %swap3A_699 = arith.constant 64 : index
        %swap3A_700 = tpu.vector_load %arg7[%swap3A_698, %swap3A_699] {strides = array<i32>} : memref<13x128xi32, #tpu.memory_space<vmem>>, vector<1x16xi32>,
        %swap3A_701 = vector.shape_cast %swap3A_700 : vector<1x16xi32> to vector<16xi32>
        %swap3A_702 = vector.shape_cast %add3A_696 : vector<16xi32> to vector<1x16xi32>
        tpu.vector_store %arg7[%swap3A_698, %swap3A_699], %swap3A_702 {strides = array<i32>} : memref<13x128xi32, #tpu.memory_space<vmem>>, vector<1x16xi32>,
        %get3A_703 = arith.constant 0 : i32
        %get3A_704 = arith.index_cast %get3A_703 : i32 to index
        %get3A_705 = arith.constant 80 : index
        %get3A_706 = tpu.vector_load %arg7[%get3A_704, %get3A_705] {strides = array<i32>} : memref<13x128xi32, #tpu.memory_space<vmem>>, vector<1x16xi32>,
        %get3A_707 = vector.shape_cast %get3A_706 : vector<1x16xi32> to vector<16xi32>
        %get3A_708 = arith.constant 80 : index
        %get3A_709 = tpu.vector_load %arg5[%get3A_708] {strides = array<i32>} : memref<208xi32, #tpu.memory_space<vmem>>, vector<16xi32>,
        %get3A_710 = vector.shape_cast %get3A_709 : vector<16xi32> to vector<16xi32>
        %add3A_711 = arith.addi %get3A_707, %get3A_710 : vector<16xi32>
        %swap3A_712 = arith.constant 0 : i32
        %swap3A_713 = arith.index_cast %swap3A_712 : i32 to index
        %swap3A_714 = arith.constant 80 : index
        %swap3A_715 = tpu.vector_load %arg7[%swap3A_713, %swap3A_714] {strides = array<i32>} : memref<13x128xi32, #tpu.memory_space<vmem>>, vector<1x16xi32>,
        %swap3A_716 = vector.shape_cast %swap3A_715 : vector<1x16xi32> to vector<16xi32>
        %swap3A_717 = vector.shape_cast %add3A_711 : vector<16xi32> to vector<1x16xi32>
        tpu.vector_store %arg7[%swap3A_713, %swap3A_714], %swap3A_717 {strides = array<i32>} : memref<13x128xi32, #tpu.memory_space<vmem>>, vector<1x16xi32>,
        %get3A_718 = arith.constant 0 : i32
        %get3A_719 = arith.index_cast %get3A_718 : i32 to index
        %get3A_720 = arith.constant 96 : index
        %get3A_721 = tpu.vector_load %arg7[%get3A_719, %get3A_720] {strides = array<i32>} : memref<13x128xi32, #tpu.memory_space<vmem>>, vector<1x16xi32>,
        %get3A_722 = vector.shape_cast %get3A_721 : vector<1x16xi32> to vector<16xi32>
        %get3A_723 = arith.constant 96 : index
        %get3A_724 = tpu.vector_load %arg5[%get3A_723] {strides = array<i32>} : memref<208xi32, #tpu.memory_space<vmem>>, vector<16xi32>,
        %get3A_725 = vector.shape_cast %get3A_724 : vector<16xi32> to vector<16xi32>
        %add3A_726 = arith.addi %get3A_722, %get3A_725 : vector<16xi32>
        %swap3A_727 = arith.constant 0 : i32
        %swap3A_728 = arith.index_cast %swap3A_727 : i32 to index
        %swap3A_729 = arith.constant 96 : index
        %swap3A_730 = tpu.vector_load %arg7[%swap3A_728, %swap3A_729] {strides = array<i32>} : memref<13x128xi32, #tpu.memory_space<vmem>>, vector<1x16xi32>,
        %swap3A_731 = vector.shape_cast %swap3A_730 : vector<1x16xi32> to vector<16xi32>
        %swap3A_732 = vector.shape_cast %add3A_726 : vector<16xi32> to vector<1x16xi32>
        tpu.vector_store %arg7[%swap3A_728, %swap3A_729], %swap3A_732 {strides = array<i32>} : memref<13x128xi32, #tpu.memory_space<vmem>>, vector<1x16xi32>,
        %get3A_733 = arith.constant 0 : i32
        %get3A_734 = arith.index_cast %get3A_733 : i32 to index
        %get3A_735 = arith.constant 112 : index
        %get3A_736 = tpu.vector_load %arg7[%get3A_734, %get3A_735] {strides = array<i32>} : memref<13x128xi32, #tpu.memory_space<vmem>>, vector<1x16xi32>,
        %get3A_737 = vector.shape_cast %get3A_736 : vector<1x16xi32> to vector<16xi32>
        %get3A_738 = arith.constant 112 : index
        %get3A_739 = tpu.vector_load %arg5[%get3A_738] {strides = array<i32>} : memref<208xi32, #tpu.memory_space<vmem>>, vector<16xi32>,
        %get3A_740 = vector.shape_cast %get3A_739 : vector<16xi32> to vector<16xi32>
        %add3A_741 = arith.addi %get3A_737, %get3A_740 : vector<16xi32>
        %swap3A_742 = arith.constant 0 : i32
        %swap3A_743 = arith.index_cast %swap3A_742 : i32 to index
        %swap3A_744 = arith.constant 112 : index
        %swap3A_745 = tpu.vector_load %arg7[%swap3A_743, %swap3A_744] {strides = array<i32>} : memref<13x128xi32, #tpu.memory_space<vmem>>, vector<1x16xi32>,
        %swap3A_746 = vector.shape_cast %swap3A_745 : vector<1x16xi32> to vector<16xi32>
        %swap3A_747 = vector.shape_cast %add3A_741 : vector<16xi32> to vector<1x16xi32>
        tpu.vector_store %arg7[%swap3A_743, %swap3A_744], %swap3A_747 {strides = array<i32>} : memref<13x128xi32, #tpu.memory_space<vmem>>, vector<1x16xi32>,
        %get3A_748 = arith.constant 1 : i32
        %get3A_749 = arith.index_cast %get3A_748 : i32 to index
        %get3A_750 = arith.constant 0 : index
        %get3A_751 = tpu.vector_load %arg7[%get3A_749, %get3A_750] {strides = array<i32>} : memref<13x128xi32, #tpu.memory_space<vmem>>, vector<1x16xi32>,
        %get3A_752 = vector.shape_cast %get3A_751 : vector<1x16xi32> to vector<16xi32>
        %get3A_753 = arith.constant 128 : index
        %get3A_754 = tpu.vector_load %arg5[%get3A_753] {strides = array<i32>} : memref<208xi32, #tpu.memory_space<vmem>>, vector<16xi32>,
        %get3A_755 = vector.shape_cast %get3A_754 : vector<16xi32> to vector<16xi32>
        %add3A_756 = arith.addi %get3A_752, %get3A_755 : vector<16xi32>
        %swap3A_757 = arith.constant 1 : i32
        %swap3A_758 = arith.index_cast %swap3A_757 : i32 to index
        %swap3A_759 = arith.constant 0 : index
        %swap3A_760 = tpu.vector_load %arg7[%swap3A_758, %swap3A_759] {strides = array<i32>} : memref<13x128xi32, #tpu.memory_space<vmem>>, vector<1x16xi32>,
        %swap3A_761 = vector.shape_cast %swap3A_760 : vector<1x16xi32> to vector<16xi32>
        %swap3A_762 = vector.shape_cast %add3A_756 : vector<16xi32> to vector<1x16xi32>
        tpu.vector_store %arg7[%swap3A_758, %swap3A_759], %swap3A_762 {strides = array<i32>} : memref<13x128xi32, #tpu.memory_space<vmem>>, vector<1x16xi32>,
        %get3A_763 = arith.constant 1 : i32
        %get3A_764 = arith.index_cast %get3A_763 : i32 to index
        %get3A_765 = arith.constant 16 : index
        %get3A_766 = tpu.vector_load %arg7[%get3A_764, %get3A_765] {strides = array<i32>} : memref<13x128xi32, #tpu.memory_space<vmem>>, vector<1x16xi32>,
        %get3A_767 = vector.shape_cast %get3A_766 : vector<1x16xi32> to vector<16xi32>
        %get3A_768 = arith.constant 144 : index
        %get3A_769 = tpu.vector_load %arg5[%get3A_768] {strides = array<i32>} : memref<208xi32, #tpu.memory_space<vmem>>, vector<16xi32>,
        %get3A_770 = vector.shape_cast %get3A_769 : vector<16xi32> to vector<16xi32>
        %add3A_771 = arith.addi %get3A_767, %get3A_770 : vector<16xi32>
        %swap3A_772 = arith.constant 1 : i32
        %swap3A_773 = arith.index_cast %swap3A_772 : i32 to index
        %swap3A_774 = arith.constant 16 : index
        %swap3A_775 = tpu.vector_load %arg7[%swap3A_773, %swap3A_774] {strides = array<i32>} : memref<13x128xi32, #tpu.memory_space<vmem>>, vector<1x16xi32>,
        %swap3A_776 = vector.shape_cast %swap3A_775 : vector<1x16xi32> to vector<16xi32>
        %swap3A_777 = vector.shape_cast %add3A_771 : vector<16xi32> to vector<1x16xi32>
        tpu.vector_store %arg7[%swap3A_773, %swap3A_774], %swap3A_777 {strides = array<i32>} : memref<13x128xi32, #tpu.memory_space<vmem>>, vector<1x16xi32>,
        %get3A_778 = arith.constant 1 : i32
        %get3A_779 = arith.index_cast %get3A_778 : i32 to index
        %get3A_780 = arith.constant 32 : index
        %get3A_781 = tpu.vector_load %arg7[%get3A_779, %get3A_780] {strides = array<i32>} : memref<13x128xi32, #tpu.memory_space<vmem>>, vector<1x16xi32>,
        %get3A_782 = vector.shape_cast %get3A_781 : vector<1x16xi32> to vector<16xi32>
        %get3A_783 = arith.constant 160 : index
        %get3A_784 = tpu.vector_load %arg5[%get3A_783] {strides = array<i32>} : memref<208xi32, #tpu.memory_space<vmem>>, vector<16xi32>,
        %get3A_785 = vector.shape_cast %get3A_784 : vector<16xi32> to vector<16xi32>
        %add3A_786 = arith.addi %get3A_782, %get3A_785 : vector<16xi32>
        %swap3A_787 = arith.constant 1 : i32
        %swap3A_788 = arith.index_cast %swap3A_787 : i32 to index
        %swap3A_789 = arith.constant 32 : index
        %swap3A_790 = tpu.vector_load %arg7[%swap3A_788, %swap3A_789] {strides = array<i32>} : memref<13x128xi32, #tpu.memory_space<vmem>>, vector<1x16xi32>,
        %swap3A_791 = vector.shape_cast %swap3A_790 : vector<1x16xi32> to vector<16xi32>
        %swap3A_792 = vector.shape_cast %add3A_786 : vector<16xi32> to vector<1x16xi32>
        tpu.vector_store %arg7[%swap3A_788, %swap3A_789], %swap3A_792 {strides = array<i32>} : memref<13x128xi32, #tpu.memory_space<vmem>>, vector<1x16xi32>,
        %get3A_793 = arith.constant 1 : i32
        %get3A_794 = arith.index_cast %get3A_793 : i32 to index
        %get3A_795 = arith.constant 48 : index
        %get3A_796 = tpu.vector_load %arg7[%get3A_794, %get3A_795] {strides = array<i32>} : memref<13x128xi32, #tpu.memory_space<vmem>>, vector<1x16xi32>,
        %get3A_797 = vector.shape_cast %get3A_796 : vector<1x16xi32> to vector<16xi32>
        %get3A_798 = arith.constant 176 : index
        %get3A_799 = tpu.vector_load %arg5[%get3A_798] {strides = array<i32>} : memref<208xi32, #tpu.memory_space<vmem>>, vector<16xi32>,
        %get3A_800 = vector.shape_cast %get3A_799 : vector<16xi32> to vector<16xi32>
        %add3A_801 = arith.addi %get3A_797, %get3A_800 : vector<16xi32>
        %swap3A_802 = arith.constant 1 : i32
        %swap3A_803 = arith.index_cast %swap3A_802 : i32 to index
        %swap3A_804 = arith.constant 48 : index
        %swap3A_805 = tpu.vector_load %arg7[%swap3A_803, %swap3A_804] {strides = array<i32>} : memref<13x128xi32, #tpu.memory_space<vmem>>, vector<1x16xi32>,
        %swap3A_806 = vector.shape_cast %swap3A_805 : vector<1x16xi32> to vector<16xi32>
        %swap3A_807 = vector.shape_cast %add3A_801 : vector<16xi32> to vector<1x16xi32>
        tpu.vector_store %arg7[%swap3A_803, %swap3A_804], %swap3A_807 {strides = array<i32>} : memref<13x128xi32, #tpu.memory_space<vmem>>, vector<1x16xi32>,
        %get3A_808 = arith.constant 1 : i32
        %get3A_809 = arith.index_cast %get3A_808 : i32 to index
        %get3A_810 = arith.constant 64 : index
        %get3A_811 = tpu.vector_load %arg7[%get3A_809, %get3A_810] {strides = array<i32>} : memref<13x128xi32, #tpu.memory_space<vmem>>, vector<1x16xi32>,
        %get3A_812 = vector.shape_cast %get3A_811 : vector<1x16xi32> to vector<16xi32>
        %get3A_813 = arith.constant 192 : index
        %get3A_814 = tpu.vector_load %arg5[%get3A_813] {strides = array<i32>} : memref<208xi32, #tpu.memory_space<vmem>>, vector<16xi32>,
        %get3A_815 = vector.shape_cast %get3A_814 : vector<16xi32> to vector<16xi32>
        %add3A_816 = arith.addi %get3A_812, %get3A_815 : vector<16xi32>
        %swap3A_817 = arith.constant 1 : i32
        %swap3A_818 = arith.index_cast %swap3A_817 : i32 to index
        %swap3A_819 = arith.constant 64 : index
        %swap3A_820 = tpu.vector_load %arg7[%swap3A_818, %swap3A_819] {strides = array<i32>} : memref<13x128xi32, #tpu.memory_space<vmem>>, vector<1x16xi32>,
        %swap3A_821 = vector.shape_cast %swap3A_820 : vector<1x16xi32> to vector<16xi32>
        %swap3A_822 = vector.shape_cast %add3A_816 : vector<16xi32> to vector<1x16xi32>
        tpu.vector_store %arg7[%swap3A_818, %swap3A_819], %swap3A_822 {strides = array<i32>} : memref<13x128xi32, #tpu.memory_space<vmem>>, vector<1x16xi32>,
        %get3A_823 = arith.constant 1 : i32
        %get3A_824 = arith.index_cast %get3A_823 : i32 to index
        %get3A_825 = arith.constant 80 : index
        %get3A_826 = tpu.vector_load %arg7[%get3A_824, %get3A_825] {strides = array<i32>} : memref<13x128xi32, #tpu.memory_space<vmem>>, vector<1x16xi32>,
        %get3A_827 = vector.shape_cast %get3A_826 : vector<1x16xi32> to vector<16xi32>
        %get3A_828 = arith.constant 0 : index
        %get3A_829 = tpu.vector_load %arg5[%get3A_828] {strides = array<i32>} : memref<208xi32, #tpu.memory_space<vmem>>, vector<16xi32>,
        %get3A_830 = vector.shape_cast %get3A_829 : vector<16xi32> to vector<16xi32>
        %add3A_831 = arith.addi %get3A_827, %get3A_830 : vector<16xi32>
        %swap3A_832 = arith.constant 1 : i32
        %swap3A_833 = arith.index_cast %swap3A_832 : i32 to index
        %swap3A_834 = arith.constant 80 : index
        %swap3A_835 = tpu.vector_load %arg7[%swap3A_833, %swap3A_834] {strides = array<i32>} : memref<13x128xi32, #tpu.memory_space<vmem>>, vector<1x16xi32>,
        %swap3A_836 = vector.shape_cast %swap3A_835 : vector<1x16xi32> to vector<16xi32>
        %swap3A_837 = vector.shape_cast %add3A_831 : vector<16xi32> to vector<1x16xi32>
        tpu.vector_store %arg7[%swap3A_833, %swap3A_834], %swap3A_837 {strides = array<i32>} : memref<13x128xi32, #tpu.memory_space<vmem>>, vector<1x16xi32>,
        %get3A_838 = arith.constant 1 : i32
        %get3A_839 = arith.index_cast %get3A_838 : i32 to index
        %get3A_840 = arith.constant 96 : index
        %get3A_841 = tpu.vector_load %arg7[%get3A_839, %get3A_840] {strides = array<i32>} : memref<13x128xi32, #tpu.memory_space<vmem>>, vector<1x16xi32>,
        %get3A_842 = vector.shape_cast %get3A_841 : vector<1x16xi32> to vector<16xi32>
        %get3A_843 = arith.constant 16 : index
        %get3A_844 = tpu.vector_load %arg5[%get3A_843] {strides = array<i32>} : memref<208xi32, #tpu.memory_space<vmem>>, vector<16xi32>,
        %get3A_845 = vector.shape_cast %get3A_844 : vector<16xi32> to vector<16xi32>
        %add3A_846 = arith.addi %get3A_842, %get3A_845 : vector<16xi32>
        %swap3A_847 = arith.constant 1 : i32
        %swap3A_848 = arith.index_cast %swap3A_847 : i32 to index
        %swap3A_849 = arith.constant 96 : index
        %swap3A_850 = tpu.vector_load %arg7[%swap3A_848, %swap3A_849] {strides = array<i32>} : memref<13x128xi32, #tpu.memory_space<vmem>>, vector<1x16xi32>,
        %swap3A_851 = vector.shape_cast %swap3A_850 : vector<1x16xi32> to vector<16xi32>
        %swap3A_852 = vector.shape_cast %add3A_846 : vector<16xi32> to vector<1x16xi32>
        tpu.vector_store %arg7[%swap3A_848, %swap3A_849], %swap3A_852 {strides = array<i32>} : memref<13x128xi32, #tpu.memory_space<vmem>>, vector<1x16xi32>,
        %get3A_853 = arith.constant 1 : i32
        %get3A_854 = arith.index_cast %get3A_853 : i32 to index
        %get3A_855 = arith.constant 112 : index
        %get3A_856 = tpu.vector_load %arg7[%get3A_854, %get3A_855] {strides = array<i32>} : memref<13x128xi32, #tpu.memory_space<vmem>>, vector<1x16xi32>,
        %get3A_857 = vector.shape_cast %get3A_856 : vector<1x16xi32> to vector<16xi32>
        %get3A_858 = arith.constant 32 : index
        %get3A_859 = tpu.vector_load %arg5[%get3A_858] {strides = array<i32>} : memref<208xi32, #tpu.memory_space<vmem>>, vector<16xi32>,
        %get3A_860 = vector.shape_cast %get3A_859 : vector<16xi32> to vector<16xi32>
        %add3A_861 = arith.addi %get3A_857, %get3A_860 : vector<16xi32>
        %swap3A_862 = arith.constant 1 : i32
        %swap3A_863 = arith.index_cast %swap3A_862 : i32 to index
        %swap3A_864 = arith.constant 112 : index
        %swap3A_865 = tpu.vector_load %arg7[%swap3A_863, %swap3A_864] {strides = array<i32>} : memref<13x128xi32, #tpu.memory_space<vmem>>, vector<1x16xi32>,
        %swap3A_866 = vector.shape_cast %swap3A_865 : vector<1x16xi32> to vector<16xi32>
        %swap3A_867 = vector.shape_cast %add3A_861 : vector<16xi32> to vector<1x16xi32>
        tpu.vector_store %arg7[%swap3A_863, %swap3A_864], %swap3A_867 {strides = array<i32>} : memref<13x128xi32, #tpu.memory_space<vmem>>, vector<1x16xi32>,
        %get3A_868 = arith.constant 2 : i32
        %get3A_869 = arith.index_cast %get3A_868 : i32 to index
        %get3A_870 = arith.constant 0 : index
        %get3A_871 = tpu.vector_load %arg7[%get3A_869, %get3A_870] {strides = array<i32>} : memref<13x128xi32, #tpu.memory_space<vmem>>, vector<1x16xi32>,
        %get3A_872 = vector.shape_cast %get3A_871 : vector<1x16xi32> to vector<16xi32>
        %get3A_873 = arith.constant 48 : index
        %get3A_874 = tpu.vector_load %arg5[%get3A_873] {strides = array<i32>} : memref<208xi32, #tpu.memory_space<vmem>>, vector<16xi32>,
        %get3A_875 = vector.shape_cast %get3A_874 : vector<16xi32> to vector<16xi32>
        %add3A_876 = arith.addi %get3A_872, %get3A_875 : vector<16xi32>
        %swap3A_877 = arith.constant 2 : i32
        %swap3A_878 = arith.index_cast %swap3A_877 : i32 to index
        %swap3A_879 = arith.constant 0 : index
        %swap3A_880 = tpu.vector_load %arg7[%swap3A_878, %swap3A_879] {strides = array<i32>} : memref<13x128xi32, #tpu.memory_space<vmem>>, vector<1x16xi32>,
        %swap3A_881 = vector.shape_cast %swap3A_880 : vector<1x16xi32> to vector<16xi32>
        %swap3A_882 = vector.shape_cast %add3A_876 : vector<16xi32> to vector<1x16xi32>
        tpu.vector_store %arg7[%swap3A_878, %swap3A_879], %swap3A_882 {strides = array<i32>} : memref<13x128xi32, #tpu.memory_space<vmem>>, vector<1x16xi32>,
        %get3A_883 = arith.constant 2 : i32
        %get3A_884 = arith.index_cast %get3A_883 : i32 to index
        %get3A_885 = arith.constant 16 : index
        %get3A_886 = tpu.vector_load %arg7[%get3A_884, %get3A_885] {strides = array<i32>} : memref<13x128xi32, #tpu.memory_space<vmem>>, vector<1x16xi32>,
        %get3A_887 = vector.shape_cast %get3A_886 : vector<1x16xi32> to vector<16xi32>
        %get3A_888 = arith.constant 64 : index
        %get3A_889 = tpu.vector_load %arg5[%get3A_888] {strides = array<i32>} : memref<208xi32, #tpu.memory_space<vmem>>, vector<16xi32>,
        %get3A_890 = vector.shape_cast %get3A_889 : vector<16xi32> to vector<16xi32>
        %add3A_891 = arith.addi %get3A_887, %get3A_890 : vector<16xi32>
        %swap3A_892 = arith.constant 2 : i32
        %swap3A_893 = arith.index_cast %swap3A_892 : i32 to index
        %swap3A_894 = arith.constant 16 : index
        %swap3A_895 = tpu.vector_load %arg7[%swap3A_893, %swap3A_894] {strides = array<i32>} : memref<13x128xi32, #tpu.memory_space<vmem>>, vector<1x16xi32>,
        %swap3A_896 = vector.shape_cast %swap3A_895 : vector<1x16xi32> to vector<16xi32>
        %swap3A_897 = vector.shape_cast %add3A_891 : vector<16xi32> to vector<1x16xi32>
        tpu.vector_store %arg7[%swap3A_893, %swap3A_894], %swap3A_897 {strides = array<i32>} : memref<13x128xi32, #tpu.memory_space<vmem>>, vector<1x16xi32>,
        %get3A_898 = arith.constant 2 : i32
        %get3A_899 = arith.index_cast %get3A_898 : i32 to index
        %get3A_900 = arith.constant 32 : index
        %get3A_901 = tpu.vector_load %arg7[%get3A_899, %get3A_900] {strides = array<i32>} : memref<13x128xi32, #tpu.memory_space<vmem>>, vector<1x16xi32>,
        %get3A_902 = vector.shape_cast %get3A_901 : vector<1x16xi32> to vector<16xi32>
        %get3A_903 = arith.constant 80 : index
        %get3A_904 = tpu.vector_load %arg5[%get3A_903] {strides = array<i32>} : memref<208xi32, #tpu.memory_space<vmem>>, vector<16xi32>,
        %get3A_905 = vector.shape_cast %get3A_904 : vector<16xi32> to vector<16xi32>
        %add3A_906 = arith.addi %get3A_902, %get3A_905 : vector<16xi32>
        %swap3A_907 = arith.constant 2 : i32
        %swap3A_908 = arith.index_cast %swap3A_907 : i32 to index
        %swap3A_909 = arith.constant 32 : index
        %swap3A_910 = tpu.vector_load %arg7[%swap3A_908, %swap3A_909] {strides = array<i32>} : memref<13x128xi32, #tpu.memory_space<vmem>>, vector<1x16xi32>,
        %swap3A_911 = vector.shape_cast %swap3A_910 : vector<1x16xi32> to vector<16xi32>
        %swap3A_912 = vector.shape_cast %add3A_906 : vector<16xi32> to vector<1x16xi32>
        tpu.vector_store %arg7[%swap3A_908, %swap3A_909], %swap3A_912 {strides = array<i32>} : memref<13x128xi32, #tpu.memory_space<vmem>>, vector<1x16xi32>,
        %get3A_913 = arith.constant 2 : i32
        %get3A_914 = arith.index_cast %get3A_913 : i32 to index
        %get3A_915 = arith.constant 48 : index
        %get3A_916 = tpu.vector_load %arg7[%get3A_914, %get3A_915] {strides = array<i32>} : memref<13x128xi32, #tpu.memory_space<vmem>>, vector<1x16xi32>,
        %get3A_917 = vector.shape_cast %get3A_916 : vector<1x16xi32> to vector<16xi32>
        %get3A_918 = arith.constant 96 : index
        %get3A_919 = tpu.vector_load %arg5[%get3A_918] {strides = array<i32>} : memref<208xi32, #tpu.memory_space<vmem>>, vector<16xi32>,
        %get3A_920 = vector.shape_cast %get3A_919 : vector<16xi32> to vector<16xi32>
        %add3A_921 = arith.addi %get3A_917, %get3A_920 : vector<16xi32>
        %swap3A_922 = arith.constant 2 : i32
        %swap3A_923 = arith.index_cast %swap3A_922 : i32 to index
        %swap3A_924 = arith.constant 48 : index
        %swap3A_925 = tpu.vector_load %arg7[%swap3A_923, %swap3A_924] {strides = array<i32>} : memref<13x128xi32, #tpu.memory_space<vmem>>, vector<1x16xi32>,
        %swap3A_926 = vector.shape_cast %swap3A_925 : vector<1x16xi32> to vector<16xi32>
        %swap3A_927 = vector.shape_cast %add3A_921 : vector<16xi32> to vector<1x16xi32>
        tpu.vector_store %arg7[%swap3A_923, %swap3A_924], %swap3A_927 {strides = array<i32>} : memref<13x128xi32, #tpu.memory_space<vmem>>, vector<1x16xi32>,
        %get3A_928 = arith.constant 2 : i32
        %get3A_929 = arith.index_cast %get3A_928 : i32 to index
        %get3A_930 = arith.constant 64 : index
        %get3A_931 = tpu.vector_load %arg7[%get3A_929, %get3A_930] {strides = array<i32>} : memref<13x128xi32, #tpu.memory_space<vmem>>, vector<1x16xi32>,
        %get3A_932 = vector.shape_cast %get3A_931 : vector<1x16xi32> to vector<16xi32>
        %get3A_933 = arith.constant 112 : index
        %get3A_934 = tpu.vector_load %arg5[%get3A_933] {strides = array<i32>} : memref<208xi32, #tpu.memory_space<vmem>>, vector<16xi32>,
        %get3A_935 = vector.shape_cast %get3A_934 : vector<16xi32> to vector<16xi32>
        %add3A_936 = arith.addi %get3A_932, %get3A_935 : vector<16xi32>
        %swap3A_937 = arith.constant 2 : i32
        %swap3A_938 = arith.index_cast %swap3A_937 : i32 to index
        %swap3A_939 = arith.constant 64 : index
        %swap3A_940 = tpu.vector_load %arg7[%swap3A_938, %swap3A_939] {strides = array<i32>} : memref<13x128xi32, #tpu.memory_space<vmem>>, vector<1x16xi32>,
        %swap3A_941 = vector.shape_cast %swap3A_940 : vector<1x16xi32> to vector<16xi32>
        %swap3A_942 = vector.shape_cast %add3A_936 : vector<16xi32> to vector<1x16xi32>
        tpu.vector_store %arg7[%swap3A_938, %swap3A_939], %swap3A_942 {strides = array<i32>} : memref<13x128xi32, #tpu.memory_space<vmem>>, vector<1x16xi32>,
        %get3A_943 = arith.constant 2 : i32
        %get3A_944 = arith.index_cast %get3A_943 : i32 to index
        %get3A_945 = arith.constant 80 : index
        %get3A_946 = tpu.vector_load %arg7[%get3A_944, %get3A_945] {strides = array<i32>} : memref<13x128xi32, #tpu.memory_space<vmem>>, vector<1x16xi32>,
        %get3A_947 = vector.shape_cast %get3A_946 : vector<1x16xi32> to vector<16xi32>
        %get3A_948 = arith.constant 128 : index
        %get3A_949 = tpu.vector_load %arg5[%get3A_948] {strides = array<i32>} : memref<208xi32, #tpu.memory_space<vmem>>, vector<16xi32>,
        %get3A_950 = vector.shape_cast %get3A_949 : vector<16xi32> to vector<16xi32>
        %add3A_951 = arith.addi %get3A_947, %get3A_950 : vector<16xi32>
        %swap3A_952 = arith.constant 2 : i32
        %swap3A_953 = arith.index_cast %swap3A_952 : i32 to index
        %swap3A_954 = arith.constant 80 : index
        %swap3A_955 = tpu.vector_load %arg7[%swap3A_953, %swap3A_954] {strides = array<i32>} : memref<13x128xi32, #tpu.memory_space<vmem>>, vector<1x16xi32>,
        %swap3A_956 = vector.shape_cast %swap3A_955 : vector<1x16xi32> to vector<16xi32>
        %swap3A_957 = vector.shape_cast %add3A_951 : vector<16xi32> to vector<1x16xi32>
        tpu.vector_store %arg7[%swap3A_953, %swap3A_954], %swap3A_957 {strides = array<i32>} : memref<13x128xi32, #tpu.memory_space<vmem>>, vector<1x16xi32>,
        %get3A_958 = arith.constant 2 : i32
        %get3A_959 = arith.index_cast %get3A_958 : i32 to index
        %get3A_960 = arith.constant 96 : index
        %get3A_961 = tpu.vector_load %arg7[%get3A_959, %get3A_960] {strides = array<i32>} : memref<13x128xi32, #tpu.memory_space<vmem>>, vector<1x16xi32>,
        %get3A_962 = vector.shape_cast %get3A_961 : vector<1x16xi32> to vector<16xi32>
        %get3A_963 = arith.constant 144 : index
        %get3A_964 = tpu.vector_load %arg5[%get3A_963] {strides = array<i32>} : memref<208xi32, #tpu.memory_space<vmem>>, vector<16xi32>,
        %get3A_965 = vector.shape_cast %get3A_964 : vector<16xi32> to vector<16xi32>
        %add3A_966 = arith.addi %get3A_962, %get3A_965 : vector<16xi32>
        %swap3A_967 = arith.constant 2 : i32
        %swap3A_968 = arith.index_cast %swap3A_967 : i32 to index
        %swap3A_969 = arith.constant 96 : index
        %swap3A_970 = tpu.vector_load %arg7[%swap3A_968, %swap3A_969] {strides = array<i32>} : memref<13x128xi32, #tpu.memory_space<vmem>>, vector<1x16xi32>,
        %swap3A_971 = vector.shape_cast %swap3A_970 : vector<1x16xi32> to vector<16xi32>
        %swap3A_972 = vector.shape_cast %add3A_966 : vector<16xi32> to vector<1x16xi32>
        tpu.vector_store %arg7[%swap3A_968, %swap3A_969], %swap3A_972 {strides = array<i32>} : memref<13x128xi32, #tpu.memory_space<vmem>>, vector<1x16xi32>,
        %get3A_973 = arith.constant 2 : i32
        %get3A_974 = arith.index_cast %get3A_973 : i32 to index
        %get3A_975 = arith.constant 112 : index
        %get3A_976 = tpu.vector_load %arg7[%get3A_974, %get3A_975] {strides = array<i32>} : memref<13x128xi32, #tpu.memory_space<vmem>>, vector<1x16xi32>,
        %get3A_977 = vector.shape_cast %get3A_976 : vector<1x16xi32> to vector<16xi32>
        %get3A_978 = arith.constant 160 : index
        %get3A_979 = tpu.vector_load %arg5[%get3A_978] {strides = array<i32>} : memref<208xi32, #tpu.memory_space<vmem>>, vector<16xi32>,
        %get3A_980 = vector.shape_cast %get3A_979 : vector<16xi32> to vector<16xi32>
        %add3A_981 = arith.addi %get3A_977, %get3A_980 : vector<16xi32>
        %swap3A_982 = arith.constant 2 : i32
        %swap3A_983 = arith.index_cast %swap3A_982 : i32 to index
        %swap3A_984 = arith.constant 112 : index
        %swap3A_985 = tpu.vector_load %arg7[%swap3A_983, %swap3A_984] {strides = array<i32>} : memref<13x128xi32, #tpu.memory_space<vmem>>, vector<1x16xi32>,
        %swap3A_986 = vector.shape_cast %swap3A_985 : vector<1x16xi32> to vector<16xi32>
        %swap3A_987 = vector.shape_cast %add3A_981 : vector<16xi32> to vector<1x16xi32>
        tpu.vector_store %arg7[%swap3A_983, %swap3A_984], %swap3A_987 {strides = array<i32>} : memref<13x128xi32, #tpu.memory_space<vmem>>, vector<1x16xi32>,
        %get3A_988 = arith.constant 3 : i32
        %get3A_989 = arith.index_cast %get3A_988 : i32 to index
        %get3A_990 = arith.constant 0 : index
        %get3A_991 = tpu.vector_load %arg7[%get3A_989, %get3A_990] {strides = array<i32>} : memref<13x128xi32, #tpu.memory_space<vmem>>, vector<1x16xi32>,
        %get3A_992 = vector.shape_cast %get3A_991 : vector<1x16xi32> to vector<16xi32>
        %get3A_993 = arith.constant 176 : index
        %get3A_994 = tpu.vector_load %arg5[%get3A_993] {strides = array<i32>} : memref<208xi32, #tpu.memory_space<vmem>>, vector<16xi32>,
        %get3A_995 = vector.shape_cast %get3A_994 : vector<16xi32> to vector<16xi32>
        %add3A_996 = arith.addi %get3A_992, %get3A_995 : vector<16xi32>
        %swap3A_997 = arith.constant 3 : i32
        %swap3A_998 = arith.index_cast %swap3A_997 : i32 to index
        %swap3A_999 = arith.constant 0 : index
        %swap3A_1000 = tpu.vector_load %arg7[%swap3A_998, %swap3A_999] {strides = array<i32>} : memref<13x128xi32, #tpu.memory_space<vmem>>, vector<1x16xi32>,
        %swap3A_1001 = vector.shape_cast %swap3A_1000 : vector<1x16xi32> to vector<16xi32>
        %swap3A_1002 = vector.shape_cast %add3A_996 : vector<16xi32> to vector<1x16xi32>
        tpu.vector_store %arg7[%swap3A_998, %swap3A_999], %swap3A_1002 {strides = array<i32>} : memref<13x128xi32, #tpu.memory_space<vmem>>, vector<1x16xi32>,
        %get3A_1003 = arith.constant 3 : i32
        %get3A_1004 = arith.index_cast %get3A_1003 : i32 to index
        %get3A_1005 = arith.constant 16 : index
        %get3A_1006 = tpu.vector_load %arg7[%get3A_1004, %get3A_1005] {strides = array<i32>} : memref<13x128xi32, #tpu.memory_space<vmem>>, vector<1x16xi32>,
        %get3A_1007 = vector.shape_cast %get3A_1006 : vector<1x16xi32> to vector<16xi32>
        %get3A_1008 = arith.constant 192 : index
        %get3A_1009 = tpu.vector_load %arg5[%get3A_1008] {strides = array<i32>} : memref<208xi32, #tpu.memory_space<vmem>>, vector<16xi32>,
        %get3A_1010 = vector.shape_cast %get3A_1009 : vector<16xi32> to vector<16xi32>
        %add3A_1011 = arith.addi %get3A_1007, %get3A_1010 : vector<16xi32>
        %swap3A_1012 = arith.constant 3 : i32
        %swap3A_1013 = arith.index_cast %swap3A_1012 : i32 to index
        %swap3A_1014 = arith.constant 16 : index
        %swap3A_1015 = tpu.vector_load %arg7[%swap3A_1013, %swap3A_1014] {strides = array<i32>} : memref<13x128xi32, #tpu.memory_space<vmem>>, vector<1x16xi32>,
        %swap3A_1016 = vector.shape_cast %swap3A_1015 : vector<1x16xi32> to vector<16xi32>
        %swap3A_1017 = vector.shape_cast %add3A_1011 : vector<16xi32> to vector<1x16xi32>
        tpu.vector_store %arg7[%swap3A_1013, %swap3A_1014], %swap3A_1017 {strides = array<i32>} : memref<13x128xi32, #tpu.memory_space<vmem>>, vector<1x16xi32>,
        %get3A_1018 = arith.constant 3 : i32
        %get3A_1019 = arith.index_cast %get3A_1018 : i32 to index
        %get3A_1020 = arith.constant 32 : index
        %get3A_1021 = tpu.vector_load %arg7[%get3A_1019, %get3A_1020] {strides = array<i32>} : memref<13x128xi32, #tpu.memory_space<vmem>>, vector<1x16xi32>,
        %get3A_1022 = vector.shape_cast %get3A_1021 : vector<1x16xi32> to vector<16xi32>
        %get3A_1023 = arith.constant 0 : index
        %get3A_1024 = tpu.vector_load %arg5[%get3A_1023] {strides = array<i32>} : memref<208xi32, #tpu.memory_space<vmem>>, vector<16xi32>,
        %get3A_1025 = vector.shape_cast %get3A_1024 : vector<16xi32> to vector<16xi32>
        %add3A_1026 = arith.addi %get3A_1022, %get3A_1025 : vector<16xi32>
        %swap3A_1027 = arith.constant 3 : i32
        %swap3A_1028 = arith.index_cast %swap3A_1027 : i32 to index
        %swap3A_1029 = arith.constant 32 : index
        %swap3A_1030 = tpu.vector_load %arg7[%swap3A_1028, %swap3A_1029] {strides = array<i32>} : memref<13x128xi32, #tpu.memory_space<vmem>>, vector<1x16xi32>,
        %swap3A_1031 = vector.shape_cast %swap3A_1030 : vector<1x16xi32> to vector<16xi32>
        %swap3A_1032 = vector.shape_cast %add3A_1026 : vector<16xi32> to vector<1x16xi32>
        tpu.vector_store %arg7[%swap3A_1028, %swap3A_1029], %swap3A_1032 {strides = array<i32>} : memref<13x128xi32, #tpu.memory_space<vmem>>, vector<1x16xi32>,
        %get3A_1033 = arith.constant 3 : i32
        %get3A_1034 = arith.index_cast %get3A_1033 : i32 to index
        %get3A_1035 = arith.constant 48 : index
        %get3A_1036 = tpu.vector_load %arg7[%get3A_1034, %get3A_1035] {strides = array<i32>} : memref<13x128xi32, #tpu.memory_space<vmem>>, vector<1x16xi32>,
        %get3A_1037 = vector.shape_cast %get3A_1036 : vector<1x16xi32> to vector<16xi32>
        %get3A_1038 = arith.constant 16 : index
        %get3A_1039 = tpu.vector_load %arg5[%get3A_1038] {strides = array<i32>} : memref<208xi32, #tpu.memory_space<vmem>>, vector<16xi32>,
        %get3A_1040 = vector.shape_cast %get3A_1039 : vector<16xi32> to vector<16xi32>
        %add3A_1041 = arith.addi %get3A_1037, %get3A_1040 : vector<16xi32>
        %swap3A_1042 = arith.constant 3 : i32
        %swap3A_1043 = arith.index_cast %swap3A_1042 : i32 to index
        %swap3A_1044 = arith.constant 48 : index
        %swap3A_1045 = tpu.vector_load %arg7[%swap3A_1043, %swap3A_1044] {strides = array<i32>} : memref<13x128xi32, #tpu.memory_space<vmem>>, vector<1x16xi32>,
        %swap3A_1046 = vector.shape_cast %swap3A_1045 : vector<1x16xi32> to vector<16xi32>
        %swap3A_1047 = vector.shape_cast %add3A_1041 : vector<16xi32> to vector<1x16xi32>
        tpu.vector_store %arg7[%swap3A_1043, %swap3A_1044], %swap3A_1047 {strides = array<i32>} : memref<13x128xi32, #tpu.memory_space<vmem>>, vector<1x16xi32>,
        %get3A_1048 = arith.constant 3 : i32
        %get3A_1049 = arith.index_cast %get3A_1048 : i32 to index
        %get3A_1050 = arith.constant 64 : index
        %get3A_1051 = tpu.vector_load %arg7[%get3A_1049, %get3A_1050] {strides = array<i32>} : memref<13x128xi32, #tpu.memory_space<vmem>>, vector<1x16xi32>,
        %get3A_1052 = vector.shape_cast %get3A_1051 : vector<1x16xi32> to vector<16xi32>
        %get3A_1053 = arith.constant 32 : index
        %get3A_1054 = tpu.vector_load %arg5[%get3A_1053] {strides = array<i32>} : memref<208xi32, #tpu.memory_space<vmem>>, vector<16xi32>,
        %get3A_1055 = vector.shape_cast %get3A_1054 : vector<16xi32> to vector<16xi32>
        %add3A_1056 = arith.addi %get3A_1052, %get3A_1055 : vector<16xi32>
        %swap3A_1057 = arith.constant 3 : i32
        %swap3A_1058 = arith.index_cast %swap3A_1057 : i32 to index
        %swap3A_1059 = arith.constant 64 : index
        %swap3A_1060 = tpu.vector_load %arg7[%swap3A_1058, %swap3A_1059] {strides = array<i32>} : memref<13x128xi32, #tpu.memory_space<vmem>>, vector<1x16xi32>,
        %swap3A_1061 = vector.shape_cast %swap3A_1060 : vector<1x16xi32> to vector<16xi32>
        %swap3A_1062 = vector.shape_cast %add3A_1056 : vector<16xi32> to vector<1x16xi32>
        tpu.vector_store %arg7[%swap3A_1058, %swap3A_1059], %swap3A_1062 {strides = array<i32>} : memref<13x128xi32, #tpu.memory_space<vmem>>, vector<1x16xi32>,
        %get3A_1063 = arith.constant 3 : i32
        %get3A_1064 = arith.index_cast %get3A_1063 : i32 to index
        %get3A_1065 = arith.constant 80 : index
        %get3A_1066 = tpu.vector_load %arg7[%get3A_1064, %get3A_1065] {strides = array<i32>} : memref<13x128xi32, #tpu.memory_space<vmem>>, vector<1x16xi32>,
        %get3A_1067 = vector.shape_cast %get3A_1066 : vector<1x16xi32> to vector<16xi32>
        %get3A_1068 = arith.constant 48 : index
        %get3A_1069 = tpu.vector_load %arg5[%get3A_1068] {strides = array<i32>} : memref<208xi32, #tpu.memory_space<vmem>>, vector<16xi32>,
        %get3A_1070 = vector.shape_cast %get3A_1069 : vector<16xi32> to vector<16xi32>
        %add3A_1071 = arith.addi %get3A_1067, %get3A_1070 : vector<16xi32>
        %swap3A_1072 = arith.constant 3 : i32
        %swap3A_1073 = arith.index_cast %swap3A_1072 : i32 to index
        %swap3A_1074 = arith.constant 80 : index
        %swap3A_1075 = tpu.vector_load %arg7[%swap3A_1073, %swap3A_1074] {strides = array<i32>} : memref<13x128xi32, #tpu.memory_space<vmem>>, vector<1x16xi32>,
        %swap3A_1076 = vector.shape_cast %swap3A_1075 : vector<1x16xi32> to vector<16xi32>
        %swap3A_1077 = vector.shape_cast %add3A_1071 : vector<16xi32> to vector<1x16xi32>
        tpu.vector_store %arg7[%swap3A_1073, %swap3A_1074], %swap3A_1077 {strides = array<i32>} : memref<13x128xi32, #tpu.memory_space<vmem>>, vector<1x16xi32>,
        %get3A_1078 = arith.constant 3 : i32
        %get3A_1079 = arith.index_cast %get3A_1078 : i32 to index
        %get3A_1080 = arith.constant 96 : index
        %get3A_1081 = tpu.vector_load %arg7[%get3A_1079, %get3A_1080] {strides = array<i32>} : memref<13x128xi32, #tpu.memory_space<vmem>>, vector<1x16xi32>,
        %get3A_1082 = vector.shape_cast %get3A_1081 : vector<1x16xi32> to vector<16xi32>
        %get3A_1083 = arith.constant 64 : index
        %get3A_1084 = tpu.vector_load %arg5[%get3A_1083] {strides = array<i32>} : memref<208xi32, #tpu.memory_space<vmem>>, vector<16xi32>,
        %get3A_1085 = vector.shape_cast %get3A_1084 : vector<16xi32> to vector<16xi32>
        %add3A_1086 = arith.addi %get3A_1082, %get3A_1085 : vector<16xi32>
        %swap3A_1087 = arith.constant 3 : i32
        %swap3A_1088 = arith.index_cast %swap3A_1087 : i32 to index
        %swap3A_1089 = arith.constant 96 : index
        %swap3A_1090 = tpu.vector_load %arg7[%swap3A_1088, %swap3A_1089] {strides = array<i32>} : memref<13x128xi32, #tpu.memory_space<vmem>>, vector<1x16xi32>,
        %swap3A_1091 = vector.shape_cast %swap3A_1090 : vector<1x16xi32> to vector<16xi32>
        %swap3A_1092 = vector.shape_cast %add3A_1086 : vector<16xi32> to vector<1x16xi32>
        tpu.vector_store %arg7[%swap3A_1088, %swap3A_1089], %swap3A_1092 {strides = array<i32>} : memref<13x128xi32, #tpu.memory_space<vmem>>, vector<1x16xi32>,
        %get3A_1093 = arith.constant 3 : i32
        %get3A_1094 = arith.index_cast %get3A_1093 : i32 to index
        %get3A_1095 = arith.constant 112 : index
        %get3A_1096 = tpu.vector_load %arg7[%get3A_1094, %get3A_1095] {strides = array<i32>} : memref<13x128xi32, #tpu.memory_space<vmem>>, vector<1x16xi32>,
        %get3A_1097 = vector.shape_cast %get3A_1096 : vector<1x16xi32> to vector<16xi32>
        %get3A_1098 = arith.constant 80 : index
        %get3A_1099 = tpu.vector_load %arg5[%get3A_1098] {strides = array<i32>} : memref<208xi32, #tpu.memory_space<vmem>>, vector<16xi32>,
        %get3A_1100 = vector.shape_cast %get3A_1099 : vector<16xi32> to vector<16xi32>
        %add3A_1101 = arith.addi %get3A_1097, %get3A_1100 : vector<16xi32>
        %swap3A_1102 = arith.constant 3 : i32
        %swap3A_1103 = arith.index_cast %swap3A_1102 : i32 to index
        %swap3A_1104 = arith.constant 112 : index
        %swap3A_1105 = tpu.vector_load %arg7[%swap3A_1103, %swap3A_1104] {strides = array<i32>} : memref<13x128xi32, #tpu.memory_space<vmem>>, vector<1x16xi32>,
        %swap3A_1106 = vector.shape_cast %swap3A_1105 : vector<1x16xi32> to vector<16xi32>
        %swap3A_1107 = vector.shape_cast %add3A_1101 : vector<16xi32> to vector<1x16xi32>
        tpu.vector_store %arg7[%swap3A_1103, %swap3A_1104], %swap3A_1107 {strides = array<i32>} : memref<13x128xi32, #tpu.memory_space<vmem>>, vector<1x16xi32>,
        %get3A_1108 = arith.constant 4 : i32
        %get3A_1109 = arith.index_cast %get3A_1108 : i32 to index
        %get3A_1110 = arith.constant 0 : index
        %get3A_1111 = tpu.vector_load %arg7[%get3A_1109, %get3A_1110] {strides = array<i32>} : memref<13x128xi32, #tpu.memory_space<vmem>>, vector<1x16xi32>,
        %get3A_1112 = vector.shape_cast %get3A_1111 : vector<1x16xi32> to vector<16xi32>
        %get3A_1113 = arith.constant 96 : index
        %get3A_1114 = tpu.vector_load %arg5[%get3A_1113] {strides = array<i32>} : memref<208xi32, #tpu.memory_space<vmem>>, vector<16xi32>,
        %get3A_1115 = vector.shape_cast %get3A_1114 : vector<16xi32> to vector<16xi32>
        %add3A_1116 = arith.addi %get3A_1112, %get3A_1115 : vector<16xi32>
        %swap3A_1117 = arith.constant 4 : i32
        %swap3A_1118 = arith.index_cast %swap3A_1117 : i32 to index
        %swap3A_1119 = arith.constant 0 : index
        %swap3A_1120 = tpu.vector_load %arg7[%swap3A_1118, %swap3A_1119] {strides = array<i32>} : memref<13x128xi32, #tpu.memory_space<vmem>>, vector<1x16xi32>,
        %swap3A_1121 = vector.shape_cast %swap3A_1120 : vector<1x16xi32> to vector<16xi32>
        %swap3A_1122 = vector.shape_cast %add3A_1116 : vector<16xi32> to vector<1x16xi32>
        tpu.vector_store %arg7[%swap3A_1118, %swap3A_1119], %swap3A_1122 {strides = array<i32>} : memref<13x128xi32, #tpu.memory_space<vmem>>, vector<1x16xi32>,
        %get3A_1123 = arith.constant 4 : i32
        %get3A_1124 = arith.index_cast %get3A_1123 : i32 to index
        %get3A_1125 = arith.constant 16 : index
        %get3A_1126 = tpu.vector_load %arg7[%get3A_1124, %get3A_1125] {strides = array<i32>} : memref<13x128xi32, #tpu.memory_space<vmem>>, vector<1x16xi32>,
        %get3A_1127 = vector.shape_cast %get3A_1126 : vector<1x16xi32> to vector<16xi32>
        %get3A_1128 = arith.constant 112 : index
        %get3A_1129 = tpu.vector_load %arg5[%get3A_1128] {strides = array<i32>} : memref<208xi32, #tpu.memory_space<vmem>>, vector<16xi32>,
        %get3A_1130 = vector.shape_cast %get3A_1129 : vector<16xi32> to vector<16xi32>
        %add3A_1131 = arith.addi %get3A_1127, %get3A_1130 : vector<16xi32>
        %swap3A_1132 = arith.constant 4 : i32
        %swap3A_1133 = arith.index_cast %swap3A_1132 : i32 to index
        %swap3A_1134 = arith.constant 16 : index
        %swap3A_1135 = tpu.vector_load %arg7[%swap3A_1133, %swap3A_1134] {strides = array<i32>} : memref<13x128xi32, #tpu.memory_space<vmem>>, vector<1x16xi32>,
        %swap3A_1136 = vector.shape_cast %swap3A_1135 : vector<1x16xi32> to vector<16xi32>
        %swap3A_1137 = vector.shape_cast %add3A_1131 : vector<16xi32> to vector<1x16xi32>
        tpu.vector_store %arg7[%swap3A_1133, %swap3A_1134], %swap3A_1137 {strides = array<i32>} : memref<13x128xi32, #tpu.memory_space<vmem>>, vector<1x16xi32>,
        %get3A_1138 = arith.constant 4 : i32
        %get3A_1139 = arith.index_cast %get3A_1138 : i32 to index
        %get3A_1140 = arith.constant 32 : index
        %get3A_1141 = tpu.vector_load %arg7[%get3A_1139, %get3A_1140] {strides = array<i32>} : memref<13x128xi32, #tpu.memory_space<vmem>>, vector<1x16xi32>,
        %get3A_1142 = vector.shape_cast %get3A_1141 : vector<1x16xi32> to vector<16xi32>
        %get3A_1143 = arith.constant 128 : index
        %get3A_1144 = tpu.vector_load %arg5[%get3A_1143] {strides = array<i32>} : memref<208xi32, #tpu.memory_space<vmem>>, vector<16xi32>,
        %get3A_1145 = vector.shape_cast %get3A_1144 : vector<16xi32> to vector<16xi32>
        %add3A_1146 = arith.addi %get3A_1142, %get3A_1145 : vector<16xi32>
        %swap3A_1147 = arith.constant 4 : i32
        %swap3A_1148 = arith.index_cast %swap3A_1147 : i32 to index
        %swap3A_1149 = arith.constant 32 : index
        %swap3A_1150 = tpu.vector_load %arg7[%swap3A_1148, %swap3A_1149] {strides = array<i32>} : memref<13x128xi32, #tpu.memory_space<vmem>>, vector<1x16xi32>,
        %swap3A_1151 = vector.shape_cast %swap3A_1150 : vector<1x16xi32> to vector<16xi32>
        %swap3A_1152 = vector.shape_cast %add3A_1146 : vector<16xi32> to vector<1x16xi32>
        tpu.vector_store %arg7[%swap3A_1148, %swap3A_1149], %swap3A_1152 {strides = array<i32>} : memref<13x128xi32, #tpu.memory_space<vmem>>, vector<1x16xi32>,
        %get3A_1153 = arith.constant 4 : i32
        %get3A_1154 = arith.index_cast %get3A_1153 : i32 to index
        %get3A_1155 = arith.constant 48 : index
        %get3A_1156 = tpu.vector_load %arg7[%get3A_1154, %get3A_1155] {strides = array<i32>} : memref<13x128xi32, #tpu.memory_space<vmem>>, vector<1x16xi32>,
        %get3A_1157 = vector.shape_cast %get3A_1156 : vector<1x16xi32> to vector<16xi32>
        %get3A_1158 = arith.constant 144 : index
        %get3A_1159 = tpu.vector_load %arg5[%get3A_1158] {strides = array<i32>} : memref<208xi32, #tpu.memory_space<vmem>>, vector<16xi32>,
        %get3A_1160 = vector.shape_cast %get3A_1159 : vector<16xi32> to vector<16xi32>
        %add3A_1161 = arith.addi %get3A_1157, %get3A_1160 : vector<16xi32>
        %swap3A_1162 = arith.constant 4 : i32
        %swap3A_1163 = arith.index_cast %swap3A_1162 : i32 to index
        %swap3A_1164 = arith.constant 48 : index
        %swap3A_1165 = tpu.vector_load %arg7[%swap3A_1163, %swap3A_1164] {strides = array<i32>} : memref<13x128xi32, #tpu.memory_space<vmem>>, vector<1x16xi32>,
        %swap3A_1166 = vector.shape_cast %swap3A_1165 : vector<1x16xi32> to vector<16xi32>
        %swap3A_1167 = vector.shape_cast %add3A_1161 : vector<16xi32> to vector<1x16xi32>
        tpu.vector_store %arg7[%swap3A_1163, %swap3A_1164], %swap3A_1167 {strides = array<i32>} : memref<13x128xi32, #tpu.memory_space<vmem>>, vector<1x16xi32>,
        %get3A_1168 = arith.constant 4 : i32
        %get3A_1169 = arith.index_cast %get3A_1168 : i32 to index
        %get3A_1170 = arith.constant 64 : index
        %get3A_1171 = tpu.vector_load %arg7[%get3A_1169, %get3A_1170] {strides = array<i32>} : memref<13x128xi32, #tpu.memory_space<vmem>>, vector<1x16xi32>,
        %get3A_1172 = vector.shape_cast %get3A_1171 : vector<1x16xi32> to vector<16xi32>
        %get3A_1173 = arith.constant 160 : index
        %get3A_1174 = tpu.vector_load %arg5[%get3A_1173] {strides = array<i32>} : memref<208xi32, #tpu.memory_space<vmem>>, vector<16xi32>,
        %get3A_1175 = vector.shape_cast %get3A_1174 : vector<16xi32> to vector<16xi32>
        %add3A_1176 = arith.addi %get3A_1172, %get3A_1175 : vector<16xi32>
        %swap3A_1177 = arith.constant 4 : i32
        %swap3A_1178 = arith.index_cast %swap3A_1177 : i32 to index
        %swap3A_1179 = arith.constant 64 : index
        %swap3A_1180 = tpu.vector_load %arg7[%swap3A_1178, %swap3A_1179] {strides = array<i32>} : memref<13x128xi32, #tpu.memory_space<vmem>>, vector<1x16xi32>,
        %swap3A_1181 = vector.shape_cast %swap3A_1180 : vector<1x16xi32> to vector<16xi32>
        %swap3A_1182 = vector.shape_cast %add3A_1176 : vector<16xi32> to vector<1x16xi32>
        tpu.vector_store %arg7[%swap3A_1178, %swap3A_1179], %swap3A_1182 {strides = array<i32>} : memref<13x128xi32, #tpu.memory_space<vmem>>, vector<1x16xi32>,
        %get3A_1183 = arith.constant 4 : i32
        %get3A_1184 = arith.index_cast %get3A_1183 : i32 to index
        %get3A_1185 = arith.constant 80 : index
        %get3A_1186 = tpu.vector_load %arg7[%get3A_1184, %get3A_1185] {strides = array<i32>} : memref<13x128xi32, #tpu.memory_space<vmem>>, vector<1x16xi32>,
        %get3A_1187 = vector.shape_cast %get3A_1186 : vector<1x16xi32> to vector<16xi32>
        %get3A_1188 = arith.constant 176 : index
        %get3A_1189 = tpu.vector_load %arg5[%get3A_1188] {strides = array<i32>} : memref<208xi32, #tpu.memory_space<vmem>>, vector<16xi32>,
        %get3A_1190 = vector.shape_cast %get3A_1189 : vector<16xi32> to vector<16xi32>
        %add3A_1191 = arith.addi %get3A_1187, %get3A_1190 : vector<16xi32>
        %swap3A_1192 = arith.constant 4 : i32
        %swap3A_1193 = arith.index_cast %swap3A_1192 : i32 to index
        %swap3A_1194 = arith.constant 80 : index
        %swap3A_1195 = tpu.vector_load %arg7[%swap3A_1193, %swap3A_1194] {strides = array<i32>} : memref<13x128xi32, #tpu.memory_space<vmem>>, vector<1x16xi32>,
        %swap3A_1196 = vector.shape_cast %swap3A_1195 : vector<1x16xi32> to vector<16xi32>
        %swap3A_1197 = vector.shape_cast %add3A_1191 : vector<16xi32> to vector<1x16xi32>
        tpu.vector_store %arg7[%swap3A_1193, %swap3A_1194], %swap3A_1197 {strides = array<i32>} : memref<13x128xi32, #tpu.memory_space<vmem>>, vector<1x16xi32>,
        %get3A_1198 = arith.constant 4 : i32
        %get3A_1199 = arith.index_cast %get3A_1198 : i32 to index
        %get3A_1200 = arith.constant 96 : index
        %get3A_1201 = tpu.vector_load %arg7[%get3A_1199, %get3A_1200] {strides = array<i32>} : memref<13x128xi32, #tpu.memory_space<vmem>>, vector<1x16xi32>,
        %get3A_1202 = vector.shape_cast %get3A_1201 : vector<1x16xi32> to vector<16xi32>
        %get3A_1203 = arith.constant 192 : index
        %get3A_1204 = tpu.vector_load %arg5[%get3A_1203] {strides = array<i32>} : memref<208xi32, #tpu.memory_space<vmem>>, vector<16xi32>,
        %get3A_1205 = vector.shape_cast %get3A_1204 : vector<16xi32> to vector<16xi32>
        %add3A_1206 = arith.addi %get3A_1202, %get3A_1205 : vector<16xi32>
        %swap3A_1207 = arith.constant 4 : i32
        %swap3A_1208 = arith.index_cast %swap3A_1207 : i32 to index
        %swap3A_1209 = arith.constant 96 : index
        %swap3A_1210 = tpu.vector_load %arg7[%swap3A_1208, %swap3A_1209] {strides = array<i32>} : memref<13x128xi32, #tpu.memory_space<vmem>>, vector<1x16xi32>,
        %swap3A_1211 = vector.shape_cast %swap3A_1210 : vector<1x16xi32> to vector<16xi32>
        %swap3A_1212 = vector.shape_cast %add3A_1206 : vector<16xi32> to vector<1x16xi32>
        tpu.vector_store %arg7[%swap3A_1208, %swap3A_1209], %swap3A_1212 {strides = array<i32>} : memref<13x128xi32, #tpu.memory_space<vmem>>, vector<1x16xi32>,
        %get3A_1213 = arith.constant 4 : i32
        %get3A_1214 = arith.index_cast %get3A_1213 : i32 to index
        %get3A_1215 = arith.constant 112 : index
        %get3A_1216 = tpu.vector_load %arg7[%get3A_1214, %get3A_1215] {strides = array<i32>} : memref<13x128xi32, #tpu.memory_space<vmem>>, vector<1x16xi32>,
        %get3A_1217 = vector.shape_cast %get3A_1216 : vector<1x16xi32> to vector<16xi32>
        %get3A_1218 = arith.constant 0 : index
        %get3A_1219 = tpu.vector_load %arg5[%get3A_1218] {strides = array<i32>} : memref<208xi32, #tpu.memory_space<vmem>>, vector<16xi32>,
        %get3A_1220 = vector.shape_cast %get3A_1219 : vector<16xi32> to vector<16xi32>
        %add3A_1221 = arith.addi %get3A_1217, %get3A_1220 : vector<16xi32>
        %swap3A_1222 = arith.constant 4 : i32
        %swap3A_1223 = arith.index_cast %swap3A_1222 : i32 to index
        %swap3A_1224 = arith.constant 112 : index
        %swap3A_1225 = tpu.vector_load %arg7[%swap3A_1223, %swap3A_1224] {strides = array<i32>} : memref<13x128xi32, #tpu.memory_space<vmem>>, vector<1x16xi32>,
        %swap3A_1226 = vector.shape_cast %swap3A_1225 : vector<1x16xi32> to vector<16xi32>
        %swap3A_1227 = vector.shape_cast %add3A_1221 : vector<16xi32> to vector<1x16xi32>
        tpu.vector_store %arg7[%swap3A_1223, %swap3A_1224], %swap3A_1227 {strides = array<i32>} : memref<13x128xi32, #tpu.memory_space<vmem>>, vector<1x16xi32>,
        %get3A_1228 = arith.constant 5 : i32
        %get3A_1229 = arith.index_cast %get3A_1228 : i32 to index
        %get3A_1230 = arith.constant 0 : index
        %get3A_1231 = tpu.vector_load %arg7[%get3A_1229, %get3A_1230] {strides = array<i32>} : memref<13x128xi32, #tpu.memory_space<vmem>>, vector<1x16xi32>,
        %get3A_1232 = vector.shape_cast %get3A_1231 : vector<1x16xi32> to vector<16xi32>
        %get3A_1233 = arith.constant 16 : index
        %get3A_1234 = tpu.vector_load %arg5[%get3A_1233] {strides = array<i32>} : memref<208xi32, #tpu.memory_space<vmem>>, vector<16xi32>,
        %get3A_1235 = vector.shape_cast %get3A_1234 : vector<16xi32> to vector<16xi32>
        %add3A_1236 = arith.addi %get3A_1232, %get3A_1235 : vector<16xi32>
        %swap3A_1237 = arith.constant 5 : i32
        %swap3A_1238 = arith.index_cast %swap3A_1237 : i32 to index
        %swap3A_1239 = arith.constant 0 : index
        %swap3A_1240 = tpu.vector_load %arg7[%swap3A_1238, %swap3A_1239] {strides = array<i32>} : memref<13x128xi32, #tpu.memory_space<vmem>>, vector<1x16xi32>,
        %swap3A_1241 = vector.shape_cast %swap3A_1240 : vector<1x16xi32> to vector<16xi32>
        %swap3A_1242 = vector.shape_cast %add3A_1236 : vector<16xi32> to vector<1x16xi32>
        tpu.vector_store %arg7[%swap3A_1238, %swap3A_1239], %swap3A_1242 {strides = array<i32>} : memref<13x128xi32, #tpu.memory_space<vmem>>, vector<1x16xi32>,
        %get3A_1243 = arith.constant 5 : i32
        %get3A_1244 = arith.index_cast %get3A_1243 : i32 to index
        %get3A_1245 = arith.constant 16 : index
        %get3A_1246 = tpu.vector_load %arg7[%get3A_1244, %get3A_1245] {strides = array<i32>} : memref<13x128xi32, #tpu.memory_space<vmem>>, vector<1x16xi32>,
        %get3A_1247 = vector.shape_cast %get3A_1246 : vector<1x16xi32> to vector<16xi32>
        %get3A_1248 = arith.constant 32 : index
        %get3A_1249 = tpu.vector_load %arg5[%get3A_1248] {strides = array<i32>} : memref<208xi32, #tpu.memory_space<vmem>>, vector<16xi32>,
        %get3A_1250 = vector.shape_cast %get3A_1249 : vector<16xi32> to vector<16xi32>
        %add3A_1251 = arith.addi %get3A_1247, %get3A_1250 : vector<16xi32>
        %swap3A_1252 = arith.constant 5 : i32
        %swap3A_1253 = arith.index_cast %swap3A_1252 : i32 to index
        %swap3A_1254 = arith.constant 16 : index
        %swap3A_1255 = tpu.vector_load %arg7[%swap3A_1253, %swap3A_1254] {strides = array<i32>} : memref<13x128xi32, #tpu.memory_space<vmem>>, vector<1x16xi32>,
        %swap3A_1256 = vector.shape_cast %swap3A_1255 : vector<1x16xi32> to vector<16xi32>
        %swap3A_1257 = vector.shape_cast %add3A_1251 : vector<16xi32> to vector<1x16xi32>
        tpu.vector_store %arg7[%swap3A_1253, %swap3A_1254], %swap3A_1257 {strides = array<i32>} : memref<13x128xi32, #tpu.memory_space<vmem>>, vector<1x16xi32>,
        %get3A_1258 = arith.constant 5 : i32
        %get3A_1259 = arith.index_cast %get3A_1258 : i32 to index
        %get3A_1260 = arith.constant 32 : index
        %get3A_1261 = tpu.vector_load %arg7[%get3A_1259, %get3A_1260] {strides = array<i32>} : memref<13x128xi32, #tpu.memory_space<vmem>>, vector<1x16xi32>,
        %get3A_1262 = vector.shape_cast %get3A_1261 : vector<1x16xi32> to vector<16xi32>
        %get3A_1263 = arith.constant 48 : index
        %get3A_1264 = tpu.vector_load %arg5[%get3A_1263] {strides = array<i32>} : memref<208xi32, #tpu.memory_space<vmem>>, vector<16xi32>,
        %get3A_1265 = vector.shape_cast %get3A_1264 : vector<16xi32> to vector<16xi32>
        %add3A_1266 = arith.addi %get3A_1262, %get3A_1265 : vector<16xi32>
        %swap3A_1267 = arith.constant 5 : i32
        %swap3A_1268 = arith.index_cast %swap3A_1267 : i32 to index
        %swap3A_1269 = arith.constant 32 : index
        %swap3A_1270 = tpu.vector_load %arg7[%swap3A_1268, %swap3A_1269] {strides = array<i32>} : memref<13x128xi32, #tpu.memory_space<vmem>>, vector<1x16xi32>,
        %swap3A_1271 = vector.shape_cast %swap3A_1270 : vector<1x16xi32> to vector<16xi32>
        %swap3A_1272 = vector.shape_cast %add3A_1266 : vector<16xi32> to vector<1x16xi32>
        tpu.vector_store %arg7[%swap3A_1268, %swap3A_1269], %swap3A_1272 {strides = array<i32>} : memref<13x128xi32, #tpu.memory_space<vmem>>, vector<1x16xi32>,
        %get3A_1273 = arith.constant 5 : i32
        %get3A_1274 = arith.index_cast %get3A_1273 : i32 to index
        %get3A_1275 = arith.constant 48 : index
        %get3A_1276 = tpu.vector_load %arg7[%get3A_1274, %get3A_1275] {strides = array<i32>} : memref<13x128xi32, #tpu.memory_space<vmem>>, vector<1x16xi32>,
        %get3A_1277 = vector.shape_cast %get3A_1276 : vector<1x16xi32> to vector<16xi32>
        %get3A_1278 = arith.constant 64 : index
        %get3A_1279 = tpu.vector_load %arg5[%get3A_1278] {strides = array<i32>} : memref<208xi32, #tpu.memory_space<vmem>>, vector<16xi32>,
        %get3A_1280 = vector.shape_cast %get3A_1279 : vector<16xi32> to vector<16xi32>
        %add3A_1281 = arith.addi %get3A_1277, %get3A_1280 : vector<16xi32>
        %swap3A_1282 = arith.constant 5 : i32
        %swap3A_1283 = arith.index_cast %swap3A_1282 : i32 to index
        %swap3A_1284 = arith.constant 48 : index
        %swap3A_1285 = tpu.vector_load %arg7[%swap3A_1283, %swap3A_1284] {strides = array<i32>} : memref<13x128xi32, #tpu.memory_space<vmem>>, vector<1x16xi32>,
        %swap3A_1286 = vector.shape_cast %swap3A_1285 : vector<1x16xi32> to vector<16xi32>
        %swap3A_1287 = vector.shape_cast %add3A_1281 : vector<16xi32> to vector<1x16xi32>
        tpu.vector_store %arg7[%swap3A_1283, %swap3A_1284], %swap3A_1287 {strides = array<i32>} : memref<13x128xi32, #tpu.memory_space<vmem>>, vector<1x16xi32>,
        %get3A_1288 = arith.constant 5 : i32
        %get3A_1289 = arith.index_cast %get3A_1288 : i32 to index
        %get3A_1290 = arith.constant 64 : index
        %get3A_1291 = tpu.vector_load %arg7[%get3A_1289, %get3A_1290] {strides = array<i32>} : memref<13x128xi32, #tpu.memory_space<vmem>>, vector<1x16xi32>,
        %get3A_1292 = vector.shape_cast %get3A_1291 : vector<1x16xi32> to vector<16xi32>
        %get3A_1293 = arith.constant 80 : index
        %get3A_1294 = tpu.vector_load %arg5[%get3A_1293] {strides = array<i32>} : memref<208xi32, #tpu.memory_space<vmem>>, vector<16xi32>,
        %get3A_1295 = vector.shape_cast %get3A_1294 : vector<16xi32> to vector<16xi32>
        %add3A_1296 = arith.addi %get3A_1292, %get3A_1295 : vector<16xi32>
        %swap3A_1297 = arith.constant 5 : i32
        %swap3A_1298 = arith.index_cast %swap3A_1297 : i32 to index
        %swap3A_1299 = arith.constant 64 : index
        %swap3A_1300 = tpu.vector_load %arg7[%swap3A_1298, %swap3A_1299] {strides = array<i32>} : memref<13x128xi32, #tpu.memory_space<vmem>>, vector<1x16xi32>,
        %swap3A_1301 = vector.shape_cast %swap3A_1300 : vector<1x16xi32> to vector<16xi32>
        %swap3A_1302 = vector.shape_cast %add3A_1296 : vector<16xi32> to vector<1x16xi32>
        tpu.vector_store %arg7[%swap3A_1298, %swap3A_1299], %swap3A_1302 {strides = array<i32>} : memref<13x128xi32, #tpu.memory_space<vmem>>, vector<1x16xi32>,
        %get3A_1303 = arith.constant 5 : i32
        %get3A_1304 = arith.index_cast %get3A_1303 : i32 to index
        %get3A_1305 = arith.constant 80 : index
        %get3A_1306 = tpu.vector_load %arg7[%get3A_1304, %get3A_1305] {strides = array<i32>} : memref<13x128xi32, #tpu.memory_space<vmem>>, vector<1x16xi32>,
        %get3A_1307 = vector.shape_cast %get3A_1306 : vector<1x16xi32> to vector<16xi32>
        %get3A_1308 = arith.constant 96 : index
        %get3A_1309 = tpu.vector_load %arg5[%get3A_1308] {strides = array<i32>} : memref<208xi32, #tpu.memory_space<vmem>>, vector<16xi32>,
        %get3A_1310 = vector.shape_cast %get3A_1309 : vector<16xi32> to vector<16xi32>
        %add3A_1311 = arith.addi %get3A_1307, %get3A_1310 : vector<16xi32>
        %swap3A_1312 = arith.constant 5 : i32
        %swap3A_1313 = arith.index_cast %swap3A_1312 : i32 to index
        %swap3A_1314 = arith.constant 80 : index
        %swap3A_1315 = tpu.vector_load %arg7[%swap3A_1313, %swap3A_1314] {strides = array<i32>} : memref<13x128xi32, #tpu.memory_space<vmem>>, vector<1x16xi32>,
        %swap3A_1316 = vector.shape_cast %swap3A_1315 : vector<1x16xi32> to vector<16xi32>
        %swap3A_1317 = vector.shape_cast %add3A_1311 : vector<16xi32> to vector<1x16xi32>
        tpu.vector_store %arg7[%swap3A_1313, %swap3A_1314], %swap3A_1317 {strides = array<i32>} : memref<13x128xi32, #tpu.memory_space<vmem>>, vector<1x16xi32>,
        %get3A_1318 = arith.constant 5 : i32
        %get3A_1319 = arith.index_cast %get3A_1318 : i32 to index
        %get3A_1320 = arith.constant 96 : index
        %get3A_1321 = tpu.vector_load %arg7[%get3A_1319, %get3A_1320] {strides = array<i32>} : memref<13x128xi32, #tpu.memory_space<vmem>>, vector<1x16xi32>,
        %get3A_1322 = vector.shape_cast %get3A_1321 : vector<1x16xi32> to vector<16xi32>
        %get3A_1323 = arith.constant 112 : index
        %get3A_1324 = tpu.vector_load %arg5[%get3A_1323] {strides = array<i32>} : memref<208xi32, #tpu.memory_space<vmem>>, vector<16xi32>,
        %get3A_1325 = vector.shape_cast %get3A_1324 : vector<16xi32> to vector<16xi32>
        %add3A_1326 = arith.addi %get3A_1322, %get3A_1325 : vector<16xi32>
        %swap3A_1327 = arith.constant 5 : i32
        %swap3A_1328 = arith.index_cast %swap3A_1327 : i32 to index
        %swap3A_1329 = arith.constant 96 : index
        %swap3A_1330 = tpu.vector_load %arg7[%swap3A_1328, %swap3A_1329] {strides = array<i32>} : memref<13x128xi32, #tpu.memory_space<vmem>>, vector<1x16xi32>,
        %swap3A_1331 = vector.shape_cast %swap3A_1330 : vector<1x16xi32> to vector<16xi32>
        %swap3A_1332 = vector.shape_cast %add3A_1326 : vector<16xi32> to vector<1x16xi32>
        tpu.vector_store %arg7[%swap3A_1328, %swap3A_1329], %swap3A_1332 {strides = array<i32>} : memref<13x128xi32, #tpu.memory_space<vmem>>, vector<1x16xi32>,
        %get3A_1333 = arith.constant 5 : i32
        %get3A_1334 = arith.index_cast %get3A_1333 : i32 to index
        %get3A_1335 = arith.constant 112 : index
        %get3A_1336 = tpu.vector_load %arg7[%get3A_1334, %get3A_1335] {strides = array<i32>} : memref<13x128xi32, #tpu.memory_space<vmem>>, vector<1x16xi32>,
        %get3A_1337 = vector.shape_cast %get3A_1336 : vector<1x16xi32> to vector<16xi32>
        %get3A_1338 = arith.constant 128 : index
        %get3A_1339 = tpu.vector_load %arg5[%get3A_1338] {strides = array<i32>} : memref<208xi32, #tpu.memory_space<vmem>>, vector<16xi32>,
        %get3A_1340 = vector.shape_cast %get3A_1339 : vector<16xi32> to vector<16xi32>
        %add3A_1341 = arith.addi %get3A_1337, %get3A_1340 : vector<16xi32>
        %swap3A_1342 = arith.constant 5 : i32
        %swap3A_1343 = arith.index_cast %swap3A_1342 : i32 to index
        %swap3A_1344 = arith.constant 112 : index
        %swap3A_1345 = tpu.vector_load %arg7[%swap3A_1343, %swap3A_1344] {strides = array<i32>} : memref<13x128xi32, #tpu.memory_space<vmem>>, vector<1x16xi32>,
        %swap3A_1346 = vector.shape_cast %swap3A_1345 : vector<1x16xi32> to vector<16xi32>
        %swap3A_1347 = vector.shape_cast %add3A_1341 : vector<16xi32> to vector<1x16xi32>
        tpu.vector_store %arg7[%swap3A_1343, %swap3A_1344], %swap3A_1347 {strides = array<i32>} : memref<13x128xi32, #tpu.memory_space<vmem>>, vector<1x16xi32>,
        %get3A_1348 = arith.constant 6 : i32
        %get3A_1349 = arith.index_cast %get3A_1348 : i32 to index
        %get3A_1350 = arith.constant 0 : index
        %get3A_1351 = tpu.vector_load %arg7[%get3A_1349, %get3A_1350] {strides = array<i32>} : memref<13x128xi32, #tpu.memory_space<vmem>>, vector<1x16xi32>,
        %get3A_1352 = vector.shape_cast %get3A_1351 : vector<1x16xi32> to vector<16xi32>
        %get3A_1353 = arith.constant 144 : index
        %get3A_1354 = tpu.vector_load %arg5[%get3A_1353] {strides = array<i32>} : memref<208xi32, #tpu.memory_space<vmem>>, vector<16xi32>,
        %get3A_1355 = vector.shape_cast %get3A_1354 : vector<16xi32> to vector<16xi32>
        %add3A_1356 = arith.addi %get3A_1352, %get3A_1355 : vector<16xi32>
        %swap3A_1357 = arith.constant 6 : i32
        %swap3A_1358 = arith.index_cast %swap3A_1357 : i32 to index
        %swap3A_1359 = arith.constant 0 : index
        %swap3A_1360 = tpu.vector_load %arg7[%swap3A_1358, %swap3A_1359] {strides = array<i32>} : memref<13x128xi32, #tpu.memory_space<vmem>>, vector<1x16xi32>,
        %swap3A_1361 = vector.shape_cast %swap3A_1360 : vector<1x16xi32> to vector<16xi32>
        %swap3A_1362 = vector.shape_cast %add3A_1356 : vector<16xi32> to vector<1x16xi32>
        tpu.vector_store %arg7[%swap3A_1358, %swap3A_1359], %swap3A_1362 {strides = array<i32>} : memref<13x128xi32, #tpu.memory_space<vmem>>, vector<1x16xi32>,
        %get3A_1363 = arith.constant 6 : i32
        %get3A_1364 = arith.index_cast %get3A_1363 : i32 to index
        %get3A_1365 = arith.constant 16 : index
        %get3A_1366 = tpu.vector_load %arg7[%get3A_1364, %get3A_1365] {strides = array<i32>} : memref<13x128xi32, #tpu.memory_space<vmem>>, vector<1x16xi32>,
        %get3A_1367 = vector.shape_cast %get3A_1366 : vector<1x16xi32> to vector<16xi32>
        %get3A_1368 = arith.constant 160 : index
        %get3A_1369 = tpu.vector_load %arg5[%get3A_1368] {strides = array<i32>} : memref<208xi32, #tpu.memory_space<vmem>>, vector<16xi32>,
        %get3A_1370 = vector.shape_cast %get3A_1369 : vector<16xi32> to vector<16xi32>
        %add3A_1371 = arith.addi %get3A_1367, %get3A_1370 : vector<16xi32>
        %swap3A_1372 = arith.constant 6 : i32
        %swap3A_1373 = arith.index_cast %swap3A_1372 : i32 to index
        %swap3A_1374 = arith.constant 16 : index
        %swap3A_1375 = tpu.vector_load %arg7[%swap3A_1373, %swap3A_1374] {strides = array<i32>} : memref<13x128xi32, #tpu.memory_space<vmem>>, vector<1x16xi32>,
        %swap3A_1376 = vector.shape_cast %swap3A_1375 : vector<1x16xi32> to vector<16xi32>
        %swap3A_1377 = vector.shape_cast %add3A_1371 : vector<16xi32> to vector<1x16xi32>
        tpu.vector_store %arg7[%swap3A_1373, %swap3A_1374], %swap3A_1377 {strides = array<i32>} : memref<13x128xi32, #tpu.memory_space<vmem>>, vector<1x16xi32>,
        %get3A_1378 = arith.constant 6 : i32
        %get3A_1379 = arith.index_cast %get3A_1378 : i32 to index
        %get3A_1380 = arith.constant 32 : index
        %get3A_1381 = tpu.vector_load %arg7[%get3A_1379, %get3A_1380] {strides = array<i32>} : memref<13x128xi32, #tpu.memory_space<vmem>>, vector<1x16xi32>,
        %get3A_1382 = vector.shape_cast %get3A_1381 : vector<1x16xi32> to vector<16xi32>
        %get3A_1383 = arith.constant 176 : index
        %get3A_1384 = tpu.vector_load %arg5[%get3A_1383] {strides = array<i32>} : memref<208xi32, #tpu.memory_space<vmem>>, vector<16xi32>,
        %get3A_1385 = vector.shape_cast %get3A_1384 : vector<16xi32> to vector<16xi32>
        %add3A_1386 = arith.addi %get3A_1382, %get3A_1385 : vector<16xi32>
        %swap3A_1387 = arith.constant 6 : i32
        %swap3A_1388 = arith.index_cast %swap3A_1387 : i32 to index
        %swap3A_1389 = arith.constant 32 : index
        %swap3A_1390 = tpu.vector_load %arg7[%swap3A_1388, %swap3A_1389] {strides = array<i32>} : memref<13x128xi32, #tpu.memory_space<vmem>>, vector<1x16xi32>,
        %swap3A_1391 = vector.shape_cast %swap3A_1390 : vector<1x16xi32> to vector<16xi32>
        %swap3A_1392 = vector.shape_cast %add3A_1386 : vector<16xi32> to vector<1x16xi32>
        tpu.vector_store %arg7[%swap3A_1388, %swap3A_1389], %swap3A_1392 {strides = array<i32>} : memref<13x128xi32, #tpu.memory_space<vmem>>, vector<1x16xi32>,
        %get3A_1393 = arith.constant 6 : i32
        %get3A_1394 = arith.index_cast %get3A_1393 : i32 to index
        %get3A_1395 = arith.constant 48 : index
        %get3A_1396 = tpu.vector_load %arg7[%get3A_1394, %get3A_1395] {strides = array<i32>} : memref<13x128xi32, #tpu.memory_space<vmem>>, vector<1x16xi32>,
        %get3A_1397 = vector.shape_cast %get3A_1396 : vector<1x16xi32> to vector<16xi32>
        %get3A_1398 = arith.constant 192 : index
        %get3A_1399 = tpu.vector_load %arg5[%get3A_1398] {strides = array<i32>} : memref<208xi32, #tpu.memory_space<vmem>>, vector<16xi32>,
        %get3A_1400 = vector.shape_cast %get3A_1399 : vector<16xi32> to vector<16xi32>
        %add3A_1401 = arith.addi %get3A_1397, %get3A_1400 : vector<16xi32>
        %swap3A_1402 = arith.constant 6 : i32
        %swap3A_1403 = arith.index_cast %swap3A_1402 : i32 to index
        %swap3A_1404 = arith.constant 48 : index
        %swap3A_1405 = tpu.vector_load %arg7[%swap3A_1403, %swap3A_1404] {strides = array<i32>} : memref<13x128xi32, #tpu.memory_space<vmem>>, vector<1x16xi32>,
        %swap3A_1406 = vector.shape_cast %swap3A_1405 : vector<1x16xi32> to vector<16xi32>
        %swap3A_1407 = vector.shape_cast %add3A_1401 : vector<16xi32> to vector<1x16xi32>
        tpu.vector_store %arg7[%swap3A_1403, %swap3A_1404], %swap3A_1407 {strides = array<i32>} : memref<13x128xi32, #tpu.memory_space<vmem>>, vector<1x16xi32>,
        %get3A_1408 = arith.constant 6 : i32
        %get3A_1409 = arith.index_cast %get3A_1408 : i32 to index
        %get3A_1410 = arith.constant 64 : index
        %get3A_1411 = tpu.vector_load %arg7[%get3A_1409, %get3A_1410] {strides = array<i32>} : memref<13x128xi32, #tpu.memory_space<vmem>>, vector<1x16xi32>,
        %get3A_1412 = vector.shape_cast %get3A_1411 : vector<1x16xi32> to vector<16xi32>
        %get3A_1413 = arith.constant 0 : index
        %get3A_1414 = tpu.vector_load %arg5[%get3A_1413] {strides = array<i32>} : memref<208xi32, #tpu.memory_space<vmem>>, vector<16xi32>,
        %get3A_1415 = vector.shape_cast %get3A_1414 : vector<16xi32> to vector<16xi32>
        %add3A_1416 = arith.addi %get3A_1412, %get3A_1415 : vector<16xi32>
        %swap3A_1417 = arith.constant 6 : i32
        %swap3A_1418 = arith.index_cast %swap3A_1417 : i32 to index
        %swap3A_1419 = arith.constant 64 : index
        %swap3A_1420 = tpu.vector_load %arg7[%swap3A_1418, %swap3A_1419] {strides = array<i32>} : memref<13x128xi32, #tpu.memory_space<vmem>>, vector<1x16xi32>,
        %swap3A_1421 = vector.shape_cast %swap3A_1420 : vector<1x16xi32> to vector<16xi32>
        %swap3A_1422 = vector.shape_cast %add3A_1416 : vector<16xi32> to vector<1x16xi32>
        tpu.vector_store %arg7[%swap3A_1418, %swap3A_1419], %swap3A_1422 {strides = array<i32>} : memref<13x128xi32, #tpu.memory_space<vmem>>, vector<1x16xi32>,
        %get3A_1423 = arith.constant 6 : i32
        %get3A_1424 = arith.index_cast %get3A_1423 : i32 to index
        %get3A_1425 = arith.constant 80 : index
        %get3A_1426 = tpu.vector_load %arg7[%get3A_1424, %get3A_1425] {strides = array<i32>} : memref<13x128xi32, #tpu.memory_space<vmem>>, vector<1x16xi32>,
        %get3A_1427 = vector.shape_cast %get3A_1426 : vector<1x16xi32> to vector<16xi32>
        %get3A_1428 = arith.constant 16 : index
        %get3A_1429 = tpu.vector_load %arg5[%get3A_1428] {strides = array<i32>} : memref<208xi32, #tpu.memory_space<vmem>>, vector<16xi32>,
        %get3A_1430 = vector.shape_cast %get3A_1429 : vector<16xi32> to vector<16xi32>
        %add3A_1431 = arith.addi %get3A_1427, %get3A_1430 : vector<16xi32>
        %swap3A_1432 = arith.constant 6 : i32
        %swap3A_1433 = arith.index_cast %swap3A_1432 : i32 to index
        %swap3A_1434 = arith.constant 80 : index
        %swap3A_1435 = tpu.vector_load %arg7[%swap3A_1433, %swap3A_1434] {strides = array<i32>} : memref<13x128xi32, #tpu.memory_space<vmem>>, vector<1x16xi32>,
        %swap3A_1436 = vector.shape_cast %swap3A_1435 : vector<1x16xi32> to vector<16xi32>
        %swap3A_1437 = vector.shape_cast %add3A_1431 : vector<16xi32> to vector<1x16xi32>
        tpu.vector_store %arg7[%swap3A_1433, %swap3A_1434], %swap3A_1437 {strides = array<i32>} : memref<13x128xi32, #tpu.memory_space<vmem>>, vector<1x16xi32>,
        %get3A_1438 = arith.constant 6 : i32
        %get3A_1439 = arith.index_cast %get3A_1438 : i32 to index
        %get3A_1440 = arith.constant 96 : index
        %get3A_1441 = tpu.vector_load %arg7[%get3A_1439, %get3A_1440] {strides = array<i32>} : memref<13x128xi32, #tpu.memory_space<vmem>>, vector<1x16xi32>,
        %get3A_1442 = vector.shape_cast %get3A_1441 : vector<1x16xi32> to vector<16xi32>
        %get3A_1443 = arith.constant 32 : index
        %get3A_1444 = tpu.vector_load %arg5[%get3A_1443] {strides = array<i32>} : memref<208xi32, #tpu.memory_space<vmem>>, vector<16xi32>,
        %get3A_1445 = vector.shape_cast %get3A_1444 : vector<16xi32> to vector<16xi32>
        %add3A_1446 = arith.addi %get3A_1442, %get3A_1445 : vector<16xi32>
        %swap3A_1447 = arith.constant 6 : i32
        %swap3A_1448 = arith.index_cast %swap3A_1447 : i32 to index
        %swap3A_1449 = arith.constant 96 : index
        %swap3A_1450 = tpu.vector_load %arg7[%swap3A_1448, %swap3A_1449] {strides = array<i32>} : memref<13x128xi32, #tpu.memory_space<vmem>>, vector<1x16xi32>,
        %swap3A_1451 = vector.shape_cast %swap3A_1450 : vector<1x16xi32> to vector<16xi32>
        %swap3A_1452 = vector.shape_cast %add3A_1446 : vector<16xi32> to vector<1x16xi32>
        tpu.vector_store %arg7[%swap3A_1448, %swap3A_1449], %swap3A_1452 {strides = array<i32>} : memref<13x128xi32, #tpu.memory_space<vmem>>, vector<1x16xi32>,
        %get3A_1453 = arith.constant 6 : i32
        %get3A_1454 = arith.index_cast %get3A_1453 : i32 to index
        %get3A_1455 = arith.constant 112 : index
        %get3A_1456 = tpu.vector_load %arg7[%get3A_1454, %get3A_1455] {strides = array<i32>} : memref<13x128xi32, #tpu.memory_space<vmem>>, vector<1x16xi32>,
        %get3A_1457 = vector.shape_cast %get3A_1456 : vector<1x16xi32> to vector<16xi32>
        %get3A_1458 = arith.constant 48 : index
        %get3A_1459 = tpu.vector_load %arg5[%get3A_1458] {strides = array<i32>} : memref<208xi32, #tpu.memory_space<vmem>>, vector<16xi32>,
        %get3A_1460 = vector.shape_cast %get3A_1459 : vector<16xi32> to vector<16xi32>
        %add3A_1461 = arith.addi %get3A_1457, %get3A_1460 : vector<16xi32>
        %swap3A_1462 = arith.constant 6 : i32
        %swap3A_1463 = arith.index_cast %swap3A_1462 : i32 to index
        %swap3A_1464 = arith.constant 112 : index
        %swap3A_1465 = tpu.vector_load %arg7[%swap3A_1463, %swap3A_1464] {strides = array<i32>} : memref<13x128xi32, #tpu.memory_space<vmem>>, vector<1x16xi32>,
        %swap3A_1466 = vector.shape_cast %swap3A_1465 : vector<1x16xi32> to vector<16xi32>
        %swap3A_1467 = vector.shape_cast %add3A_1461 : vector<16xi32> to vector<1x16xi32>
        tpu.vector_store %arg7[%swap3A_1463, %swap3A_1464], %swap3A_1467 {strides = array<i32>} : memref<13x128xi32, #tpu.memory_space<vmem>>, vector<1x16xi32>,
        %get3A_1468 = arith.constant 7 : i32
        %get3A_1469 = arith.index_cast %get3A_1468 : i32 to index
        %get3A_1470 = arith.constant 0 : index
        %get3A_1471 = tpu.vector_load %arg7[%get3A_1469, %get3A_1470] {strides = array<i32>} : memref<13x128xi32, #tpu.memory_space<vmem>>, vector<1x16xi32>,
        %get3A_1472 = vector.shape_cast %get3A_1471 : vector<1x16xi32> to vector<16xi32>
        %get3A_1473 = arith.constant 64 : index
        %get3A_1474 = tpu.vector_load %arg5[%get3A_1473] {strides = array<i32>} : memref<208xi32, #tpu.memory_space<vmem>>, vector<16xi32>,
        %get3A_1475 = vector.shape_cast %get3A_1474 : vector<16xi32> to vector<16xi32>
        %add3A_1476 = arith.addi %get3A_1472, %get3A_1475 : vector<16xi32>
        %swap3A_1477 = arith.constant 7 : i32
        %swap3A_1478 = arith.index_cast %swap3A_1477 : i32 to index
        %swap3A_1479 = arith.constant 0 : index
        %swap3A_1480 = tpu.vector_load %arg7[%swap3A_1478, %swap3A_1479] {strides = array<i32>} : memref<13x128xi32, #tpu.memory_space<vmem>>, vector<1x16xi32>,
        %swap3A_1481 = vector.shape_cast %swap3A_1480 : vector<1x16xi32> to vector<16xi32>
        %swap3A_1482 = vector.shape_cast %add3A_1476 : vector<16xi32> to vector<1x16xi32>
        tpu.vector_store %arg7[%swap3A_1478, %swap3A_1479], %swap3A_1482 {strides = array<i32>} : memref<13x128xi32, #tpu.memory_space<vmem>>, vector<1x16xi32>,
        %get3A_1483 = arith.constant 7 : i32
        %get3A_1484 = arith.index_cast %get3A_1483 : i32 to index
        %get3A_1485 = arith.constant 16 : index
        %get3A_1486 = tpu.vector_load %arg7[%get3A_1484, %get3A_1485] {strides = array<i32>} : memref<13x128xi32, #tpu.memory_space<vmem>>, vector<1x16xi32>,
        %get3A_1487 = vector.shape_cast %get3A_1486 : vector<1x16xi32> to vector<16xi32>
        %get3A_1488 = arith.constant 80 : index
        %get3A_1489 = tpu.vector_load %arg5[%get3A_1488] {strides = array<i32>} : memref<208xi32, #tpu.memory_space<vmem>>, vector<16xi32>,
        %get3A_1490 = vector.shape_cast %get3A_1489 : vector<16xi32> to vector<16xi32>
        %add3A_1491 = arith.addi %get3A_1487, %get3A_1490 : vector<16xi32>
        %swap3A_1492 = arith.constant 7 : i32
        %swap3A_1493 = arith.index_cast %swap3A_1492 : i32 to index
        %swap3A_1494 = arith.constant 16 : index
        %swap3A_1495 = tpu.vector_load %arg7[%swap3A_1493, %swap3A_1494] {strides = array<i32>} : memref<13x128xi32, #tpu.memory_space<vmem>>, vector<1x16xi32>,
        %swap3A_1496 = vector.shape_cast %swap3A_1495 : vector<1x16xi32> to vector<16xi32>
        %swap3A_1497 = vector.shape_cast %add3A_1491 : vector<16xi32> to vector<1x16xi32>
        tpu.vector_store %arg7[%swap3A_1493, %swap3A_1494], %swap3A_1497 {strides = array<i32>} : memref<13x128xi32, #tpu.memory_space<vmem>>, vector<1x16xi32>,
        %get3A_1498 = arith.constant 7 : i32
        %get3A_1499 = arith.index_cast %get3A_1498 : i32 to index
        %get3A_1500 = arith.constant 32 : index
        %get3A_1501 = tpu.vector_load %arg7[%get3A_1499, %get3A_1500] {strides = array<i32>} : memref<13x128xi32, #tpu.memory_space<vmem>>, vector<1x16xi32>,
        %get3A_1502 = vector.shape_cast %get3A_1501 : vector<1x16xi32> to vector<16xi32>
        %get3A_1503 = arith.constant 96 : index
        %get3A_1504 = tpu.vector_load %arg5[%get3A_1503] {strides = array<i32>} : memref<208xi32, #tpu.memory_space<vmem>>, vector<16xi32>,
        %get3A_1505 = vector.shape_cast %get3A_1504 : vector<16xi32> to vector<16xi32>
        %add3A_1506 = arith.addi %get3A_1502, %get3A_1505 : vector<16xi32>
        %swap3A_1507 = arith.constant 7 : i32
        %swap3A_1508 = arith.index_cast %swap3A_1507 : i32 to index
        %swap3A_1509 = arith.constant 32 : index
        %swap3A_1510 = tpu.vector_load %arg7[%swap3A_1508, %swap3A_1509] {strides = array<i32>} : memref<13x128xi32, #tpu.memory_space<vmem>>, vector<1x16xi32>,
        %swap3A_1511 = vector.shape_cast %swap3A_1510 : vector<1x16xi32> to vector<16xi32>
        %swap3A_1512 = vector.shape_cast %add3A_1506 : vector<16xi32> to vector<1x16xi32>
        tpu.vector_store %arg7[%swap3A_1508, %swap3A_1509], %swap3A_1512 {strides = array<i32>} : memref<13x128xi32, #tpu.memory_space<vmem>>, vector<1x16xi32>,
        %get3A_1513 = arith.constant 7 : i32
        %get3A_1514 = arith.index_cast %get3A_1513 : i32 to index
        %get3A_1515 = arith.constant 48 : index
        %get3A_1516 = tpu.vector_load %arg7[%get3A_1514, %get3A_1515] {strides = array<i32>} : memref<13x128xi32, #tpu.memory_space<vmem>>, vector<1x16xi32>,
        %get3A_1517 = vector.shape_cast %get3A_1516 : vector<1x16xi32> to vector<16xi32>
        %get3A_1518 = arith.constant 112 : index
        %get3A_1519 = tpu.vector_load %arg5[%get3A_1518] {strides = array<i32>} : memref<208xi32, #tpu.memory_space<vmem>>, vector<16xi32>,
        %get3A_1520 = vector.shape_cast %get3A_1519 : vector<16xi32> to vector<16xi32>
        %add3A_1521 = arith.addi %get3A_1517, %get3A_1520 : vector<16xi32>
        %swap3A_1522 = arith.constant 7 : i32
        %swap3A_1523 = arith.index_cast %swap3A_1522 : i32 to index
        %swap3A_1524 = arith.constant 48 : index
        %swap3A_1525 = tpu.vector_load %arg7[%swap3A_1523, %swap3A_1524] {strides = array<i32>} : memref<13x128xi32, #tpu.memory_space<vmem>>, vector<1x16xi32>,
        %swap3A_1526 = vector.shape_cast %swap3A_1525 : vector<1x16xi32> to vector<16xi32>
        %swap3A_1527 = vector.shape_cast %add3A_1521 : vector<16xi32> to vector<1x16xi32>
        tpu.vector_store %arg7[%swap3A_1523, %swap3A_1524], %swap3A_1527 {strides = array<i32>} : memref<13x128xi32, #tpu.memory_space<vmem>>, vector<1x16xi32>,
        %get3A_1528 = arith.constant 7 : i32
        %get3A_1529 = arith.index_cast %get3A_1528 : i32 to index
        %get3A_1530 = arith.constant 64 : index
        %get3A_1531 = tpu.vector_load %arg7[%get3A_1529, %get3A_1530] {strides = array<i32>} : memref<13x128xi32, #tpu.memory_space<vmem>>, vector<1x16xi32>,
        %get3A_1532 = vector.shape_cast %get3A_1531 : vector<1x16xi32> to vector<16xi32>
        %get3A_1533 = arith.constant 128 : index
        %get3A_1534 = tpu.vector_load %arg5[%get3A_1533] {strides = array<i32>} : memref<208xi32, #tpu.memory_space<vmem>>, vector<16xi32>,
        %get3A_1535 = vector.shape_cast %get3A_1534 : vector<16xi32> to vector<16xi32>
        %add3A_1536 = arith.addi %get3A_1532, %get3A_1535 : vector<16xi32>
        %swap3A_1537 = arith.constant 7 : i32
        %swap3A_1538 = arith.index_cast %swap3A_1537 : i32 to index
        %swap3A_1539 = arith.constant 64 : index
        %swap3A_1540 = tpu.vector_load %arg7[%swap3A_1538, %swap3A_1539] {strides = array<i32>} : memref<13x128xi32, #tpu.memory_space<vmem>>, vector<1x16xi32>,
        %swap3A_1541 = vector.shape_cast %swap3A_1540 : vector<1x16xi32> to vector<16xi32>
        %swap3A_1542 = vector.shape_cast %add3A_1536 : vector<16xi32> to vector<1x16xi32>
        tpu.vector_store %arg7[%swap3A_1538, %swap3A_1539], %swap3A_1542 {strides = array<i32>} : memref<13x128xi32, #tpu.memory_space<vmem>>, vector<1x16xi32>,
        %get3A_1543 = arith.constant 7 : i32
        %get3A_1544 = arith.index_cast %get3A_1543 : i32 to index
        %get3A_1545 = arith.constant 80 : index
        %get3A_1546 = tpu.vector_load %arg7[%get3A_1544, %get3A_1545] {strides = array<i32>} : memref<13x128xi32, #tpu.memory_space<vmem>>, vector<1x16xi32>,
        %get3A_1547 = vector.shape_cast %get3A_1546 : vector<1x16xi32> to vector<16xi32>
        %get3A_1548 = arith.constant 144 : index
        %get3A_1549 = tpu.vector_load %arg5[%get3A_1548] {strides = array<i32>} : memref<208xi32, #tpu.memory_space<vmem>>, vector<16xi32>,
        %get3A_1550 = vector.shape_cast %get3A_1549 : vector<16xi32> to vector<16xi32>
        %add3A_1551 = arith.addi %get3A_1547, %get3A_1550 : vector<16xi32>
        %swap3A_1552 = arith.constant 7 : i32
        %swap3A_1553 = arith.index_cast %swap3A_1552 : i32 to index
        %swap3A_1554 = arith.constant 80 : index
        %swap3A_1555 = tpu.vector_load %arg7[%swap3A_1553, %swap3A_1554] {strides = array<i32>} : memref<13x128xi32, #tpu.memory_space<vmem>>, vector<1x16xi32>,
        %swap3A_1556 = vector.shape_cast %swap3A_1555 : vector<1x16xi32> to vector<16xi32>
        %swap3A_1557 = vector.shape_cast %add3A_1551 : vector<16xi32> to vector<1x16xi32>
        tpu.vector_store %arg7[%swap3A_1553, %swap3A_1554], %swap3A_1557 {strides = array<i32>} : memref<13x128xi32, #tpu.memory_space<vmem>>, vector<1x16xi32>,
        %get3A_1558 = arith.constant 7 : i32
        %get3A_1559 = arith.index_cast %get3A_1558 : i32 to index
        %get3A_1560 = arith.constant 96 : index
        %get3A_1561 = tpu.vector_load %arg7[%get3A_1559, %get3A_1560] {strides = array<i32>} : memref<13x128xi32, #tpu.memory_space<vmem>>, vector<1x16xi32>,
        %get3A_1562 = vector.shape_cast %get3A_1561 : vector<1x16xi32> to vector<16xi32>
        %get3A_1563 = arith.constant 160 : index
        %get3A_1564 = tpu.vector_load %arg5[%get3A_1563] {strides = array<i32>} : memref<208xi32, #tpu.memory_space<vmem>>, vector<16xi32>,
        %get3A_1565 = vector.shape_cast %get3A_1564 : vector<16xi32> to vector<16xi32>
        %add3A_1566 = arith.addi %get3A_1562, %get3A_1565 : vector<16xi32>
        %swap3A_1567 = arith.constant 7 : i32
        %swap3A_1568 = arith.index_cast %swap3A_1567 : i32 to index
        %swap3A_1569 = arith.constant 96 : index
        %swap3A_1570 = tpu.vector_load %arg7[%swap3A_1568, %swap3A_1569] {strides = array<i32>} : memref<13x128xi32, #tpu.memory_space<vmem>>, vector<1x16xi32>,
        %swap3A_1571 = vector.shape_cast %swap3A_1570 : vector<1x16xi32> to vector<16xi32>
        %swap3A_1572 = vector.shape_cast %add3A_1566 : vector<16xi32> to vector<1x16xi32>
        tpu.vector_store %arg7[%swap3A_1568, %swap3A_1569], %swap3A_1572 {strides = array<i32>} : memref<13x128xi32, #tpu.memory_space<vmem>>, vector<1x16xi32>,
        %get3A_1573 = arith.constant 7 : i32
        %get3A_1574 = arith.index_cast %get3A_1573 : i32 to index
        %get3A_1575 = arith.constant 112 : index
        %get3A_1576 = tpu.vector_load %arg7[%get3A_1574, %get3A_1575] {strides = array<i32>} : memref<13x128xi32, #tpu.memory_space<vmem>>, vector<1x16xi32>,
        %get3A_1577 = vector.shape_cast %get3A_1576 : vector<1x16xi32> to vector<16xi32>
        %get3A_1578 = arith.constant 176 : index
        %get3A_1579 = tpu.vector_load %arg5[%get3A_1578] {strides = array<i32>} : memref<208xi32, #tpu.memory_space<vmem>>, vector<16xi32>,
        %get3A_1580 = vector.shape_cast %get3A_1579 : vector<16xi32> to vector<16xi32>
        %add3A_1581 = arith.addi %get3A_1577, %get3A_1580 : vector<16xi32>
        %swap3A_1582 = arith.constant 7 : i32
        %swap3A_1583 = arith.index_cast %swap3A_1582 : i32 to index
        %swap3A_1584 = arith.constant 112 : index
        %swap3A_1585 = tpu.vector_load %arg7[%swap3A_1583, %swap3A_1584] {strides = array<i32>} : memref<13x128xi32, #tpu.memory_space<vmem>>, vector<1x16xi32>,
        %swap3A_1586 = vector.shape_cast %swap3A_1585 : vector<1x16xi32> to vector<16xi32>
        %swap3A_1587 = vector.shape_cast %add3A_1581 : vector<16xi32> to vector<1x16xi32>
        tpu.vector_store %arg7[%swap3A_1583, %swap3A_1584], %swap3A_1587 {strides = array<i32>} : memref<13x128xi32, #tpu.memory_space<vmem>>, vector<1x16xi32>,
        %get3A_1588 = arith.constant 8 : i32
        %get3A_1589 = arith.index_cast %get3A_1588 : i32 to index
        %get3A_1590 = arith.constant 0 : index
        %get3A_1591 = tpu.vector_load %arg7[%get3A_1589, %get3A_1590] {strides = array<i32>} : memref<13x128xi32, #tpu.memory_space<vmem>>, vector<1x16xi32>,
        %get3A_1592 = vector.shape_cast %get3A_1591 : vector<1x16xi32> to vector<16xi32>
        %get3A_1593 = arith.constant 192 : index
        %get3A_1594 = tpu.vector_load %arg5[%get3A_1593] {strides = array<i32>} : memref<208xi32, #tpu.memory_space<vmem>>, vector<16xi32>,
        %get3A_1595 = vector.shape_cast %get3A_1594 : vector<16xi32> to vector<16xi32>
        %add3A_1596 = arith.addi %get3A_1592, %get3A_1595 : vector<16xi32>
        %swap3A_1597 = arith.constant 8 : i32
        %swap3A_1598 = arith.index_cast %swap3A_1597 : i32 to index
        %swap3A_1599 = arith.constant 0 : index
        %swap3A_1600 = tpu.vector_load %arg7[%swap3A_1598, %swap3A_1599] {strides = array<i32>} : memref<13x128xi32, #tpu.memory_space<vmem>>, vector<1x16xi32>,
        %swap3A_1601 = vector.shape_cast %swap3A_1600 : vector<1x16xi32> to vector<16xi32>
        %swap3A_1602 = vector.shape_cast %add3A_1596 : vector<16xi32> to vector<1x16xi32>
        tpu.vector_store %arg7[%swap3A_1598, %swap3A_1599], %swap3A_1602 {strides = array<i32>} : memref<13x128xi32, #tpu.memory_space<vmem>>, vector<1x16xi32>,
        %get3A_1603 = arith.constant 8 : i32
        %get3A_1604 = arith.index_cast %get3A_1603 : i32 to index
        %get3A_1605 = arith.constant 16 : index
        %get3A_1606 = tpu.vector_load %arg7[%get3A_1604, %get3A_1605] {strides = array<i32>} : memref<13x128xi32, #tpu.memory_space<vmem>>, vector<1x16xi32>,
        %get3A_1607 = vector.shape_cast %get3A_1606 : vector<1x16xi32> to vector<16xi32>
        %get3A_1608 = arith.constant 0 : index
        %get3A_1609 = tpu.vector_load %arg5[%get3A_1608] {strides = array<i32>} : memref<208xi32, #tpu.memory_space<vmem>>, vector<16xi32>,
        %get3A_1610 = vector.shape_cast %get3A_1609 : vector<16xi32> to vector<16xi32>
        %add3A_1611 = arith.addi %get3A_1607, %get3A_1610 : vector<16xi32>
        %swap3A_1612 = arith.constant 8 : i32
        %swap3A_1613 = arith.index_cast %swap3A_1612 : i32 to index
        %swap3A_1614 = arith.constant 16 : index
        %swap3A_1615 = tpu.vector_load %arg7[%swap3A_1613, %swap3A_1614] {strides = array<i32>} : memref<13x128xi32, #tpu.memory_space<vmem>>, vector<1x16xi32>,
        %swap3A_1616 = vector.shape_cast %swap3A_1615 : vector<1x16xi32> to vector<16xi32>
        %swap3A_1617 = vector.shape_cast %add3A_1611 : vector<16xi32> to vector<1x16xi32>
        tpu.vector_store %arg7[%swap3A_1613, %swap3A_1614], %swap3A_1617 {strides = array<i32>} : memref<13x128xi32, #tpu.memory_space<vmem>>, vector<1x16xi32>,
        %get3A_1618 = arith.constant 8 : i32
        %get3A_1619 = arith.index_cast %get3A_1618 : i32 to index
        %get3A_1620 = arith.constant 32 : index
        %get3A_1621 = tpu.vector_load %arg7[%get3A_1619, %get3A_1620] {strides = array<i32>} : memref<13x128xi32, #tpu.memory_space<vmem>>, vector<1x16xi32>,
        %get3A_1622 = vector.shape_cast %get3A_1621 : vector<1x16xi32> to vector<16xi32>
        %get3A_1623 = arith.constant 16 : index
        %get3A_1624 = tpu.vector_load %arg5[%get3A_1623] {strides = array<i32>} : memref<208xi32, #tpu.memory_space<vmem>>, vector<16xi32>,
        %get3A_1625 = vector.shape_cast %get3A_1624 : vector<16xi32> to vector<16xi32>
        %add3A_1626 = arith.addi %get3A_1622, %get3A_1625 : vector<16xi32>
        %swap3A_1627 = arith.constant 8 : i32
        %swap3A_1628 = arith.index_cast %swap3A_1627 : i32 to index
        %swap3A_1629 = arith.constant 32 : index
        %swap3A_1630 = tpu.vector_load %arg7[%swap3A_1628, %swap3A_1629] {strides = array<i32>} : memref<13x128xi32, #tpu.memory_space<vmem>>, vector<1x16xi32>,
        %swap3A_1631 = vector.shape_cast %swap3A_1630 : vector<1x16xi32> to vector<16xi32>
        %swap3A_1632 = vector.shape_cast %add3A_1626 : vector<16xi32> to vector<1x16xi32>
        tpu.vector_store %arg7[%swap3A_1628, %swap3A_1629], %swap3A_1632 {strides = array<i32>} : memref<13x128xi32, #tpu.memory_space<vmem>>, vector<1x16xi32>,
        %get3A_1633 = arith.constant 8 : i32
        %get3A_1634 = arith.index_cast %get3A_1633 : i32 to index
        %get3A_1635 = arith.constant 48 : index
        %get3A_1636 = tpu.vector_load %arg7[%get3A_1634, %get3A_1635] {strides = array<i32>} : memref<13x128xi32, #tpu.memory_space<vmem>>, vector<1x16xi32>,
        %get3A_1637 = vector.shape_cast %get3A_1636 : vector<1x16xi32> to vector<16xi32>
        %get3A_1638 = arith.constant 32 : index
        %get3A_1639 = tpu.vector_load %arg5[%get3A_1638] {strides = array<i32>} : memref<208xi32, #tpu.memory_space<vmem>>, vector<16xi32>,
        %get3A_1640 = vector.shape_cast %get3A_1639 : vector<16xi32> to vector<16xi32>
        %add3A_1641 = arith.addi %get3A_1637, %get3A_1640 : vector<16xi32>
        %swap3A_1642 = arith.constant 8 : i32
        %swap3A_1643 = arith.index_cast %swap3A_1642 : i32 to index
        %swap3A_1644 = arith.constant 48 : index
        %swap3A_1645 = tpu.vector_load %arg7[%swap3A_1643, %swap3A_1644] {strides = array<i32>} : memref<13x128xi32, #tpu.memory_space<vmem>>, vector<1x16xi32>,
        %swap3A_1646 = vector.shape_cast %swap3A_1645 : vector<1x16xi32> to vector<16xi32>
        %swap3A_1647 = vector.shape_cast %add3A_1641 : vector<16xi32> to vector<1x16xi32>
        tpu.vector_store %arg7[%swap3A_1643, %swap3A_1644], %swap3A_1647 {strides = array<i32>} : memref<13x128xi32, #tpu.memory_space<vmem>>, vector<1x16xi32>,
        %get3A_1648 = arith.constant 8 : i32
        %get3A_1649 = arith.index_cast %get3A_1648 : i32 to index
        %get3A_1650 = arith.constant 64 : index
        %get3A_1651 = tpu.vector_load %arg7[%get3A_1649, %get3A_1650] {strides = array<i32>} : memref<13x128xi32, #tpu.memory_space<vmem>>, vector<1x16xi32>,
        %get3A_1652 = vector.shape_cast %get3A_1651 : vector<1x16xi32> to vector<16xi32>
        %get3A_1653 = arith.constant 48 : index
        %get3A_1654 = tpu.vector_load %arg5[%get3A_1653] {strides = array<i32>} : memref<208xi32, #tpu.memory_space<vmem>>, vector<16xi32>,
        %get3A_1655 = vector.shape_cast %get3A_1654 : vector<16xi32> to vector<16xi32>
        %add3A_1656 = arith.addi %get3A_1652, %get3A_1655 : vector<16xi32>
        %swap3A_1657 = arith.constant 8 : i32
        %swap3A_1658 = arith.index_cast %swap3A_1657 : i32 to index
        %swap3A_1659 = arith.constant 64 : index
        %swap3A_1660 = tpu.vector_load %arg7[%swap3A_1658, %swap3A_1659] {strides = array<i32>} : memref<13x128xi32, #tpu.memory_space<vmem>>, vector<1x16xi32>,
        %swap3A_1661 = vector.shape_cast %swap3A_1660 : vector<1x16xi32> to vector<16xi32>
        %swap3A_1662 = vector.shape_cast %add3A_1656 : vector<16xi32> to vector<1x16xi32>
        tpu.vector_store %arg7[%swap3A_1658, %swap3A_1659], %swap3A_1662 {strides = array<i32>} : memref<13x128xi32, #tpu.memory_space<vmem>>, vector<1x16xi32>,
        %get3A_1663 = arith.constant 8 : i32
        %get3A_1664 = arith.index_cast %get3A_1663 : i32 to index
        %get3A_1665 = arith.constant 80 : index
        %get3A_1666 = tpu.vector_load %arg7[%get3A_1664, %get3A_1665] {strides = array<i32>} : memref<13x128xi32, #tpu.memory_space<vmem>>, vector<1x16xi32>,
        %get3A_1667 = vector.shape_cast %get3A_1666 : vector<1x16xi32> to vector<16xi32>
        %get3A_1668 = arith.constant 64 : index
        %get3A_1669 = tpu.vector_load %arg5[%get3A_1668] {strides = array<i32>} : memref<208xi32, #tpu.memory_space<vmem>>, vector<16xi32>,
        %get3A_1670 = vector.shape_cast %get3A_1669 : vector<16xi32> to vector<16xi32>
        %add3A_1671 = arith.addi %get3A_1667, %get3A_1670 : vector<16xi32>
        %swap3A_1672 = arith.constant 8 : i32
        %swap3A_1673 = arith.index_cast %swap3A_1672 : i32 to index
        %swap3A_1674 = arith.constant 80 : index
        %swap3A_1675 = tpu.vector_load %arg7[%swap3A_1673, %swap3A_1674] {strides = array<i32>} : memref<13x128xi32, #tpu.memory_space<vmem>>, vector<1x16xi32>,
        %swap3A_1676 = vector.shape_cast %swap3A_1675 : vector<1x16xi32> to vector<16xi32>
        %swap3A_1677 = vector.shape_cast %add3A_1671 : vector<16xi32> to vector<1x16xi32>
        tpu.vector_store %arg7[%swap3A_1673, %swap3A_1674], %swap3A_1677 {strides = array<i32>} : memref<13x128xi32, #tpu.memory_space<vmem>>, vector<1x16xi32>,
        %get3A_1678 = arith.constant 8 : i32
        %get3A_1679 = arith.index_cast %get3A_1678 : i32 to index
        %get3A_1680 = arith.constant 96 : index
        %get3A_1681 = tpu.vector_load %arg7[%get3A_1679, %get3A_1680] {strides = array<i32>} : memref<13x128xi32, #tpu.memory_space<vmem>>, vector<1x16xi32>,
        %get3A_1682 = vector.shape_cast %get3A_1681 : vector<1x16xi32> to vector<16xi32>
        %get3A_1683 = arith.constant 80 : index
        %get3A_1684 = tpu.vector_load %arg5[%get3A_1683] {strides = array<i32>} : memref<208xi32, #tpu.memory_space<vmem>>, vector<16xi32>,
        %get3A_1685 = vector.shape_cast %get3A_1684 : vector<16xi32> to vector<16xi32>
        %add3A_1686 = arith.addi %get3A_1682, %get3A_1685 : vector<16xi32>
        %swap3A_1687 = arith.constant 8 : i32
        %swap3A_1688 = arith.index_cast %swap3A_1687 : i32 to index
        %swap3A_1689 = arith.constant 96 : index
        %swap3A_1690 = tpu.vector_load %arg7[%swap3A_1688, %swap3A_1689] {strides = array<i32>} : memref<13x128xi32, #tpu.memory_space<vmem>>, vector<1x16xi32>,
        %swap3A_1691 = vector.shape_cast %swap3A_1690 : vector<1x16xi32> to vector<16xi32>
        %swap3A_1692 = vector.shape_cast %add3A_1686 : vector<16xi32> to vector<1x16xi32>
        tpu.vector_store %arg7[%swap3A_1688, %swap3A_1689], %swap3A_1692 {strides = array<i32>} : memref<13x128xi32, #tpu.memory_space<vmem>>, vector<1x16xi32>,
        %get3A_1693 = arith.constant 8 : i32
        %get3A_1694 = arith.index_cast %get3A_1693 : i32 to index
        %get3A_1695 = arith.constant 112 : index
        %get3A_1696 = tpu.vector_load %arg7[%get3A_1694, %get3A_1695] {strides = array<i32>} : memref<13x128xi32, #tpu.memory_space<vmem>>, vector<1x16xi32>,
        %get3A_1697 = vector.shape_cast %get3A_1696 : vector<1x16xi32> to vector<16xi32>
        %get3A_1698 = arith.constant 96 : index
        %get3A_1699 = tpu.vector_load %arg5[%get3A_1698] {strides = array<i32>} : memref<208xi32, #tpu.memory_space<vmem>>, vector<16xi32>,
        %get3A_1700 = vector.shape_cast %get3A_1699 : vector<16xi32> to vector<16xi32>
        %add3A_1701 = arith.addi %get3A_1697, %get3A_1700 : vector<16xi32>
        %swap3A_1702 = arith.constant 8 : i32
        %swap3A_1703 = arith.index_cast %swap3A_1702 : i32 to index
        %swap3A_1704 = arith.constant 112 : index
        %swap3A_1705 = tpu.vector_load %arg7[%swap3A_1703, %swap3A_1704] {strides = array<i32>} : memref<13x128xi32, #tpu.memory_space<vmem>>, vector<1x16xi32>,
        %swap3A_1706 = vector.shape_cast %swap3A_1705 : vector<1x16xi32> to vector<16xi32>
        %swap3A_1707 = vector.shape_cast %add3A_1701 : vector<16xi32> to vector<1x16xi32>
        tpu.vector_store %arg7[%swap3A_1703, %swap3A_1704], %swap3A_1707 {strides = array<i32>} : memref<13x128xi32, #tpu.memory_space<vmem>>, vector<1x16xi32>,
        %get3A_1708 = arith.constant 9 : i32
        %get3A_1709 = arith.index_cast %get3A_1708 : i32 to index
        %get3A_1710 = arith.constant 0 : index
        %get3A_1711 = tpu.vector_load %arg7[%get3A_1709, %get3A_1710] {strides = array<i32>} : memref<13x128xi32, #tpu.memory_space<vmem>>, vector<1x16xi32>,
        %get3A_1712 = vector.shape_cast %get3A_1711 : vector<1x16xi32> to vector<16xi32>
        %get3A_1713 = arith.constant 112 : index
        %get3A_1714 = tpu.vector_load %arg5[%get3A_1713] {strides = array<i32>} : memref<208xi32, #tpu.memory_space<vmem>>, vector<16xi32>,
        %get3A_1715 = vector.shape_cast %get3A_1714 : vector<16xi32> to vector<16xi32>
        %add3A_1716 = arith.addi %get3A_1712, %get3A_1715 : vector<16xi32>
        %swap3A_1717 = arith.constant 9 : i32
        %swap3A_1718 = arith.index_cast %swap3A_1717 : i32 to index
        %swap3A_1719 = arith.constant 0 : index
        %swap3A_1720 = tpu.vector_load %arg7[%swap3A_1718, %swap3A_1719] {strides = array<i32>} : memref<13x128xi32, #tpu.memory_space<vmem>>, vector<1x16xi32>,
        %swap3A_1721 = vector.shape_cast %swap3A_1720 : vector<1x16xi32> to vector<16xi32>
        %swap3A_1722 = vector.shape_cast %add3A_1716 : vector<16xi32> to vector<1x16xi32>
        tpu.vector_store %arg7[%swap3A_1718, %swap3A_1719], %swap3A_1722 {strides = array<i32>} : memref<13x128xi32, #tpu.memory_space<vmem>>, vector<1x16xi32>,
        %get3A_1723 = arith.constant 9 : i32
        %get3A_1724 = arith.index_cast %get3A_1723 : i32 to index
        %get3A_1725 = arith.constant 16 : index
        %get3A_1726 = tpu.vector_load %arg7[%get3A_1724, %get3A_1725] {strides = array<i32>} : memref<13x128xi32, #tpu.memory_space<vmem>>, vector<1x16xi32>,
        %get3A_1727 = vector.shape_cast %get3A_1726 : vector<1x16xi32> to vector<16xi32>
        %get3A_1728 = arith.constant 128 : index
        %get3A_1729 = tpu.vector_load %arg5[%get3A_1728] {strides = array<i32>} : memref<208xi32, #tpu.memory_space<vmem>>, vector<16xi32>,
        %get3A_1730 = vector.shape_cast %get3A_1729 : vector<16xi32> to vector<16xi32>
        %add3A_1731 = arith.addi %get3A_1727, %get3A_1730 : vector<16xi32>
        %swap3A_1732 = arith.constant 9 : i32
        %swap3A_1733 = arith.index_cast %swap3A_1732 : i32 to index
        %swap3A_1734 = arith.constant 16 : index
        %swap3A_1735 = tpu.vector_load %arg7[%swap3A_1733, %swap3A_1734] {strides = array<i32>} : memref<13x128xi32, #tpu.memory_space<vmem>>, vector<1x16xi32>,
        %swap3A_1736 = vector.shape_cast %swap3A_1735 : vector<1x16xi32> to vector<16xi32>
        %swap3A_1737 = vector.shape_cast %add3A_1731 : vector<16xi32> to vector<1x16xi32>
        tpu.vector_store %arg7[%swap3A_1733, %swap3A_1734], %swap3A_1737 {strides = array<i32>} : memref<13x128xi32, #tpu.memory_space<vmem>>, vector<1x16xi32>,
        %get3A_1738 = arith.constant 9 : i32
        %get3A_1739 = arith.index_cast %get3A_1738 : i32 to index
        %get3A_1740 = arith.constant 32 : index
        %get3A_1741 = tpu.vector_load %arg7[%get3A_1739, %get3A_1740] {strides = array<i32>} : memref<13x128xi32, #tpu.memory_space<vmem>>, vector<1x16xi32>,
        %get3A_1742 = vector.shape_cast %get3A_1741 : vector<1x16xi32> to vector<16xi32>
        %get3A_1743 = arith.constant 144 : index
        %get3A_1744 = tpu.vector_load %arg5[%get3A_1743] {strides = array<i32>} : memref<208xi32, #tpu.memory_space<vmem>>, vector<16xi32>,
        %get3A_1745 = vector.shape_cast %get3A_1744 : vector<16xi32> to vector<16xi32>
        %add3A_1746 = arith.addi %get3A_1742, %get3A_1745 : vector<16xi32>
        %swap3A_1747 = arith.constant 9 : i32
        %swap3A_1748 = arith.index_cast %swap3A_1747 : i32 to index
        %swap3A_1749 = arith.constant 32 : index
        %swap3A_1750 = tpu.vector_load %arg7[%swap3A_1748, %swap3A_1749] {strides = array<i32>} : memref<13x128xi32, #tpu.memory_space<vmem>>, vector<1x16xi32>,
        %swap3A_1751 = vector.shape_cast %swap3A_1750 : vector<1x16xi32> to vector<16xi32>
        %swap3A_1752 = vector.shape_cast %add3A_1746 : vector<16xi32> to vector<1x16xi32>
        tpu.vector_store %arg7[%swap3A_1748, %swap3A_1749], %swap3A_1752 {strides = array<i32>} : memref<13x128xi32, #tpu.memory_space<vmem>>, vector<1x16xi32>,
        %get3A_1753 = arith.constant 9 : i32
        %get3A_1754 = arith.index_cast %get3A_1753 : i32 to index
        %get3A_1755 = arith.constant 48 : index
        %get3A_1756 = tpu.vector_load %arg7[%get3A_1754, %get3A_1755] {strides = array<i32>} : memref<13x128xi32, #tpu.memory_space<vmem>>, vector<1x16xi32>,
        %get3A_1757 = vector.shape_cast %get3A_1756 : vector<1x16xi32> to vector<16xi32>
        %get3A_1758 = arith.constant 160 : index
        %get3A_1759 = tpu.vector_load %arg5[%get3A_1758] {strides = array<i32>} : memref<208xi32, #tpu.memory_space<vmem>>, vector<16xi32>,
        %get3A_1760 = vector.shape_cast %get3A_1759 : vector<16xi32> to vector<16xi32>
        %add3A_1761 = arith.addi %get3A_1757, %get3A_1760 : vector<16xi32>
        %swap3A_1762 = arith.constant 9 : i32
        %swap3A_1763 = arith.index_cast %swap3A_1762 : i32 to index
        %swap3A_1764 = arith.constant 48 : index
        %swap3A_1765 = tpu.vector_load %arg7[%swap3A_1763, %swap3A_1764] {strides = array<i32>} : memref<13x128xi32, #tpu.memory_space<vmem>>, vector<1x16xi32>,
        %swap3A_1766 = vector.shape_cast %swap3A_1765 : vector<1x16xi32> to vector<16xi32>
        %swap3A_1767 = vector.shape_cast %add3A_1761 : vector<16xi32> to vector<1x16xi32>
        tpu.vector_store %arg7[%swap3A_1763, %swap3A_1764], %swap3A_1767 {strides = array<i32>} : memref<13x128xi32, #tpu.memory_space<vmem>>, vector<1x16xi32>,
        %get3A_1768 = arith.constant 9 : i32
        %get3A_1769 = arith.index_cast %get3A_1768 : i32 to index
        %get3A_1770 = arith.constant 64 : index
        %get3A_1771 = tpu.vector_load %arg7[%get3A_1769, %get3A_1770] {strides = array<i32>} : memref<13x128xi32, #tpu.memory_space<vmem>>, vector<1x16xi32>,
        %get3A_1772 = vector.shape_cast %get3A_1771 : vector<1x16xi32> to vector<16xi32>
        %get3A_1773 = arith.constant 176 : index
        %get3A_1774 = tpu.vector_load %arg5[%get3A_1773] {strides = array<i32>} : memref<208xi32, #tpu.memory_space<vmem>>, vector<16xi32>,
        %get3A_1775 = vector.shape_cast %get3A_1774 : vector<16xi32> to vector<16xi32>
        %add3A_1776 = arith.addi %get3A_1772, %get3A_1775 : vector<16xi32>
        %swap3A_1777 = arith.constant 9 : i32
        %swap3A_1778 = arith.index_cast %swap3A_1777 : i32 to index
        %swap3A_1779 = arith.constant 64 : index
        %swap3A_1780 = tpu.vector_load %arg7[%swap3A_1778, %swap3A_1779] {strides = array<i32>} : memref<13x128xi32, #tpu.memory_space<vmem>>, vector<1x16xi32>,
        %swap3A_1781 = vector.shape_cast %swap3A_1780 : vector<1x16xi32> to vector<16xi32>
        %swap3A_1782 = vector.shape_cast %add3A_1776 : vector<16xi32> to vector<1x16xi32>
        tpu.vector_store %arg7[%swap3A_1778, %swap3A_1779], %swap3A_1782 {strides = array<i32>} : memref<13x128xi32, #tpu.memory_space<vmem>>, vector<1x16xi32>,
        %get3A_1783 = arith.constant 9 : i32
        %get3A_1784 = arith.index_cast %get3A_1783 : i32 to index
        %get3A_1785 = arith.constant 80 : index
        %get3A_1786 = tpu.vector_load %arg7[%get3A_1784, %get3A_1785] {strides = array<i32>} : memref<13x128xi32, #tpu.memory_space<vmem>>, vector<1x16xi32>,
        %get3A_1787 = vector.shape_cast %get3A_1786 : vector<1x16xi32> to vector<16xi32>
        %get3A_1788 = arith.constant 192 : index
        %get3A_1789 = tpu.vector_load %arg5[%get3A_1788] {strides = array<i32>} : memref<208xi32, #tpu.memory_space<vmem>>, vector<16xi32>,
        %get3A_1790 = vector.shape_cast %get3A_1789 : vector<16xi32> to vector<16xi32>
        %add3A_1791 = arith.addi %get3A_1787, %get3A_1790 : vector<16xi32>
        %swap3A_1792 = arith.constant 9 : i32
        %swap3A_1793 = arith.index_cast %swap3A_1792 : i32 to index
        %swap3A_1794 = arith.constant 80 : index
        %swap3A_1795 = tpu.vector_load %arg7[%swap3A_1793, %swap3A_1794] {strides = array<i32>} : memref<13x128xi32, #tpu.memory_space<vmem>>, vector<1x16xi32>,
        %swap3A_1796 = vector.shape_cast %swap3A_1795 : vector<1x16xi32> to vector<16xi32>
        %swap3A_1797 = vector.shape_cast %add3A_1791 : vector<16xi32> to vector<1x16xi32>
        tpu.vector_store %arg7[%swap3A_1793, %swap3A_1794], %swap3A_1797 {strides = array<i32>} : memref<13x128xi32, #tpu.memory_space<vmem>>, vector<1x16xi32>,
        %get3A_1798 = arith.constant 9 : i32
        %get3A_1799 = arith.index_cast %get3A_1798 : i32 to index
        %get3A_1800 = arith.constant 96 : index
        %get3A_1801 = tpu.vector_load %arg7[%get3A_1799, %get3A_1800] {strides = array<i32>} : memref<13x128xi32, #tpu.memory_space<vmem>>, vector<1x16xi32>,
        %get3A_1802 = vector.shape_cast %get3A_1801 : vector<1x16xi32> to vector<16xi32>
        %get3A_1803 = arith.constant 0 : index
        %get3A_1804 = tpu.vector_load %arg5[%get3A_1803] {strides = array<i32>} : memref<208xi32, #tpu.memory_space<vmem>>, vector<16xi32>,
        %get3A_1805 = vector.shape_cast %get3A_1804 : vector<16xi32> to vector<16xi32>
        %add3A_1806 = arith.addi %get3A_1802, %get3A_1805 : vector<16xi32>
        %swap3A_1807 = arith.constant 9 : i32
        %swap3A_1808 = arith.index_cast %swap3A_1807 : i32 to index
        %swap3A_1809 = arith.constant 96 : index
        %swap3A_1810 = tpu.vector_load %arg7[%swap3A_1808, %swap3A_1809] {strides = array<i32>} : memref<13x128xi32, #tpu.memory_space<vmem>>, vector<1x16xi32>,
        %swap3A_1811 = vector.shape_cast %swap3A_1810 : vector<1x16xi32> to vector<16xi32>
        %swap3A_1812 = vector.shape_cast %add3A_1806 : vector<16xi32> to vector<1x16xi32>
        tpu.vector_store %arg7[%swap3A_1808, %swap3A_1809], %swap3A_1812 {strides = array<i32>} : memref<13x128xi32, #tpu.memory_space<vmem>>, vector<1x16xi32>,
        %get3A_1813 = arith.constant 9 : i32
        %get3A_1814 = arith.index_cast %get3A_1813 : i32 to index
        %get3A_1815 = arith.constant 112 : index
        %get3A_1816 = tpu.vector_load %arg7[%get3A_1814, %get3A_1815] {strides = array<i32>} : memref<13x128xi32, #tpu.memory_space<vmem>>, vector<1x16xi32>,
        %get3A_1817 = vector.shape_cast %get3A_1816 : vector<1x16xi32> to vector<16xi32>
        %get3A_1818 = arith.constant 16 : index
        %get3A_1819 = tpu.vector_load %arg5[%get3A_1818] {strides = array<i32>} : memref<208xi32, #tpu.memory_space<vmem>>, vector<16xi32>,
        %get3A_1820 = vector.shape_cast %get3A_1819 : vector<16xi32> to vector<16xi32>
        %add3A_1821 = arith.addi %get3A_1817, %get3A_1820 : vector<16xi32>
        %swap3A_1822 = arith.constant 9 : i32
        %swap3A_1823 = arith.index_cast %swap3A_1822 : i32 to index
        %swap3A_1824 = arith.constant 112 : index
        %swap3A_1825 = tpu.vector_load %arg7[%swap3A_1823, %swap3A_1824] {strides = array<i32>} : memref<13x128xi32, #tpu.memory_space<vmem>>, vector<1x16xi32>,
        %swap3A_1826 = vector.shape_cast %swap3A_1825 : vector<1x16xi32> to vector<16xi32>
        %swap3A_1827 = vector.shape_cast %add3A_1821 : vector<16xi32> to vector<1x16xi32>
        tpu.vector_store %arg7[%swap3A_1823, %swap3A_1824], %swap3A_1827 {strides = array<i32>} : memref<13x128xi32, #tpu.memory_space<vmem>>, vector<1x16xi32>,
        %get3A_1828 = arith.constant 10 : i32
        %get3A_1829 = arith.index_cast %get3A_1828 : i32 to index
        %get3A_1830 = arith.constant 0 : index
        %get3A_1831 = tpu.vector_load %arg7[%get3A_1829, %get3A_1830] {strides = array<i32>} : memref<13x128xi32, #tpu.memory_space<vmem>>, vector<1x16xi32>,
        %get3A_1832 = vector.shape_cast %get3A_1831 : vector<1x16xi32> to vector<16xi32>
        %get3A_1833 = arith.constant 32 : index
        %get3A_1834 = tpu.vector_load %arg5[%get3A_1833] {strides = array<i32>} : memref<208xi32, #tpu.memory_space<vmem>>, vector<16xi32>,
        %get3A_1835 = vector.shape_cast %get3A_1834 : vector<16xi32> to vector<16xi32>
        %add3A_1836 = arith.addi %get3A_1832, %get3A_1835 : vector<16xi32>
        %swap3A_1837 = arith.constant 10 : i32
        %swap3A_1838 = arith.index_cast %swap3A_1837 : i32 to index
        %swap3A_1839 = arith.constant 0 : index
        %swap3A_1840 = tpu.vector_load %arg7[%swap3A_1838, %swap3A_1839] {strides = array<i32>} : memref<13x128xi32, #tpu.memory_space<vmem>>, vector<1x16xi32>,
        %swap3A_1841 = vector.shape_cast %swap3A_1840 : vector<1x16xi32> to vector<16xi32>
        %swap3A_1842 = vector.shape_cast %add3A_1836 : vector<16xi32> to vector<1x16xi32>
        tpu.vector_store %arg7[%swap3A_1838, %swap3A_1839], %swap3A_1842 {strides = array<i32>} : memref<13x128xi32, #tpu.memory_space<vmem>>, vector<1x16xi32>,
        %get3A_1843 = arith.constant 10 : i32
        %get3A_1844 = arith.index_cast %get3A_1843 : i32 to index
        %get3A_1845 = arith.constant 16 : index
        %get3A_1846 = tpu.vector_load %arg7[%get3A_1844, %get3A_1845] {strides = array<i32>} : memref<13x128xi32, #tpu.memory_space<vmem>>, vector<1x16xi32>,
        %get3A_1847 = vector.shape_cast %get3A_1846 : vector<1x16xi32> to vector<16xi32>
        %get3A_1848 = arith.constant 48 : index
        %get3A_1849 = tpu.vector_load %arg5[%get3A_1848] {strides = array<i32>} : memref<208xi32, #tpu.memory_space<vmem>>, vector<16xi32>,
        %get3A_1850 = vector.shape_cast %get3A_1849 : vector<16xi32> to vector<16xi32>
        %add3A_1851 = arith.addi %get3A_1847, %get3A_1850 : vector<16xi32>
        %swap3A_1852 = arith.constant 10 : i32
        %swap3A_1853 = arith.index_cast %swap3A_1852 : i32 to index
        %swap3A_1854 = arith.constant 16 : index
        %swap3A_1855 = tpu.vector_load %arg7[%swap3A_1853, %swap3A_1854] {strides = array<i32>} : memref<13x128xi32, #tpu.memory_space<vmem>>, vector<1x16xi32>,
        %swap3A_1856 = vector.shape_cast %swap3A_1855 : vector<1x16xi32> to vector<16xi32>
        %swap3A_1857 = vector.shape_cast %add3A_1851 : vector<16xi32> to vector<1x16xi32>
        tpu.vector_store %arg7[%swap3A_1853, %swap3A_1854], %swap3A_1857 {strides = array<i32>} : memref<13x128xi32, #tpu.memory_space<vmem>>, vector<1x16xi32>,
        %get3A_1858 = arith.constant 10 : i32
        %get3A_1859 = arith.index_cast %get3A_1858 : i32 to index
        %get3A_1860 = arith.constant 32 : index
        %get3A_1861 = tpu.vector_load %arg7[%get3A_1859, %get3A_1860] {strides = array<i32>} : memref<13x128xi32, #tpu.memory_space<vmem>>, vector<1x16xi32>,
        %get3A_1862 = vector.shape_cast %get3A_1861 : vector<1x16xi32> to vector<16xi32>
        %get3A_1863 = arith.constant 64 : index
        %get3A_1864 = tpu.vector_load %arg5[%get3A_1863] {strides = array<i32>} : memref<208xi32, #tpu.memory_space<vmem>>, vector<16xi32>,
        %get3A_1865 = vector.shape_cast %get3A_1864 : vector<16xi32> to vector<16xi32>
        %add3A_1866 = arith.addi %get3A_1862, %get3A_1865 : vector<16xi32>
        %swap3A_1867 = arith.constant 10 : i32
        %swap3A_1868 = arith.index_cast %swap3A_1867 : i32 to index
        %swap3A_1869 = arith.constant 32 : index
        %swap3A_1870 = tpu.vector_load %arg7[%swap3A_1868, %swap3A_1869] {strides = array<i32>} : memref<13x128xi32, #tpu.memory_space<vmem>>, vector<1x16xi32>,
        %swap3A_1871 = vector.shape_cast %swap3A_1870 : vector<1x16xi32> to vector<16xi32>
        %swap3A_1872 = vector.shape_cast %add3A_1866 : vector<16xi32> to vector<1x16xi32>
        tpu.vector_store %arg7[%swap3A_1868, %swap3A_1869], %swap3A_1872 {strides = array<i32>} : memref<13x128xi32, #tpu.memory_space<vmem>>, vector<1x16xi32>,
        %get3A_1873 = arith.constant 10 : i32
        %get3A_1874 = arith.index_cast %get3A_1873 : i32 to index
        %get3A_1875 = arith.constant 48 : index
        %get3A_1876 = tpu.vector_load %arg7[%get3A_1874, %get3A_1875] {strides = array<i32>} : memref<13x128xi32, #tpu.memory_space<vmem>>, vector<1x16xi32>,
        %get3A_1877 = vector.shape_cast %get3A_1876 : vector<1x16xi32> to vector<16xi32>
        %get3A_1878 = arith.constant 80 : index
        %get3A_1879 = tpu.vector_load %arg5[%get3A_1878] {strides = array<i32>} : memref<208xi32, #tpu.memory_space<vmem>>, vector<16xi32>,
        %get3A_1880 = vector.shape_cast %get3A_1879 : vector<16xi32> to vector<16xi32>
        %add3A_1881 = arith.addi %get3A_1877, %get3A_1880 : vector<16xi32>
        %swap3A_1882 = arith.constant 10 : i32
        %swap3A_1883 = arith.index_cast %swap3A_1882 : i32 to index
        %swap3A_1884 = arith.constant 48 : index
        %swap3A_1885 = tpu.vector_load %arg7[%swap3A_1883, %swap3A_1884] {strides = array<i32>} : memref<13x128xi32, #tpu.memory_space<vmem>>, vector<1x16xi32>,
        %swap3A_1886 = vector.shape_cast %swap3A_1885 : vector<1x16xi32> to vector<16xi32>
        %swap3A_1887 = vector.shape_cast %add3A_1881 : vector<16xi32> to vector<1x16xi32>
        tpu.vector_store %arg7[%swap3A_1883, %swap3A_1884], %swap3A_1887 {strides = array<i32>} : memref<13x128xi32, #tpu.memory_space<vmem>>, vector<1x16xi32>,
        %get3A_1888 = arith.constant 10 : i32
        %get3A_1889 = arith.index_cast %get3A_1888 : i32 to index
        %get3A_1890 = arith.constant 64 : index
        %get3A_1891 = tpu.vector_load %arg7[%get3A_1889, %get3A_1890] {strides = array<i32>} : memref<13x128xi32, #tpu.memory_space<vmem>>, vector<1x16xi32>,
        %get3A_1892 = vector.shape_cast %get3A_1891 : vector<1x16xi32> to vector<16xi32>
        %get3A_1893 = arith.constant 96 : index
        %get3A_1894 = tpu.vector_load %arg5[%get3A_1893] {strides = array<i32>} : memref<208xi32, #tpu.memory_space<vmem>>, vector<16xi32>,
        %get3A_1895 = vector.shape_cast %get3A_1894 : vector<16xi32> to vector<16xi32>
        %add3A_1896 = arith.addi %get3A_1892, %get3A_1895 : vector<16xi32>
        %swap3A_1897 = arith.constant 10 : i32
        %swap3A_1898 = arith.index_cast %swap3A_1897 : i32 to index
        %swap3A_1899 = arith.constant 64 : index
        %swap3A_1900 = tpu.vector_load %arg7[%swap3A_1898, %swap3A_1899] {strides = array<i32>} : memref<13x128xi32, #tpu.memory_space<vmem>>, vector<1x16xi32>,
        %swap3A_1901 = vector.shape_cast %swap3A_1900 : vector<1x16xi32> to vector<16xi32>
        %swap3A_1902 = vector.shape_cast %add3A_1896 : vector<16xi32> to vector<1x16xi32>
        tpu.vector_store %arg7[%swap3A_1898, %swap3A_1899], %swap3A_1902 {strides = array<i32>} : memref<13x128xi32, #tpu.memory_space<vmem>>, vector<1x16xi32>,
        %get3A_1903 = arith.constant 10 : i32
        %get3A_1904 = arith.index_cast %get3A_1903 : i32 to index
        %get3A_1905 = arith.constant 80 : index
        %get3A_1906 = tpu.vector_load %arg7[%get3A_1904, %get3A_1905] {strides = array<i32>} : memref<13x128xi32, #tpu.memory_space<vmem>>, vector<1x16xi32>,
        %get3A_1907 = vector.shape_cast %get3A_1906 : vector<1x16xi32> to vector<16xi32>
        %get3A_1908 = arith.constant 112 : index
        %get3A_1909 = tpu.vector_load %arg5[%get3A_1908] {strides = array<i32>} : memref<208xi32, #tpu.memory_space<vmem>>, vector<16xi32>,
        %get3A_1910 = vector.shape_cast %get3A_1909 : vector<16xi32> to vector<16xi32>
        %add3A_1911 = arith.addi %get3A_1907, %get3A_1910 : vector<16xi32>
        %swap3A_1912 = arith.constant 10 : i32
        %swap3A_1913 = arith.index_cast %swap3A_1912 : i32 to index
        %swap3A_1914 = arith.constant 80 : index
        %swap3A_1915 = tpu.vector_load %arg7[%swap3A_1913, %swap3A_1914] {strides = array<i32>} : memref<13x128xi32, #tpu.memory_space<vmem>>, vector<1x16xi32>,
        %swap3A_1916 = vector.shape_cast %swap3A_1915 : vector<1x16xi32> to vector<16xi32>
        %swap3A_1917 = vector.shape_cast %add3A_1911 : vector<16xi32> to vector<1x16xi32>
        tpu.vector_store %arg7[%swap3A_1913, %swap3A_1914], %swap3A_1917 {strides = array<i32>} : memref<13x128xi32, #tpu.memory_space<vmem>>, vector<1x16xi32>,
        %get3A_1918 = arith.constant 10 : i32
        %get3A_1919 = arith.index_cast %get3A_1918 : i32 to index
        %get3A_1920 = arith.constant 96 : index
        %get3A_1921 = tpu.vector_load %arg7[%get3A_1919, %get3A_1920] {strides = array<i32>} : memref<13x128xi32, #tpu.memory_space<vmem>>, vector<1x16xi32>,
        %get3A_1922 = vector.shape_cast %get3A_1921 : vector<1x16xi32> to vector<16xi32>
        %get3A_1923 = arith.constant 128 : index
        %get3A_1924 = tpu.vector_load %arg5[%get3A_1923] {strides = array<i32>} : memref<208xi32, #tpu.memory_space<vmem>>, vector<16xi32>,
        %get3A_1925 = vector.shape_cast %get3A_1924 : vector<16xi32> to vector<16xi32>
        %add3A_1926 = arith.addi %get3A_1922, %get3A_1925 : vector<16xi32>
        %swap3A_1927 = arith.constant 10 : i32
        %swap3A_1928 = arith.index_cast %swap3A_1927 : i32 to index
        %swap3A_1929 = arith.constant 96 : index
        %swap3A_1930 = tpu.vector_load %arg7[%swap3A_1928, %swap3A_1929] {strides = array<i32>} : memref<13x128xi32, #tpu.memory_space<vmem>>, vector<1x16xi32>,
        %swap3A_1931 = vector.shape_cast %swap3A_1930 : vector<1x16xi32> to vector<16xi32>
        %swap3A_1932 = vector.shape_cast %add3A_1926 : vector<16xi32> to vector<1x16xi32>
        tpu.vector_store %arg7[%swap3A_1928, %swap3A_1929], %swap3A_1932 {strides = array<i32>} : memref<13x128xi32, #tpu.memory_space<vmem>>, vector<1x16xi32>,
        %get3A_1933 = arith.constant 10 : i32
        %get3A_1934 = arith.index_cast %get3A_1933 : i32 to index
        %get3A_1935 = arith.constant 112 : index
        %get3A_1936 = tpu.vector_load %arg7[%get3A_1934, %get3A_1935] {strides = array<i32>} : memref<13x128xi32, #tpu.memory_space<vmem>>, vector<1x16xi32>,
        %get3A_1937 = vector.shape_cast %get3A_1936 : vector<1x16xi32> to vector<16xi32>
        %get3A_1938 = arith.constant 144 : index
        %get3A_1939 = tpu.vector_load %arg5[%get3A_1938] {strides = array<i32>} : memref<208xi32, #tpu.memory_space<vmem>>, vector<16xi32>,
        %get3A_1940 = vector.shape_cast %get3A_1939 : vector<16xi32> to vector<16xi32>
        %add3A_1941 = arith.addi %get3A_1937, %get3A_1940 : vector<16xi32>
        %swap3A_1942 = arith.constant 10 : i32
        %swap3A_1943 = arith.index_cast %swap3A_1942 : i32 to index
        %swap3A_1944 = arith.constant 112 : index
        %swap3A_1945 = tpu.vector_load %arg7[%swap3A_1943, %swap3A_1944] {strides = array<i32>} : memref<13x128xi32, #tpu.memory_space<vmem>>, vector<1x16xi32>,
        %swap3A_1946 = vector.shape_cast %swap3A_1945 : vector<1x16xi32> to vector<16xi32>
        %swap3A_1947 = vector.shape_cast %add3A_1941 : vector<16xi32> to vector<1x16xi32>
        tpu.vector_store %arg7[%swap3A_1943, %swap3A_1944], %swap3A_1947 {strides = array<i32>} : memref<13x128xi32, #tpu.memory_space<vmem>>, vector<1x16xi32>,
        %get3A_1948 = arith.constant 11 : i32
        %get3A_1949 = arith.index_cast %get3A_1948 : i32 to index
        %get3A_1950 = arith.constant 0 : index
        %get3A_1951 = tpu.vector_load %arg7[%get3A_1949, %get3A_1950] {strides = array<i32>} : memref<13x128xi32, #tpu.memory_space<vmem>>, vector<1x16xi32>,
        %get3A_1952 = vector.shape_cast %get3A_1951 : vector<1x16xi32> to vector<16xi32>
        %get3A_1953 = arith.constant 160 : index
        %get3A_1954 = tpu.vector_load %arg5[%get3A_1953] {strides = array<i32>} : memref<208xi32, #tpu.memory_space<vmem>>, vector<16xi32>,
        %get3A_1955 = vector.shape_cast %get3A_1954 : vector<16xi32> to vector<16xi32>
        %add3A_1956 = arith.addi %get3A_1952, %get3A_1955 : vector<16xi32>
        %swap3A_1957 = arith.constant 11 : i32
        %swap3A_1958 = arith.index_cast %swap3A_1957 : i32 to index
        %swap3A_1959 = arith.constant 0 : index
        %swap3A_1960 = tpu.vector_load %arg7[%swap3A_1958, %swap3A_1959] {strides = array<i32>} : memref<13x128xi32, #tpu.memory_space<vmem>>, vector<1x16xi32>,
        %swap3A_1961 = vector.shape_cast %swap3A_1960 : vector<1x16xi32> to vector<16xi32>
        %swap3A_1962 = vector.shape_cast %add3A_1956 : vector<16xi32> to vector<1x16xi32>
        tpu.vector_store %arg7[%swap3A_1958, %swap3A_1959], %swap3A_1962 {strides = array<i32>} : memref<13x128xi32, #tpu.memory_space<vmem>>, vector<1x16xi32>,
        %get3A_1963 = arith.constant 11 : i32
        %get3A_1964 = arith.index_cast %get3A_1963 : i32 to index
        %get3A_1965 = arith.constant 16 : index
        %get3A_1966 = tpu.vector_load %arg7[%get3A_1964, %get3A_1965] {strides = array<i32>} : memref<13x128xi32, #tpu.memory_space<vmem>>, vector<1x16xi32>,
        %get3A_1967 = vector.shape_cast %get3A_1966 : vector<1x16xi32> to vector<16xi32>
        %get3A_1968 = arith.constant 176 : index
        %get3A_1969 = tpu.vector_load %arg5[%get3A_1968] {strides = array<i32>} : memref<208xi32, #tpu.memory_space<vmem>>, vector<16xi32>,
        %get3A_1970 = vector.shape_cast %get3A_1969 : vector<16xi32> to vector<16xi32>
        %add3A_1971 = arith.addi %get3A_1967, %get3A_1970 : vector<16xi32>
        %swap3A_1972 = arith.constant 11 : i32
        %swap3A_1973 = arith.index_cast %swap3A_1972 : i32 to index
        %swap3A_1974 = arith.constant 16 : index
        %swap3A_1975 = tpu.vector_load %arg7[%swap3A_1973, %swap3A_1974] {strides = array<i32>} : memref<13x128xi32, #tpu.memory_space<vmem>>, vector<1x16xi32>,
        %swap3A_1976 = vector.shape_cast %swap3A_1975 : vector<1x16xi32> to vector<16xi32>
        %swap3A_1977 = vector.shape_cast %add3A_1971 : vector<16xi32> to vector<1x16xi32>
        tpu.vector_store %arg7[%swap3A_1973, %swap3A_1974], %swap3A_1977 {strides = array<i32>} : memref<13x128xi32, #tpu.memory_space<vmem>>, vector<1x16xi32>,
        %get3A_1978 = arith.constant 11 : i32
        %get3A_1979 = arith.index_cast %get3A_1978 : i32 to index
        %get3A_1980 = arith.constant 32 : index
        %get3A_1981 = tpu.vector_load %arg7[%get3A_1979, %get3A_1980] {strides = array<i32>} : memref<13x128xi32, #tpu.memory_space<vmem>>, vector<1x16xi32>,
        %get3A_1982 = vector.shape_cast %get3A_1981 : vector<1x16xi32> to vector<16xi32>
        %get3A_1983 = arith.constant 192 : index
        %get3A_1984 = tpu.vector_load %arg5[%get3A_1983] {strides = array<i32>} : memref<208xi32, #tpu.memory_space<vmem>>, vector<16xi32>,
        %get3A_1985 = vector.shape_cast %get3A_1984 : vector<16xi32> to vector<16xi32>
        %add3A_1986 = arith.addi %get3A_1982, %get3A_1985 : vector<16xi32>
        %swap3A_1987 = arith.constant 11 : i32
        %swap3A_1988 = arith.index_cast %swap3A_1987 : i32 to index
        %swap3A_1989 = arith.constant 32 : index
        %swap3A_1990 = tpu.vector_load %arg7[%swap3A_1988, %swap3A_1989] {strides = array<i32>} : memref<13x128xi32, #tpu.memory_space<vmem>>, vector<1x16xi32>,
        %swap3A_1991 = vector.shape_cast %swap3A_1990 : vector<1x16xi32> to vector<16xi32>
        %swap3A_1992 = vector.shape_cast %add3A_1986 : vector<16xi32> to vector<1x16xi32>
        tpu.vector_store %arg7[%swap3A_1988, %swap3A_1989], %swap3A_1992 {strides = array<i32>} : memref<13x128xi32, #tpu.memory_space<vmem>>, vector<1x16xi32>,
        %get3A_1993 = arith.constant 11 : i32
        %get3A_1994 = arith.index_cast %get3A_1993 : i32 to index
        %get3A_1995 = arith.constant 48 : index
        %get3A_1996 = tpu.vector_load %arg7[%get3A_1994, %get3A_1995] {strides = array<i32>} : memref<13x128xi32, #tpu.memory_space<vmem>>, vector<1x16xi32>,
        %get3A_1997 = vector.shape_cast %get3A_1996 : vector<1x16xi32> to vector<16xi32>
        %get3A_1998 = arith.constant 0 : index
        %get3A_1999 = tpu.vector_load %arg5[%get3A_1998] {strides = array<i32>} : memref<208xi32, #tpu.memory_space<vmem>>, vector<16xi32>,
        %get3A_2000 = vector.shape_cast %get3A_1999 : vector<16xi32> to vector<16xi32>
        %add3A_2001 = arith.addi %get3A_1997, %get3A_2000 : vector<16xi32>
        %swap3A_2002 = arith.constant 11 : i32
        %swap3A_2003 = arith.index_cast %swap3A_2002 : i32 to index
        %swap3A_2004 = arith.constant 48 : index
        %swap3A_2005 = tpu.vector_load %arg7[%swap3A_2003, %swap3A_2004] {strides = array<i32>} : memref<13x128xi32, #tpu.memory_space<vmem>>, vector<1x16xi32>,
        %swap3A_2006 = vector.shape_cast %swap3A_2005 : vector<1x16xi32> to vector<16xi32>
        %swap3A_2007 = vector.shape_cast %add3A_2001 : vector<16xi32> to vector<1x16xi32>
        tpu.vector_store %arg7[%swap3A_2003, %swap3A_2004], %swap3A_2007 {strides = array<i32>} : memref<13x128xi32, #tpu.memory_space<vmem>>, vector<1x16xi32>,
        %get3A_2008 = arith.constant 11 : i32
        %get3A_2009 = arith.index_cast %get3A_2008 : i32 to index
        %get3A_2010 = arith.constant 64 : index
        %get3A_2011 = tpu.vector_load %arg7[%get3A_2009, %get3A_2010] {strides = array<i32>} : memref<13x128xi32, #tpu.memory_space<vmem>>, vector<1x16xi32>,
        %get3A_2012 = vector.shape_cast %get3A_2011 : vector<1x16xi32> to vector<16xi32>
        %get3A_2013 = arith.constant 16 : index
        %get3A_2014 = tpu.vector_load %arg5[%get3A_2013] {strides = array<i32>} : memref<208xi32, #tpu.memory_space<vmem>>, vector<16xi32>,
        %get3A_2015 = vector.shape_cast %get3A_2014 : vector<16xi32> to vector<16xi32>
        %add3A_2016 = arith.addi %get3A_2012, %get3A_2015 : vector<16xi32>
        %swap3A_2017 = arith.constant 11 : i32
        %swap3A_2018 = arith.index_cast %swap3A_2017 : i32 to index
        %swap3A_2019 = arith.constant 64 : index
        %swap3A_2020 = tpu.vector_load %arg7[%swap3A_2018, %swap3A_2019] {strides = array<i32>} : memref<13x128xi32, #tpu.memory_space<vmem>>, vector<1x16xi32>,
        %swap3A_2021 = vector.shape_cast %swap3A_2020 : vector<1x16xi32> to vector<16xi32>
        %swap3A_2022 = vector.shape_cast %add3A_2016 : vector<16xi32> to vector<1x16xi32>
        tpu.vector_store %arg7[%swap3A_2018, %swap3A_2019], %swap3A_2022 {strides = array<i32>} : memref<13x128xi32, #tpu.memory_space<vmem>>, vector<1x16xi32>,
        %get3A_2023 = arith.constant 11 : i32
        %get3A_2024 = arith.index_cast %get3A_2023 : i32 to index
        %get3A_2025 = arith.constant 80 : index
        %get3A_2026 = tpu.vector_load %arg7[%get3A_2024, %get3A_2025] {strides = array<i32>} : memref<13x128xi32, #tpu.memory_space<vmem>>, vector<1x16xi32>,
        %get3A_2027 = vector.shape_cast %get3A_2026 : vector<1x16xi32> to vector<16xi32>
        %get3A_2028 = arith.constant 32 : index
        %get3A_2029 = tpu.vector_load %arg5[%get3A_2028] {strides = array<i32>} : memref<208xi32, #tpu.memory_space<vmem>>, vector<16xi32>,
        %get3A_2030 = vector.shape_cast %get3A_2029 : vector<16xi32> to vector<16xi32>
        %add3A_2031 = arith.addi %get3A_2027, %get3A_2030 : vector<16xi32>
        %swap3A_2032 = arith.constant 11 : i32
        %swap3A_2033 = arith.index_cast %swap3A_2032 : i32 to index
        %swap3A_2034 = arith.constant 80 : index
        %swap3A_2035 = tpu.vector_load %arg7[%swap3A_2033, %swap3A_2034] {strides = array<i32>} : memref<13x128xi32, #tpu.memory_space<vmem>>, vector<1x16xi32>,
        %swap3A_2036 = vector.shape_cast %swap3A_2035 : vector<1x16xi32> to vector<16xi32>
        %swap3A_2037 = vector.shape_cast %add3A_2031 : vector<16xi32> to vector<1x16xi32>
        tpu.vector_store %arg7[%swap3A_2033, %swap3A_2034], %swap3A_2037 {strides = array<i32>} : memref<13x128xi32, #tpu.memory_space<vmem>>, vector<1x16xi32>,
        %get3A_2038 = arith.constant 11 : i32
        %get3A_2039 = arith.index_cast %get3A_2038 : i32 to index
        %get3A_2040 = arith.constant 96 : index
        %get3A_2041 = tpu.vector_load %arg7[%get3A_2039, %get3A_2040] {strides = array<i32>} : memref<13x128xi32, #tpu.memory_space<vmem>>, vector<1x16xi32>,
        %get3A_2042 = vector.shape_cast %get3A_2041 : vector<1x16xi32> to vector<16xi32>
        %get3A_2043 = arith.constant 48 : index
        %get3A_2044 = tpu.vector_load %arg5[%get3A_2043] {strides = array<i32>} : memref<208xi32, #tpu.memory_space<vmem>>, vector<16xi32>,
        %get3A_2045 = vector.shape_cast %get3A_2044 : vector<16xi32> to vector<16xi32>
        %add3A_2046 = arith.addi %get3A_2042, %get3A_2045 : vector<16xi32>
        %swap3A_2047 = arith.constant 11 : i32
        %swap3A_2048 = arith.index_cast %swap3A_2047 : i32 to index
        %swap3A_2049 = arith.constant 96 : index
        %swap3A_2050 = tpu.vector_load %arg7[%swap3A_2048, %swap3A_2049] {strides = array<i32>} : memref<13x128xi32, #tpu.memory_space<vmem>>, vector<1x16xi32>,
        %swap3A_2051 = vector.shape_cast %swap3A_2050 : vector<1x16xi32> to vector<16xi32>
        %swap3A_2052 = vector.shape_cast %add3A_2046 : vector<16xi32> to vector<1x16xi32>
        tpu.vector_store %arg7[%swap3A_2048, %swap3A_2049], %swap3A_2052 {strides = array<i32>} : memref<13x128xi32, #tpu.memory_space<vmem>>, vector<1x16xi32>,
        %get3A_2053 = arith.constant 11 : i32
        %get3A_2054 = arith.index_cast %get3A_2053 : i32 to index
        %get3A_2055 = arith.constant 112 : index
        %get3A_2056 = tpu.vector_load %arg7[%get3A_2054, %get3A_2055] {strides = array<i32>} : memref<13x128xi32, #tpu.memory_space<vmem>>, vector<1x16xi32>,
        %get3A_2057 = vector.shape_cast %get3A_2056 : vector<1x16xi32> to vector<16xi32>
        %get3A_2058 = arith.constant 64 : index
        %get3A_2059 = tpu.vector_load %arg5[%get3A_2058] {strides = array<i32>} : memref<208xi32, #tpu.memory_space<vmem>>, vector<16xi32>,
        %get3A_2060 = vector.shape_cast %get3A_2059 : vector<16xi32> to vector<16xi32>
        %add3A_2061 = arith.addi %get3A_2057, %get3A_2060 : vector<16xi32>
        %swap3A_2062 = arith.constant 11 : i32
        %swap3A_2063 = arith.index_cast %swap3A_2062 : i32 to index
        %swap3A_2064 = arith.constant 112 : index
        %swap3A_2065 = tpu.vector_load %arg7[%swap3A_2063, %swap3A_2064] {strides = array<i32>} : memref<13x128xi32, #tpu.memory_space<vmem>>, vector<1x16xi32>,
        %swap3A_2066 = vector.shape_cast %swap3A_2065 : vector<1x16xi32> to vector<16xi32>
        %swap3A_2067 = vector.shape_cast %add3A_2061 : vector<16xi32> to vector<1x16xi32>
        tpu.vector_store %arg7[%swap3A_2063, %swap3A_2064], %swap3A_2067 {strides = array<i32>} : memref<13x128xi32, #tpu.memory_space<vmem>>, vector<1x16xi32>,
        %get3A_2068 = arith.constant 12 : i32
        %get3A_2069 = arith.index_cast %get3A_2068 : i32 to index
        %get3A_2070 = arith.constant 0 : index
        %get3A_2071 = tpu.vector_load %arg7[%get3A_2069, %get3A_2070] {strides = array<i32>} : memref<13x128xi32, #tpu.memory_space<vmem>>, vector<1x16xi32>,
        %get3A_2072 = vector.shape_cast %get3A_2071 : vector<1x16xi32> to vector<16xi32>
        %get3A_2073 = arith.constant 80 : index
        %get3A_2074 = tpu.vector_load %arg5[%get3A_2073] {strides = array<i32>} : memref<208xi32, #tpu.memory_space<vmem>>, vector<16xi32>,
        %get3A_2075 = vector.shape_cast %get3A_2074 : vector<16xi32> to vector<16xi32>
        %add3A_2076 = arith.addi %get3A_2072, %get3A_2075 : vector<16xi32>
        %swap3A_2077 = arith.constant 12 : i32
        %swap3A_2078 = arith.index_cast %swap3A_2077 : i32 to index
        %swap3A_2079 = arith.constant 0 : index
        %swap3A_2080 = tpu.vector_load %arg7[%swap3A_2078, %swap3A_2079] {strides = array<i32>} : memref<13x128xi32, #tpu.memory_space<vmem>>, vector<1x16xi32>,
        %swap3A_2081 = vector.shape_cast %swap3A_2080 : vector<1x16xi32> to vector<16xi32>
        %swap3A_2082 = vector.shape_cast %add3A_2076 : vector<16xi32> to vector<1x16xi32>
        tpu.vector_store %arg7[%swap3A_2078, %swap3A_2079], %swap3A_2082 {strides = array<i32>} : memref<13x128xi32, #tpu.memory_space<vmem>>, vector<1x16xi32>,
        %get3A_2083 = arith.constant 12 : i32
        %get3A_2084 = arith.index_cast %get3A_2083 : i32 to index
        %get3A_2085 = arith.constant 16 : index
        %get3A_2086 = tpu.vector_load %arg7[%get3A_2084, %get3A_2085] {strides = array<i32>} : memref<13x128xi32, #tpu.memory_space<vmem>>, vector<1x16xi32>,
        %get3A_2087 = vector.shape_cast %get3A_2086 : vector<1x16xi32> to vector<16xi32>
        %get3A_2088 = arith.constant 96 : index
        %get3A_2089 = tpu.vector_load %arg5[%get3A_2088] {strides = array<i32>} : memref<208xi32, #tpu.memory_space<vmem>>, vector<16xi32>,
        %get3A_2090 = vector.shape_cast %get3A_2089 : vector<16xi32> to vector<16xi32>
        %add3A_2091 = arith.addi %get3A_2087, %get3A_2090 : vector<16xi32>
        %swap3A_2092 = arith.constant 12 : i32
        %swap3A_2093 = arith.index_cast %swap3A_2092 : i32 to index
        %swap3A_2094 = arith.constant 16 : index
        %swap3A_2095 = tpu.vector_load %arg7[%swap3A_2093, %swap3A_2094] {strides = array<i32>} : memref<13x128xi32, #tpu.memory_space<vmem>>, vector<1x16xi32>,
        %swap3A_2096 = vector.shape_cast %swap3A_2095 : vector<1x16xi32> to vector<16xi32>
        %swap3A_2097 = vector.shape_cast %add3A_2091 : vector<16xi32> to vector<1x16xi32>
        tpu.vector_store %arg7[%swap3A_2093, %swap3A_2094], %swap3A_2097 {strides = array<i32>} : memref<13x128xi32, #tpu.memory_space<vmem>>, vector<1x16xi32>,
        %get3A_2098 = arith.constant 12 : i32
        %get3A_2099 = arith.index_cast %get3A_2098 : i32 to index
        %get3A_2100 = arith.constant 32 : index
        %get3A_2101 = tpu.vector_load %arg7[%get3A_2099, %get3A_2100] {strides = array<i32>} : memref<13x128xi32, #tpu.memory_space<vmem>>, vector<1x16xi32>,
        %get3A_2102 = vector.shape_cast %get3A_2101 : vector<1x16xi32> to vector<16xi32>
        %get3A_2103 = arith.constant 112 : index
        %get3A_2104 = tpu.vector_load %arg5[%get3A_2103] {strides = array<i32>} : memref<208xi32, #tpu.memory_space<vmem>>, vector<16xi32>,
        %get3A_2105 = vector.shape_cast %get3A_2104 : vector<16xi32> to vector<16xi32>
        %add3A_2106 = arith.addi %get3A_2102, %get3A_2105 : vector<16xi32>
        %swap3A_2107 = arith.constant 12 : i32
        %swap3A_2108 = arith.index_cast %swap3A_2107 : i32 to index
        %swap3A_2109 = arith.constant 32 : index
        %swap3A_2110 = tpu.vector_load %arg7[%swap3A_2108, %swap3A_2109] {strides = array<i32>} : memref<13x128xi32, #tpu.memory_space<vmem>>, vector<1x16xi32>,
        %swap3A_2111 = vector.shape_cast %swap3A_2110 : vector<1x16xi32> to vector<16xi32>
        %swap3A_2112 = vector.shape_cast %add3A_2106 : vector<16xi32> to vector<1x16xi32>
        tpu.vector_store %arg7[%swap3A_2108, %swap3A_2109], %swap3A_2112 {strides = array<i32>} : memref<13x128xi32, #tpu.memory_space<vmem>>, vector<1x16xi32>,
        %get3A_2113 = arith.constant 12 : i32
        %get3A_2114 = arith.index_cast %get3A_2113 : i32 to index
        %get3A_2115 = arith.constant 48 : index
        %get3A_2116 = tpu.vector_load %arg7[%get3A_2114, %get3A_2115] {strides = array<i32>} : memref<13x128xi32, #tpu.memory_space<vmem>>, vector<1x16xi32>,
        %get3A_2117 = vector.shape_cast %get3A_2116 : vector<1x16xi32> to vector<16xi32>
        %get3A_2118 = arith.constant 128 : index
        %get3A_2119 = tpu.vector_load %arg5[%get3A_2118] {strides = array<i32>} : memref<208xi32, #tpu.memory_space<vmem>>, vector<16xi32>,
        %get3A_2120 = vector.shape_cast %get3A_2119 : vector<16xi32> to vector<16xi32>
        %add3A_2121 = arith.addi %get3A_2117, %get3A_2120 : vector<16xi32>
        %swap3A_2122 = arith.constant 12 : i32
        %swap3A_2123 = arith.index_cast %swap3A_2122 : i32 to index
        %swap3A_2124 = arith.constant 48 : index
        %swap3A_2125 = tpu.vector_load %arg7[%swap3A_2123, %swap3A_2124] {strides = array<i32>} : memref<13x128xi32, #tpu.memory_space<vmem>>, vector<1x16xi32>,
        %swap3A_2126 = vector.shape_cast %swap3A_2125 : vector<1x16xi32> to vector<16xi32>
        %swap3A_2127 = vector.shape_cast %add3A_2121 : vector<16xi32> to vector<1x16xi32>
        tpu.vector_store %arg7[%swap3A_2123, %swap3A_2124], %swap3A_2127 {strides = array<i32>} : memref<13x128xi32, #tpu.memory_space<vmem>>, vector<1x16xi32>,
        %get3A_2128 = arith.constant 12 : i32
        %get3A_2129 = arith.index_cast %get3A_2128 : i32 to index
        %get3A_2130 = arith.constant 64 : index
        %get3A_2131 = tpu.vector_load %arg7[%get3A_2129, %get3A_2130] {strides = array<i32>} : memref<13x128xi32, #tpu.memory_space<vmem>>, vector<1x16xi32>,
        %get3A_2132 = vector.shape_cast %get3A_2131 : vector<1x16xi32> to vector<16xi32>
        %get3A_2133 = arith.constant 144 : index
        %get3A_2134 = tpu.vector_load %arg5[%get3A_2133] {strides = array<i32>} : memref<208xi32, #tpu.memory_space<vmem>>, vector<16xi32>,
        %get3A_2135 = vector.shape_cast %get3A_2134 : vector<16xi32> to vector<16xi32>
        %add3A_2136 = arith.addi %get3A_2132, %get3A_2135 : vector<16xi32>
        %swap3A_2137 = arith.constant 12 : i32
        %swap3A_2138 = arith.index_cast %swap3A_2137 : i32 to index
        %swap3A_2139 = arith.constant 64 : index
        %swap3A_2140 = tpu.vector_load %arg7[%swap3A_2138, %swap3A_2139] {strides = array<i32>} : memref<13x128xi32, #tpu.memory_space<vmem>>, vector<1x16xi32>,
        %swap3A_2141 = vector.shape_cast %swap3A_2140 : vector<1x16xi32> to vector<16xi32>
        %swap3A_2142 = vector.shape_cast %add3A_2136 : vector<16xi32> to vector<1x16xi32>
        tpu.vector_store %arg7[%swap3A_2138, %swap3A_2139], %swap3A_2142 {strides = array<i32>} : memref<13x128xi32, #tpu.memory_space<vmem>>, vector<1x16xi32>,
        %get3A_2143 = arith.constant 12 : i32
        %get3A_2144 = arith.index_cast %get3A_2143 : i32 to index
        %get3A_2145 = arith.constant 80 : index
        %get3A_2146 = tpu.vector_load %arg7[%get3A_2144, %get3A_2145] {strides = array<i32>} : memref<13x128xi32, #tpu.memory_space<vmem>>, vector<1x16xi32>,
        %get3A_2147 = vector.shape_cast %get3A_2146 : vector<1x16xi32> to vector<16xi32>
        %get3A_2148 = arith.constant 160 : index
        %get3A_2149 = tpu.vector_load %arg5[%get3A_2148] {strides = array<i32>} : memref<208xi32, #tpu.memory_space<vmem>>, vector<16xi32>,
        %get3A_2150 = vector.shape_cast %get3A_2149 : vector<16xi32> to vector<16xi32>
        %add3A_2151 = arith.addi %get3A_2147, %get3A_2150 : vector<16xi32>
        %swap3A_2152 = arith.constant 12 : i32
        %swap3A_2153 = arith.index_cast %swap3A_2152 : i32 to index
        %swap3A_2154 = arith.constant 80 : index
        %swap3A_2155 = tpu.vector_load %arg7[%swap3A_2153, %swap3A_2154] {strides = array<i32>} : memref<13x128xi32, #tpu.memory_space<vmem>>, vector<1x16xi32>,
        %swap3A_2156 = vector.shape_cast %swap3A_2155 : vector<1x16xi32> to vector<16xi32>
        %swap3A_2157 = vector.shape_cast %add3A_2151 : vector<16xi32> to vector<1x16xi32>
        tpu.vector_store %arg7[%swap3A_2153, %swap3A_2154], %swap3A_2157 {strides = array<i32>} : memref<13x128xi32, #tpu.memory_space<vmem>>, vector<1x16xi32>,
        %get3A_2158 = arith.constant 12 : i32
        %get3A_2159 = arith.index_cast %get3A_2158 : i32 to index
        %get3A_2160 = arith.constant 96 : index
        %get3A_2161 = tpu.vector_load %arg7[%get3A_2159, %get3A_2160] {strides = array<i32>} : memref<13x128xi32, #tpu.memory_space<vmem>>, vector<1x16xi32>,
        %get3A_2162 = vector.shape_cast %get3A_2161 : vector<1x16xi32> to vector<16xi32>
        %get3A_2163 = arith.constant 176 : index
        %get3A_2164 = tpu.vector_load %arg5[%get3A_2163] {strides = array<i32>} : memref<208xi32, #tpu.memory_space<vmem>>, vector<16xi32>,
        %get3A_2165 = vector.shape_cast %get3A_2164 : vector<16xi32> to vector<16xi32>
        %add3A_2166 = arith.addi %get3A_2162, %get3A_2165 : vector<16xi32>
        %swap3A_2167 = arith.constant 12 : i32
        %swap3A_2168 = arith.index_cast %swap3A_2167 : i32 to index
        %swap3A_2169 = arith.constant 96 : index
        %swap3A_2170 = tpu.vector_load %arg7[%swap3A_2168, %swap3A_2169] {strides = array<i32>} : memref<13x128xi32, #tpu.memory_space<vmem>>, vector<1x16xi32>,
        %swap3A_2171 = vector.shape_cast %swap3A_2170 : vector<1x16xi32> to vector<16xi32>
        %swap3A_2172 = vector.shape_cast %add3A_2166 : vector<16xi32> to vector<1x16xi32>
        tpu.vector_store %arg7[%swap3A_2168, %swap3A_2169], %swap3A_2172 {strides = array<i32>} : memref<13x128xi32, #tpu.memory_space<vmem>>, vector<1x16xi32>,
        %get3A_2173 = arith.constant 12 : i32
        %get3A_2174 = arith.index_cast %get3A_2173 : i32 to index
        %get3A_2175 = arith.constant 112 : index
        %get3A_2176 = tpu.vector_load %arg7[%get3A_2174, %get3A_2175] {strides = array<i32>} : memref<13x128xi32, #tpu.memory_space<vmem>>, vector<1x16xi32>,
        %get3A_2177 = vector.shape_cast %get3A_2176 : vector<1x16xi32> to vector<16xi32>
        %get3A_2178 = arith.constant 192 : index
        %get3A_2179 = tpu.vector_load %arg5[%get3A_2178] {strides = array<i32>} : memref<208xi32, #tpu.memory_space<vmem>>, vector<16xi32>,
        %get3A_2180 = vector.shape_cast %get3A_2179 : vector<16xi32> to vector<16xi32>
        %add3A_2181 = arith.addi %get3A_2177, %get3A_2180 : vector<16xi32>
        %swap3A_2182 = arith.constant 12 : i32
        %swap3A_2183 = arith.index_cast %swap3A_2182 : i32 to index
        %swap3A_2184 = arith.constant 112 : index
        %swap3A_2185 = tpu.vector_load %arg7[%swap3A_2183, %swap3A_2184] {strides = array<i32>} : memref<13x128xi32, #tpu.memory_space<vmem>>, vector<1x16xi32>,
        %swap3A_2186 = vector.shape_cast %swap3A_2185 : vector<1x16xi32> to vector<16xi32>
        %swap3A_2187 = vector.shape_cast %add3A_2181 : vector<16xi32> to vector<1x16xi32>
        tpu.vector_store %arg7[%swap3A_2183, %swap3A_2184], %swap3A_2187 {strides = array<i32>} : memref<13x128xi32, #tpu.memory_space<vmem>>, vector<1x16xi32>,
        %ge3A = arith.constant 2 : i32
        %ge3A_2188 = arith.cmpi sge, %scan3A_579, %ge3A : i32
        %convert_element_type3A_2189 = arith.extui %ge3A_2188 : i1 to i32
        %cond3A_2190 = arith.constant 0 : i32
        %cond3A_2191 = arith.cmpi ne, %convert_element_type3A_2189, %cond3A_2190 : i32
        scf.if %cond3A_2191 {
          %dma_wait3A_2469 = arith.constant 0 : i32
          %dma_wait3A_2470 = arith.constant 0 : i32
          %dma_wait3A_2471 = tpu.memref_slice %arg4[%mul3A_2, %dma_wait3A_2469, %dma_wait3A_2470] : memref<256x1664x32xf32, #tpu.memory_space<hbm>> -> memref<1x1664x32xf32, #tpu.memory_space<hbm>>
          %dma_wait3A_2472 = tpu.memref_squeeze %dma_wait3A_2471 : memref<1x1664x32xf32, #tpu.memory_space<hbm>> -> memref<1664x32xf32, #tpu.memory_space<hbm>>
          %dma_wait3A_2473 = arith.constant 0 : i32
          %dma_wait3A_2474 = arith.constant 0 : i32
          %dma_wait3A_2475 = tpu.memref_slice %arg4[%mul3A_2, %dma_wait3A_2473, %dma_wait3A_2474] : memref<256x1664x32xf32, #tpu.memory_space<hbm>> -> memref<1x1664x32xf32, #tpu.memory_space<hbm>>
          %dma_wait3A_2476 = tpu.memref_squeeze %dma_wait3A_2475 : memref<1x1664x32xf32, #tpu.memory_space<hbm>> -> memref<1664x32xf32, #tpu.memory_space<hbm>>
          tpu.wait_dma2 semaphore(%arg15 : memref<!tpu.dma_semaphore, #tpu.memory_space<semaphore_mem>>) src(%dma_wait3A_2476 : memref<1664x32xf32, #tpu.memory_space<hbm>>) dst(%arg9 : memref<1664x32xf32, #tpu.memory_space<vmem>>)
        } else {
        }
        %dma_start3A_2192 = arith.constant 0 : i32
        %dma_start3A_2193 = arith.constant 0 : i32
        %dma_start3A_2194 = arith.constant 0 : i32
        %dma_start3A_2195 = tpu.memref_slice %arg9[%dma_start3A_2193, %dma_start3A_2194] : memref<1664x32xf32, #tpu.memory_space<vmem>> -> memref<128x32xf32, #tpu.memory_space<vmem>>
        %dma_start3A_2196 = arith.constant 0 : i32
        %dma_start3A_2197 = tpu.memref_slice %arg7[%dma_start3A_2192, %dma_start3A_2196] : memref<13x128xi32, #tpu.memory_space<vmem>> -> memref<1x128xi32, #tpu.memory_space<vmem>>
        %dma_start3A_2198 = tpu.memref_squeeze %dma_start3A_2197 : memref<1x128xi32, #tpu.memory_space<vmem>> -> memref<128xi32, #tpu.memory_space<vmem>>
        %dma_start3A_2199 = arith.constant 0 : i32
        %dma_start3A_2200 = arith.constant 0 : i32
        %dma_start3A_2201 = tpu.memref_slice %arg3[%dma_start3A_2199, %dma_start3A_2200] : memref<2600000x32xf32, #tpu.memory_space<hbm>> -> memref<2600000x32xf32, #tpu.memory_space<hbm>>
        tpu.enqueue_indirect_dma source(%dma_start3A_2201 : memref<2600000x32xf32, #tpu.memory_space<hbm>>) target(%dma_start3A_2195 : memref<128x32xf32, #tpu.memory_space<vmem>>) offsets(%dma_start3A_2198 : memref<128xi32, #tpu.memory_space<vmem>>) semaphore(%arg13 : memref<!tpu.dma_semaphore, #tpu.memory_space<semaphore_mem>>)
        %dma_start3A_2202 = arith.constant 1 : i32
        %dma_start3A_2203 = arith.constant 128 : i32
        %dma_start3A_2204 = arith.constant 0 : i32
        %dma_start3A_2205 = tpu.memref_slice %arg9[%dma_start3A_2203, %dma_start3A_2204] : memref<1664x32xf32, #tpu.memory_space<vmem>> -> memref<128x32xf32, #tpu.memory_space<vmem>>
        %dma_start3A_2206 = arith.constant 0 : i32
        %dma_start3A_2207 = tpu.memref_slice %arg7[%dma_start3A_2202, %dma_start3A_2206] : memref<13x128xi32, #tpu.memory_space<vmem>> -> memref<1x128xi32, #tpu.memory_space<vmem>>
        %dma_start3A_2208 = tpu.memref_squeeze %dma_start3A_2207 : memref<1x128xi32, #tpu.memory_space<vmem>> -> memref<128xi32, #tpu.memory_space<vmem>>
        %dma_start3A_2209 = arith.constant 0 : i32
        %dma_start3A_2210 = arith.constant 0 : i32
        %dma_start3A_2211 = tpu.memref_slice %arg3[%dma_start3A_2209, %dma_start3A_2210] : memref<2600000x32xf32, #tpu.memory_space<hbm>> -> memref<2600000x32xf32, #tpu.memory_space<hbm>>
        tpu.enqueue_indirect_dma source(%dma_start3A_2211 : memref<2600000x32xf32, #tpu.memory_space<hbm>>) target(%dma_start3A_2205 : memref<128x32xf32, #tpu.memory_space<vmem>>) offsets(%dma_start3A_2208 : memref<128xi32, #tpu.memory_space<vmem>>) semaphore(%arg13 : memref<!tpu.dma_semaphore, #tpu.memory_space<semaphore_mem>>)
        %dma_start3A_2212 = arith.constant 2 : i32
        %dma_start3A_2213 = arith.constant 256 : i32
        %dma_start3A_2214 = arith.constant 0 : i32
        %dma_start3A_2215 = tpu.memref_slice %arg9[%dma_start3A_2213, %dma_start3A_2214] : memref<1664x32xf32, #tpu.memory_space<vmem>> -> memref<128x32xf32, #tpu.memory_space<vmem>>
        %dma_start3A_2216 = arith.constant 0 : i32
        %dma_start3A_2217 = tpu.memref_slice %arg7[%dma_start3A_2212, %dma_start3A_2216] : memref<13x128xi32, #tpu.memory_space<vmem>> -> memref<1x128xi32, #tpu.memory_space<vmem>>
        %dma_start3A_2218 = tpu.memref_squeeze %dma_start3A_2217 : memref<1x128xi32, #tpu.memory_space<vmem>> -> memref<128xi32, #tpu.memory_space<vmem>>
        %dma_start3A_2219 = arith.constant 0 : i32
        %dma_start3A_2220 = arith.constant 0 : i32
        %dma_start3A_2221 = tpu.memref_slice %arg3[%dma_start3A_2219, %dma_start3A_2220] : memref<2600000x32xf32, #tpu.memory_space<hbm>> -> memref<2600000x32xf32, #tpu.memory_space<hbm>>
        tpu.enqueue_indirect_dma source(%dma_start3A_2221 : memref<2600000x32xf32, #tpu.memory_space<hbm>>) target(%dma_start3A_2215 : memref<128x32xf32, #tpu.memory_space<vmem>>) offsets(%dma_start3A_2218 : memref<128xi32, #tpu.memory_space<vmem>>) semaphore(%arg13 : memref<!tpu.dma_semaphore, #tpu.memory_space<semaphore_mem>>)
        %dma_start3A_2222 = arith.constant 3 : i32
        %dma_start3A_2223 = arith.constant 384 : i32
        %dma_start3A_2224 = arith.constant 0 : i32
        %dma_start3A_2225 = tpu.memref_slice %arg9[%dma_start3A_2223, %dma_start3A_2224] : memref<1664x32xf32, #tpu.memory_space<vmem>> -> memref<128x32xf32, #tpu.memory_space<vmem>>
        %dma_start3A_2226 = arith.constant 0 : i32
        %dma_start3A_2227 = tpu.memref_slice %arg7[%dma_start3A_2222, %dma_start3A_2226] : memref<13x128xi32, #tpu.memory_space<vmem>> -> memref<1x128xi32, #tpu.memory_space<vmem>>
        %dma_start3A_2228 = tpu.memref_squeeze %dma_start3A_2227 : memref<1x128xi32, #tpu.memory_space<vmem>> -> memref<128xi32, #tpu.memory_space<vmem>>
        %dma_start3A_2229 = arith.constant 0 : i32
        %dma_start3A_2230 = arith.constant 0 : i32
        %dma_start3A_2231 = tpu.memref_slice %arg3[%dma_start3A_2229, %dma_start3A_2230] : memref<2600000x32xf32, #tpu.memory_space<hbm>> -> memref<2600000x32xf32, #tpu.memory_space<hbm>>
        tpu.enqueue_indirect_dma source(%dma_start3A_2231 : memref<2600000x32xf32, #tpu.memory_space<hbm>>) target(%dma_start3A_2225 : memref<128x32xf32, #tpu.memory_space<vmem>>) offsets(%dma_start3A_2228 : memref<128xi32, #tpu.memory_space<vmem>>) semaphore(%arg13 : memref<!tpu.dma_semaphore, #tpu.memory_space<semaphore_mem>>)
        %dma_start3A_2232 = arith.constant 4 : i32
        %dma_start3A_2233 = arith.constant 512 : i32
        %dma_start3A_2234 = arith.constant 0 : i32
        %dma_start3A_2235 = tpu.memref_slice %arg9[%dma_start3A_2233, %dma_start3A_2234] : memref<1664x32xf32, #tpu.memory_space<vmem>> -> memref<128x32xf32, #tpu.memory_space<vmem>>
        %dma_start3A_2236 = arith.constant 0 : i32
        %dma_start3A_2237 = tpu.memref_slice %arg7[%dma_start3A_2232, %dma_start3A_2236] : memref<13x128xi32, #tpu.memory_space<vmem>> -> memref<1x128xi32, #tpu.memory_space<vmem>>
        %dma_start3A_2238 = tpu.memref_squeeze %dma_start3A_2237 : memref<1x128xi32, #tpu.memory_space<vmem>> -> memref<128xi32, #tpu.memory_space<vmem>>
        %dma_start3A_2239 = arith.constant 0 : i32
        %dma_start3A_2240 = arith.constant 0 : i32
        %dma_start3A_2241 = tpu.memref_slice %arg3[%dma_start3A_2239, %dma_start3A_2240] : memref<2600000x32xf32, #tpu.memory_space<hbm>> -> memref<2600000x32xf32, #tpu.memory_space<hbm>>
        tpu.enqueue_indirect_dma source(%dma_start3A_2241 : memref<2600000x32xf32, #tpu.memory_space<hbm>>) target(%dma_start3A_2235 : memref<128x32xf32, #tpu.memory_space<vmem>>) offsets(%dma_start3A_2238 : memref<128xi32, #tpu.memory_space<vmem>>) semaphore(%arg13 : memref<!tpu.dma_semaphore, #tpu.memory_space<semaphore_mem>>)
        %dma_start3A_2242 = arith.constant 5 : i32
        %dma_start3A_2243 = arith.constant 640 : i32
        %dma_start3A_2244 = arith.constant 0 : i32
        %dma_start3A_2245 = tpu.memref_slice %arg9[%dma_start3A_2243, %dma_start3A_2244] : memref<1664x32xf32, #tpu.memory_space<vmem>> -> memref<128x32xf32, #tpu.memory_space<vmem>>
        %dma_start3A_2246 = arith.constant 0 : i32
        %dma_start3A_2247 = tpu.memref_slice %arg7[%dma_start3A_2242, %dma_start3A_2246] : memref<13x128xi32, #tpu.memory_space<vmem>> -> memref<1x128xi32, #tpu.memory_space<vmem>>
        %dma_start3A_2248 = tpu.memref_squeeze %dma_start3A_2247 : memref<1x128xi32, #tpu.memory_space<vmem>> -> memref<128xi32, #tpu.memory_space<vmem>>
        %dma_start3A_2249 = arith.constant 0 : i32
        %dma_start3A_2250 = arith.constant 0 : i32
        %dma_start3A_2251 = tpu.memref_slice %arg3[%dma_start3A_2249, %dma_start3A_2250] : memref<2600000x32xf32, #tpu.memory_space<hbm>> -> memref<2600000x32xf32, #tpu.memory_space<hbm>>
        tpu.enqueue_indirect_dma source(%dma_start3A_2251 : memref<2600000x32xf32, #tpu.memory_space<hbm>>) target(%dma_start3A_2245 : memref<128x32xf32, #tpu.memory_space<vmem>>) offsets(%dma_start3A_2248 : memref<128xi32, #tpu.memory_space<vmem>>) semaphore(%arg13 : memref<!tpu.dma_semaphore, #tpu.memory_space<semaphore_mem>>)
        %dma_start3A_2252 = arith.constant 6 : i32
        %dma_start3A_2253 = arith.constant 768 : i32
        %dma_start3A_2254 = arith.constant 0 : i32
        %dma_start3A_2255 = tpu.memref_slice %arg9[%dma_start3A_2253, %dma_start3A_2254] : memref<1664x32xf32, #tpu.memory_space<vmem>> -> memref<128x32xf32, #tpu.memory_space<vmem>>
        %dma_start3A_2256 = arith.constant 0 : i32
        %dma_start3A_2257 = tpu.memref_slice %arg7[%dma_start3A_2252, %dma_start3A_2256] : memref<13x128xi32, #tpu.memory_space<vmem>> -> memref<1x128xi32, #tpu.memory_space<vmem>>
        %dma_start3A_2258 = tpu.memref_squeeze %dma_start3A_2257 : memref<1x128xi32, #tpu.memory_space<vmem>> -> memref<128xi32, #tpu.memory_space<vmem>>
        %dma_start3A_2259 = arith.constant 0 : i32
        %dma_start3A_2260 = arith.constant 0 : i32
        %dma_start3A_2261 = tpu.memref_slice %arg3[%dma_start3A_2259, %dma_start3A_2260] : memref<2600000x32xf32, #tpu.memory_space<hbm>> -> memref<2600000x32xf32, #tpu.memory_space<hbm>>
        tpu.enqueue_indirect_dma source(%dma_start3A_2261 : memref<2600000x32xf32, #tpu.memory_space<hbm>>) target(%dma_start3A_2255 : memref<128x32xf32, #tpu.memory_space<vmem>>) offsets(%dma_start3A_2258 : memref<128xi32, #tpu.memory_space<vmem>>) semaphore(%arg13 : memref<!tpu.dma_semaphore, #tpu.memory_space<semaphore_mem>>)
        %dma_start3A_2262 = arith.constant 7 : i32
        %dma_start3A_2263 = arith.constant 896 : i32
        %dma_start3A_2264 = arith.constant 0 : i32
        %dma_start3A_2265 = tpu.memref_slice %arg9[%dma_start3A_2263, %dma_start3A_2264] : memref<1664x32xf32, #tpu.memory_space<vmem>> -> memref<128x32xf32, #tpu.memory_space<vmem>>
        %dma_start3A_2266 = arith.constant 0 : i32
        %dma_start3A_2267 = tpu.memref_slice %arg7[%dma_start3A_2262, %dma_start3A_2266] : memref<13x128xi32, #tpu.memory_space<vmem>> -> memref<1x128xi32, #tpu.memory_space<vmem>>
        %dma_start3A_2268 = tpu.memref_squeeze %dma_start3A_2267 : memref<1x128xi32, #tpu.memory_space<vmem>> -> memref<128xi32, #tpu.memory_space<vmem>>
        %dma_start3A_2269 = arith.constant 0 : i32
        %dma_start3A_2270 = arith.constant 0 : i32
        %dma_start3A_2271 = tpu.memref_slice %arg3[%dma_start3A_2269, %dma_start3A_2270] : memref<2600000x32xf32, #tpu.memory_space<hbm>> -> memref<2600000x32xf32, #tpu.memory_space<hbm>>
        tpu.enqueue_indirect_dma source(%dma_start3A_2271 : memref<2600000x32xf32, #tpu.memory_space<hbm>>) target(%dma_start3A_2265 : memref<128x32xf32, #tpu.memory_space<vmem>>) offsets(%dma_start3A_2268 : memref<128xi32, #tpu.memory_space<vmem>>) semaphore(%arg13 : memref<!tpu.dma_semaphore, #tpu.memory_space<semaphore_mem>>)
        %dma_start3A_2272 = arith.constant 8 : i32
        %dma_start3A_2273 = arith.constant 1024 : i32
        %dma_start3A_2274 = arith.constant 0 : i32
        %dma_start3A_2275 = tpu.memref_slice %arg9[%dma_start3A_2273, %dma_start3A_2274] : memref<1664x32xf32, #tpu.memory_space<vmem>> -> memref<128x32xf32, #tpu.memory_space<vmem>>
        %dma_start3A_2276 = arith.constant 0 : i32
        %dma_start3A_2277 = tpu.memref_slice %arg7[%dma_start3A_2272, %dma_start3A_2276] : memref<13x128xi32, #tpu.memory_space<vmem>> -> memref<1x128xi32, #tpu.memory_space<vmem>>
        %dma_start3A_2278 = tpu.memref_squeeze %dma_start3A_2277 : memref<1x128xi32, #tpu.memory_space<vmem>> -> memref<128xi32, #tpu.memory_space<vmem>>
        %dma_start3A_2279 = arith.constant 0 : i32
        %dma_start3A_2280 = arith.constant 0 : i32
        %dma_start3A_2281 = tpu.memref_slice %arg3[%dma_start3A_2279, %dma_start3A_2280] : memref<2600000x32xf32, #tpu.memory_space<hbm>> -> memref<2600000x32xf32, #tpu.memory_space<hbm>>
        tpu.enqueue_indirect_dma source(%dma_start3A_2281 : memref<2600000x32xf32, #tpu.memory_space<hbm>>) target(%dma_start3A_2275 : memref<128x32xf32, #tpu.memory_space<vmem>>) offsets(%dma_start3A_2278 : memref<128xi32, #tpu.memory_space<vmem>>) semaphore(%arg13 : memref<!tpu.dma_semaphore, #tpu.memory_space<semaphore_mem>>)
        %dma_start3A_2282 = arith.constant 9 : i32
        %dma_start3A_2283 = arith.constant 1152 : i32
        %dma_start3A_2284 = arith.constant 0 : i32
        %dma_start3A_2285 = tpu.memref_slice %arg9[%dma_start3A_2283, %dma_start3A_2284] : memref<1664x32xf32, #tpu.memory_space<vmem>> -> memref<128x32xf32, #tpu.memory_space<vmem>>
        %dma_start3A_2286 = arith.constant 0 : i32
        %dma_start3A_2287 = tpu.memref_slice %arg7[%dma_start3A_2282, %dma_start3A_2286] : memref<13x128xi32, #tpu.memory_space<vmem>> -> memref<1x128xi32, #tpu.memory_space<vmem>>
        %dma_start3A_2288 = tpu.memref_squeeze %dma_start3A_2287 : memref<1x128xi32, #tpu.memory_space<vmem>> -> memref<128xi32, #tpu.memory_space<vmem>>
        %dma_start3A_2289 = arith.constant 0 : i32
        %dma_start3A_2290 = arith.constant 0 : i32
        %dma_start3A_2291 = tpu.memref_slice %arg3[%dma_start3A_2289, %dma_start3A_2290] : memref<2600000x32xf32, #tpu.memory_space<hbm>> -> memref<2600000x32xf32, #tpu.memory_space<hbm>>
        tpu.enqueue_indirect_dma source(%dma_start3A_2291 : memref<2600000x32xf32, #tpu.memory_space<hbm>>) target(%dma_start3A_2285 : memref<128x32xf32, #tpu.memory_space<vmem>>) offsets(%dma_start3A_2288 : memref<128xi32, #tpu.memory_space<vmem>>) semaphore(%arg13 : memref<!tpu.dma_semaphore, #tpu.memory_space<semaphore_mem>>)
        %dma_start3A_2292 = arith.constant 10 : i32
        %dma_start3A_2293 = arith.constant 1280 : i32
        %dma_start3A_2294 = arith.constant 0 : i32
        %dma_start3A_2295 = tpu.memref_slice %arg9[%dma_start3A_2293, %dma_start3A_2294] : memref<1664x32xf32, #tpu.memory_space<vmem>> -> memref<128x32xf32, #tpu.memory_space<vmem>>
        %dma_start3A_2296 = arith.constant 0 : i32
        %dma_start3A_2297 = tpu.memref_slice %arg7[%dma_start3A_2292, %dma_start3A_2296] : memref<13x128xi32, #tpu.memory_space<vmem>> -> memref<1x128xi32, #tpu.memory_space<vmem>>
        %dma_start3A_2298 = tpu.memref_squeeze %dma_start3A_2297 : memref<1x128xi32, #tpu.memory_space<vmem>> -> memref<128xi32, #tpu.memory_space<vmem>>
        %dma_start3A_2299 = arith.constant 0 : i32
        %dma_start3A_2300 = arith.constant 0 : i32
        %dma_start3A_2301 = tpu.memref_slice %arg3[%dma_start3A_2299, %dma_start3A_2300] : memref<2600000x32xf32, #tpu.memory_space<hbm>> -> memref<2600000x32xf32, #tpu.memory_space<hbm>>
        tpu.enqueue_indirect_dma source(%dma_start3A_2301 : memref<2600000x32xf32, #tpu.memory_space<hbm>>) target(%dma_start3A_2295 : memref<128x32xf32, #tpu.memory_space<vmem>>) offsets(%dma_start3A_2298 : memref<128xi32, #tpu.memory_space<vmem>>) semaphore(%arg13 : memref<!tpu.dma_semaphore, #tpu.memory_space<semaphore_mem>>)
        %dma_start3A_2302 = arith.constant 11 : i32
        %dma_start3A_2303 = arith.constant 1408 : i32
        %dma_start3A_2304 = arith.constant 0 : i32
        %dma_start3A_2305 = tpu.memref_slice %arg9[%dma_start3A_2303, %dma_start3A_2304] : memref<1664x32xf32, #tpu.memory_space<vmem>> -> memref<128x32xf32, #tpu.memory_space<vmem>>
        %dma_start3A_2306 = arith.constant 0 : i32
        %dma_start3A_2307 = tpu.memref_slice %arg7[%dma_start3A_2302, %dma_start3A_2306] : memref<13x128xi32, #tpu.memory_space<vmem>> -> memref<1x128xi32, #tpu.memory_space<vmem>>
        %dma_start3A_2308 = tpu.memref_squeeze %dma_start3A_2307 : memref<1x128xi32, #tpu.memory_space<vmem>> -> memref<128xi32, #tpu.memory_space<vmem>>
        %dma_start3A_2309 = arith.constant 0 : i32
        %dma_start3A_2310 = arith.constant 0 : i32
        %dma_start3A_2311 = tpu.memref_slice %arg3[%dma_start3A_2309, %dma_start3A_2310] : memref<2600000x32xf32, #tpu.memory_space<hbm>> -> memref<2600000x32xf32, #tpu.memory_space<hbm>>
        tpu.enqueue_indirect_dma source(%dma_start3A_2311 : memref<2600000x32xf32, #tpu.memory_space<hbm>>) target(%dma_start3A_2305 : memref<128x32xf32, #tpu.memory_space<vmem>>) offsets(%dma_start3A_2308 : memref<128xi32, #tpu.memory_space<vmem>>) semaphore(%arg13 : memref<!tpu.dma_semaphore, #tpu.memory_space<semaphore_mem>>)
        %dma_start3A_2312 = arith.constant 12 : i32
        %dma_start3A_2313 = arith.constant 1536 : i32
        %dma_start3A_2314 = arith.constant 0 : i32
        %dma_start3A_2315 = tpu.memref_slice %arg9[%dma_start3A_2313, %dma_start3A_2314] : memref<1664x32xf32, #tpu.memory_space<vmem>> -> memref<128x32xf32, #tpu.memory_space<vmem>>
        %dma_start3A_2316 = arith.constant 0 : i32
        %dma_start3A_2317 = tpu.memref_slice %arg7[%dma_start3A_2312, %dma_start3A_2316] : memref<13x128xi32, #tpu.memory_space<vmem>> -> memref<1x128xi32, #tpu.memory_space<vmem>>
        %dma_start3A_2318 = tpu.memref_squeeze %dma_start3A_2317 : memref<1x128xi32, #tpu.memory_space<vmem>> -> memref<128xi32, #tpu.memory_space<vmem>>
        %dma_start3A_2319 = arith.constant 0 : i32
        %dma_start3A_2320 = arith.constant 0 : i32
        %dma_start3A_2321 = tpu.memref_slice %arg3[%dma_start3A_2319, %dma_start3A_2320] : memref<2600000x32xf32, #tpu.memory_space<hbm>> -> memref<2600000x32xf32, #tpu.memory_space<hbm>>
        tpu.enqueue_indirect_dma source(%dma_start3A_2321 : memref<2600000x32xf32, #tpu.memory_space<hbm>>) target(%dma_start3A_2315 : memref<128x32xf32, #tpu.memory_space<vmem>>) offsets(%dma_start3A_2318 : memref<128xi32, #tpu.memory_space<vmem>>) semaphore(%arg13 : memref<!tpu.dma_semaphore, #tpu.memory_space<semaphore_mem>>)
        %dma_wait3A_2322 = arith.constant 0 : i32
        %dma_wait3A_2323 = arith.constant 0 : i32
        %dma_wait3A_2324 = arith.constant 0 : i32
        %dma_wait3A_2325 = tpu.memref_slice %arg8[%dma_wait3A_2323, %dma_wait3A_2324] : memref<1664x32xf32, #tpu.memory_space<vmem>> -> memref<128x32xf32, #tpu.memory_space<vmem>>
        %dma_wait3A_2326 = arith.constant 0 : i32
        %dma_wait3A_2327 = tpu.memref_slice %arg6[%dma_wait3A_2322, %dma_wait3A_2326] : memref<13x128xi32, #tpu.memory_space<vmem>> -> memref<1x128xi32, #tpu.memory_space<vmem>>
        %dma_wait3A_2328 = tpu.memref_squeeze %dma_wait3A_2327 : memref<1x128xi32, #tpu.memory_space<vmem>> -> memref<128xi32, #tpu.memory_space<vmem>>
        %dma_wait3A_2329 = arith.constant 0 : i32
        %dma_wait3A_2330 = arith.constant 0 : i32
        %dma_wait3A_2331 = tpu.memref_slice %arg3[%dma_wait3A_2329, %dma_wait3A_2330] : memref<2600000x32xf32, #tpu.memory_space<hbm>> -> memref<2600000x32xf32, #tpu.memory_space<hbm>>
        tpu.wait_indirect_dma semaphore(%arg12 : memref<!tpu.dma_semaphore, #tpu.memory_space<semaphore_mem>>) src(%dma_wait3A_2331 : memref<2600000x32xf32, #tpu.memory_space<hbm>>) dst(%dma_wait3A_2325 : memref<128x32xf32, #tpu.memory_space<vmem>>)
        %dma_wait3A_2332 = arith.constant 1 : i32
        %dma_wait3A_2333 = arith.constant 128 : i32
        %dma_wait3A_2334 = arith.constant 0 : i32
        %dma_wait3A_2335 = tpu.memref_slice %arg8[%dma_wait3A_2333, %dma_wait3A_2334] : memref<1664x32xf32, #tpu.memory_space<vmem>> -> memref<128x32xf32, #tpu.memory_space<vmem>>
        %dma_wait3A_2336 = arith.constant 0 : i32
        %dma_wait3A_2337 = tpu.memref_slice %arg6[%dma_wait3A_2332, %dma_wait3A_2336] : memref<13x128xi32, #tpu.memory_space<vmem>> -> memref<1x128xi32, #tpu.memory_space<vmem>>
        %dma_wait3A_2338 = tpu.memref_squeeze %dma_wait3A_2337 : memref<1x128xi32, #tpu.memory_space<vmem>> -> memref<128xi32, #tpu.memory_space<vmem>>
        %dma_wait3A_2339 = arith.constant 0 : i32
        %dma_wait3A_2340 = arith.constant 0 : i32
        %dma_wait3A_2341 = tpu.memref_slice %arg3[%dma_wait3A_2339, %dma_wait3A_2340] : memref<2600000x32xf32, #tpu.memory_space<hbm>> -> memref<2600000x32xf32, #tpu.memory_space<hbm>>
        tpu.wait_indirect_dma semaphore(%arg12 : memref<!tpu.dma_semaphore, #tpu.memory_space<semaphore_mem>>) src(%dma_wait3A_2341 : memref<2600000x32xf32, #tpu.memory_space<hbm>>) dst(%dma_wait3A_2335 : memref<128x32xf32, #tpu.memory_space<vmem>>)
        %dma_wait3A_2342 = arith.constant 2 : i32
        %dma_wait3A_2343 = arith.constant 256 : i32
        %dma_wait3A_2344 = arith.constant 0 : i32
        %dma_wait3A_2345 = tpu.memref_slice %arg8[%dma_wait3A_2343, %dma_wait3A_2344] : memref<1664x32xf32, #tpu.memory_space<vmem>> -> memref<128x32xf32, #tpu.memory_space<vmem>>
        %dma_wait3A_2346 = arith.constant 0 : i32
        %dma_wait3A_2347 = tpu.memref_slice %arg6[%dma_wait3A_2342, %dma_wait3A_2346] : memref<13x128xi32, #tpu.memory_space<vmem>> -> memref<1x128xi32, #tpu.memory_space<vmem>>
        %dma_wait3A_2348 = tpu.memref_squeeze %dma_wait3A_2347 : memref<1x128xi32, #tpu.memory_space<vmem>> -> memref<128xi32, #tpu.memory_space<vmem>>
        %dma_wait3A_2349 = arith.constant 0 : i32
        %dma_wait3A_2350 = arith.constant 0 : i32
        %dma_wait3A_2351 = tpu.memref_slice %arg3[%dma_wait3A_2349, %dma_wait3A_2350] : memref<2600000x32xf32, #tpu.memory_space<hbm>> -> memref<2600000x32xf32, #tpu.memory_space<hbm>>
        tpu.wait_indirect_dma semaphore(%arg12 : memref<!tpu.dma_semaphore, #tpu.memory_space<semaphore_mem>>) src(%dma_wait3A_2351 : memref<2600000x32xf32, #tpu.memory_space<hbm>>) dst(%dma_wait3A_2345 : memref<128x32xf32, #tpu.memory_space<vmem>>)
        %dma_wait3A_2352 = arith.constant 3 : i32
        %dma_wait3A_2353 = arith.constant 384 : i32
        %dma_wait3A_2354 = arith.constant 0 : i32
        %dma_wait3A_2355 = tpu.memref_slice %arg8[%dma_wait3A_2353, %dma_wait3A_2354] : memref<1664x32xf32, #tpu.memory_space<vmem>> -> memref<128x32xf32, #tpu.memory_space<vmem>>
        %dma_wait3A_2356 = arith.constant 0 : i32
        %dma_wait3A_2357 = tpu.memref_slice %arg6[%dma_wait3A_2352, %dma_wait3A_2356] : memref<13x128xi32, #tpu.memory_space<vmem>> -> memref<1x128xi32, #tpu.memory_space<vmem>>
        %dma_wait3A_2358 = tpu.memref_squeeze %dma_wait3A_2357 : memref<1x128xi32, #tpu.memory_space<vmem>> -> memref<128xi32, #tpu.memory_space<vmem>>
        %dma_wait3A_2359 = arith.constant 0 : i32
        %dma_wait3A_2360 = arith.constant 0 : i32
        %dma_wait3A_2361 = tpu.memref_slice %arg3[%dma_wait3A_2359, %dma_wait3A_2360] : memref<2600000x32xf32, #tpu.memory_space<hbm>> -> memref<2600000x32xf32, #tpu.memory_space<hbm>>
        tpu.wait_indirect_dma semaphore(%arg12 : memref<!tpu.dma_semaphore, #tpu.memory_space<semaphore_mem>>) src(%dma_wait3A_2361 : memref<2600000x32xf32, #tpu.memory_space<hbm>>) dst(%dma_wait3A_2355 : memref<128x32xf32, #tpu.memory_space<vmem>>)
        %dma_wait3A_2362 = arith.constant 4 : i32
        %dma_wait3A_2363 = arith.constant 512 : i32
        %dma_wait3A_2364 = arith.constant 0 : i32
        %dma_wait3A_2365 = tpu.memref_slice %arg8[%dma_wait3A_2363, %dma_wait3A_2364] : memref<1664x32xf32, #tpu.memory_space<vmem>> -> memref<128x32xf32, #tpu.memory_space<vmem>>
        %dma_wait3A_2366 = arith.constant 0 : i32
        %dma_wait3A_2367 = tpu.memref_slice %arg6[%dma_wait3A_2362, %dma_wait3A_2366] : memref<13x128xi32, #tpu.memory_space<vmem>> -> memref<1x128xi32, #tpu.memory_space<vmem>>
        %dma_wait3A_2368 = tpu.memref_squeeze %dma_wait3A_2367 : memref<1x128xi32, #tpu.memory_space<vmem>> -> memref<128xi32, #tpu.memory_space<vmem>>
        %dma_wait3A_2369 = arith.constant 0 : i32
        %dma_wait3A_2370 = arith.constant 0 : i32
        %dma_wait3A_2371 = tpu.memref_slice %arg3[%dma_wait3A_2369, %dma_wait3A_2370] : memref<2600000x32xf32, #tpu.memory_space<hbm>> -> memref<2600000x32xf32, #tpu.memory_space<hbm>>
        tpu.wait_indirect_dma semaphore(%arg12 : memref<!tpu.dma_semaphore, #tpu.memory_space<semaphore_mem>>) src(%dma_wait3A_2371 : memref<2600000x32xf32, #tpu.memory_space<hbm>>) dst(%dma_wait3A_2365 : memref<128x32xf32, #tpu.memory_space<vmem>>)
        %dma_wait3A_2372 = arith.constant 5 : i32
        %dma_wait3A_2373 = arith.constant 640 : i32
        %dma_wait3A_2374 = arith.constant 0 : i32
        %dma_wait3A_2375 = tpu.memref_slice %arg8[%dma_wait3A_2373, %dma_wait3A_2374] : memref<1664x32xf32, #tpu.memory_space<vmem>> -> memref<128x32xf32, #tpu.memory_space<vmem>>
        %dma_wait3A_2376 = arith.constant 0 : i32
        %dma_wait3A_2377 = tpu.memref_slice %arg6[%dma_wait3A_2372, %dma_wait3A_2376] : memref<13x128xi32, #tpu.memory_space<vmem>> -> memref<1x128xi32, #tpu.memory_space<vmem>>
        %dma_wait3A_2378 = tpu.memref_squeeze %dma_wait3A_2377 : memref<1x128xi32, #tpu.memory_space<vmem>> -> memref<128xi32, #tpu.memory_space<vmem>>
        %dma_wait3A_2379 = arith.constant 0 : i32
        %dma_wait3A_2380 = arith.constant 0 : i32
        %dma_wait3A_2381 = tpu.memref_slice %arg3[%dma_wait3A_2379, %dma_wait3A_2380] : memref<2600000x32xf32, #tpu.memory_space<hbm>> -> memref<2600000x32xf32, #tpu.memory_space<hbm>>
        tpu.wait_indirect_dma semaphore(%arg12 : memref<!tpu.dma_semaphore, #tpu.memory_space<semaphore_mem>>) src(%dma_wait3A_2381 : memref<2600000x32xf32, #tpu.memory_space<hbm>>) dst(%dma_wait3A_2375 : memref<128x32xf32, #tpu.memory_space<vmem>>)
        %dma_wait3A_2382 = arith.constant 6 : i32
        %dma_wait3A_2383 = arith.constant 768 : i32
        %dma_wait3A_2384 = arith.constant 0 : i32
        %dma_wait3A_2385 = tpu.memref_slice %arg8[%dma_wait3A_2383, %dma_wait3A_2384] : memref<1664x32xf32, #tpu.memory_space<vmem>> -> memref<128x32xf32, #tpu.memory_space<vmem>>
        %dma_wait3A_2386 = arith.constant 0 : i32
        %dma_wait3A_2387 = tpu.memref_slice %arg6[%dma_wait3A_2382, %dma_wait3A_2386] : memref<13x128xi32, #tpu.memory_space<vmem>> -> memref<1x128xi32, #tpu.memory_space<vmem>>
        %dma_wait3A_2388 = tpu.memref_squeeze %dma_wait3A_2387 : memref<1x128xi32, #tpu.memory_space<vmem>> -> memref<128xi32, #tpu.memory_space<vmem>>
        %dma_wait3A_2389 = arith.constant 0 : i32
        %dma_wait3A_2390 = arith.constant 0 : i32
        %dma_wait3A_2391 = tpu.memref_slice %arg3[%dma_wait3A_2389, %dma_wait3A_2390] : memref<2600000x32xf32, #tpu.memory_space<hbm>> -> memref<2600000x32xf32, #tpu.memory_space<hbm>>
        tpu.wait_indirect_dma semaphore(%arg12 : memref<!tpu.dma_semaphore, #tpu.memory_space<semaphore_mem>>) src(%dma_wait3A_2391 : memref<2600000x32xf32, #tpu.memory_space<hbm>>) dst(%dma_wait3A_2385 : memref<128x32xf32, #tpu.memory_space<vmem>>)
        %dma_wait3A_2392 = arith.constant 7 : i32
        %dma_wait3A_2393 = arith.constant 896 : i32
        %dma_wait3A_2394 = arith.constant 0 : i32
        %dma_wait3A_2395 = tpu.memref_slice %arg8[%dma_wait3A_2393, %dma_wait3A_2394] : memref<1664x32xf32, #tpu.memory_space<vmem>> -> memref<128x32xf32, #tpu.memory_space<vmem>>
        %dma_wait3A_2396 = arith.constant 0 : i32
        %dma_wait3A_2397 = tpu.memref_slice %arg6[%dma_wait3A_2392, %dma_wait3A_2396] : memref<13x128xi32, #tpu.memory_space<vmem>> -> memref<1x128xi32, #tpu.memory_space<vmem>>
        %dma_wait3A_2398 = tpu.memref_squeeze %dma_wait3A_2397 : memref<1x128xi32, #tpu.memory_space<vmem>> -> memref<128xi32, #tpu.memory_space<vmem>>
        %dma_wait3A_2399 = arith.constant 0 : i32
        %dma_wait3A_2400 = arith.constant 0 : i32
        %dma_wait3A_2401 = tpu.memref_slice %arg3[%dma_wait3A_2399, %dma_wait3A_2400] : memref<2600000x32xf32, #tpu.memory_space<hbm>> -> memref<2600000x32xf32, #tpu.memory_space<hbm>>
        tpu.wait_indirect_dma semaphore(%arg12 : memref<!tpu.dma_semaphore, #tpu.memory_space<semaphore_mem>>) src(%dma_wait3A_2401 : memref<2600000x32xf32, #tpu.memory_space<hbm>>) dst(%dma_wait3A_2395 : memref<128x32xf32, #tpu.memory_space<vmem>>)
        %dma_wait3A_2402 = arith.constant 8 : i32
        %dma_wait3A_2403 = arith.constant 1024 : i32
        %dma_wait3A_2404 = arith.constant 0 : i32
        %dma_wait3A_2405 = tpu.memref_slice %arg8[%dma_wait3A_2403, %dma_wait3A_2404] : memref<1664x32xf32, #tpu.memory_space<vmem>> -> memref<128x32xf32, #tpu.memory_space<vmem>>
        %dma_wait3A_2406 = arith.constant 0 : i32
        %dma_wait3A_2407 = tpu.memref_slice %arg6[%dma_wait3A_2402, %dma_wait3A_2406] : memref<13x128xi32, #tpu.memory_space<vmem>> -> memref<1x128xi32, #tpu.memory_space<vmem>>
        %dma_wait3A_2408 = tpu.memref_squeeze %dma_wait3A_2407 : memref<1x128xi32, #tpu.memory_space<vmem>> -> memref<128xi32, #tpu.memory_space<vmem>>
        %dma_wait3A_2409 = arith.constant 0 : i32
        %dma_wait3A_2410 = arith.constant 0 : i32
        %dma_wait3A_2411 = tpu.memref_slice %arg3[%dma_wait3A_2409, %dma_wait3A_2410] : memref<2600000x32xf32, #tpu.memory_space<hbm>> -> memref<2600000x32xf32, #tpu.memory_space<hbm>>
        tpu.wait_indirect_dma semaphore(%arg12 : memref<!tpu.dma_semaphore, #tpu.memory_space<semaphore_mem>>) src(%dma_wait3A_2411 : memref<2600000x32xf32, #tpu.memory_space<hbm>>) dst(%dma_wait3A_2405 : memref<128x32xf32, #tpu.memory_space<vmem>>)
        %dma_wait3A_2412 = arith.constant 9 : i32
        %dma_wait3A_2413 = arith.constant 1152 : i32
        %dma_wait3A_2414 = arith.constant 0 : i32
        %dma_wait3A_2415 = tpu.memref_slice %arg8[%dma_wait3A_2413, %dma_wait3A_2414] : memref<1664x32xf32, #tpu.memory_space<vmem>> -> memref<128x32xf32, #tpu.memory_space<vmem>>
        %dma_wait3A_2416 = arith.constant 0 : i32
        %dma_wait3A_2417 = tpu.memref_slice %arg6[%dma_wait3A_2412, %dma_wait3A_2416] : memref<13x128xi32, #tpu.memory_space<vmem>> -> memref<1x128xi32, #tpu.memory_space<vmem>>
        %dma_wait3A_2418 = tpu.memref_squeeze %dma_wait3A_2417 : memref<1x128xi32, #tpu.memory_space<vmem>> -> memref<128xi32, #tpu.memory_space<vmem>>
        %dma_wait3A_2419 = arith.constant 0 : i32
        %dma_wait3A_2420 = arith.constant 0 : i32
        %dma_wait3A_2421 = tpu.memref_slice %arg3[%dma_wait3A_2419, %dma_wait3A_2420] : memref<2600000x32xf32, #tpu.memory_space<hbm>> -> memref<2600000x32xf32, #tpu.memory_space<hbm>>
        tpu.wait_indirect_dma semaphore(%arg12 : memref<!tpu.dma_semaphore, #tpu.memory_space<semaphore_mem>>) src(%dma_wait3A_2421 : memref<2600000x32xf32, #tpu.memory_space<hbm>>) dst(%dma_wait3A_2415 : memref<128x32xf32, #tpu.memory_space<vmem>>)
        %dma_wait3A_2422 = arith.constant 10 : i32
        %dma_wait3A_2423 = arith.constant 1280 : i32
        %dma_wait3A_2424 = arith.constant 0 : i32
        %dma_wait3A_2425 = tpu.memref_slice %arg8[%dma_wait3A_2423, %dma_wait3A_2424] : memref<1664x32xf32, #tpu.memory_space<vmem>> -> memref<128x32xf32, #tpu.memory_space<vmem>>
        %dma_wait3A_2426 = arith.constant 0 : i32
        %dma_wait3A_2427 = tpu.memref_slice %arg6[%dma_wait3A_2422, %dma_wait3A_2426] : memref<13x128xi32, #tpu.memory_space<vmem>> -> memref<1x128xi32, #tpu.memory_space<vmem>>
        %dma_wait3A_2428 = tpu.memref_squeeze %dma_wait3A_2427 : memref<1x128xi32, #tpu.memory_space<vmem>> -> memref<128xi32, #tpu.memory_space<vmem>>
        %dma_wait3A_2429 = arith.constant 0 : i32
        %dma_wait3A_2430 = arith.constant 0 : i32
        %dma_wait3A_2431 = tpu.memref_slice %arg3[%dma_wait3A_2429, %dma_wait3A_2430] : memref<2600000x32xf32, #tpu.memory_space<hbm>> -> memref<2600000x32xf32, #tpu.memory_space<hbm>>
        tpu.wait_indirect_dma semaphore(%arg12 : memref<!tpu.dma_semaphore, #tpu.memory_space<semaphore_mem>>) src(%dma_wait3A_2431 : memref<2600000x32xf32, #tpu.memory_space<hbm>>) dst(%dma_wait3A_2425 : memref<128x32xf32, #tpu.memory_space<vmem>>)
        %dma_wait3A_2432 = arith.constant 11 : i32
        %dma_wait3A_2433 = arith.constant 1408 : i32
        %dma_wait3A_2434 = arith.constant 0 : i32
        %dma_wait3A_2435 = tpu.memref_slice %arg8[%dma_wait3A_2433, %dma_wait3A_2434] : memref<1664x32xf32, #tpu.memory_space<vmem>> -> memref<128x32xf32, #tpu.memory_space<vmem>>
        %dma_wait3A_2436 = arith.constant 0 : i32
        %dma_wait3A_2437 = tpu.memref_slice %arg6[%dma_wait3A_2432, %dma_wait3A_2436] : memref<13x128xi32, #tpu.memory_space<vmem>> -> memref<1x128xi32, #tpu.memory_space<vmem>>
        %dma_wait3A_2438 = tpu.memref_squeeze %dma_wait3A_2437 : memref<1x128xi32, #tpu.memory_space<vmem>> -> memref<128xi32, #tpu.memory_space<vmem>>
        %dma_wait3A_2439 = arith.constant 0 : i32
        %dma_wait3A_2440 = arith.constant 0 : i32
        %dma_wait3A_2441 = tpu.memref_slice %arg3[%dma_wait3A_2439, %dma_wait3A_2440] : memref<2600000x32xf32, #tpu.memory_space<hbm>> -> memref<2600000x32xf32, #tpu.memory_space<hbm>>
        tpu.wait_indirect_dma semaphore(%arg12 : memref<!tpu.dma_semaphore, #tpu.memory_space<semaphore_mem>>) src(%dma_wait3A_2441 : memref<2600000x32xf32, #tpu.memory_space<hbm>>) dst(%dma_wait3A_2435 : memref<128x32xf32, #tpu.memory_space<vmem>>)
        %dma_wait3A_2442 = arith.constant 12 : i32
        %dma_wait3A_2443 = arith.constant 1536 : i32
        %dma_wait3A_2444 = arith.constant 0 : i32
        %dma_wait3A_2445 = tpu.memref_slice %arg8[%dma_wait3A_2443, %dma_wait3A_2444] : memref<1664x32xf32, #tpu.memory_space<vmem>> -> memref<128x32xf32, #tpu.memory_space<vmem>>
        %dma_wait3A_2446 = arith.constant 0 : i32
        %dma_wait3A_2447 = tpu.memref_slice %arg6[%dma_wait3A_2442, %dma_wait3A_2446] : memref<13x128xi32, #tpu.memory_space<vmem>> -> memref<1x128xi32, #tpu.memory_space<vmem>>
        %dma_wait3A_2448 = tpu.memref_squeeze %dma_wait3A_2447 : memref<1x128xi32, #tpu.memory_space<vmem>> -> memref<128xi32, #tpu.memory_space<vmem>>
        %dma_wait3A_2449 = arith.constant 0 : i32
        %dma_wait3A_2450 = arith.constant 0 : i32
        %dma_wait3A_2451 = tpu.memref_slice %arg3[%dma_wait3A_2449, %dma_wait3A_2450] : memref<2600000x32xf32, #tpu.memory_space<hbm>> -> memref<2600000x32xf32, #tpu.memory_space<hbm>>
        tpu.wait_indirect_dma semaphore(%arg12 : memref<!tpu.dma_semaphore, #tpu.memory_space<semaphore_mem>>) src(%dma_wait3A_2451 : memref<2600000x32xf32, #tpu.memory_space<hbm>>) dst(%dma_wait3A_2445 : memref<128x32xf32, #tpu.memory_space<vmem>>)
        %sub3A_2452 = arith.constant 1 : i32
        %sub3A_2453 = arith.subi %add3A_620, %sub3A_2452 : i32
        %dma_start3A_2454 = arith.constant 0 : i32
        %dma_start3A_2455 = arith.constant 0 : i32
        %dma_start3A_2456 = tpu.memref_slice %arg4[%sub3A_2453, %dma_start3A_2454, %dma_start3A_2455] : memref<256x1664x32xf32, #tpu.memory_space<hbm>> -> memref<1x1664x32xf32, #tpu.memory_space<hbm>>
        %dma_start3A_2457 = tpu.memref_squeeze %dma_start3A_2456 : memref<1x1664x32xf32, #tpu.memory_space<hbm>> -> memref<1664x32xf32, #tpu.memory_space<hbm>>
        %dma_start3A_2458 = arith.constant 0 : i32
        %dma_start3A_2459 = arith.constant 0 : i32
        %dma_start3A_2460 = tpu.memref_slice %arg4[%sub3A_2453, %dma_start3A_2458, %dma_start3A_2459] : memref<256x1664x32xf32, #tpu.memory_space<hbm>> -> memref<1x1664x32xf32, #tpu.memory_space<hbm>>
        %dma_start3A_2461 = tpu.memref_squeeze %dma_start3A_2460 : memref<1x1664x32xf32, #tpu.memory_space<hbm>> -> memref<1664x32xf32, #tpu.memory_space<hbm>>
        tpu.enqueue_dma source(%arg8 : memref<1664x32xf32, #tpu.memory_space<vmem>>) target(%dma_start3A_2461 : memref<1664x32xf32, #tpu.memory_space<hbm>>) target_semaphore(%arg14 : memref<!tpu.dma_semaphore, #tpu.memory_space<semaphore_mem>>)
        %add3A_2462 = arith.constant 1 : i32
        %add3A_2463 = arith.addi %scan3A_579, %add3A_2462 : i32
        %lt3A_2464 = arith.constant 8 : i32
        %lt3A_2465 = arith.cmpi slt, %add3A_2463, %lt3A_2464 : i32
        %convert_element_type3A_2466 = arith.extui %lt3A_2465 : i1 to i32
        %cond3A_2467 = arith.constant 0 : i32
        %cond3A_2468 = arith.cmpi ne, %convert_element_type3A_2466, %cond3A_2467 : i32
        scf.if %cond3A_2468 {
          %add3A_2469 = arith.constant 1 : i32
          %add3A_2470 = arith.addi %add3A_620, %add3A_2469 : i32
          %dma_start3A_2471 = arith.constant 0 : i32
          %dma_start3A_2472 = arith.constant 0 : i32
          %dma_start3A_2473 = tpu.memref_slice %arg2[%add3A_2470, %dma_start3A_2471, %dma_start3A_2472] : memref<256x13x128xi32, #tpu.memory_space<hbm>> -> memref<1x13x128xi32, #tpu.memory_space<hbm>>
          %dma_start3A_2474 = tpu.memref_squeeze %dma_start3A_2473 : memref<1x13x128xi32, #tpu.memory_space<hbm>> -> memref<13x128xi32, #tpu.memory_space<hbm>>
          %dma_start3A_2475 = arith.constant 0 : i32
          %dma_start3A_2476 = arith.constant 0 : i32
          %dma_start3A_2477 = tpu.memref_slice %arg2[%add3A_2470, %dma_start3A_2475, %dma_start3A_2476] : memref<256x13x128xi32, #tpu.memory_space<hbm>> -> memref<1x13x128xi32, #tpu.memory_space<hbm>>
          %dma_start3A_2478 = tpu.memref_squeeze %dma_start3A_2477 : memref<1x13x128xi32, #tpu.memory_space<hbm>> -> memref<13x128xi32, #tpu.memory_space<hbm>>
          tpu.enqueue_dma source(%dma_start3A_2478 : memref<13x128xi32, #tpu.memory_space<hbm>>) target(%arg6 : memref<13x128xi32, #tpu.memory_space<vmem>>) target_semaphore(%arg10 : memref<!tpu.dma_semaphore, #tpu.memory_space<semaphore_mem>>)
        } else {
        }
      } else {
      }
    }
    %scan3A_422 = arith.constant 8 : i32
    %dma_wait3A = arith.constant 0 : i32
    %dma_wait3A_423 = arith.constant 0 : i32
    %dma_wait3A_424 = arith.constant 0 : i32
    %dma_wait3A_425 = tpu.memref_slice %arg9[%dma_wait3A_423, %dma_wait3A_424] : memref<1664x32xf32, #tpu.memory_space<vmem>> -> memref<128x32xf32, #tpu.memory_space<vmem>>
    %dma_wait3A_426 = arith.constant 0 : i32
    %dma_wait3A_427 = tpu.memref_slice %arg7[%dma_wait3A, %dma_wait3A_426] : memref<13x128xi32, #tpu.memory_space<vmem>> -> memref<1x128xi32, #tpu.memory_space<vmem>>
    %dma_wait3A_428 = tpu.memref_squeeze %dma_wait3A_427 : memref<1x128xi32, #tpu.memory_space<vmem>> -> memref<128xi32, #tpu.memory_space<vmem>>
    %dma_wait3A_429 = arith.constant 0 : i32
    %dma_wait3A_430 = arith.constant 0 : i32
    %dma_wait3A_431 = tpu.memref_slice %arg3[%dma_wait3A_429, %dma_wait3A_430] : memref<2600000x32xf32, #tpu.memory_space<hbm>> -> memref<2600000x32xf32, #tpu.memory_space<hbm>>
    tpu.wait_indirect_dma semaphore(%arg13 : memref<!tpu.dma_semaphore, #tpu.memory_space<semaphore_mem>>) src(%dma_wait3A_431 : memref<2600000x32xf32, #tpu.memory_space<hbm>>) dst(%dma_wait3A_425 : memref<128x32xf32, #tpu.memory_space<vmem>>)
    %dma_wait3A_432 = arith.constant 1 : i32
    %dma_wait3A_433 = arith.constant 128 : i32
    %dma_wait3A_434 = arith.constant 0 : i32
    %dma_wait3A_435 = tpu.memref_slice %arg9[%dma_wait3A_433, %dma_wait3A_434] : memref<1664x32xf32, #tpu.memory_space<vmem>> -> memref<128x32xf32, #tpu.memory_space<vmem>>
    %dma_wait3A_436 = arith.constant 0 : i32
    %dma_wait3A_437 = tpu.memref_slice %arg7[%dma_wait3A_432, %dma_wait3A_436] : memref<13x128xi32, #tpu.memory_space<vmem>> -> memref<1x128xi32, #tpu.memory_space<vmem>>
    %dma_wait3A_438 = tpu.memref_squeeze %dma_wait3A_437 : memref<1x128xi32, #tpu.memory_space<vmem>> -> memref<128xi32, #tpu.memory_space<vmem>>
    %dma_wait3A_439 = arith.constant 0 : i32
    %dma_wait3A_440 = arith.constant 0 : i32
    %dma_wait3A_441 = tpu.memref_slice %arg3[%dma_wait3A_439, %dma_wait3A_440] : memref<2600000x32xf32, #tpu.memory_space<hbm>> -> memref<2600000x32xf32, #tpu.memory_space<hbm>>
    tpu.wait_indirect_dma semaphore(%arg13 : memref<!tpu.dma_semaphore, #tpu.memory_space<semaphore_mem>>) src(%dma_wait3A_441 : memref<2600000x32xf32, #tpu.memory_space<hbm>>) dst(%dma_wait3A_435 : memref<128x32xf32, #tpu.memory_space<vmem>>)
    %dma_wait3A_442 = arith.constant 2 : i32
    %dma_wait3A_443 = arith.constant 256 : i32
    %dma_wait3A_444 = arith.constant 0 : i32
    %dma_wait3A_445 = tpu.memref_slice %arg9[%dma_wait3A_443, %dma_wait3A_444] : memref<1664x32xf32, #tpu.memory_space<vmem>> -> memref<128x32xf32, #tpu.memory_space<vmem>>
    %dma_wait3A_446 = arith.constant 0 : i32
    %dma_wait3A_447 = tpu.memref_slice %arg7[%dma_wait3A_442, %dma_wait3A_446] : memref<13x128xi32, #tpu.memory_space<vmem>> -> memref<1x128xi32, #tpu.memory_space<vmem>>
    %dma_wait3A_448 = tpu.memref_squeeze %dma_wait3A_447 : memref<1x128xi32, #tpu.memory_space<vmem>> -> memref<128xi32, #tpu.memory_space<vmem>>
    %dma_wait3A_449 = arith.constant 0 : i32
    %dma_wait3A_450 = arith.constant 0 : i32
    %dma_wait3A_451 = tpu.memref_slice %arg3[%dma_wait3A_449, %dma_wait3A_450] : memref<2600000x32xf32, #tpu.memory_space<hbm>> -> memref<2600000x32xf32, #tpu.memory_space<hbm>>
    tpu.wait_indirect_dma semaphore(%arg13 : memref<!tpu.dma_semaphore, #tpu.memory_space<semaphore_mem>>) src(%dma_wait3A_451 : memref<2600000x32xf32, #tpu.memory_space<hbm>>) dst(%dma_wait3A_445 : memref<128x32xf32, #tpu.memory_space<vmem>>)
    %dma_wait3A_452 = arith.constant 3 : i32
    %dma_wait3A_453 = arith.constant 384 : i32
    %dma_wait3A_454 = arith.constant 0 : i32
    %dma_wait3A_455 = tpu.memref_slice %arg9[%dma_wait3A_453, %dma_wait3A_454] : memref<1664x32xf32, #tpu.memory_space<vmem>> -> memref<128x32xf32, #tpu.memory_space<vmem>>
    %dma_wait3A_456 = arith.constant 0 : i32
    %dma_wait3A_457 = tpu.memref_slice %arg7[%dma_wait3A_452, %dma_wait3A_456] : memref<13x128xi32, #tpu.memory_space<vmem>> -> memref<1x128xi32, #tpu.memory_space<vmem>>
    %dma_wait3A_458 = tpu.memref_squeeze %dma_wait3A_457 : memref<1x128xi32, #tpu.memory_space<vmem>> -> memref<128xi32, #tpu.memory_space<vmem>>
    %dma_wait3A_459 = arith.constant 0 : i32
    %dma_wait3A_460 = arith.constant 0 : i32
    %dma_wait3A_461 = tpu.memref_slice %arg3[%dma_wait3A_459, %dma_wait3A_460] : memref<2600000x32xf32, #tpu.memory_space<hbm>> -> memref<2600000x32xf32, #tpu.memory_space<hbm>>
    tpu.wait_indirect_dma semaphore(%arg13 : memref<!tpu.dma_semaphore, #tpu.memory_space<semaphore_mem>>) src(%dma_wait3A_461 : memref<2600000x32xf32, #tpu.memory_space<hbm>>) dst(%dma_wait3A_455 : memref<128x32xf32, #tpu.memory_space<vmem>>)
    %dma_wait3A_462 = arith.constant 4 : i32
    %dma_wait3A_463 = arith.constant 512 : i32
    %dma_wait3A_464 = arith.constant 0 : i32
    %dma_wait3A_465 = tpu.memref_slice %arg9[%dma_wait3A_463, %dma_wait3A_464] : memref<1664x32xf32, #tpu.memory_space<vmem>> -> memref<128x32xf32, #tpu.memory_space<vmem>>
    %dma_wait3A_466 = arith.constant 0 : i32
    %dma_wait3A_467 = tpu.memref_slice %arg7[%dma_wait3A_462, %dma_wait3A_466] : memref<13x128xi32, #tpu.memory_space<vmem>> -> memref<1x128xi32, #tpu.memory_space<vmem>>
    %dma_wait3A_468 = tpu.memref_squeeze %dma_wait3A_467 : memref<1x128xi32, #tpu.memory_space<vmem>> -> memref<128xi32, #tpu.memory_space<vmem>>
    %dma_wait3A_469 = arith.constant 0 : i32
    %dma_wait3A_470 = arith.constant 0 : i32
    %dma_wait3A_471 = tpu.memref_slice %arg3[%dma_wait3A_469, %dma_wait3A_470] : memref<2600000x32xf32, #tpu.memory_space<hbm>> -> memref<2600000x32xf32, #tpu.memory_space<hbm>>
    tpu.wait_indirect_dma semaphore(%arg13 : memref<!tpu.dma_semaphore, #tpu.memory_space<semaphore_mem>>) src(%dma_wait3A_471 : memref<2600000x32xf32, #tpu.memory_space<hbm>>) dst(%dma_wait3A_465 : memref<128x32xf32, #tpu.memory_space<vmem>>)
    %dma_wait3A_472 = arith.constant 5 : i32
    %dma_wait3A_473 = arith.constant 640 : i32
    %dma_wait3A_474 = arith.constant 0 : i32
    %dma_wait3A_475 = tpu.memref_slice %arg9[%dma_wait3A_473, %dma_wait3A_474] : memref<1664x32xf32, #tpu.memory_space<vmem>> -> memref<128x32xf32, #tpu.memory_space<vmem>>
    %dma_wait3A_476 = arith.constant 0 : i32
    %dma_wait3A_477 = tpu.memref_slice %arg7[%dma_wait3A_472, %dma_wait3A_476] : memref<13x128xi32, #tpu.memory_space<vmem>> -> memref<1x128xi32, #tpu.memory_space<vmem>>
    %dma_wait3A_478 = tpu.memref_squeeze %dma_wait3A_477 : memref<1x128xi32, #tpu.memory_space<vmem>> -> memref<128xi32, #tpu.memory_space<vmem>>
    %dma_wait3A_479 = arith.constant 0 : i32
    %dma_wait3A_480 = arith.constant 0 : i32
    %dma_wait3A_481 = tpu.memref_slice %arg3[%dma_wait3A_479, %dma_wait3A_480] : memref<2600000x32xf32, #tpu.memory_space<hbm>> -> memref<2600000x32xf32, #tpu.memory_space<hbm>>
    tpu.wait_indirect_dma semaphore(%arg13 : memref<!tpu.dma_semaphore, #tpu.memory_space<semaphore_mem>>) src(%dma_wait3A_481 : memref<2600000x32xf32, #tpu.memory_space<hbm>>) dst(%dma_wait3A_475 : memref<128x32xf32, #tpu.memory_space<vmem>>)
    %dma_wait3A_482 = arith.constant 6 : i32
    %dma_wait3A_483 = arith.constant 768 : i32
    %dma_wait3A_484 = arith.constant 0 : i32
    %dma_wait3A_485 = tpu.memref_slice %arg9[%dma_wait3A_483, %dma_wait3A_484] : memref<1664x32xf32, #tpu.memory_space<vmem>> -> memref<128x32xf32, #tpu.memory_space<vmem>>
    %dma_wait3A_486 = arith.constant 0 : i32
    %dma_wait3A_487 = tpu.memref_slice %arg7[%dma_wait3A_482, %dma_wait3A_486] : memref<13x128xi32, #tpu.memory_space<vmem>> -> memref<1x128xi32, #tpu.memory_space<vmem>>
    %dma_wait3A_488 = tpu.memref_squeeze %dma_wait3A_487 : memref<1x128xi32, #tpu.memory_space<vmem>> -> memref<128xi32, #tpu.memory_space<vmem>>
    %dma_wait3A_489 = arith.constant 0 : i32
    %dma_wait3A_490 = arith.constant 0 : i32
    %dma_wait3A_491 = tpu.memref_slice %arg3[%dma_wait3A_489, %dma_wait3A_490] : memref<2600000x32xf32, #tpu.memory_space<hbm>> -> memref<2600000x32xf32, #tpu.memory_space<hbm>>
    tpu.wait_indirect_dma semaphore(%arg13 : memref<!tpu.dma_semaphore, #tpu.memory_space<semaphore_mem>>) src(%dma_wait3A_491 : memref<2600000x32xf32, #tpu.memory_space<hbm>>) dst(%dma_wait3A_485 : memref<128x32xf32, #tpu.memory_space<vmem>>)
    %dma_wait3A_492 = arith.constant 7 : i32
    %dma_wait3A_493 = arith.constant 896 : i32
    %dma_wait3A_494 = arith.constant 0 : i32
    %dma_wait3A_495 = tpu.memref_slice %arg9[%dma_wait3A_493, %dma_wait3A_494] : memref<1664x32xf32, #tpu.memory_space<vmem>> -> memref<128x32xf32, #tpu.memory_space<vmem>>
    %dma_wait3A_496 = arith.constant 0 : i32
    %dma_wait3A_497 = tpu.memref_slice %arg7[%dma_wait3A_492, %dma_wait3A_496] : memref<13x128xi32, #tpu.memory_space<vmem>> -> memref<1x128xi32, #tpu.memory_space<vmem>>
    %dma_wait3A_498 = tpu.memref_squeeze %dma_wait3A_497 : memref<1x128xi32, #tpu.memory_space<vmem>> -> memref<128xi32, #tpu.memory_space<vmem>>
    %dma_wait3A_499 = arith.constant 0 : i32
    %dma_wait3A_500 = arith.constant 0 : i32
    %dma_wait3A_501 = tpu.memref_slice %arg3[%dma_wait3A_499, %dma_wait3A_500] : memref<2600000x32xf32, #tpu.memory_space<hbm>> -> memref<2600000x32xf32, #tpu.memory_space<hbm>>
    tpu.wait_indirect_dma semaphore(%arg13 : memref<!tpu.dma_semaphore, #tpu.memory_space<semaphore_mem>>) src(%dma_wait3A_501 : memref<2600000x32xf32, #tpu.memory_space<hbm>>) dst(%dma_wait3A_495 : memref<128x32xf32, #tpu.memory_space<vmem>>)
    %dma_wait3A_502 = arith.constant 8 : i32
    %dma_wait3A_503 = arith.constant 1024 : i32
    %dma_wait3A_504 = arith.constant 0 : i32
    %dma_wait3A_505 = tpu.memref_slice %arg9[%dma_wait3A_503, %dma_wait3A_504] : memref<1664x32xf32, #tpu.memory_space<vmem>> -> memref<128x32xf32, #tpu.memory_space<vmem>>
    %dma_wait3A_506 = arith.constant 0 : i32
    %dma_wait3A_507 = tpu.memref_slice %arg7[%dma_wait3A_502, %dma_wait3A_506] : memref<13x128xi32, #tpu.memory_space<vmem>> -> memref<1x128xi32, #tpu.memory_space<vmem>>
    %dma_wait3A_508 = tpu.memref_squeeze %dma_wait3A_507 : memref<1x128xi32, #tpu.memory_space<vmem>> -> memref<128xi32, #tpu.memory_space<vmem>>
    %dma_wait3A_509 = arith.constant 0 : i32
    %dma_wait3A_510 = arith.constant 0 : i32
    %dma_wait3A_511 = tpu.memref_slice %arg3[%dma_wait3A_509, %dma_wait3A_510] : memref<2600000x32xf32, #tpu.memory_space<hbm>> -> memref<2600000x32xf32, #tpu.memory_space<hbm>>
    tpu.wait_indirect_dma semaphore(%arg13 : memref<!tpu.dma_semaphore, #tpu.memory_space<semaphore_mem>>) src(%dma_wait3A_511 : memref<2600000x32xf32, #tpu.memory_space<hbm>>) dst(%dma_wait3A_505 : memref<128x32xf32, #tpu.memory_space<vmem>>)
    %dma_wait3A_512 = arith.constant 9 : i32
    %dma_wait3A_513 = arith.constant 1152 : i32
    %dma_wait3A_514 = arith.constant 0 : i32
    %dma_wait3A_515 = tpu.memref_slice %arg9[%dma_wait3A_513, %dma_wait3A_514] : memref<1664x32xf32, #tpu.memory_space<vmem>> -> memref<128x32xf32, #tpu.memory_space<vmem>>
    %dma_wait3A_516 = arith.constant 0 : i32
    %dma_wait3A_517 = tpu.memref_slice %arg7[%dma_wait3A_512, %dma_wait3A_516] : memref<13x128xi32, #tpu.memory_space<vmem>> -> memref<1x128xi32, #tpu.memory_space<vmem>>
    %dma_wait3A_518 = tpu.memref_squeeze %dma_wait3A_517 : memref<1x128xi32, #tpu.memory_space<vmem>> -> memref<128xi32, #tpu.memory_space<vmem>>
    %dma_wait3A_519 = arith.constant 0 : i32
    %dma_wait3A_520 = arith.constant 0 : i32
    %dma_wait3A_521 = tpu.memref_slice %arg3[%dma_wait3A_519, %dma_wait3A_520] : memref<2600000x32xf32, #tpu.memory_space<hbm>> -> memref<2600000x32xf32, #tpu.memory_space<hbm>>
    tpu.wait_indirect_dma semaphore(%arg13 : memref<!tpu.dma_semaphore, #tpu.memory_space<semaphore_mem>>) src(%dma_wait3A_521 : memref<2600000x32xf32, #tpu.memory_space<hbm>>) dst(%dma_wait3A_515 : memref<128x32xf32, #tpu.memory_space<vmem>>)
    %dma_wait3A_522 = arith.constant 10 : i32
    %dma_wait3A_523 = arith.constant 1280 : i32
    %dma_wait3A_524 = arith.constant 0 : i32
    %dma_wait3A_525 = tpu.memref_slice %arg9[%dma_wait3A_523, %dma_wait3A_524] : memref<1664x32xf32, #tpu.memory_space<vmem>> -> memref<128x32xf32, #tpu.memory_space<vmem>>
    %dma_wait3A_526 = arith.constant 0 : i32
    %dma_wait3A_527 = tpu.memref_slice %arg7[%dma_wait3A_522, %dma_wait3A_526] : memref<13x128xi32, #tpu.memory_space<vmem>> -> memref<1x128xi32, #tpu.memory_space<vmem>>
    %dma_wait3A_528 = tpu.memref_squeeze %dma_wait3A_527 : memref<1x128xi32, #tpu.memory_space<vmem>> -> memref<128xi32, #tpu.memory_space<vmem>>
    %dma_wait3A_529 = arith.constant 0 : i32
    %dma_wait3A_530 = arith.constant 0 : i32
    %dma_wait3A_531 = tpu.memref_slice %arg3[%dma_wait3A_529, %dma_wait3A_530] : memref<2600000x32xf32, #tpu.memory_space<hbm>> -> memref<2600000x32xf32, #tpu.memory_space<hbm>>
    tpu.wait_indirect_dma semaphore(%arg13 : memref<!tpu.dma_semaphore, #tpu.memory_space<semaphore_mem>>) src(%dma_wait3A_531 : memref<2600000x32xf32, #tpu.memory_space<hbm>>) dst(%dma_wait3A_525 : memref<128x32xf32, #tpu.memory_space<vmem>>)
    %dma_wait3A_532 = arith.constant 11 : i32
    %dma_wait3A_533 = arith.constant 1408 : i32
    %dma_wait3A_534 = arith.constant 0 : i32
    %dma_wait3A_535 = tpu.memref_slice %arg9[%dma_wait3A_533, %dma_wait3A_534] : memref<1664x32xf32, #tpu.memory_space<vmem>> -> memref<128x32xf32, #tpu.memory_space<vmem>>
    %dma_wait3A_536 = arith.constant 0 : i32
    %dma_wait3A_537 = tpu.memref_slice %arg7[%dma_wait3A_532, %dma_wait3A_536] : memref<13x128xi32, #tpu.memory_space<vmem>> -> memref<1x128xi32, #tpu.memory_space<vmem>>
    %dma_wait3A_538 = tpu.memref_squeeze %dma_wait3A_537 : memref<1x128xi32, #tpu.memory_space<vmem>> -> memref<128xi32, #tpu.memory_space<vmem>>
    %dma_wait3A_539 = arith.constant 0 : i32
    %dma_wait3A_540 = arith.constant 0 : i32
    %dma_wait3A_541 = tpu.memref_slice %arg3[%dma_wait3A_539, %dma_wait3A_540] : memref<2600000x32xf32, #tpu.memory_space<hbm>> -> memref<2600000x32xf32, #tpu.memory_space<hbm>>
    tpu.wait_indirect_dma semaphore(%arg13 : memref<!tpu.dma_semaphore, #tpu.memory_space<semaphore_mem>>) src(%dma_wait3A_541 : memref<2600000x32xf32, #tpu.memory_space<hbm>>) dst(%dma_wait3A_535 : memref<128x32xf32, #tpu.memory_space<vmem>>)
    %dma_wait3A_542 = arith.constant 12 : i32
    %dma_wait3A_543 = arith.constant 1536 : i32
    %dma_wait3A_544 = arith.constant 0 : i32
    %dma_wait3A_545 = tpu.memref_slice %arg9[%dma_wait3A_543, %dma_wait3A_544] : memref<1664x32xf32, #tpu.memory_space<vmem>> -> memref<128x32xf32, #tpu.memory_space<vmem>>
    %dma_wait3A_546 = arith.constant 0 : i32
    %dma_wait3A_547 = tpu.memref_slice %arg7[%dma_wait3A_542, %dma_wait3A_546] : memref<13x128xi32, #tpu.memory_space<vmem>> -> memref<1x128xi32, #tpu.memory_space<vmem>>
    %dma_wait3A_548 = tpu.memref_squeeze %dma_wait3A_547 : memref<1x128xi32, #tpu.memory_space<vmem>> -> memref<128xi32, #tpu.memory_space<vmem>>
    %dma_wait3A_549 = arith.constant 0 : i32
    %dma_wait3A_550 = arith.constant 0 : i32
    %dma_wait3A_551 = tpu.memref_slice %arg3[%dma_wait3A_549, %dma_wait3A_550] : memref<2600000x32xf32, #tpu.memory_space<hbm>> -> memref<2600000x32xf32, #tpu.memory_space<hbm>>
    tpu.wait_indirect_dma semaphore(%arg13 : memref<!tpu.dma_semaphore, #tpu.memory_space<semaphore_mem>>) src(%dma_wait3A_551 : memref<2600000x32xf32, #tpu.memory_space<hbm>>) dst(%dma_wait3A_545 : memref<128x32xf32, #tpu.memory_space<vmem>>)
    %add3A_552 = arith.constant 8 : i32
    %add3A_553 = arith.addi %mul3A_2, %add3A_552 : i32
    %sub3A = arith.constant 1 : i32
    %sub3A_554 = arith.subi %add3A_553, %sub3A : i32
    %dma_start3A_555 = arith.constant 0 : i32
    %dma_start3A_556 = arith.constant 0 : i32
    %dma_start3A_557 = tpu.memref_slice %arg4[%sub3A_554, %dma_start3A_555, %dma_start3A_556] : memref<256x1664x32xf32, #tpu.memory_space<hbm>> -> memref<1x1664x32xf32, #tpu.memory_space<hbm>>
    %dma_start3A_558 = tpu.memref_squeeze %dma_start3A_557 : memref<1x1664x32xf32, #tpu.memory_space<hbm>> -> memref<1664x32xf32, #tpu.memory_space<hbm>>
    %dma_start3A_559 = arith.constant 0 : i32
    %dma_start3A_560 = arith.constant 0 : i32
    %dma_start3A_561 = tpu.memref_slice %arg4[%sub3A_554, %dma_start3A_559, %dma_start3A_560] : memref<256x1664x32xf32, #tpu.memory_space<hbm>> -> memref<1x1664x32xf32, #tpu.memory_space<hbm>>
    %dma_start3A_562 = tpu.memref_squeeze %dma_start3A_561 : memref<1x1664x32xf32, #tpu.memory_space<hbm>> -> memref<1664x32xf32, #tpu.memory_space<hbm>>
    tpu.enqueue_dma source(%arg9 : memref<1664x32xf32, #tpu.memory_space<vmem>>) target(%dma_start3A_562 : memref<1664x32xf32, #tpu.memory_space<hbm>>) target_semaphore(%arg15 : memref<!tpu.dma_semaphore, #tpu.memory_space<semaphore_mem>>)
    %dma_wait3A_563 = arith.constant 0 : i32
    %dma_wait3A_564 = arith.constant 0 : i32
    %dma_wait3A_565 = tpu.memref_slice %arg4[%mul3A_2, %dma_wait3A_563, %dma_wait3A_564] : memref<256x1664x32xf32, #tpu.memory_space<hbm>> -> memref<1x1664x32xf32, #tpu.memory_space<hbm>>
    %dma_wait3A_566 = tpu.memref_squeeze %dma_wait3A_565 : memref<1x1664x32xf32, #tpu.memory_space<hbm>> -> memref<1664x32xf32, #tpu.memory_space<hbm>>
    %dma_wait3A_567 = arith.constant 0 : i32
    %dma_wait3A_568 = arith.constant 0 : i32
    %dma_wait3A_569 = tpu.memref_slice %arg4[%mul3A_2, %dma_wait3A_567, %dma_wait3A_568] : memref<256x1664x32xf32, #tpu.memory_space<hbm>> -> memref<1x1664x32xf32, #tpu.memory_space<hbm>>
    %dma_wait3A_570 = tpu.memref_squeeze %dma_wait3A_569 : memref<1x1664x32xf32, #tpu.memory_space<hbm>> -> memref<1664x32xf32, #tpu.memory_space<hbm>>
    tpu.wait_dma2 semaphore(%arg14 : memref<!tpu.dma_semaphore, #tpu.memory_space<semaphore_mem>>) src(%dma_wait3A_570 : memref<1664x32xf32, #tpu.memory_space<hbm>>) dst(%arg8 : memref<1664x32xf32, #tpu.memory_space<vmem>>)
    %dma_wait3A_571 = arith.constant 0 : i32
    %dma_wait3A_572 = arith.constant 0 : i32
    %dma_wait3A_573 = tpu.memref_slice %arg4[%mul3A_2, %dma_wait3A_571, %dma_wait3A_572] : memref<256x1664x32xf32, #tpu.memory_space<hbm>> -> memref<1x1664x32xf32, #tpu.memory_space<hbm>>
    %dma_wait3A_574 = tpu.memref_squeeze %dma_wait3A_573 : memref<1x1664x32xf32, #tpu.memory_space<hbm>> -> memref<1664x32xf32, #tpu.memory_space<hbm>>
    %dma_wait3A_575 = arith.constant 0 : i32
    %dma_wait3A_576 = arith.constant 0 : i32
    %dma_wait3A_577 = tpu.memref_slice %arg4[%mul3A_2, %dma_wait3A_575, %dma_wait3A_576] : memref<256x1664x32xf32, #tpu.memory_space<hbm>> -> memref<1x1664x32xf32, #tpu.memory_space<hbm>>
    %dma_wait3A_578 = tpu.memref_squeeze %dma_wait3A_577 : memref<1x1664x32xf32, #tpu.memory_space<hbm>> -> memref<1664x32xf32, #tpu.memory_space<hbm>>
    tpu.wait_dma2 semaphore(%arg15 : memref<!tpu.dma_semaphore, #tpu.memory_space<semaphore_mem>>) src(%dma_wait3A_578 : memref<1664x32xf32, #tpu.memory_space<hbm>>) dst(%arg9 : memref<1664x32xf32, #tpu.memory_space<vmem>>)
    return
  }
}

</mosaic_0001>

<sc_bundles>
// kernel: kernel.3.cloned.1.call-start
scs
__scs_entry_jumppad:
0x0: {  	(pc) =	sbr.rel $0x88, $3  }
0x1: {  	(tag) =	ssettag $0x0;
	lr =	simm.s32 $0x1  }
0x2: {  	[smem:$0x3F9F] =	sst lr;
	_ =	strace $0xD0000000  }
0x3: {  	_ = 	snop  }
0x4: {  	_ = 	snop  }
0x5: {  	_ = 	snop  }
0x6: {  	_ = 	snop  }
0x7: {  	_ = 	snop  }
__scs_overlays_trampoline_lowered:
0x8: {  	[smem:$0x3FAE] =	sst s0  }
0x9: {  	[smem:$0x3FAF] =	sst s1  }
0xa: {  	[smem:$0x3FB0] =	sst s2  }
0xb: {  	[smem:$0x3FB1] =	sst s3  }
0xc: {  	[smem:$0x3FB2] =	sst s4  }
0xd: {  	[smem:$0x3FB3] =	sst s5  }
0xe: {  	[smem:$0x3FB4] =	sst s6  }
0xf: {  	[smem:$0x3FB5] =	sst s7  }
0x10: {  	[smem:$0x3FB6] =	sst s8  }
0x11: {  	[smem:$0x3FB7] =	sst s9;
	s0 =	simm.s32 @!p0 $0x0  }
0x12: {  	s1 =	sld [smem:$0x3F9D];
	s0 =	simm.s32 @p0 $0x1  }
0x13: {  	[smem:$0x3FB8] =	sst s0;
	s0 =	simm.s32 @!p1 $0x0  }
0x14: {  	s2 =	sld [smem:$0x3F9C];
	s0 =	simm.s32 @p1 $0x1  }
0x15: {  	[smem:$0x3FB9] =	sst s0;
	s0 =	simm.s32 @!p2 $0x0  }
0x16: {  	s3 =	sld [smem:$0x3FDB];
	s0 =	simm.s32 @p2 $0x1  }
0x17: {  	s4 =	simm.s32 $0x1BF5;
	[smem:$0x3FBB] =	sst s0  }
0x18: {  	s0 =	sld [smem:$0x3F9E];
	_ =	swait.ge [sflag:s4], $0x0  }
0x19: {  	s7 =	sld [smem:$0x3F9F]  }
0x1a: {  	s8 =	sadd.s32 $0xFFFFE003, lr  }
0x1b: {  	s9 =	sadd.s32 $0xFFFFFEF7, lr;
	s5 =	simm.s32 $0xFFFFFFFF;
	p2 =	slt.u32 s8, $0xFFFFF086  }
0x1c: {  	p1 =	slt.u32 s9, $0xF7A;
	s5 =	simm.s32 @!p2 $0x0  }
0x1d: {  	s5 =	simm.s32 @p1 $0x1;
	p0 =	seq.s32 s7, s2  }
0x1e: {  	s7 =	smul.u32 @!p0 $0xF7A, s2;
	p2 =	seq.s32 @!p0 s5, $0x0  }
0x1f: {  	s9 =	smul.u32 $0xF7A, s1;
	s8 =	simm.s32 @!p0 $0x1BF5;
	p2 =	por !p2, p0  }
0x20: {  	[sflag:s8] =	ssyncset.s32 @!p0 $0xFFFFF086;
	s6 =	sadd.s32 @!p0 s3, s7;
	s7 =	simm.s32 @!p0 $0x108  }
0x21: {  	s3 =	sadd.s32 s3, s9;
	s6 =	sadd.s32 @!p0 $0x88, s6;
	s7 =	simm.s32 @p2 $0x1082  }
0x22: {  	[simem:s7], [sflag:s8] =	dma.local @!p0 [hbm:s6], $0xF7A  }
0x23: {  	s9 =	sor.u32 $0xD0000000, s2;
	s6 =	simm.s32 $0x108;
	_ =	swait.ge @!p0 [sflag:s8], $0x0  }
0x24: {  	s3 =	sadd.s32 $0x88, s3;
	s6 =	simm.s32 @!p1 $0x1082;
	[sflag:s4] =	ssyncset.s32 $0xFFFFF086  }
0x25: {  	[simem:s6], [sflag:s4] =	dma.local [hbm:s3], $0xF7A  }
0x26: {  	[smem:$0x3F9F] =	sst s1;
	(tag) =	ssettag s2;
	_ =	strace s9  }
0x27: {  	s1 =	sld [smem:$0x3FAF]  }
0x28: {  	s2 =	sld [smem:$0x3FB0]  }
0x29: {  	s4 =	sld [smem:$0x3FB2]  }
0x2a: {  	p0 =	seq.s32 s5, $0x0;
	s5 =	sld [smem:$0x3FB3]  }
0x2b: {  	s6 =	sld [smem:$0x3FB4]  }
0x2c: {  	s7 =	sld [smem:$0x3FB5]  }
0x2d: {  	s3 =	simm.s32 $0x108;
	s8 =	sld [smem:$0x3FB6]  }
0x2e: {  	s3 =	simm.s32 @!p0 $0x1082;
	s9 =	sld [smem:$0x3FB7]  }
0x2f: {  	lr =	sadd.s32 s0, s3;
	s0 =	sld [smem:$0x3FAE]  }
0x30: {  	s3 =	sld [smem:$0x3FB1]  }
0x31: {  	[smem:$0x3FBA] =	sst s10  }
0x32: {  	s10 =	sld [smem:$0x3FB8];
	_ =	sdelay $0x3  }
0x33: {  	p0 =	seq.s32 s10, $0x1;
	s10 =	sld [smem:$0x3FBA];
	_ =	sdelay $0x3  }
0x34: {  	[smem:$0x3FBA] =	sst s10  }
0x35: {  	s10 =	sld [smem:$0x3FB9];
	_ =	sdelay $0x3  }
0x36: {  	p1 =	seq.s32 s10, $0x1;
	s10 =	sld [smem:$0x3FBA];
	_ =	sdelay $0x3  }
0x37: {  	[smem:$0x3FBA] =	sst s10  }
0x38: {  	s10 =	sld [smem:$0x3FBB]  }
0x39: {  	_ = 	snop;
	(pc) =	sbr.ind lr, $3  }
0x3a: {  	_ = 	snop  }
0x3b: {  	_ = 	snop  }
0x3c: {  	p2 =	seq.s32 s10, $0x1;
	s10 =	sld [smem:$0x3FBA]  }
0x3d: {  	_ =	shalt  }
0x3e: {  	_ =	shalt  }
0x3f: {  	_ =	shalt  }
0x40: {  	_ =	shalt  }
0x41: {  	_ =	shalt  }
0x42: {  	_ =	shalt  }
0x43: {  	_ =	shalt  }
0x44: {  	_ =	shalt  }
0x45: {  	_ =	shalt  }
0x46: {  	_ =	shalt  }
0x47: {  	_ =	shalt  }
0x48: {  	_ =	shalt  }
0x49: {  	_ =	shalt  }
0x4a: {  	_ =	shalt  }
0x4b: {  	_ =	shalt  }
0x4c: {  	_ =	shalt  }
0x4d: {  	_ =	shalt  }
0x4e: {  	_ =	shalt  }
0x4f: {  	_ =	shalt  }
0x50: {  	_ =	shalt  }
0x51: {  	_ =	shalt  }
0x52: {  	_ =	shalt  }
0x53: {  	_ =	shalt  }
0x54: {  	_ =	shalt  }
0x55: {  	_ =	shalt  }
0x56: {  	_ =	shalt  }
0x57: {  	_ =	shalt  }
0x58: {  	_ =	shalt  }
0x59: {  	_ =	shalt  }
0x5a: {  	_ =	shalt  }
0x5b: {  	_ =	shalt  }
0x5c: {  	_ =	shalt  }
0x5d: {  	_ =	shalt  }
0x5e: {  	_ =	shalt  }
0x5f: {  	_ =	shalt  }
0x60: {  	_ =	shalt  }
0x61: {  	_ =	shalt  }
0x62: {  	_ =	shalt  }
0x63: {  	_ =	shalt  }
0x64: {  	_ =	shalt  }
0x65: {  	_ =	shalt  }
0x66: {  	_ =	shalt  }
0x67: {  	_ =	shalt  }
0x68: {  	_ =	shalt  }
0x69: {  	_ =	shalt  }
0x6a: {  	_ =	shalt  }
0x6b: {  	_ =	shalt  }
0x6c: {  	_ =	shalt  }
0x6d: {  	_ =	shalt  }
0x6e: {  	_ =	shalt  }
0x6f: {  	_ =	shalt  }
0x70: {  	_ =	shalt  }
0x71: {  	_ =	shalt  }
0x72: {  	_ =	shalt  }
0x73: {  	_ =	shalt  }
0x74: {  	_ =	shalt  }
0x75: {  	_ =	shalt  }
0x76: {  	_ =	shalt  }
0x77: {  	_ =	shalt  }
0x78: {  	_ =	shalt  }
0x79: {  	_ =	shalt  }
0x7a: {  	_ =	shalt  }
0x7b: {  	_ =	shalt  }
0x7c: {  	_ =	shalt  }
0x7d: {  	_ =	shalt  }
0x7e: {  	_ =	shalt  }
0x7f: {  	_ =	shalt  }
0x80: {  	_ =	shalt  }
0x81: {  	_ =	shalt  }
0x82: {  	_ =	shalt  }
0x83: {  	_ =	shalt  }
0x84: {  	_ =	shalt  }
0x85: {  	_ =	shalt  }
0x86: {  	_ =	shalt  }
0x87: {  	_ =	shalt  }
.Lfunc_end0:
.L_simem_size_0:
called_computation.1_lowered:
.L_overlay_start_0:
0x88: {  	s2 =	sld [smem:$0x3FD9]  }
0x89: {  	s3 =	sld [smem:$0x3FFE];
	_ =	sdelay $0x1  }
0x8a: {  	s1 =	srdreg.scid  }
0x8b: {  	s0 =	sand.u32 $0x1, s1  }
0x8c: {  	s17 =	sshll.u32 s0, $0xA;
	s2 =	sadd.s32 s3, s2  }
0x8d: {  	s2 =	sadd.s32 s2, s17  }
0x8e: {  	[smem:$0x3FC6] =	sst s2  }
0x8f: {  	_ = 	snop  }
0x90: {  	s2 =	sld [smem:$0x3FD0];
	(tm) =	ssettm $0x1  }
0x91: {  	s18 =	sld [smem:$0x3FFB];
	_ =	sdelay $0x3  }
0x92: {  	_ =	strace s18  }
0x93: {  	s3 =	sld [smem:$0x3FFC];
	_ =	sdelay $0x3  }
0x94: {  	_ =	strace s3  }
0x95: {  	s3 =	sld [smem:$0x3FFD];
	_ =	sdelay $0x3  }
0x96: {  	_ =	strace s3  }
0x97: {  	_ =	strace $0x8FFFFFFF  }
0x98: {  	s19 =	sld [smem:$0x3FDB];
	_ =	sdelay $0x1  }
0x99: {  	s4 =	simm.s32 $_scs_section_size  }
0x9a: {  	s5 =	simm.s32 $_size__tile_overlayer_lowered;
	s6 =	simm.s32 $_tile_overlayer_lowered  }
0x9b: {  	s22 =	simm.s32 $0x1BFF;
	s21 =	sshll.u32 s6, $0x1;
	s3 =	sadd.s32 s4, s19  }
0x9c: {  	s7 =	simm.s32 $0x0;
	s20 =	sshll.u32 s5, $0x1;
	s5 =	sadd.s32 s21, s3  }
0x9d: {  	[timem:s7], [sflag:s22] =	dma.local [hbm:s5], s20  }
0x9e: {  	_ =	swait.ge [sflag:s22], s20  }
0x9f: {  	s4 =	ssub.s32 $0x0, s20;
	[sflag:s22] =	ssyncset.done $0x0  }
0xa0: {  	[sflag:s22] =	ssyncadd.s32 s4;
	_ =	sdelay $0x1  }
0xa1: {  	s23 =	simm.s32 $0x1B8B  }
0xa2: {  	_ =	swait.ge [sflag:s23], $0x1  }
0xa3: {  	[sflag:s23] =	ssyncset.done $0x0  }
0xa4: {  	s25 =	simm.s32 $0x1B8E;
	s24 =	sld [smem:$0x3FFE];
	[sflag:s23] =	ssyncadd.s32 $0xFFFFFFFF  }
0xa5: {  	s26 =	simm.s32 $execute0_lowered;
	[smem:$0x3FD2] =	sst s25  }
0xa6: {  	s5 =	sshll.u32 s26, $0x1;
	_ =	strace $0x80000046;
	[dreg:$0x1] =	wrdreg $0xFFFFFFFF  }
0xa7: {  	s28 =	simm.s32 $_size_execute0_lowered;
	s3 =	sadd.s32 s3, s5;
	[dreg:$0x0] =	wrdreg $0x0  }
0xa8: {  	s5 =	sshll.u32 s28, $0x1;
	[dreg:$0x2] =	wrdreg s3  }
0xa9: {  	[dreg:$0x3] =	wrdreg s5  }
0xaa: {  	[dreg:$0x4] =	wrdreg $0xC0  }
0xab: {  	_ =	task [dreg:s7], $0x5FFFF  }
0xac: {  	[dreg:$0x1] =	wrdreg $0xFFFFFFFF  }
0xad: {  	[dreg:$0x0] =	wrdreg $0x60  }
0xae: {  	[dreg:$0x2] =	wrdreg s24  }
0xaf: {  	[dreg:$0x3] =	wrdreg s2  }
0xb0: {  	[dreg:$0x4] =	wrdreg $0x9  }
0xb1: {  	_ =	task.clear_ibuf [dreg:s7], $0x5FFFF;
	_ =	strace $0x90000046  }
0xb2: {  	s29 =	simm.s32 $0x9;
	_ =	strace $0x80000048  }
0xb3: {  	_ =	swait.ge [sflag:s29], $0x1  }
0xb4: {  	[sflag:s29] =	ssyncadd.s32 $0xFFFFFFFF  }
0xb5: {  	_ =	strace $0x90000048  }
0xb6: {  	_ =	sfence  }
0xb7: {  	s30 =	sld [smem:$0x0];
	_ =	sdelay $0x2  }
0xb8: {  	s31 =	sshll.u32 s1, $0xD;
	s1 =	sshrl.u32 s1, $0x2  }
0xb9: {  	s3 =	sand.u32 $0x4000, s31;
	s1 =	sadd.s32 s1, s30  }
0xba: {  	s0 =	sor.u32 s3, s0;
	s1 =	sshll.u32 s1, $0x11  }
0xbb: {  	s0 =	sor.u32 s1, s0  }
0xbc: {  	s0 =	sadd.s32 $0x8F2B, s0  }
0xbd: {  	[sflag:s0] =	ssyncadd.remote.s32 $0x1  }
0xbe: {  	_ =	sfence.sel $0xFFFF  }
0xbf: {  	[dreg:$0x0] =	wrdreg $0xFFFFFFFF;
	(pc) =	sbr.abs _section_cstart, $3  }
0xc0: {  	[dreg:$0x1] =	wrdreg $0xFFFFFFFF  }
0xc1: {  	_ =	task.clear_ibuf [dreg:s7], $0x2FFFF;
	_ =	strace $0x9FFFFFFF  }
0xc2: {  	(tm) =	ssettm $0x7FFFFFFF  }
0xc3: {  	_ =	shalt  }
tec
execute0_lowered:
.L_overlay_start_1:
0x0: {  	(tag) =	ssettag $0x1  }
0x1: {  	vm14 =	vcmask $0x300;
	v0 =	vimm.s32 $0x7A120  }
0x2: {  	vm13 =	vcmask $0x704;
	vm12 =	vcmask $0xB08;
	vm11 =	vcmask $0xF0C  }
0x3: {  	vm10 =	vcmask $0x1310;
	vm9 =	vcmask $0x1714;
	vm8 =	vcmask $0x1B18  }
0x4: {  	vm7 =	vcmask $0x1F1C;
	vm6 =	vcmask $0x2320;
	vm4 =	vcmask $0x2724  }
0x5: {  	v1 =	vlaneseq.u32;
	vm3 =	vcmask $0x2B28;
	v48 =	vimm.s32 $0x10C8E0  }
0x6: {  	vm0 =	vcmask $0x2F2C;
	v2 =	vimm.s32 $0x186A0;
	vm1 =	vcmask $0x3330  }
0x7: {  	vm2 =	vcmask $0x3734;
	vm5 =	vcmask $0x3B38;
	v52 =	vimm.s32 $0x13D620  }
0x8: {  	v3 =	vimm.s32 $0xAAE60;
	v4 =	vimm.s32 $0x493E0;
	v5 =	vimm.s32 $0xDBBA0  }
0x9: {  	v0 =	vsel vm14, $0x186A00, v0;
	v6 =	vmul.u32 $0x186A0, v1;
	v1 =	vsel vm14, $0x2191C0, v48  }
0xa: {  	v2 =	vsel vm14, $0x124F80, v2;
	v3 =	vsel vm14, $0x1B7740, v3;
	v4 =	vsel vm14, $0x155CC0, v4  }
0xb: {  	v5 =	vsel vm14, $0x1E8480, v5;
	v0 =	vsel vm13, $0x19F0A0, v0;
	v1 =	vsel vm13, $0x231860, v1  }
0xc: {  	v2 =	vsel vm13, $0x13D620, v2;
	v3 =	vsel vm13, $0x1CFDE0, v3;
	v4 =	vsel vm13, $0x16E360, v4  }
0xd: {  	v5 =	vsel vm13, $0x200B20, v5;
	v0 =	vsel vm12, $0x1B7740, v0;
	v1 =	vsel vm12, $0x249F00, v1  }
0xe: {  	v2 =	vsel vm12, $0x155CC0, v2;
	v51 =	vadd.s32 $0x927C0, v6;
	v3 =	vsel vm12, $0x1E8480, v3  }
0xf: {  	v4 =	vsel vm12, $0x186A00, v4;
	v5 =	vsel vm12, $0x2191C0, v5;
	v58 =	vadd.s32 $0x30D40, v6  }
0x10: {  	v60 =	vadd.s32 $0xC3500, v6;
	v62 =	vadd.s32 $0x61A80, v6;
	v63 =	vadd.s32 $0xF4240, v6  }
0x11: {  	v0 =	vsel vm11, $0x1CFDE0, v0;
	v1 =	vsel vm11, $0x2625A0, v1;
	v2 =	vsel vm11, $0x16E360, v2  }
0x12: {  	v3 =	vsel vm11, $0x200B20, v3;
	v4 =	vsel vm11, $0x19F0A0, v4;
	v54 =	vsel vm11, $0x231860, v5  }
0x13: {  	v0 =	vsel vm10, $0x1E8480, v0;
	v1 =	vsel vm10, $0x0, v1;
	v2 =	vsel vm10, $0x186A00, v2  }
0x14: {  	v3 =	vsel vm10, $0x2191C0, v3;
	v4 =	vsel vm10, $0x1B7740, v4;
	v0 =	vsel vm9, $0x200B20, v0  }
0x15: {  	v1 =	vsel vm9, $0x186A0, v1;
	v2 =	vsel vm9, $0x19F0A0, v2;
	v3 =	vsel vm9, $0x231860, v3  }
0x16: {  	v4 =	vsel vm9, $0x1CFDE0, v4;
	v0 =	vsel vm8, $0x2191C0, v0;
	v1 =	vsel vm8, $0x30D40, v1  }
0x17: {  	v50 =	vsel vm8, $0x1B7740, v2;
	v2 =	vsel vm14, $0x249F00, v52;
	v4 =	vsel vm8, $0x1E8480, v4  }
0x18: {  	v3 =	vsel vm8, $0x249F00, v3;
	v0 =	vsel vm7, $0x231860, v0;
	v49 =	vsel vm7, $0x493E0, v1  }
0x19: {  	v1 =	vsel vm7, $0x1CFDE0, v50;
	v2 =	vsel vm13, $0x2625A0, v2;
	v4 =	vsel vm7, $0x200B20, v4  }
0x1a: {  	v3 =	vsel vm7, $0x2625A0, v3;
	v0 =	vsel vm6, $0x249F00, v0;
	v1 =	vsel vm6, $0x1E8480, v1  }
0x1b: {  	v2 =	vsel vm12, $0x0, v2;
	v53 =	vsel vm6, $0x2191C0, v4;
	v4 =	vsel vm10, $0x249F00, v54  }
0x1c: {  	s0 =	rddreg [dreg:$0x0];
	v3 =	vsel vm6, $0x0, v3;
	v0 =	vsel vm4, $0x2625A0, v0;
	v2 =	vsel vm11, $0x186A0, v2  }
0x1d: {  	s1 =	rddreg [dreg:$0x1];
	s2 =	simm.s32 $0x0;
	v1 =	vsel vm4, $0x200B20, v1;
	v0 =	vsel vm3, $0x0, v0;
	v2 =	vsel vm10, $0x30D40, v2  }
0x1e: {  	s3 =	srdreg.scid;
	s9 =	stileid.u32;
	s13 =	simm.s32 $0xDDD0;
	v4 =	vsel vm9, $0x2625A0, v4;
	v0 =	vsel vm0, $0x186A0, v0;
	v2 =	vsel vm9, $0x493E0, v2  }
0x1f: {  	s14 =	simm.s32 $0x17DD0;
	s15 =	simm.s32 $0xCD0;
	s18 =	simm.s32 $0x18DD0;
	v3 =	vsel vm4, $0x186A0, v3;
	v0 =	vsel vm1, $0x30D40, v0;
	v2 =	vsel vm8, $0x61A80, v2  }
0x20: {  	s12 =	simm.s32 $0x4;
	s19 =	simm.s32 $0xD50;
	s20 =	simm.s32 $0x19DD0;
	v1 =	vsel vm3, $0x2191C0, v1;
	v0 =	vsel vm2, $0x493E0, v0;
	v2 =	vsel vm7, $0x7A120, v2  }
0x21: {  	s16 =	simm.s32 $0x2;
	s22 =	simm.s32 $0xDD0;
	[smem:$0x7FF] =	sst s2;
	v1 =	vsel vm0, $0x231860, v1;
	v0 =	vsel vm5, $0x61A80, v0;
	v2 =	vsel vm6, $0x927C0, v2  }
0x22: {  	s17 =	simm.s32 $0x80;
	s21 =	simm.s32 $0x3;
	s7 =	smul.u32 $0xD0000, s9;
	v1 =	vsel vm1, $0x249F00, v1;
	[tilespmem:$0x1FF30] =	vst v0;
	v0 =	vsel vm6, $0x61A80, v49;
	v2 =	vsel vm4, $0xAAE60, v2  }
0x23: {  	s3 =	sand.u32 $0x1, s3;
	s5 =	sshll.u32 s9, $0x4;
	s9 =	smul.u32 $0x6800, s9;
	v1 =	vsel vm2, $0x2625A0, v1;
	v0 =	vsel vm4, $0x7A120, v0;
	v2 =	vsel vm3, $0xC3500, v2  }
0x24: {  	s6 =	sshll.u32 s3, $0x3;
	s8 =	smul.u32 $0x68000, s3;
	v1 =	vsel vm5, $0x0, v1;
	_ =	strace $0x80000047;
	[tilespmem:$0x1FF40] =	vst v51;
	v0 =	vsel vm3, $0x927C0, v0;
	v2 =	vsel vm0, $0xDBBA0, v2  }
0x25: {  	s4 =	sadd.s32 $0x27ACE00, s0;
	s11 =	smul.u32 $0x3400, s3;
	s6 =	sor.u32 s6, s5;
	v4 =	vsel vm8, $0x0, v4;
	[tilespmem:$0x1FF70] =	vst v1;
	v0 =	vsel vm0, $0xAAE60, v0;
	v2 =	vsel vm1, $0xF4240, v2  }
0x26: {  	s23 =	simm.s32 $0x0;
	s3 =	ssub.s32 $0x2, s3;
	s5 =	smul.u32 $0xD000, s6;
	v55 =	vsel vm3, $0x30D40, v3;
	[tilespmem:$0x1FF80] =	vst v58;
	v0 =	vsel vm1, $0xC3500, v0;
	v2 =	vsel vm2, $0x10C8E0, v2  }
0x27: {  	s29 =	sadd.s32 s11, s9;
	s6 =	smul.u32 $0xD0, s6;
	s9 =	simm.s32 $0xD0;
	v4 =	vsel vm7, $0x186A0, v4;
	[tilespmem:$0x1FFA0] =	vst v60;
	v2 =	vsel vm5, $0x124F80, v2;
	v0 =	vsel vm2, $0xDBBA0, v0  }
0x28: {  	s7 =	sadd.s32 s8, s7;
	s8 =	simm.s32 $0xBD0;
	s10 =	sshrl.u32 s5, $0x3;
	v56 =	vsel vm6, $0x30D40, v4;
	[tilespmem:$0x1FF50] =	vst v2;
	v2 =	vsel vm4, $0x231860, v53;
	v0 =	vsel vm5, $0xF4240, v0  }
0x29: {  	s11 =	simm.s32 $0xC50;
	s28 =	sadd.s32 $0xFFFF3000, s7;
	s26 =	sadd.s32 s1, s10;
	v57 =	vsel vm4, $0x493E0, v56;
	v2 =	vsel vm3, $0x249F00, v2;
	[tilespmem:$0x1FF60] =	vst v0;
	v0 =	vsel vm0, $0x493E0, v55  }
0x2a: {  	s30 =	sshrl.u32 s3, $0x1;
	s5 =	sadd.s32 $0xA00, s0;
	s0 =	sadd.s32 $0xB600, s26;
	v1 =	vsel vm3, $0x61A80, v57;
	[tilespmem:$0x1FFC0] =	vst v62;
	v2 =	vsel vm0, $0x2625A0, v2;
	v0 =	vsel vm1, $0x61A80, v0  }
.Ltmp0:
0x2b: {  	s7 =	simm.s32 $0x15DD0;
	[dreg:$0x3] =	wrdreg s0;
	[tilespmem:$0x1FFE0] =	vst v6;
	v1 =	vsel vm0, $0x7A120, v1;
	v0 =	vsel vm2, $0x7A120, v0;
	v2 =	vsel vm1, $0x0, v2;
	(pc) =	sbr.rel .LBB2_1-.Ltmp0, $4  }
0x2c: {  	s31 =	sadd.s32 s5, s6;
	[dreg:$0x4] =	wrdreg s28;
	s0 =	sadd.s32 $0x680, s29;
	[tilespmem:$0x1FFF0] =	vst v63;
	v1 =	vsel vm1, $0x927C0, v1;
	v0 =	vsel vm5, $0x927C0, v0;
	v59 =	vsel vm2, $0x186A0, v2  }
0x2d: {  	s6 =	simm.s32 $0xB50;
	[dreg:$0x5] =	wrdreg s0;
	s0 =	ssub.s32 s3, s30;
	v61 =	vsel vm2, $0xAAE60, v1;
	[tilespmem:$0x1FF90] =	vst v0;
	v0 =	vsel vm5, $0x30D40, v59  }
0x2e: {  	s10 =	simm.s32 $0x16DD0;
	[dreg:$0x6] =	wrdreg s31;
	s0 =	smax.u32 s0, $0x1;
	[tilespmem:$0x1FFB0] =	vst v0;
	v0 =	vsel vm5, $0xC3500, v61  }
0x2f: {  	s3 =	simm.s32 $0x14DD0;
	[dreg:$0x7] =	wrdreg s0;
	s0 =	simm.s32 $0xAD0;
	[tilespmem:$0x1FFD0] =	vst v0  }
.LBB2_6:
0x30: {  	_ =	swait.ge [sflag:s12], $0x1000  }
0x31: {  	[sflag:s12] =	ssyncset.done $0x0  }
0x32: {  	[sflag:s12] =	ssyncadd.s32 $0xFFFFF000  }
0x33: {  	_ =	swait.ge [sflag:s12], $0x1000  }
0x34: {  	[sflag:s12] =	ssyncset.done $0x0  }
0x35: {  	[sflag:s12] =	ssyncadd.s32 $0xFFFFF000  }
0x36: {  	_ =	swait.ge [sflag:s12], $0x1000  }
0x37: {  	[sflag:s12] =	ssyncset.done $0x0  }
0x38: {  	[sflag:s12] =	ssyncadd.s32 $0xFFFFF000  }
0x39: {  	_ =	swait.ge [sflag:s12], $0x1000  }
0x3a: {  	[sflag:s12] =	ssyncset.done $0x0  }
0x3b: {  	[sflag:s12] =	ssyncadd.s32 $0xFFFFF000  }
0x3c: {  	_ =	swait.ge [sflag:s12], $0x1000  }
0x3d: {  	[sflag:s12] =	ssyncset.done $0x0  }
0x3e: {  	[sflag:s12] =	ssyncadd.s32 $0xFFFFF000  }
0x3f: {  	_ =	swait.ge [sflag:s12], $0x1000  }
0x40: {  	[sflag:s12] =	ssyncset.done $0x0  }
0x41: {  	[sflag:s12] =	ssyncadd.s32 $0xFFFFF000  }
0x42: {  	_ =	swait.ge [sflag:s12], $0x1000  }
0x43: {  	[sflag:s12] =	ssyncset.done $0x0  }
0x44: {  	[sflag:s12] =	ssyncadd.s32 $0xFFFFF000  }
0x45: {  	_ =	swait.ge [sflag:s12], $0x1000  }
0x46: {  	[sflag:s12] =	ssyncset.done $0x0  }
0x47: {  	[sflag:s12] =	ssyncadd.s32 $0xFFFFF000  }
0x48: {  	_ =	swait.ge [sflag:s12], $0x1000  }
0x49: {  	[sflag:s12] =	ssyncset.done $0x0  }
0x4a: {  	[sflag:s12] =	ssyncadd.s32 $0xFFFFF000  }
0x4b: {  	_ =	swait.ge [sflag:s12], $0x1000  }
0x4c: {  	[sflag:s12] =	ssyncset.done $0x0  }
0x4d: {  	[sflag:s12] =	ssyncadd.s32 $0xFFFFF000  }
0x4e: {  	_ =	swait.ge [sflag:s12], $0x1000  }
0x4f: {  	[sflag:s12] =	ssyncset.done $0x0  }
0x50: {  	[sflag:s12] =	ssyncadd.s32 $0xFFFFF000  }
0x51: {  	_ =	swait.ge [sflag:s12], $0x1000  }
0x52: {  	[sflag:s12] =	ssyncset.done $0x0  }
0x53: {  	[sflag:s12] =	ssyncadd.s32 $0xFFFFF000  }
0x54: {  	_ =	swait.ge [sflag:s12], $0x1000  }
0x55: {  	[sflag:s12] =	ssyncset.done $0x0  }
0x56: {  	s30 =	simm.s32 $0x5;
	s24 =	rddreg [dreg:$0x3];
	[sflag:s12] =	ssyncadd.s32 $0xFFFFF000  }
0x57: {  	[hbm4b:s24+s2] =	stream.linear.scatter [tilespmem:s13], [sflag:$0x6], $0xD000, $0x38;
	[tilespmem:$0x1ADD0] =	vst v63  }
0x58: {  	_ =	swait.ge [sflag:s30], $0xD000  }
0x59: {  	[sflag:s30] =	ssyncset.done $0x0  }
0x5a: {  	s25 =	simm.s32 $0x6;
	[sflag:s30] =	ssyncadd.s32 $0xFFFF3000  }
0x5b: {  	_ =	swait.ge [sflag:s25], $0xD000  }
0x5c: {  	s23 =	sadd.s32 $0x1, s23;
	s31 =	rddreg [dreg:$0x7]  }
0x5d: {  	p0 =	sne.s32 s23, s31  }
.Ltmp1:
0x5e: {  	_ = 	snop;
	(pc) =	sbr.rel @!p0 .LBB2_7-.Ltmp1, $3  }
0x5f: {  	_ =	sdelay $0x1  }
0x60: {  	[sflag:s25] =	ssyncset.done $0x0  }
0x61: {  	[sflag:s25] =	ssyncadd.s32 $0xFFFF3000  }
.LBB2_1:
0x62: {  	v0 =	vld [tilespmem:$0x1FFE0]  }
0x63: {  	v52 =	vld [tilespmem:$0x1FF30]  }
0x64: {  	v53 =	vld [tilespmem:$0x1FF40]  }
0x65: {  	s24 =	rddreg [dreg:$0x6];
	v54 =	vld [tilespmem:$0x1FF60]  }
0x66: {  	v55 =	vld [tilespmem:$0x1FF70];
	[tilespmem:s9], [sflag:$0x1] =	stream.linear.gather [hbm4b:s24+s2], $0x680, $0x38  }
0x67: {  	v56 =	vld [tilespmem:$0x1FF80];
	[tilespmem:$0x0] =	vst v0  }
0x68: {  	v57 =	vld [tilespmem:$0x1FF90];
	[tilespmem:$0x10] =	vst v52  }
0x69: {  	v58 =	vld [tilespmem:$0x1FFA0];
	[tilespmem:$0x20] =	vst v53  }
0x6a: {  	v59 =	vld [tilespmem:$0x1FF50];
	[tilespmem:$0x30] =	vst v54  }
0x6b: {  	v60 =	vld [tilespmem:$0x1FFB0];
	[tilespmem:$0x40] =	vst v55  }
0x6c: {  	v61 =	vld [tilespmem:$0x1FFC0];
	[tilespmem:$0x50] =	vst v56  }
0x6d: {  	v62 =	vld [tilespmem:$0x1FFD0];
	[tilespmem:$0x60] =	vst v57  }
0x6e: {  	v63 =	vld [tilespmem:$0x1FFF0];
	[tilespmem:$0x70] =	vst v58  }
.Ltmp2:
0x6f: {  	[tilespmem:$0x80] =	vst v59;
	(pc) =	sbr.rel .LBB2_2-.Ltmp2, $4  }
0x70: {  	[tilespmem:$0x90] =	vst v60  }
0x71: {  	[tilespmem:$0xA0] =	vst v61  }
0x72: {  	s25 =	rddreg [dreg:$0x4];
	[tilespmem:$0xB0] =	vst v62  }
0x73: {  	s26 =	simm.s32 $0x0;
	s24 =	rddreg [dreg:$0x5];
	[tilespmem:$0xC0] =	vst v63  }
.LBB2_5:
0x74: {  	s26 =	sadd.s32 $0x1, s26  }
0x75: {  	p0 =	sne.s32 s26, $0x8  }
.Ltmp3:
0x76: {  	_ = 	snop;
	(pc) =	sbr.rel @!p0 .LBB2_6-.Ltmp3, $2  }
0x77: {  	_ =	sdelay $0x2  }
0x78: {  	s25 =	sadd.s32 $0xD000, s25;
	s24 =	sadd.s32 $0x680, s24  }
.LBB2_2:
0x79: {  	s28 =	sand.u32 $0x1, s26  }
0x7a: {  	p0 =	seq.s32 s28, $0x1  }
0x7b: {  	s29 =	simm.s32 @!p0 $0x1  }
0x7c: {  	_ =	swait.ge @!p0 [sflag:s29], $0x680  }
0x7d: {  	[sflag:s29] =	ssyncset.done @!p0 $0x0  }
0x7e: {  	[sflag:s29] =	ssyncadd.s32 @!p0 $0xFFFFF980  }
0x7f: {  	v1 =	vld @!p0 [tilespmem:$0x140]  }
0x80: {  	v0 =	vld @!p0 [tilespmem:$0x70]  }
0x81: {  	v3 =	vld @!p0 [tilespmem:$0x150]  }
0x82: {  	v63 =	vld @!p0 [tilespmem:$0x2D0]  }
0x83: {  	v2 =	vld @!p0 [tilespmem:$0x80]  }
0x84: {  	v5 =	vld @!p0 [tilespmem:$0x160]  }
0x85: {  	v4 =	vld @!p0 [tilespmem:$0x90]  }
0x86: {  	v7 =	vld @!p0 [tilespmem:$0x170]  }
0x87: {  	[tilespmem:$0x1FC10] =	vst v63;
	v63 =	vld @!p0 [tilespmem:$0x60]  }
0x88: {  	v6 =	vld @!p0 [tilespmem:$0xA0]  }
0x89: {  	v9 =	vld @!p0 [tilespmem:$0x180]  }
0x8a: {  	v8 =	vld @!p0 [tilespmem:$0xB0]  }
0x8b: {  	v13 =	vld @!p0 [tilespmem:$0x190]  }
0x8c: {  	[tilespmem:$0x1FC20] =	vst v63;
	v63 =	vld @!p0 [tilespmem:$0x2E0]  }
0x8d: {  	v12 =	vld @!p0 [tilespmem:$0xC0]  }
0x8e: {  	v15 =	vld @!p0 [tilespmem:$0x1A0]  }
0x8f: {  	v14 =	vld @!p0 [tilespmem:$0x0]  }
0x90: {  	v17 =	vld @!p0 [tilespmem:$0x1B0]  }
0x91: {  	[tilespmem:$0x1FC30] =	vst v63;
	v63 =	vld @!p0 [tilespmem:$0x70]  }
0x92: {  	v16 =	vld @!p0 [tilespmem:$0x10]  }
0x93: {  	v21 =	vld @!p0 [tilespmem:$0x1C0]  }
0x94: {  	v20 =	vld @!p0 [tilespmem:$0x20]  }
0x95: {  	v23 =	vld @!p0 [tilespmem:$0x1D0]  }
0x96: {  	[tilespmem:$0x1FC40] =	vst v63;
	v63 =	vld @!p0 [tilespmem:$0x2F0]  }
0x97: {  	v22 =	vld @!p0 [tilespmem:$0x30]  }
0x98: {  	v25 =	vld @!p0 [tilespmem:$0x1E0]  }
0x99: {  	v24 =	vld @!p0 [tilespmem:$0x40]  }
0x9a: {  	v27 =	vld @!p0 [tilespmem:$0x1F0]  }
0x9b: {  	[tilespmem:$0x1FC50] =	vst v63;
	v63 =	vld @!p0 [tilespmem:$0x80]  }
0x9c: {  	v26 =	vld @!p0 [tilespmem:$0x50]  }
0x9d: {  	v31 =	vld @!p0 [tilespmem:$0x200]  }
0x9e: {  	v62 =	vld @!p0 [tilespmem:$0x2C0]  }
0x9f: {  	v30 =	vld @!p0 [tilespmem:$0x60]  }
0xa0: {  	[tilespmem:$0x1FC60] =	vst v63;
	v63 =	vld @!p0 [tilespmem:$0x300]  }
0xa1: {  	v34 =	vld @!p0 [tilespmem:$0x210]  }
0xa2: {  	v32 =	vld @!p0 [tilespmem:$0x70]  }
0xa3: {  	v37 =	vld @!p0 [tilespmem:$0x220];
	[tilespmem:$0x1FC00] =	vst v62;
	v0 =	vadd.s32 @!p0 v1, v0  }
0xa4: {  	v33 =	vld @!p0 [tilespmem:$0x80];
	[tilespmem:$0x140] =	vst @!p0 v0  }
0xa5: {  	v0 =	vadd.s32 @!p0 v3, v2;
	[tilespmem:$0x1FC70] =	vst v63;
	v63 =	vld @!p0 [tilespmem:$0x90]  }
0xa6: {  	v40 =	vld @!p0 [tilespmem:$0x230];
	[tilespmem:$0x150] =	vst @!p0 v0;
	v0 =	vadd.s32 @!p0 v5, v4  }
0xa7: {  	v38 =	vld @!p0 [tilespmem:$0x90];
	[tilespmem:$0x160] =	vst @!p0 v0;
	v0 =	vadd.s32 @!p0 v7, v6  }
0xa8: {  	v44 =	vld @!p0 [tilespmem:$0x240];
	[tilespmem:$0x170] =	vst @!p0 v0;
	v0 =	vadd.s32 @!p0 v9, v8  }
0xa9: {  	v39 =	vld @!p0 [tilespmem:$0xA0];
	[tilespmem:$0x180] =	vst @!p0 v0  }
0xaa: {  	v0 =	vadd.s32 @!p0 v13, v12;
	[tilespmem:$0x1FC80] =	vst v63;
	v63 =	vld @!p0 [tilespmem:$0x310]  }
0xab: {  	v46 =	vld @!p0 [tilespmem:$0x250];
	[tilespmem:$0x190] =	vst @!p0 v0;
	v0 =	vadd.s32 @!p0 v15, v14  }
0xac: {  	v43 =	vld @!p0 [tilespmem:$0xB0];
	[tilespmem:$0x1A0] =	vst @!p0 v0;
	v0 =	vadd.s32 @!p0 v17, v16  }
0xad: {  	v48 =	vld @!p0 [tilespmem:$0x260];
	[tilespmem:$0x1B0] =	vst @!p0 v0;
	v0 =	vadd.s32 @!p0 v21, v20  }
0xae: {  	v45 =	vld @!p0 [tilespmem:$0xC0];
	[tilespmem:$0x1C0] =	vst @!p0 v0  }
0xaf: {  	v0 =	vadd.s32 @!p0 v23, v22;
	[tilespmem:$0x1FC90] =	vst v63;
	v63 =	vld @!p0 [tilespmem:$0xA0]  }
0xb0: {  	v52 =	vld @!p0 [tilespmem:$0x270];
	[tilespmem:$0x1D0] =	vst @!p0 v0;
	v0 =	vadd.s32 @!p0 v25, v24  }
0xb1: {  	v47 =	vld @!p0 [tilespmem:$0x0];
	[tilespmem:$0x1E0] =	vst @!p0 v0;
	v0 =	vadd.s32 @!p0 v27, v26  }
0xb2: {  	v54 =	vld @!p0 [tilespmem:$0x280];
	[tilespmem:$0x1F0] =	vst @!p0 v0;
	v0 =	vadd.s32 @!p0 v31, v30  }
0xb3: {  	v51 =	vld @!p0 [tilespmem:$0x10];
	[tilespmem:$0x200] =	vst @!p0 v0  }
0xb4: {  	v0 =	vadd.s32 @!p0 v34, v32;
	[tilespmem:$0x1FCA0] =	vst v63;
	v63 =	vld @!p0 [tilespmem:$0x320]  }
0xb5: {  	v56 =	vld @!p0 [tilespmem:$0x290];
	[tilespmem:$0x210] =	vst @!p0 v0;
	v0 =	vadd.s32 @!p0 v37, v33  }
0xb6: {  	v53 =	vld @!p0 [tilespmem:$0x20];
	[tilespmem:$0x220] =	vst @!p0 v0;
	v0 =	vadd.s32 @!p0 v40, v38  }
0xb7: {  	v60 =	vld @!p0 [tilespmem:$0x2A0];
	[tilespmem:$0x230] =	vst @!p0 v0;
	v0 =	vadd.s32 @!p0 v44, v39  }
0xb8: {  	v55 =	vld @!p0 [tilespmem:$0x30];
	[tilespmem:$0x240] =	vst @!p0 v0  }
0xb9: {  	v0 =	vadd.s32 @!p0 v46, v43;
	[tilespmem:$0x1FCB0] =	vst v63;
	v63 =	vld @!p0 [tilespmem:$0xB0]  }
0xba: {  	v61 =	vld @!p0 [tilespmem:$0x2B0];
	[tilespmem:$0x250] =	vst @!p0 v0;
	v0 =	vadd.s32 @!p0 v48, v45  }
0xbb: {  	v59 =	vld @!p0 [tilespmem:$0x40];
	[tilespmem:$0x260] =	vst @!p0 v0;
	v0 =	vadd.s32 @!p0 v52, v47  }
0xbc: {  	[tilespmem:$0x270] =	vst @!p0 v0;
	v0 =	vadd.s32 @!p0 v54, v51  }
0xbd: {  	[tilespmem:$0x280] =	vst @!p0 v0  }
0xbe: {  	v0 =	vadd.s32 @!p0 v56, v53;
	[tilespmem:$0x1FCC0] =	vst v63;
	v63 =	vld @!p0 [tilespmem:$0x330]  }
0xbf: {  	[tilespmem:$0x290] =	vst @!p0 v0;
	v0 =	vadd.s32 @!p0 v60, v55  }
0xc0: {  	v62 =	vld @!p0 [tilespmem:$0x50];
	[tilespmem:$0x2A0] =	vst @!p0 v0;
	v0 =	vadd.s32 @!p0 v61, v59  }
0xc1: {  	[tilespmem:$0x2B0] =	vst @!p0 v0;
	v0 =	vld [tilespmem:$0x1FC00];
	_ =	sdelay $0x1  }
0xc2: {  	[tilespmem:$0x1FCD0] =	vst v63;
	v63 =	vld @!p0 [tilespmem:$0xC0];
	_ =	sdelay $0x2  }
0xc3: {  	v15 =	vld [tilespmem:$0x1FC20];
	v0 =	vadd.s32 @!p0 v0, v62  }
0xc4: {  	[tilespmem:$0x2C0] =	vst @!p0 v0;
	v0 =	vld [tilespmem:$0x1FC10]  }
0xc5: {  	[tilespmem:$0x1FCE0] =	vst v63;
	v63 =	vld @!p0 [tilespmem:$0x340];
	_ =	sdelay $0x3  }
0xc6: {  	v16 =	vld [tilespmem:$0x1FC40]  }
0xc7: {  	v0 =	vadd.s32 @!p0 v0, v15;
	[tilespmem:$0x1FCF0] =	vst v63;
	v63 =	vld @!p0 [tilespmem:$0x0]  }
0xc8: {  	[tilespmem:$0x2D0] =	vst @!p0 v0;
	v0 =	vld [tilespmem:$0x1FC30];
	_ =	sdelay $0x3  }
0xc9: {  	[tilespmem:$0x1FD00] =	vst v63;
	v63 =	vld @!p0 [tilespmem:$0x350]  }
0xca: {  	v17 =	vld [tilespmem:$0x1FC60];
	v0 =	vadd.s32 @!p0 v0, v16  }
0xcb: {  	[tilespmem:$0x2E0] =	vst @!p0 v0;
	v0 =	vld [tilespmem:$0x1FC50];
	_ =	sdelay $0x2  }
0xcc: {  	[tilespmem:$0x1FD10] =	vst v63;
	v63 =	vld @!p0 [tilespmem:$0x10];
	_ =	sdelay $0x1  }
0xcd: {  	v20 =	vld [tilespmem:$0x1FC80];
	v0 =	vadd.s32 @!p0 v0, v17  }
0xce: {  	[tilespmem:$0x2F0] =	vst @!p0 v0;
	v0 =	vld [tilespmem:$0x1FC70];
	_ =	sdelay $0x1  }
0xcf: {  	[tilespmem:$0x1FD20] =	vst v63;
	v63 =	vld @!p0 [tilespmem:$0x360];
	_ =	sdelay $0x2  }
0xd0: {  	v21 =	vld [tilespmem:$0x1FCA0];
	v0 =	vadd.s32 @!p0 v0, v20  }
0xd1: {  	[tilespmem:$0x300] =	vst @!p0 v0;
	v0 =	vld [tilespmem:$0x1FC90]  }
0xd2: {  	[tilespmem:$0x1FD30] =	vst v63;
	v63 =	vld @!p0 [tilespmem:$0x20];
	_ =	sdelay $0x3  }
0xd3: {  	v22 =	vld [tilespmem:$0x1FCC0]  }
0xd4: {  	v0 =	vadd.s32 @!p0 v0, v21;
	[tilespmem:$0x1FD40] =	vst v63;
	v63 =	vld @!p0 [tilespmem:$0x370]  }
0xd5: {  	[tilespmem:$0x310] =	vst @!p0 v0;
	v0 =	vld [tilespmem:$0x1FCB0];
	_ =	sdelay $0x3  }
0xd6: {  	[tilespmem:$0x1FD50] =	vst v63;
	v63 =	vld @!p0 [tilespmem:$0x30]  }
0xd7: {  	v0 =	vadd.s32 @!p0 v0, v22  }
0xd8: {  	[tilespmem:$0x320] =	vst @!p0 v0;
	v0 =	vld [tilespmem:$0x1FCD0]  }
0xd9: {  	v23 =	vld [tilespmem:$0x1FCE0];
	_ =	sdelay $0x1  }
0xda: {  	[tilespmem:$0x1FD60] =	vst v63;
	v63 =	vld @!p0 [tilespmem:$0x380];
	_ =	sdelay $0x2  }
0xdb: {  	v0 =	vadd.s32 @!p0 v0, v23  }
0xdc: {  	[tilespmem:$0x330] =	vst @!p0 v0;
	v0 =	vld [tilespmem:$0x1FCF0]  }
0xdd: {  	[tilespmem:$0x1FD70] =	vst v63;
	v63 =	vld @!p0 [tilespmem:$0x40]  }
0xde: {  	v24 =	vld [tilespmem:$0x1FD00];
	_ =	sdelay $0x3  }
0xdf: {  	[tilespmem:$0x1FD80] =	vst v63;
	v63 =	vld @!p0 [tilespmem:$0x390]  }
0xe0: {  	v0 =	vadd.s32 @!p0 v0, v24  }
0xe1: {  	[tilespmem:$0x340] =	vst @!p0 v0;
	v0 =	vld [tilespmem:$0x1FD10]  }
0xe2: {  	v25 =	vld [tilespmem:$0x1FD20];
	_ =	sdelay $0x1  }
0xe3: {  	[tilespmem:$0x1FD90] =	vst v63;
	v63 =	vld @!p0 [tilespmem:$0x50];
	_ =	sdelay $0x2  }
0xe4: {  	v10 =	vld @!p0 [tilespmem:$0xD0];
	v0 =	vadd.s32 @!p0 v0, v25  }
0xe5: {  	[tilespmem:$0x350] =	vst @!p0 v0;
	v0 =	vld [tilespmem:$0x1FD30]  }
0xe6: {  	[tilespmem:$0x1FDA0] =	vst v63;
	v63 =	vld @!p0 [tilespmem:$0x3A0]  }
0xe7: {  	v26 =	vld [tilespmem:$0x1FD40]  }
0xe8: {  	v11 =	vld @!p0 [tilespmem:$0x0]  }
0xe9: {  	v18 =	vld @!p0 [tilespmem:$0xE0]  }
0xea: {  	v19 =	vld @!p0 [tilespmem:$0x10]  }
0xeb: {  	[tilespmem:$0x1FDB0] =	vst v63;
	v63 =	vld @!p0 [tilespmem:$0x60]  }
0xec: {  	v28 =	vld @!p0 [tilespmem:$0xF0];
	v0 =	vadd.s32 @!p0 v0, v26  }
0xed: {  	[tilespmem:$0x360] =	vst @!p0 v0;
	v0 =	vld [tilespmem:$0x1FD50]  }
0xee: {  	v27 =	vld [tilespmem:$0x1FD60]  }
0xef: {  	v29 =	vld @!p0 [tilespmem:$0x20]  }
0xf0: {  	[tilespmem:$0x1FDC0] =	vst v63;
	v63 =	vld @!p0 [tilespmem:$0x3B0]  }
0xf1: {  	v35 =	vld @!p0 [tilespmem:$0x100]  }
0xf2: {  	v36 =	vld @!p0 [tilespmem:$0x30]  }
0xf3: {  	v41 =	vld @!p0 [tilespmem:$0x110];
	v0 =	vadd.s32 @!p0 v0, v27  }
0xf4: {  	[tilespmem:$0x370] =	vst @!p0 v0;
	v0 =	vld [tilespmem:$0x1FD70]  }
0xf5: {  	[tilespmem:$0x1FDD0] =	vst v63;
	v63 =	vld @!p0 [tilespmem:$0x70]  }
0xf6: {  	v30 =	vld [tilespmem:$0x1FD80]  }
0xf7: {  	v42 =	vld @!p0 [tilespmem:$0x40]  }
0xf8: {  	v49 =	vld @!p0 [tilespmem:$0x120]  }
0xf9: {  	v50 =	vld @!p0 [tilespmem:$0x50]  }
0xfa: {  	[tilespmem:$0x1FDE0] =	vst v63;
	v63 =	vld @!p0 [tilespmem:$0x3C0]  }
0xfb: {  	v57 =	vld @!p0 [tilespmem:$0x130];
	v0 =	vadd.s32 @!p0 v0, v30  }
0xfc: {  	[tilespmem:$0x380] =	vst @!p0 v0;
	v0 =	vld [tilespmem:$0x1FD90]  }
0xfd: {  	v31 =	vld [tilespmem:$0x1FDA0]  }
0xfe: {  	v58 =	vld @!p0 [tilespmem:$0x60]  }
0xff: {  	[tilespmem:$0x1FDF0] =	vst v63;
	v63 =	vld @!p0 [tilespmem:$0x80]  }
0x100: {  	v10 =	vadd.s32 @!p0 v10, v11;
	v11 =	vld @!p0 [tilespmem:$0x440]  }
0x101: {  	v1 =	vld @!p0 [tilespmem:$0x0]  }
0x102: {  	[tilespmem:$0xD0] =	vst @!p0 v10;
	v10 =	vadd.s32 @!p0 v18, v19;
	v18 =	vld @!p0 [tilespmem:$0xA0];
	v0 =	vadd.s32 @!p0 v0, v31  }
0x103: {  	[tilespmem:$0x390] =	vst @!p0 v0;
	v0 =	vld [tilespmem:$0x1FDB0]  }
0x104: {  	[tilespmem:$0x1FE00] =	vst v63;
	v63 =	vld @!p0 [tilespmem:$0x3D0]  }
0x105: {  	v32 =	vld [tilespmem:$0x1FDC0]  }
0x106: {  	v19 =	vld @!p0 [tilespmem:$0x4C0]  }
0x107: {  	v2 =	vld @!p0 [tilespmem:$0xC0]  }
0x108: {  	v3 =	vld @!p0 [tilespmem:$0x4E0]  }
0x109: {  	[tilespmem:$0x1FE10] =	vst v63;
	v63 =	vld @!p0 [tilespmem:$0x90]  }
0x10a: {  	[tilespmem:$0xE0] =	vst @!p0 v10;
	v10 =	vadd.s32 @!p0 v28, v29;
	v29 =	vld @!p0 [tilespmem:$0x90];
	v0 =	vadd.s32 @!p0 v0, v32  }
0x10b: {  	[tilespmem:$0x3A0] =	vst @!p0 v0;
	v0 =	vld [tilespmem:$0x1FDD0]  }
0x10c: {  	v33 =	vld [tilespmem:$0x1FDE0]  }
0x10d: {  	v28 =	vld @!p0 [tilespmem:$0x4B0]  }
0x10e: {  	[tilespmem:$0x1FE20] =	vst v63;
	v63 =	vld @!p0 [tilespmem:$0x3E0]  }
0x10f: {  	v4 =	vld @!p0 [tilespmem:$0x4F0]  }
0x110: {  	v5 =	vld @!p0 [tilespmem:$0x10]  }
0x111: {  	[tilespmem:$0xF0] =	vst @!p0 v10;
	v10 =	vadd.s32 @!p0 v35, v36;
	v35 =	vld @!p0 [tilespmem:$0x80];
	v0 =	vadd.s32 @!p0 v0, v33  }
0x112: {  	[tilespmem:$0x3B0] =	vst @!p0 v0;
	v0 =	vld [tilespmem:$0x1FDF0]  }
0x113: {  	[tilespmem:$0x1FE30] =	vst v63;
	v63 =	vld @!p0 [tilespmem:$0xA0]  }
0x114: {  	v34 =	vld [tilespmem:$0x1FE00]  }
0x115: {  	v36 =	vld @!p0 [tilespmem:$0x4A0]  }
0x116: {  	v6 =	vld @!p0 [tilespmem:$0x500]  }
0x117: {  	v7 =	vld @!p0 [tilespmem:$0x20]  }
0x118: {  	[tilespmem:$0x1FE40] =	vst v63;
	v63 =	vld @!p0 [tilespmem:$0x3F0]  }
0x119: {  	[tilespmem:$0x100] =	vst @!p0 v10;
	v10 =	vadd.s32 @!p0 v41, v42;
	v41 =	vld @!p0 [tilespmem:$0x50];
	v0 =	vadd.s32 @!p0 v0, v34  }
0x11a: {  	[tilespmem:$0x3C0] =	vst @!p0 v0;
	v0 =	vld [tilespmem:$0x1FE10]  }
0x11b: {  	v37 =	vld [tilespmem:$0x1FE20]  }
0x11c: {  	v42 =	vld @!p0 [tilespmem:$0x470]  }
0x11d: {  	[tilespmem:$0x1FE50] =	vst v63;
	v63 =	vld @!p0 [tilespmem:$0xB0]  }
0x11e: {  	v8 =	vld @!p0 [tilespmem:$0x510]  }
0x11f: {  	v9 =	vld @!p0 [tilespmem:$0x30]  }
0x120: {  	[tilespmem:$0x1FEE0] =	vst v11;
	v11 =	vld @!p0 [tilespmem:$0x30];
	v0 =	vadd.s32 @!p0 v0, v37  }
0x121: {  	[tilespmem:$0x3D0] =	vst @!p0 v0;
	v0 =	vld [tilespmem:$0x1FE30]  }
0x122: {  	[tilespmem:$0x1FE60] =	vst v63;
	v63 =	vld @!p0 [tilespmem:$0x400]  }
0x123: {  	v38 =	vld [tilespmem:$0x1FE40]  }
0x124: {  	[tilespmem:$0x110] =	vst @!p0 v10;
	v10 =	vadd.s32 @!p0 v49, v50;
	v49 =	vld @!p0 [tilespmem:$0x60]  }
0x125: {  	v50 =	vld @!p0 [tilespmem:$0x480]  }
0x126: {  	v12 =	vld @!p0 [tilespmem:$0x520]  }
0x127: {  	[tilespmem:$0x1FE70] =	vst v63;
	v63 =	vld @!p0 [tilespmem:$0xC0]  }
0x128: {  	[tilespmem:$0x1FEF0] =	vst v11;
	v11 =	vld @!p0 [tilespmem:$0x450];
	v0 =	vadd.s32 @!p0 v0, v38  }
0x129: {  	[tilespmem:$0x3E0] =	vst @!p0 v0;
	v0 =	vld [tilespmem:$0x1FE50]  }
0x12a: {  	v39 =	vld [tilespmem:$0x1FE60]  }
0x12b: {  	v13 =	vld @!p0 [tilespmem:$0x40]  }
0x12c: {  	[tilespmem:$0x1FE80] =	vst v63;
	v63 =	vld @!p0 [tilespmem:$0x410]  }
0x12d: {  	[tilespmem:$0x120] =	vst @!p0 v10;
	v10 =	vadd.s32 @!p0 v57, v58;
	v57 =	vld @!p0 [tilespmem:$0x70]  }
0x12e: {  	v58 =	vld @!p0 [tilespmem:$0x490]  }
0x12f: {  	[tilespmem:$0x1FF00] =	vst v11;
	v11 =	vld @!p0 [tilespmem:$0x40];
	v0 =	vadd.s32 @!p0 v0, v39  }
0x130: {  	[tilespmem:$0x3F0] =	vst @!p0 v0;
	v0 =	vld [tilespmem:$0x1FE70]  }
0x131: {  	[tilespmem:$0x1FE90] =	vst v63;
	v63 =	vld @!p0 [tilespmem:$0x0]  }
0x132: {  	v40 =	vld [tilespmem:$0x1FE80]  }
0x133: {  	v14 =	vld @!p0 [tilespmem:$0x530]  }
0x134: {  	[tilespmem:$0x130] =	vst @!p0 v10;
	v10 =	vld @!p0 [tilespmem:$0xB0]  }
0x135: {  	v46 =	vld [tilespmem:$0x1FEF0]  }
0x136: {  	[tilespmem:$0x1FEA0] =	vst v63;
	v63 =	vld @!p0 [tilespmem:$0x420]  }
0x137: {  	[tilespmem:$0x1FF10] =	vst v11;
	v11 =	vld @!p0 [tilespmem:$0x460];
	v0 =	vadd.s32 @!p0 v0, v40  }
0x138: {  	[tilespmem:$0x400] =	vst @!p0 v0;
	v0 =	vld [tilespmem:$0x1FE90]  }
0x139: {  	v43 =	vld [tilespmem:$0x1FEA0]  }
0x13a: {  	v45 =	vld @!p0 [tilespmem:$0x30]  }
0x13b: {  	[tilespmem:$0x1FEB0] =	vst v63;
	v63 =	vld @!p0 [tilespmem:$0x10]  }
0x13c: {  	v48 =	vld @!p0 [tilespmem:$0x610]  }
0x13d: {  	v47 =	vld [tilespmem:$0x1FF10]  }
0x13e: {  	[tilespmem:$0x1FF20] =	vst v11;
	v11 =	vld @!p0 [tilespmem:$0x4D0];
	v0 =	vadd.s32 @!p0 v0, v43  }
0x13f: {  	[tilespmem:$0x410] =	vst @!p0 v0;
	v0 =	vld [tilespmem:$0x1FEB0]  }
0x140: {  	[tilespmem:$0x1FEC0] =	vst v63;
	v63 =	vld @!p0 [tilespmem:$0x430]  }
0x141: {  	v44 =	vld [tilespmem:$0x1FEC0]  }
0x142: {  	v15 =	vld @!p0 [tilespmem:$0x50]  }
0x143: {  	v16 =	vld @!p0 [tilespmem:$0x540]  }
0x144: {  	v17 =	vld @!p0 [tilespmem:$0x60]  }
0x145: {  	v20 =	vld @!p0 [tilespmem:$0x550]  }
0x146: {  	[tilespmem:$0x1FED0] =	vst v63;
	v63 =	vld @!p0 [tilespmem:$0x20];
	v0 =	vadd.s32 @!p0 v0, v44  }
0x147: {  	[tilespmem:$0x420] =	vst @!p0 v0;
	v0 =	vld [tilespmem:$0x1FED0]  }
0x148: {  	v21 =	vld @!p0 [tilespmem:$0x70]  }
0x149: {  	v22 =	vld @!p0 [tilespmem:$0x560]  }
0x14a: {  	v23 =	vld @!p0 [tilespmem:$0x80]  }
0x14b: {  	v24 =	vld @!p0 [tilespmem:$0x570]  }
0x14c: {  	v25 =	vld @!p0 [tilespmem:$0x90];
	v0 =	vadd.s32 @!p0 v0, v63  }
0x14d: {  	[tilespmem:$0x430] =	vst @!p0 v0;
	v0 =	vld [tilespmem:$0x1FEE0]  }
0x14e: {  	v26 =	vld @!p0 [tilespmem:$0x580]  }
0x14f: {  	v27 =	vld @!p0 [tilespmem:$0xA0]  }
0x150: {  	v30 =	vld @!p0 [tilespmem:$0x590]  }
0x151: {  	v31 =	vld @!p0 [tilespmem:$0xB0]  }
0x152: {  	v32 =	vld @!p0 [tilespmem:$0x5A0];
	v0 =	vadd.s32 @!p0 v0, v46  }
0x153: {  	[tilespmem:$0x440] =	vst @!p0 v0;
	v0 =	vld [tilespmem:$0x1FF00]  }
0x154: {  	v33 =	vld @!p0 [tilespmem:$0xC0]  }
0x155: {  	v34 =	vld @!p0 [tilespmem:$0x5B0]  }
0x156: {  	v37 =	vld @!p0 [tilespmem:$0x0]  }
0x157: {  	v38 =	vld @!p0 [tilespmem:$0x5C0]  }
0x158: {  	v39 =	vld @!p0 [tilespmem:$0x10];
	v0 =	vadd.s32 @!p0 v0, v47  }
0x159: {  	[tilespmem:$0x450] =	vst @!p0 v0;
	v0 =	vld [tilespmem:$0x1FF20]  }
0x15a: {  	v40 =	vld @!p0 [tilespmem:$0x5D0]  }
0x15b: {  	v43 =	vld @!p0 [tilespmem:$0x20]  }
0x15c: {  	v44 =	vld @!p0 [tilespmem:$0x5E0]  }
0x15d: {  	v46 =	vld @!p0 [tilespmem:$0x5F0]  }
0x15e: {  	v47 =	vld @!p0 [tilespmem:$0x40];
	v0 =	vadd.s32 @!p0 v0, v41  }
0x15f: {  	v41 =	vld @!p0 [tilespmem:$0x600];
	[tilespmem:$0x460] =	vst @!p0 v0;
	v0 =	vadd.s32 @!p0 v42, v49  }
0x160: {  	v42 =	vld @!p0 [tilespmem:$0x50];
	[tilespmem:$0x470] =	vst @!p0 v0;
	v0 =	vadd.s32 @!p0 v50, v57  }
0x161: {  	[tilespmem:$0x480] =	vst @!p0 v0;
	v0 =	vadd.s32 @!p0 v58, v35;
	v35 =	vld @!p0 [tilespmem:$0x60]  }
0x162: {  	[tilespmem:$0x490] =	vst @!p0 v0;
	v0 =	vadd.s32 @!p0 v36, v29;
	v29 =	vld @!p0 [tilespmem:$0x620]  }
0x163: {  	[tilespmem:$0x4A0] =	vst @!p0 v0;
	v0 =	vadd.s32 @!p0 v28, v18;
	v18 =	vld @!p0 [tilespmem:$0x70]  }
0x164: {  	[tilespmem:$0x4B0] =	vst @!p0 v0;
	v0 =	vadd.s32 @!p0 v19, v10;
	v10 =	vld @!p0 [tilespmem:$0x630]  }
0x165: {  	v19 =	vld @!p0 [tilespmem:$0x30];
	[tilespmem:$0x4C0] =	vst @!p0 v0;
	v0 =	vadd.s32 @!p0 v11, v2  }
0x166: {  	v2 =	vld @!p0 [tilespmem:$0x80];
	[tilespmem:$0x4D0] =	vst @!p0 v0;
	v0 =	vadd.s32 @!p0 v3, v1  }
0x167: {  	v11 =	vld @!p0 [tilespmem:$0x680];
	[tilespmem:$0x4E0] =	vst @!p0 v0;
	v0 =	vadd.s32 @!p0 v4, v5  }
0x168: {  	v1 =	vld @!p0 [tilespmem:$0x640];
	[tilespmem:$0x4F0] =	vst @!p0 v0;
	v0 =	vadd.s32 @!p0 v6, v7  }
0x169: {  	v3 =	vld @!p0 [tilespmem:$0x90];
	[tilespmem:$0x500] =	vst @!p0 v0;
	v0 =	vadd.s32 @!p0 v8, v9  }
0x16a: {  	v4 =	vld @!p0 [tilespmem:$0x650];
	[tilespmem:$0x510] =	vst @!p0 v0;
	v0 =	vadd.s32 @!p0 v12, v13  }
0x16b: {  	v5 =	vld @!p0 [tilespmem:$0xA0];
	[tilespmem:$0x520] =	vst @!p0 v0;
	v0 =	vadd.s32 @!p0 v14, v15  }
0x16c: {  	v6 =	vld @!p0 [tilespmem:$0x660];
	[tilespmem:$0x530] =	vst @!p0 v0;
	v0 =	vadd.s32 @!p0 v16, v17  }
0x16d: {  	v7 =	vld @!p0 [tilespmem:$0xB0];
	[tilespmem:$0x540] =	vst @!p0 v0;
	v0 =	vadd.s32 @!p0 v20, v21  }
0x16e: {  	v8 =	vld @!p0 [tilespmem:$0x670];
	[tilespmem:$0x550] =	vst @!p0 v0;
	v0 =	vadd.s32 @!p0 v22, v23  }
0x16f: {  	v9 =	vld @!p0 [tilespmem:$0xC0];
	[tilespmem:$0x560] =	vst @!p0 v0;
	v0 =	vadd.s32 @!p0 v24, v25  }
0x170: {  	v12 =	vld @!p0 [tilespmem:$0x0];
	[tilespmem:$0x570] =	vst @!p0 v0;
	v0 =	vadd.s32 @!p0 v26, v27  }
0x171: {  	v13 =	vld @!p0 [tilespmem:$0x690];
	[tilespmem:$0x580] =	vst @!p0 v0;
	v0 =	vadd.s32 @!p0 v30, v31  }
0x172: {  	v14 =	vld @!p0 [tilespmem:$0x10];
	[tilespmem:$0x590] =	vst @!p0 v0;
	v0 =	vadd.s32 @!p0 v32, v33  }
0x173: {  	v15 =	vld @!p0 [tilespmem:$0x6A0];
	[tilespmem:$0x5A0] =	vst @!p0 v0;
	v0 =	vadd.s32 @!p0 v34, v37  }
0x174: {  	v16 =	vld @!p0 [tilespmem:$0x20];
	[tilespmem:$0x5B0] =	vst @!p0 v0;
	v0 =	vadd.s32 @!p0 v38, v39  }
0x175: {  	v17 =	vld @!p0 [tilespmem:$0x6B0];
	[tilespmem:$0x5C0] =	vst @!p0 v0;
	v0 =	vadd.s32 @!p0 v40, v43  }
0x176: {  	v20 =	vld @!p0 [tilespmem:$0x6C0];
	[tilespmem:$0x5D0] =	vst @!p0 v0;
	v0 =	vadd.s32 @!p0 v44, v45  }
0x177: {  	v21 =	vld @!p0 [tilespmem:$0x40];
	[tilespmem:$0x5E0] =	vst @!p0 v0;
	v0 =	vadd.s32 @!p0 v46, v47  }
0x178: {  	v22 =	vld @!p0 [tilespmem:$0x6D0];
	[tilespmem:$0x5F0] =	vst @!p0 v0;
	v0 =	vadd.s32 @!p0 v41, v42  }
0x179: {  	v23 =	vld @!p0 [tilespmem:$0x50];
	[tilespmem:$0x600] =	vst @!p0 v0;
	v0 =	vadd.s32 @!p0 v48, v35  }
0x17a: {  	[tilespmem:$0x610] =	vst @!p0 v0;
	v0 =	vadd.s32 @!p0 v29, v18;
	v18 =	vld @!p0 [tilespmem:$0x6E0]  }
0x17b: {  	[tilespmem:$0x620] =	vst @!p0 v0;
	v0 =	vadd.s32 @!p0 v10, v2;
	v2 =	vld @!p0 [tilespmem:$0x60]  }
0x17c: {  	v10 =	vld @!p0 [tilespmem:$0x730];
	[tilespmem:$0x630] =	vst @!p0 v0;
	v0 =	vadd.s32 @!p0 v1, v3  }
0x17d: {  	v1 =	vld @!p0 [tilespmem:$0x6F0];
	[tilespmem:$0x640] =	vst @!p0 v0;
	v0 =	vadd.s32 @!p0 v4, v5  }
0x17e: {  	v3 =	vld @!p0 [tilespmem:$0x70];
	[tilespmem:$0x650] =	vst @!p0 v0;
	v0 =	vadd.s32 @!p0 v6, v7  }
0x17f: {  	v4 =	vld @!p0 [tilespmem:$0x700];
	[tilespmem:$0x660] =	vst @!p0 v0;
	v0 =	vadd.s32 @!p0 v8, v9  }
0x180: {  	v5 =	vld @!p0 [tilespmem:$0x80];
	[tilespmem:$0x670] =	vst @!p0 v0;
	v0 =	vadd.s32 @!p0 v11, v12  }
0x181: {  	v6 =	vld @!p0 [tilespmem:$0x710];
	[tilespmem:$0x680] =	vst @!p0 v0;
	v0 =	vadd.s32 @!p0 v13, v14  }
0x182: {  	v7 =	vld @!p0 [tilespmem:$0x90];
	[tilespmem:$0x690] =	vst @!p0 v0;
	v0 =	vadd.s32 @!p0 v15, v16  }
0x183: {  	v8 =	vld @!p0 [tilespmem:$0x720];
	[tilespmem:$0x6A0] =	vst @!p0 v0;
	v0 =	vadd.s32 @!p0 v17, v19  }
0x184: {  	v9 =	vld @!p0 [tilespmem:$0xA0];
	[tilespmem:$0x6B0] =	vst @!p0 v0;
	v0 =	vadd.s32 @!p0 v20, v21  }
0x185: {  	v11 =	vld @!p0 [tilespmem:$0xB0];
	[tilespmem:$0x6C0] =	vst @!p0 v0;
	v0 =	vadd.s32 @!p0 v22, v23  }
0x186: {  	[tilespmem:$0x6D0] =	vst @!p0 v0;
	v0 =	vadd.s32 @!p0 v18, v2;
	v2 =	vld @!p0 [tilespmem:$0x740]  }
0x187: {  	[tilespmem:$0x6E0] =	vst @!p0 v0;
	v0 =	vadd.s32 @!p0 v1, v3;
	v1 =	vld @!p0 [tilespmem:$0xC0]  }
0x188: {  	[tilespmem:$0x6F0] =	vst @!p0 v0;
	v0 =	vadd.s32 @!p0 v4, v5  }
0x189: {  	[tilespmem:$0x700] =	vst @!p0 v0;
	v0 =	vadd.s32 @!p0 v6, v7  }
0x18a: {  	[tilespmem:$0x710] =	vst @!p0 v0;
	v0 =	vadd.s32 @!p0 v8, v9  }
0x18b: {  	p1 =	slt.u32 @!p0 s26, $0x2;
	[tilespmem:$0x720] =	vst @!p0 v0;
	v0 =	vadd.s32 @!p0 v10, v11  }
0x18c: {  	p1 =	por p1, p0;
	[tilespmem:$0x730] =	vst @!p0 v0;
	v0 =	vadd.s32 @!p0 v2, v1  }
0x18d: {  	s29 =	simm.s32 @!p1 $0x5;
	[tilespmem:$0x740] =	vst @!p0 v0  }
0x18e: {  	_ =	swait.ge @!p1 [sflag:s29], $0xD000  }
0x18f: {  	s30 =	simm.s32 @!p0 $0xD0;
	[sflag:s29] =	ssyncset.done @!p1 $0x0  }
0x190: {  	s31 =	simm.s32 @!p0 $0xDD0;
	[sflag:s29] =	ssyncadd.s32 @!p1 $0xFFFF3000;
	s29 =	simm.s32 @!p0 $0x80  }
0x191: {  	[tilespmem:s31], [sflag:$0x3] =	stream.indirect.gather @!p0 [hbm4b:s4+s29], $0x20, s30, s29, $0xb8;
	[tilespmem:$0x1ADD0] =	vst v63  }
0x192: {  	s30 =	simm.s32 @!p0 $0x150;
	s31 =	simm.s32 @!p0 $0x1DD0  }
0x193: {  	[tilespmem:s31], [sflag:$0x3] =	stream.indirect.gather @!p0 [hbm4b:s4+s29], $0x20, s30, s29, $0xb8;
	[tilespmem:$0x1ADD0] =	vst v63  }
0x194: {  	s30 =	simm.s32 @!p0 $0x1D0;
	s31 =	simm.s32 @!p0 $0x2DD0  }
0x195: {  	[tilespmem:s31], [sflag:$0x3] =	stream.indirect.gather @!p0 [hbm4b:s4+s29], $0x20, s30, s29, $0xb8;
	[tilespmem:$0x1ADD0] =	vst v63  }
0x196: {  	s30 =	simm.s32 @!p0 $0x250;
	s31 =	simm.s32 @!p0 $0x3DD0  }
0x197: {  	[tilespmem:s31], [sflag:$0x3] =	stream.indirect.gather @!p0 [hbm4b:s4+s29], $0x20, s30, s29, $0xb8;
	[tilespmem:$0x1ADD0] =	vst v63  }
0x198: {  	s30 =	simm.s32 @!p0 $0x2D0;
	s31 =	simm.s32 @!p0 $0x4DD0  }
0x199: {  	[tilespmem:s31], [sflag:$0x3] =	stream.indirect.gather @!p0 [hbm4b:s4+s29], $0x20, s30, s29, $0xb8;
	[tilespmem:$0x1ADD0] =	vst v63  }
0x19a: {  	s30 =	simm.s32 @!p0 $0x350;
	s31 =	simm.s32 @!p0 $0x5DD0  }
0x19b: {  	[tilespmem:s31], [sflag:$0x3] =	stream.indirect.gather @!p0 [hbm4b:s4+s29], $0x20, s30, s29, $0xb8;
	[tilespmem:$0x1ADD0] =	vst v63  }
0x19c: {  	s30 =	simm.s32 @!p0 $0x3D0;
	s31 =	simm.s32 @!p0 $0x6DD0  }
0x19d: {  	[tilespmem:s31], [sflag:$0x3] =	stream.indirect.gather @!p0 [hbm4b:s4+s29], $0x20, s30, s29, $0xb8;
	[tilespmem:$0x1ADD0] =	vst v63  }
0x19e: {  	s30 =	simm.s32 @!p0 $0x450;
	s31 =	simm.s32 @!p0 $0x7DD0  }
0x19f: {  	[tilespmem:s31], [sflag:$0x3] =	stream.indirect.gather @!p0 [hbm4b:s4+s29], $0x20, s30, s29, $0xb8;
	[tilespmem:$0x1ADD0] =	vst v63  }
0x1a0: {  	s30 =	simm.s32 @!p0 $0x4D0;
	s31 =	simm.s32 @!p0 $0x8DD0  }
0x1a1: {  	[tilespmem:s31], [sflag:$0x3] =	stream.indirect.gather @!p0 [hbm4b:s4+s29], $0x20, s30, s29, $0xb8;
	[tilespmem:$0x1ADD0] =	vst v63  }
0x1a2: {  	s30 =	simm.s32 @!p0 $0x550;
	s31 =	simm.s32 @!p0 $0x9DD0  }
0x1a3: {  	[tilespmem:s31], [sflag:$0x3] =	stream.indirect.gather @!p0 [hbm4b:s4+s29], $0x20, s30, s29, $0xb8;
	[tilespmem:$0x1ADD0] =	vst v63  }
0x1a4: {  	s30 =	simm.s32 @!p0 $0x5D0;
	s31 =	simm.s32 @!p0 $0xADD0  }
0x1a5: {  	[tilespmem:s31], [sflag:$0x3] =	stream.indirect.gather @!p0 [hbm4b:s4+s29], $0x20, s30, s29, $0xb8;
	[tilespmem:$0x1ADD0] =	vst v63  }
0x1a6: {  	p1 =	seq.s32 @!p0 s26, $0x0;
	s30 =	simm.s32 @!p0 $0x650;
	s31 =	simm.s32 @!p0 $0xBDD0  }
0x1a7: {  	[tilespmem:s31], [sflag:$0x3] =	stream.indirect.gather @!p0 [hbm4b:s4+s29], $0x20, s30, s29, $0xb8;
	[tilespmem:$0x1ADD0] =	vst v63  }
0x1a8: {  	p1 =	por p1, p0;
	s30 =	simm.s32 @!p0 $0x6D0;
	s31 =	simm.s32 @!p0 $0xCDD0  }
0x1a9: {  	[tilespmem:s31], [sflag:$0x3] =	stream.indirect.gather @!p0 [hbm4b:s4+s29], $0x20, s30, s29, $0xb8;
	[tilespmem:$0x1ADD0] =	vst v63  }
0x1aa: {  	s29 =	simm.s32 @!p1 $0x4  }
0x1ab: {  	_ =	swait.ge @!p1 [sflag:s29], $0x1000  }
0x1ac: {  	[sflag:s29] =	ssyncset.done @!p1 $0x0  }
0x1ad: {  	[sflag:s29] =	ssyncadd.s32 @!p1 $0xFFFFF000  }
0x1ae: {  	_ =	swait.ge @!p1 [sflag:s29], $0x1000  }
0x1af: {  	[sflag:s29] =	ssyncset.done @!p1 $0x0  }
0x1b0: {  	[sflag:s29] =	ssyncadd.s32 @!p1 $0xFFFFF000  }
0x1b1: {  	_ =	swait.ge @!p1 [sflag:s29], $0x1000  }
0x1b2: {  	[sflag:s29] =	ssyncset.done @!p1 $0x0  }
0x1b3: {  	[sflag:s29] =	ssyncadd.s32 @!p1 $0xFFFFF000  }
0x1b4: {  	_ =	swait.ge @!p1 [sflag:s29], $0x1000  }
0x1b5: {  	[sflag:s29] =	ssyncset.done @!p1 $0x0  }
0x1b6: {  	[sflag:s29] =	ssyncadd.s32 @!p1 $0xFFFFF000  }
0x1b7: {  	_ =	swait.ge @!p1 [sflag:s29], $0x1000  }
0x1b8: {  	[sflag:s29] =	ssyncset.done @!p1 $0x0  }
0x1b9: {  	[sflag:s29] =	ssyncadd.s32 @!p1 $0xFFFFF000  }
0x1ba: {  	_ =	swait.ge @!p1 [sflag:s29], $0x1000  }
0x1bb: {  	[sflag:s29] =	ssyncset.done @!p1 $0x0  }
0x1bc: {  	[sflag:s29] =	ssyncadd.s32 @!p1 $0xFFFFF000  }
0x1bd: {  	_ =	swait.ge @!p1 [sflag:s29], $0x1000  }
0x1be: {  	[sflag:s29] =	ssyncset.done @!p1 $0x0  }
0x1bf: {  	[sflag:s29] =	ssyncadd.s32 @!p1 $0xFFFFF000  }
0x1c0: {  	_ =	swait.ge @!p1 [sflag:s29], $0x1000  }
0x1c1: {  	[sflag:s29] =	ssyncset.done @!p1 $0x0  }
0x1c2: {  	[sflag:s29] =	ssyncadd.s32 @!p1 $0xFFFFF000  }
0x1c3: {  	_ =	swait.ge @!p1 [sflag:s29], $0x1000  }
0x1c4: {  	[sflag:s29] =	ssyncset.done @!p1 $0x0  }
0x1c5: {  	[sflag:s29] =	ssyncadd.s32 @!p1 $0xFFFFF000  }
0x1c6: {  	_ =	swait.ge @!p1 [sflag:s29], $0x1000  }
0x1c7: {  	[sflag:s29] =	ssyncset.done @!p1 $0x0  }
0x1c8: {  	[sflag:s29] =	ssyncadd.s32 @!p1 $0xFFFFF000  }
0x1c9: {  	_ =	swait.ge @!p1 [sflag:s29], $0x1000  }
0x1ca: {  	[sflag:s29] =	ssyncset.done @!p1 $0x0  }
0x1cb: {  	[sflag:s29] =	ssyncadd.s32 @!p1 $0xFFFFF000  }
0x1cc: {  	_ =	swait.ge @!p1 [sflag:s29], $0x1000  }
0x1cd: {  	[sflag:s29] =	ssyncset.done @!p1 $0x0  }
0x1ce: {  	[sflag:s29] =	ssyncadd.s32 @!p1 $0xFFFFF000  }
0x1cf: {  	_ =	swait.ge @!p1 [sflag:s29], $0x1000  }
0x1d0: {  	[sflag:s29] =	ssyncset.done @!p1 $0x0  }
0x1d1: {  	[sflag:s29] =	ssyncadd.s32 @!p1 $0xFFFFF000;
	s29 =	sshrl.u32 @!p1 s25, $0x3  }
0x1d2: {  	s30 =	simm.s32 @!p1 $0x0;
	s31 =	simm.s32 @!p1 $0xDDD0;
	s29 =	sadd.s32 @!p1 s1, s29  }
0x1d3: {  	[hbm4b:s29+s30] =	stream.linear.scatter @!p1 [tilespmem:s31], [sflag:$0x6], $0xD000, $0x38;
	[tilespmem:$0x1ADD0] =	vst v63  }
0x1d4: {  	s29 =	sshrl.u32 @!p0 s24, $0x3;
	s30 =	simm.s32 @!p0 $0x0  }
0x1d5: {  	s31 =	simm.s32 @!p0 $0x750;
	p1 =	seq.s32 @!p0 s28, $0x0;
	s29 =	sadd.s32 @!p0 s5, s29  }
0x1d6: {  	[tilespmem:s31], [sflag:$0x2] =	stream.linear.gather @!p0 [hbm4b:s29+s30], $0x680, $0x38;
	[tilespmem:$0x1ADD0] =	vst v63  }
0x1d7: {  	p0 =	por p0, !p1  }
.Ltmp4:
0x1d8: {  	_ = 	snop;
	(pc) =	sbr.rel @!p0 .LBB2_5-.Ltmp4, $1  }
0x1d9: {  	_ =	sdelay $0x3  }
0x1da: {  	_ =	swait.ge [sflag:s16], $0x680  }
0x1db: {  	[sflag:s16] =	ssyncset.done $0x0  }
0x1dc: {  	[sflag:s16] =	ssyncadd.s32 $0xFFFFF980  }
0x1dd: {  	v62 =	vld [tilespmem:$0x950];
	_ =	sdelay $0x1  }
0x1de: {  	v10 =	vld [tilespmem:$0x750]  }
0x1df: {  	v11 =	vld [tilespmem:$0x0]  }
0x1e0: {  	v18 =	vld [tilespmem:$0x760]  }
0x1e1: {  	[tilespmem:$0x1F8E0] =	vst v62;
	v62 =	vld [tilespmem:$0x60]  }
0x1e2: {  	v19 =	vld [tilespmem:$0x10]  }
0x1e3: {  	v27 =	vld [tilespmem:$0x770]  }
0x1e4: {  	v28 =	vld [tilespmem:$0x20]  }
0x1e5: {  	v36 =	vld [tilespmem:$0x780]  }
0x1e6: {  	[tilespmem:$0x1F8F0] =	vst v62;
	v62 =	vld [tilespmem:$0x960]  }
0x1e7: {  	v41 =	vld [tilespmem:$0x30]  }
0x1e8: {  	v42 =	vld [tilespmem:$0x790]  }
0x1e9: {  	v49 =	vld [tilespmem:$0x40]  }
0x1ea: {  	v50 =	vld [tilespmem:$0x7A0]  }
0x1eb: {  	[tilespmem:$0x1F900] =	vst v62;
	v62 =	vld [tilespmem:$0x70]  }
0x1ec: {  	v57 =	vld [tilespmem:$0x50]  }
0x1ed: {  	v58 =	vld [tilespmem:$0x7B0]  }
0x1ee: {  	v63 =	vld [tilespmem:$0x60]  }
0x1ef: {  	v1 =	vld [tilespmem:$0x7C0]  }
0x1f0: {  	[tilespmem:$0x1F910] =	vst v62;
	v62 =	vld [tilespmem:$0x970]  }
0x1f1: {  	v0 =	vld [tilespmem:$0x70]  }
0x1f2: {  	v3 =	vld [tilespmem:$0x7D0]  }
0x1f3: {  	v2 =	vld [tilespmem:$0x80]  }
0x1f4: {  	v5 =	vld [tilespmem:$0x7E0]  }
0x1f5: {  	[tilespmem:$0x1F920] =	vst v62;
	v62 =	vld [tilespmem:$0x80]  }
0x1f6: {  	v4 =	vld [tilespmem:$0x90]  }
0x1f7: {  	v7 =	vld [tilespmem:$0x7F0]  }
0x1f8: {  	v6 =	vld [tilespmem:$0xA0]  }
0x1f9: {  	v9 =	vld [tilespmem:$0x800]  }
0x1fa: {  	[tilespmem:$0x1F930] =	vst v62;
	v62 =	vld [tilespmem:$0x980]  }
0x1fb: {  	v8 =	vld [tilespmem:$0xB0]  }
0x1fc: {  	v13 =	vld [tilespmem:$0x810]  }
0x1fd: {  	v12 =	vld [tilespmem:$0xC0]  }
0x1fe: {  	v15 =	vld [tilespmem:$0x820]  }
0x1ff: {  	[tilespmem:$0x1F940] =	vst v62;
	v62 =	vld [tilespmem:$0x90]  }
0x200: {  	v14 =	vld [tilespmem:$0x0]  }
0x201: {  	v17 =	vld [tilespmem:$0x830]  }
0x202: {  	v16 =	vld [tilespmem:$0x10]  }
0x203: {  	v21 =	vld [tilespmem:$0x840]  }
0x204: {  	[tilespmem:$0x1F950] =	vst v62;
	v62 =	vld [tilespmem:$0x990]  }
0x205: {  	v20 =	vld [tilespmem:$0x20]  }
0x206: {  	v23 =	vld [tilespmem:$0x850]  }
0x207: {  	v22 =	vld [tilespmem:$0x30]  }
0x208: {  	v25 =	vld [tilespmem:$0x860]  }
0x209: {  	[tilespmem:$0x1F960] =	vst v62;
	v62 =	vld [tilespmem:$0xA0]  }
0x20a: {  	v24 =	vld [tilespmem:$0x40]  }
0x20b: {  	v29 =	vld [tilespmem:$0x870]  }
0x20c: {  	v26 =	vld [tilespmem:$0x50]  }
0x20d: {  	v31 =	vld [tilespmem:$0x880]  }
0x20e: {  	[tilespmem:$0x1F970] =	vst v62;
	v62 =	vld [tilespmem:$0x9A0]  }
0x20f: {  	v30 =	vld [tilespmem:$0x60]  }
0x210: {  	v34 =	vld [tilespmem:$0x890]  }
0x211: {  	v32 =	vld [tilespmem:$0x70]  }
0x212: {  	v35 =	vld [tilespmem:$0x8A0]  }
0x213: {  	[tilespmem:$0x1F980] =	vst v62;
	v62 =	vld [tilespmem:$0xB0]  }
0x214: {  	v33 =	vld [tilespmem:$0x80]  }
0x215: {  	v39 =	vld [tilespmem:$0x8B0]  }
0x216: {  	v37 =	vld [tilespmem:$0x90]  }
0x217: {  	v43 =	vld [tilespmem:$0x8C0]  }
0x218: {  	[tilespmem:$0x1F990] =	vst v62;
	v62 =	vld [tilespmem:$0x9B0]  }
0x219: {  	v38 =	vld [tilespmem:$0xA0]  }
0x21a: {  	v45 =	vld [tilespmem:$0x8D0]  }
0x21b: {  	v40 =	vld [tilespmem:$0xB0]  }
0x21c: {  	v47 =	vld [tilespmem:$0x8E0]  }
0x21d: {  	[tilespmem:$0x1F9A0] =	vst v62;
	v62 =	vld [tilespmem:$0xC0]  }
0x21e: {  	v44 =	vld [tilespmem:$0xC0]  }
0x21f: {  	v51 =	vld [tilespmem:$0x8F0]  }
0x220: {  	v46 =	vld [tilespmem:$0x0]  }
0x221: {  	v53 =	vld [tilespmem:$0x900]  }
0x222: {  	[tilespmem:$0x1F9B0] =	vst v62;
	v62 =	vld [tilespmem:$0x9C0]  }
0x223: {  	v48 =	vld [tilespmem:$0x10]  }
0x224: {  	v55 =	vld [tilespmem:$0x910]  }
0x225: {  	v52 =	vld [tilespmem:$0x20]  }
0x226: {  	v59 =	vld [tilespmem:$0x920]  }
0x227: {  	[tilespmem:$0x1F9C0] =	vst v62;
	v62 =	vld [tilespmem:$0x0]  }
0x228: {  	v61 =	vld [tilespmem:$0x940]  }
0x229: {  	v54 =	vld [tilespmem:$0x30]  }
0x22a: {  	v60 =	vld [tilespmem:$0x930]  }
0x22b: {  	v56 =	vld [tilespmem:$0x40]  }
0x22c: {  	[tilespmem:$0x1F9D0] =	vst v62;
	v62 =	vld [tilespmem:$0x9D0]  }
0x22d: {  	[tilespmem:$0x1F8D0] =	vst v61;
	v61 =	vld [tilespmem:$0x50]  }
0x22e: {  	v18 =	vadd.s32 v18, v19;
	v19 =	vld [tilespmem:$0xAC0]  }
0x22f: {  	v27 =	vadd.s32 v27, v28;
	v28 =	vld [tilespmem:$0x30]  }
0x230: {  	v36 =	vadd.s32 v36, v41;
	v41 =	vld [tilespmem:$0xAD0]  }
0x231: {  	[tilespmem:$0x1F9E0] =	vst v62;
	v62 =	vld [tilespmem:$0x10]  }
0x232: {  	v42 =	vadd.s32 v42, v49;
	v49 =	vld [tilespmem:$0x40]  }
0x233: {  	v50 =	vadd.s32 v50, v57;
	v57 =	vld [tilespmem:$0xAE0]  }
0x234: {  	v58 =	vadd.s32 v58, v63;
	v63 =	vadd.s32 v3, v2;
	v2 =	vld [tilespmem:$0xC0]  }
0x235: {  	v3 =	vld [tilespmem:$0xB60]  }
0x236: {  	[tilespmem:$0x1F9F0] =	vst v62;
	v62 =	vld [tilespmem:$0x9E0]  }
0x237: {  	v0 =	vadd.s32 v1, v0;
	v1 =	vld [tilespmem:$0x0]  }
0x238: {  	v5 =	vadd.s32 v5, v4;
	v4 =	vld [tilespmem:$0xB70]  }
0x239: {  	[tilespmem:$0x790] =	vst v42;
	v42 =	vld [tilespmem:$0xAF0]  }
0x23a: {  	[tilespmem:$0x7A0] =	vst v50;
	v50 =	vld [tilespmem:$0xB00]  }
0x23b: {  	[tilespmem:$0x1FA00] =	vst v62;
	v62 =	vld [tilespmem:$0x20]  }
0x23c: {  	[tilespmem:$0x7B0] =	vst v58;
	v58 =	vld [tilespmem:$0xB10]  }
0x23d: {  	[tilespmem:$0x780] =	vst v36;
	v36 =	vld [tilespmem:$0x80]  }
0x23e: {  	[tilespmem:$0x7D0] =	vst v63;
	v63 =	vld [tilespmem:$0xB20]  }
0x23f: {  	[tilespmem:$0x770] =	vst v27;
	v27 =	vld [tilespmem:$0x90]  }
0x240: {  	[tilespmem:$0x1FA10] =	vst v62;
	v62 =	vld [tilespmem:$0x9F0]  }
0x241: {  	v10 =	vadd.s32 v10, v11;
	v11 =	vadd.s32 v21, v20;
	[tilespmem:$0x760] =	vst v18;
	v18 =	vld [tilespmem:$0xA0]  }
0x242: {  	[tilespmem:$0x840] =	vst v11;
	v11 =	vld [tilespmem:$0xB50]  }
0x243: {  	v6 =	vadd.s32 v7, v6;
	[tilespmem:$0x7E0] =	vst v5;
	v5 =	vld [tilespmem:$0x10]  }
0x244: {  	[tilespmem:$0x7F0] =	vst v6;
	v6 =	vld [tilespmem:$0xB80]  }
0x245: {  	v7 =	vadd.s32 v9, v8;
	[tilespmem:$0x1FA20] =	vst v62;
	v62 =	vld [tilespmem:$0x30]  }
0x246: {  	v8 =	vadd.s32 v13, v12;
	[tilespmem:$0x800] =	vst v7;
	v7 =	vld [tilespmem:$0x20]  }
0x247: {  	v9 =	vadd.s32 v15, v14;
	[tilespmem:$0x810] =	vst v8;
	v8 =	vld [tilespmem:$0xB90]  }
0x248: {  	v12 =	vadd.s32 v23, v22;
	[tilespmem:$0x820] =	vst v9;
	v9 =	vld [tilespmem:$0x30]  }
0x249: {  	[tilespmem:$0x850] =	vst v12;
	v12 =	vld [tilespmem:$0xBA0]  }
0x24a: {  	v13 =	vadd.s32 v25, v24;
	[tilespmem:$0x1FA30] =	vst v62;
	v62 =	vld [tilespmem:$0xA00]  }
0x24b: {  	[tilespmem:$0x860] =	vst v13;
	v13 =	vld [tilespmem:$0x40]  }
0x24c: {  	v14 =	vadd.s32 v29, v26;
	v15 =	vadd.s32 v31, v30;
	v31 =	vld [tilespmem:$0x1F8D0]  }
0x24d: {  	[tilespmem:$0x870] =	vst v14;
	v14 =	vld [tilespmem:$0xBB0]  }
0x24e: {  	[tilespmem:$0x750] =	vst v10;
	v10 =	vadd.s32 v17, v16;
	v16 =	vadd.s32 v34, v32;
	v32 =	vld [tilespmem:$0x1F8E0]  }
0x24f: {  	[tilespmem:$0x1FA40] =	vst v62;
	v62 =	vld [tilespmem:$0x40]  }
0x250: {  	v20 =	vadd.s32 v39, v37;
	[tilespmem:$0x880] =	vst v15;
	v15 =	vld [tilespmem:$0x50]  }
0x251: {  	v21 =	vadd.s32 v43, v38;
	[tilespmem:$0x8B0] =	vst v20;
	v20 =	vld [tilespmem:$0xBD0]  }
0x252: {  	v22 =	vadd.s32 v45, v40;
	[tilespmem:$0x8C0] =	vst v21;
	v21 =	vld [tilespmem:$0x70]  }
0x253: {  	[tilespmem:$0x8D0] =	vst v22;
	v22 =	vld [tilespmem:$0xBE0]  }
0x254: {  	v23 =	vadd.s32 v47, v44;
	[tilespmem:$0x1FA50] =	vst v62;
	v62 =	vld [tilespmem:$0xA10]  }
0x255: {  	v24 =	vadd.s32 v51, v46;
	[tilespmem:$0x8E0] =	vst v23;
	v23 =	vld [tilespmem:$0x80]  }
0x256: {  	v25 =	vadd.s32 v53, v48;
	[tilespmem:$0x8F0] =	vst v24;
	v24 =	vld [tilespmem:$0xBF0]  }
0x257: {  	v26 =	vadd.s32 v55, v52;
	[tilespmem:$0x900] =	vst v25;
	v25 =	vld [tilespmem:$0x90]  }
0x258: {  	[tilespmem:$0x910] =	vst v26;
	v26 =	vld [tilespmem:$0xC00]  }
0x259: {  	v29 =	vadd.s32 v59, v54;
	[tilespmem:$0x1FA60] =	vst v62;
	v62 =	vld [tilespmem:$0x50]  }
0x25a: {  	v30 =	vadd.s32 v60, v56;
	[tilespmem:$0x920] =	vst v29;
	v29 =	vld [tilespmem:$0xA0]  }
0x25b: {  	[tilespmem:$0x930] =	vst v30;
	v30 =	vld [tilespmem:$0xC10]  }
0x25c: {  	[tilespmem:$0x830] =	vst v10;
	v10 =	vld [tilespmem:$0xB0]  }
0x25d: {  	[tilespmem:$0x890] =	vst v16;
	v16 =	vld [tilespmem:$0xBC0]  }
0x25e: {  	v17 =	vadd.s32 v35, v33;
	[tilespmem:$0x1FA70] =	vst v62;
	v62 =	vld [tilespmem:$0xA20]  }
0x25f: {  	[tilespmem:$0x8A0] =	vst v17;
	v17 =	vld [tilespmem:$0x60]  }
0x260: {  	[tilespmem:$0x1FBD0] =	vst v41;
	v41 =	vld [tilespmem:$0x50]  }
0x261: {  	[tilespmem:$0x1FBE0] =	vst v49;
	v49 =	vld [tilespmem:$0x60]  }
0x262: {  	[tilespmem:$0x1FBF0] =	vst v57;
	v57 =	vld [tilespmem:$0x70]  }
0x263: {  	[tilespmem:$0x1FA80] =	vst v62;
	v62 =	vld [tilespmem:$0x60]  }
0x264: {  	[tilespmem:$0x1FBC0] =	vst v28;
	v28 =	vld [tilespmem:$0xB30]  }
0x265: {  	[tilespmem:$0x1FBB0] =	vst v19;
	v19 =	vld [tilespmem:$0xB40]  }
0x266: {  	v33 =	vld [tilespmem:$0x1F8F0]  }
0x267: {  	[tilespmem:$0x7C0] =	vst v0;
	v0 =	vadd.s32 v31, v61;
	v31 =	vld [tilespmem:$0xB0]  }
0x268: {  	[tilespmem:$0x1FA90] =	vst v62;
	v62 =	vld [tilespmem:$0xA30]  }
0x269: {  	v34 =	vld [tilespmem:$0x1F900]  }
0x26a: {  	v35 =	vld [tilespmem:$0x1F910]  }
0x26b: {  	v37 =	vld [tilespmem:$0x1F920]  }
0x26c: {  	v38 =	vld [tilespmem:$0x1F930]  }
0x26d: {  	[tilespmem:$0x1FAA0] =	vst v62;
	v62 =	vld [tilespmem:$0x70]  }
0x26e: {  	v39 =	vld [tilespmem:$0x1F940]  }
0x26f: {  	v40 =	vld [tilespmem:$0x1F950]  }
0x270: {  	v43 =	vld [tilespmem:$0x1F960]  }
0x271: {  	v44 =	vld [tilespmem:$0x1F970]  }
0x272: {  	[tilespmem:$0x1FAB0] =	vst v62;
	v62 =	vld [tilespmem:$0xA40]  }
0x273: {  	v45 =	vld [tilespmem:$0x1F980]  }
0x274: {  	v46 =	vld [tilespmem:$0x1F990]  }
0x275: {  	v47 =	vld [tilespmem:$0x1F9A0]  }
0x276: {  	v48 =	vld [tilespmem:$0x1F9B0]  }
0x277: {  	[tilespmem:$0x1FAC0] =	vst v62;
	v62 =	vld [tilespmem:$0x80]  }
0x278: {  	v51 =	vld [tilespmem:$0x1F9C0]  }
0x279: {  	v52 =	vld [tilespmem:$0x1F9D0]  }
0x27a: {  	[tilespmem:$0x940] =	vst v0;
	v0 =	vadd.s32 v32, v33;
	v53 =	vld [tilespmem:$0x1F9E0]  }
0x27b: {  	[tilespmem:$0x950] =	vst v0;
	v54 =	vld [tilespmem:$0x1F9F0]  }
0x27c: {  	v0 =	vadd.s32 v34, v35;
	[tilespmem:$0x1FAD0] =	vst v62;
	v62 =	vld [tilespmem:$0xA50]  }
0x27d: {  	[tilespmem:$0x960] =	vst v0;
	v0 =	vadd.s32 v37, v38;
	v55 =	vld [tilespmem:$0x1FA00]  }
0x27e: {  	[tilespmem:$0x970] =	vst v0;
	v0 =	vadd.s32 v39, v40;
	v56 =	vld [tilespmem:$0x1FA10]  }
0x27f: {  	[tilespmem:$0x980] =	vst v0;
	v0 =	vadd.s32 v43, v44;
	v59 =	vld [tilespmem:$0x1FA20]  }
0x280: {  	[tilespmem:$0x990] =	vst v0;
	v60 =	vld [tilespmem:$0x1FA30]  }
0x281: {  	v0 =	vadd.s32 v45, v46;
	[tilespmem:$0x1FAE0] =	vst v62;
	v62 =	vld [tilespmem:$0x90]  }
0x282: {  	[tilespmem:$0x9A0] =	vst v0;
	v0 =	vadd.s32 v47, v48;
	v61 =	vld [tilespmem:$0x1FA40]  }
0x283: {  	[tilespmem:$0x9B0] =	vst v0;
	v0 =	vadd.s32 v51, v52;
	v33 =	vld [tilespmem:$0x1FA50]  }
0x284: {  	v32 =	vld [tilespmem:$0xC20];
	[tilespmem:$0x9C0] =	vst v0;
	v0 =	vadd.s32 v53, v54  }
0x285: {  	[tilespmem:$0x9D0] =	vst v0;
	v34 =	vld [tilespmem:$0x1FA60]  }
0x286: {  	v0 =	vadd.s32 v55, v56;
	[tilespmem:$0x1FAF0] =	vst v62;
	v62 =	vld [tilespmem:$0xA60]  }
0x287: {  	[tilespmem:$0x9E0] =	vst v0;
	v0 =	vadd.s32 v59, v60;
	v35 =	vld [tilespmem:$0x1FA70]  }
0x288: {  	[tilespmem:$0x9F0] =	vst v0;
	v0 =	vadd.s32 v61, v33;
	v33 =	vld [tilespmem:$0xC0]  }
0x289: {  	v37 =	vld [tilespmem:$0x1FA80]  }
0x28a: {  	v38 =	vld [tilespmem:$0x1FA90]  }
0x28b: {  	[tilespmem:$0x1FB00] =	vst v62;
	v62 =	vld [tilespmem:$0xA0]  }
0x28c: {  	[tilespmem:$0xA00] =	vst v0;
	v0 =	vadd.s32 v34, v35;
	v34 =	vld [tilespmem:$0xC30]  }
0x28d: {  	v35 =	vld [tilespmem:$0x0]  }
0x28e: {  	v39 =	vld [tilespmem:$0x1FAA0]  }
0x28f: {  	[tilespmem:$0xA10] =	vst v0;
	v0 =	vadd.s32 v37, v38;
	v37 =	vld [tilespmem:$0xC40]  }
0x290: {  	[tilespmem:$0x1FB10] =	vst v62;
	v62 =	vld [tilespmem:$0xA70]  }
0x291: {  	v40 =	vld [tilespmem:$0x1FAB0]  }
0x292: {  	v38 =	vld [tilespmem:$0x10]  }
0x293: {  	v43 =	vld [tilespmem:$0x1FAC0]  }
0x294: {  	v44 =	vld [tilespmem:$0x1FAD0]  }
0x295: {  	[tilespmem:$0x1FB20] =	vst v62;
	v62 =	vld [tilespmem:$0xB0]  }
0x296: {  	[tilespmem:$0xA20] =	vst v0;
	v0 =	vadd.s32 v39, v40;
	v39 =	vld [tilespmem:$0xC50]  }
0x297: {  	v40 =	vld [tilespmem:$0x20]  }
0x298: {  	v45 =	vld [tilespmem:$0x1FAE0]  }
0x299: {  	[tilespmem:$0xA30] =	vst v0;
	v0 =	vadd.s32 v43, v44;
	v43 =	vld [tilespmem:$0xC60]  }
0x29a: {  	[tilespmem:$0x1FB30] =	vst v62;
	v62 =	vld [tilespmem:$0xA80]  }
0x29b: {  	v46 =	vld [tilespmem:$0x1FAF0]  }
0x29c: {  	v44 =	vld [tilespmem:$0x30]  }
0x29d: {  	v47 =	vld [tilespmem:$0x1FB00]  }
0x29e: {  	v48 =	vld [tilespmem:$0x1FB10]  }
0x29f: {  	[tilespmem:$0x1FB40] =	vst v62;
	v62 =	vld [tilespmem:$0xC0]  }
0x2a0: {  	[tilespmem:$0xA40] =	vst v0;
	v0 =	vadd.s32 v45, v46;
	v45 =	vld [tilespmem:$0xC70]  }
0x2a1: {  	v46 =	vld [tilespmem:$0x40]  }
0x2a2: {  	v51 =	vld [tilespmem:$0x1FB20]  }
0x2a3: {  	[tilespmem:$0xA50] =	vst v0;
	v0 =	vadd.s32 v47, v48;
	v48 =	vld [tilespmem:$0x1FBC0]  }
0x2a4: {  	[tilespmem:$0x1FB50] =	vst v62;
	v62 =	vld [tilespmem:$0xA90]  }
0x2a5: {  	v52 =	vld [tilespmem:$0x1FB30]  }
0x2a6: {  	v47 =	vld [tilespmem:$0xC90]  }
0x2a7: {  	v53 =	vld [tilespmem:$0x1FB40]  }
0x2a8: {  	v54 =	vld [tilespmem:$0x1FB50]  }
0x2a9: {  	[tilespmem:$0x1FB60] =	vst v62;
	v62 =	vld [tilespmem:$0x0]  }
0x2aa: {  	[tilespmem:$0xA60] =	vst v0;
	v0 =	vadd.s32 v51, v52;
	v51 =	vld [tilespmem:$0x1FBD0]  }
0x2ab: {  	v13 =	vadd.s32 v12, v13;
	v52 =	vld [tilespmem:$0x1FBE0]  }
0x2ac: {  	[tilespmem:$0xBA0] =	vst v13;
	v55 =	vld [tilespmem:$0x1FB60]  }
0x2ad: {  	[tilespmem:$0xA70] =	vst v0;
	v0 =	vadd.s32 v53, v54;
	v53 =	vld [tilespmem:$0x1FBF0]  }
0x2ae: {  	v15 =	vadd.s32 v14, v15;
	[tilespmem:$0x1FB70] =	vst v62;
	v62 =	vld [tilespmem:$0xAA0]  }
0x2af: {  	v21 =	vadd.s32 v20, v21;
	[tilespmem:$0xBB0] =	vst v15;
	v56 =	vld [tilespmem:$0x1FB70]  }
0x2b0: {  	[tilespmem:$0xBD0] =	vst v21;
	v54 =	vadd.s32 v42, v49;
	v42 =	vld [tilespmem:$0x50]  }
0x2b1: {  	v49 =	vld [tilespmem:$0x0];
	[tilespmem:$0xA80] =	vst v0  }
0x2b2: {  	[tilespmem:$0xAF0] =	vst v54;
	v54 =	vadd.s32 v32, v33;
	v32 =	vld [tilespmem:$0xD60]  }
0x2b3: {  	[tilespmem:$0xC20] =	vst v54;
	v54 =	vld [tilespmem:$0xB0]  }
0x2b4: {  	[tilespmem:$0x1FB80] =	vst v62;
	v62 =	vld [tilespmem:$0x10];
	v0 =	vadd.s32 v55, v56  }
0x2b5: {  	v59 =	vld [tilespmem:$0x1FB80];
	v55 =	vadd.s32 v50, v57;
	[tilespmem:$0xA90] =	vst v0  }
0x2b6: {  	v56 =	vadd.s32 v58, v36;
	v36 =	vld [tilespmem:$0x60];
	[tilespmem:$0xB00] =	vst v55  }
0x2b7: {  	v57 =	vadd.s32 v63, v27;
	v27 =	vld [tilespmem:$0xCA0];
	[tilespmem:$0xB10] =	vst v56  }
0x2b8: {  	v58 =	vadd.s32 v28, v18;
	v18 =	vld [tilespmem:$0x70];
	[tilespmem:$0xB20] =	vst v57  }
0x2b9: {  	v63 =	vadd.s32 v6, v7;
	v6 =	vld [tilespmem:$0xCE0];
	[tilespmem:$0xB30] =	vst v58  }
0x2ba: {  	v28 =	vadd.s32 v22, v23;
	[tilespmem:$0xB80] =	vst v63;
	v55 =	vld [tilespmem:$0xD20]  }
0x2bb: {  	v50 =	vadd.s32 v26, v29;
	[tilespmem:$0xBE0] =	vst v28;
	v57 =	vld [tilespmem:$0x20]  }
0x2bc: {  	[tilespmem:$0xC00] =	vst v50;
	v56 =	vadd.s32 v34, v35;
	v34 =	vld [tilespmem:$0x60]  }
0x2bd: {  	[tilespmem:$0x1FB90] =	vst v62;
	v62 =	vld [tilespmem:$0xAB0]  }
0x2be: {  	v58 =	vadd.s32 v37, v38;
	[tilespmem:$0xC30] =	vst v56;
	v60 =	vld [tilespmem:$0x1FB90]  }
0x2bf: {  	v7 =	vld [tilespmem:$0xB0];
	[tilespmem:$0xC40] =	vst v58;
	v29 =	vadd.s32 v47, v36  }
0x2c0: {  	v63 =	vld [tilespmem:$0xD40];
	[tilespmem:$0xC90] =	vst v29;
	v47 =	vadd.s32 v55, v57  }
0x2c1: {  	v38 =	vld [tilespmem:$0x70];
	v55 =	vadd.s32 v32, v34;
	[tilespmem:$0xD20] =	vst v47  }
0x2c2: {  	v36 =	vld [tilespmem:$0xD70];
	[tilespmem:$0xD60] =	vst v55  }
0x2c3: {  	[tilespmem:$0x1FBA0] =	vst v62;
	v62 =	vld [tilespmem:$0x20];
	v0 =	vadd.s32 v59, v60  }
0x2c4: {  	v61 =	vld [tilespmem:$0x1FBA0];
	v59 =	vadd.s32 v19, v10;
	[tilespmem:$0xAA0] =	vst v0  }
0x2c5: {  	v28 =	vld [tilespmem:$0xD50];
	v60 =	vadd.s32 v11, v2;
	[tilespmem:$0xB40] =	vst v59  }
0x2c6: {  	v50 =	vld [tilespmem:$0xA0];
	v11 =	vadd.s32 v8, v9;
	[tilespmem:$0xB50] =	vst v60  }
0x2c7: {  	v10 =	vld [tilespmem:$0xCB0];
	v19 =	vadd.s32 v16, v17;
	[tilespmem:$0xB90] =	vst v11  }
0x2c8: {  	v2 =	vld [tilespmem:$0x80];
	v57 =	vadd.s32 v36, v38;
	[tilespmem:$0xBC0] =	vst v19  }
0x2c9: {  	v60 =	vadd.s32 v39, v40;
	[tilespmem:$0xD70] =	vst v57;
	v0 =	vadd.s32 v61, v62;
	v62 =	vld [tilespmem:$0x1FBB0]  }
0x2ca: {  	v56 =	vld [tilespmem:$0xDC0];
	v39 =	vadd.s32 v6, v7;
	[tilespmem:$0xC50] =	vst v60  }
0x2cb: {  	v58 =	vld [tilespmem:$0xC0];
	[tilespmem:$0xCE0] =	vst v39  }
0x2cc: {  	v61 =	vadd.s32 v3, v1;
	v1 =	vld [tilespmem:$0xCC0];
	[tilespmem:$0xAB0] =	vst v0  }
0x2cd: {  	v3 =	vld [tilespmem:$0x90];
	v33 =	vadd.s32 v10, v2;
	[tilespmem:$0xB60] =	vst v61  }
0x2ce: {  	v8 =	vld [tilespmem:$0xCF0];
	[tilespmem:$0xCB0] =	vst v33;
	v0 =	vadd.s32 v62, v48  }
0x2cf: {  	v9 =	vld [tilespmem:$0xC0];
	v62 =	vadd.s32 v4, v5;
	[tilespmem:$0xAC0] =	vst v0  }
0x2d0: {  	v11 =	vld [tilespmem:$0xD00];
	v48 =	vadd.s32 v24, v25;
	[tilespmem:$0xB70] =	vst v62  }
0x2d1: {  	v59 =	vld [tilespmem:$0xD30];
	v24 =	vadd.s32 v45, v46;
	[tilespmem:$0xBF0] =	vst v48  }
0x2d2: {  	v61 =	vld [tilespmem:$0x30];
	v35 =	vadd.s32 v1, v3;
	[tilespmem:$0xC70] =	vst v24  }
0x2d3: {  	v4 =	vld [tilespmem:$0xCD0];
	v0 =	vadd.s32 v51, v52;
	[tilespmem:$0xCC0] =	vst v35  }
0x2d4: {  	v5 =	vld [tilespmem:$0xA0];
	v52 =	vadd.s32 v30, v31;
	[tilespmem:$0xAD0] =	vst v0  }
0x2d5: {  	v46 =	vld [tilespmem:$0x90];
	v62 =	vadd.s32 v43, v44;
	[tilespmem:$0xC10] =	vst v52  }
0x2d6: {  	v31 =	vadd.s32 v27, v18;
	v44 =	vld [tilespmem:$0xD90];
	[tilespmem:$0xC60] =	vst v62  }
0x2d7: {  	v43 =	vadd.s32 v11, v49;
	v48 =	vld [tilespmem:$0xDA0];
	[tilespmem:$0xCA0] =	vst v31  }
0x2d8: {  	v49 =	vadd.s32 v59, v61;
	v0 =	vadd.s32 v53, v41;
	v41 =	vld [tilespmem:$0xC80];
	[tilespmem:$0xD00] =	vst v43  }
0x2d9: {  	v51 =	vld [tilespmem:$0xD10];
	[tilespmem:$0xD30] =	vst v49  }
0x2da: {  	v53 =	vld [tilespmem:$0x10];
	[tilespmem:$0xAE0] =	vst v0;
	v37 =	vadd.s32 v4, v5  }
0x2db: {  	v25 =	vld [tilespmem:$0x40];
	[tilespmem:$0xCD0] =	vst v37;
	v60 =	vadd.s32 v44, v46  }
0x2dc: {  	v30 =	vld [tilespmem:$0x50];
	v61 =	vadd.s32 v48, v50;
	[tilespmem:$0xD90] =	vst v60  }
0x2dd: {  	v52 =	vld [tilespmem:$0xDB0];
	v26 =	vadd.s32 v41, v42;
	[tilespmem:$0xDA0] =	vst v61  }
0x2de: {  	v40 =	vld [tilespmem:$0xD80];
	v41 =	vadd.s32 v8, v9;
	[tilespmem:$0xC80] =	vst v26  }
0x2df: {  	v42 =	vld [tilespmem:$0x80];
	v45 =	vadd.s32 v51, v53;
	[tilespmem:$0xCF0] =	vst v41  }
0x2e0: {  	v51 =	vadd.s32 v63, v25;
	[tilespmem:$0xD10] =	vst v45  }
0x2e1: {  	v53 =	vadd.s32 v28, v30;
	[tilespmem:$0xD40] =	vst v51  }
0x2e2: {  	v62 =	vadd.s32 v52, v54;
	[tilespmem:$0xD50] =	vst v53  }
0x2e3: {  	v63 =	vadd.s32 v56, v58;
	[tilespmem:$0xDB0] =	vst v62  }
0x2e4: {  	p0 =	slt.u32 s26, $0x2;
	[tilespmem:$0xDC0] =	vst v63;
	v59 =	vadd.s32 v40, v42  }
0x2e5: {  	s28 =	simm.s32 @!p0 $0x6;
	[tilespmem:$0xD80] =	vst v59  }
0x2e6: {  	_ =	swait.ge @!p0 [sflag:s28], $0xD000  }
0x2e7: {  	[sflag:s28] =	ssyncset.done @!p0 $0x0  }
0x2e8: {  	s29 =	simm.s32 $0x750;
	[sflag:s28] =	ssyncadd.s32 @!p0 $0xFFFF3000  }
0x2e9: {  	[tilespmem:s13], [sflag:$0x4] =	stream.indirect.gather [hbm4b:s4+s17], $0x20, s29, s17, $0xb8;
	[tilespmem:$0x1ADD0] =	vst v63  }
0x2ea: {  	s30 =	simm.s32 $0x7D0;
	s29 =	simm.s32 $0xEDD0  }
0x2eb: {  	[tilespmem:s29], [sflag:$0x4] =	stream.indirect.gather [hbm4b:s4+s17], $0x20, s30, s17, $0xb8;
	[tilespmem:$0x1ADD0] =	vst v63  }
0x2ec: {  	s31 =	simm.s32 $0x850;
	s30 =	simm.s32 $0xFDD0  }
0x2ed: {  	[tilespmem:s30], [sflag:$0x4] =	stream.indirect.gather [hbm4b:s4+s17], $0x20, s31, s17, $0xb8;
	[tilespmem:$0x1ADD0] =	vst v63  }
0x2ee: {  	s31 =	simm.s32 $0x8D0;
	s30 =	simm.s32 $0x10DD0  }
0x2ef: {  	[tilespmem:s30], [sflag:$0x4] =	stream.indirect.gather [hbm4b:s4+s17], $0x20, s31, s17, $0xb8;
	[tilespmem:$0x1ADD0] =	vst v63  }
0x2f0: {  	s31 =	simm.s32 $0x950;
	s30 =	simm.s32 $0x11DD0  }
0x2f1: {  	[tilespmem:s30], [sflag:$0x4] =	stream.indirect.gather [hbm4b:s4+s17], $0x20, s31, s17, $0xb8;
	[tilespmem:$0x1ADD0] =	vst v63  }
0x2f2: {  	s31 =	simm.s32 $0x9D0;
	s30 =	simm.s32 $0x12DD0  }
0x2f3: {  	[tilespmem:s30], [sflag:$0x4] =	stream.indirect.gather [hbm4b:s4+s17], $0x20, s31, s17, $0xb8;
	[tilespmem:$0x1ADD0] =	vst v63  }
0x2f4: {  	s31 =	simm.s32 $0xA50;
	s30 =	simm.s32 $0x13DD0  }
0x2f5: {  	[tilespmem:s30], [sflag:$0x4] =	stream.indirect.gather [hbm4b:s4+s17], $0x20, s31, s17, $0xb8;
	[tilespmem:$0x1ADD0] =	vst v63  }
0x2f6: {  	_ = 	snop  }
0x2f7: {  	[tilespmem:s3], [sflag:$0x4] =	stream.indirect.gather [hbm4b:s4+s17], $0x20, s0, s17, $0xb8;
	[tilespmem:$0x1ADD0] =	vst v63  }
0x2f8: {  	_ = 	snop  }
0x2f9: {  	[tilespmem:s7], [sflag:$0x4] =	stream.indirect.gather [hbm4b:s4+s17], $0x20, s6, s17, $0xb8;
	[tilespmem:$0x1ADD0] =	vst v63  }
0x2fa: {  	_ = 	snop  }
0x2fb: {  	[tilespmem:s10], [sflag:$0x4] =	stream.indirect.gather [hbm4b:s4+s17], $0x20, s8, s17, $0xb8;
	[tilespmem:$0x1ADD0] =	vst v63  }
0x2fc: {  	_ = 	snop  }
0x2fd: {  	[tilespmem:s14], [sflag:$0x4] =	stream.indirect.gather [hbm4b:s4+s17], $0x20, s11, s17, $0xb8;
	[tilespmem:$0x1ADD0] =	vst v63  }
0x2fe: {  	_ = 	snop  }
0x2ff: {  	[tilespmem:s18], [sflag:$0x4] =	stream.indirect.gather [hbm4b:s4+s17], $0x20, s15, s17, $0xb8;
	[tilespmem:$0x1ADD0] =	vst v63  }
0x300: {  	_ = 	snop  }
0x301: {  	[tilespmem:s20], [sflag:$0x4] =	stream.indirect.gather [hbm4b:s4+s17], $0x20, s19, s17, $0xb8;
	[tilespmem:$0x1ADD0] =	vst v63  }
0x302: {  	_ =	swait.ge [sflag:s21], $0x1000  }
0x303: {  	[sflag:s21] =	ssyncset.done $0x0  }
0x304: {  	[sflag:s21] =	ssyncadd.s32 $0xFFFFF000  }
0x305: {  	_ =	swait.ge [sflag:s21], $0x1000  }
0x306: {  	[sflag:s21] =	ssyncset.done $0x0  }
0x307: {  	[sflag:s21] =	ssyncadd.s32 $0xFFFFF000  }
0x308: {  	_ =	swait.ge [sflag:s21], $0x1000  }
0x309: {  	[sflag:s21] =	ssyncset.done $0x0  }
0x30a: {  	[sflag:s21] =	ssyncadd.s32 $0xFFFFF000  }
0x30b: {  	_ =	swait.ge [sflag:s21], $0x1000  }
0x30c: {  	[sflag:s21] =	ssyncset.done $0x0  }
0x30d: {  	[sflag:s21] =	ssyncadd.s32 $0xFFFFF000  }
0x30e: {  	_ =	swait.ge [sflag:s21], $0x1000  }
0x30f: {  	[sflag:s21] =	ssyncset.done $0x0  }
0x310: {  	[sflag:s21] =	ssyncadd.s32 $0xFFFFF000  }
0x311: {  	_ =	swait.ge [sflag:s21], $0x1000  }
0x312: {  	[sflag:s21] =	ssyncset.done $0x0  }
0x313: {  	[sflag:s21] =	ssyncadd.s32 $0xFFFFF000  }
0x314: {  	_ =	swait.ge [sflag:s21], $0x1000  }
0x315: {  	[sflag:s21] =	ssyncset.done $0x0  }
0x316: {  	[sflag:s21] =	ssyncadd.s32 $0xFFFFF000  }
0x317: {  	_ =	swait.ge [sflag:s21], $0x1000  }
0x318: {  	[sflag:s21] =	ssyncset.done $0x0  }
0x319: {  	[sflag:s21] =	ssyncadd.s32 $0xFFFFF000  }
0x31a: {  	_ =	swait.ge [sflag:s21], $0x1000  }
0x31b: {  	[sflag:s21] =	ssyncset.done $0x0  }
0x31c: {  	[sflag:s21] =	ssyncadd.s32 $0xFFFFF000  }
0x31d: {  	_ =	swait.ge [sflag:s21], $0x1000  }
0x31e: {  	[sflag:s21] =	ssyncset.done $0x0  }
0x31f: {  	[sflag:s21] =	ssyncadd.s32 $0xFFFFF000  }
0x320: {  	_ =	swait.ge [sflag:s21], $0x1000  }
0x321: {  	[sflag:s21] =	ssyncset.done $0x0  }
0x322: {  	[sflag:s21] =	ssyncadd.s32 $0xFFFFF000  }
0x323: {  	_ =	swait.ge [sflag:s21], $0x1000  }
0x324: {  	p0 =	seq.s32 s26, $0x7;
	[sflag:s21] =	ssyncset.done $0x0  }
.Ltmp5:
0x325: {  	[sflag:s21] =	ssyncadd.s32 $0xFFFFF000;
	(pc) =	sbr.rel @p0 .LBB2_6-.Ltmp5, $4  }
0x326: {  	_ =	swait.ge [sflag:s21], $0x1000  }
0x327: {  	s31 =	sshrl.u32 s25, $0x3;
	[sflag:s21] =	ssyncset.done $0x0  }
0x328: {  	s28 =	sadd.s32 s1, s31;
	[sflag:s21] =	ssyncadd.s32 $0xFFFFF000  }
0x329: {  	[hbm4b:s28+s2] =	stream.linear.scatter [tilespmem:s22], [sflag:$0x5], $0xD000, $0x38;
	[tilespmem:$0x1ADD0] =	vst v63  }
.Ltmp6:
0x32a: {  	(pc) =	sbr.rel .LBB2_5-.Ltmp6, $4  }
0x32b: {  	_ = 	snop  }
0x32c: {  	s28 =	sshrl.u32 s24, $0x3  }
0x32d: {  	s28 =	sadd.s32 s5, s28  }
0x32e: {  	[tilespmem:s9], [sflag:$0x1] =	stream.linear.gather [hbm4b:s28+s2], $0x680, $0x38;
	[tilespmem:$0x1ADD0] =	vst v63  }
.LBB2_7:
0x32f: {  	_ =	sfence.sel $0x180000  }
0x330: {  	[bflag:$0x0] =	sbarrier.arrive $0xFFFF  }
0x331: {  	_ =	strace $0x90000047  }
0x332: {  	s0 =	stileid.u32;
	[bflag:$0x2] =	sbarrier.arrive $0xFFFF  }
0x333: {  	p0 =	sne.s32 s0, $0x0;
	s0 =	rddreg [dreg:$0x2]  }
0x334: {  	s0 =	sadd.s32 @!p0 $0x100000, s0  }
0x335: {  	[sflag:s0] =	ssyncadd.tile.s32 @!p0 $0x1;
	_ =	shalt  }
.Lfunc_end2:
_tile_overlayer_lowered:
.L_overlay_start_2:
0x336: {  	(tag) =	ssettag $0x2  }
0x337: {  	s0 =	rddreg [dreg:$0x0];
	s2 =	stileid.u32  }
0x338: {  	s1 =	rddreg [dreg:$0x1];
	p0 =	sne.s32 s2, $0x0  }
0x339: {  	s3 =	rddreg [dreg:$0x2];
	[bflag:$0x3] =	sbarrier.arrive $0xFFFF;
	s2 =	simm.s32 @!p0 $0x1C07  }
0x33a: {  	[timem:s3], [sflag:s2] =	dma.local @!p0 [hbm:s0], s1  }
0x33b: {  	s0 =	simm.s32 @!p0 $0x7  }
0x33c: {  	_ =	swait.ge @!p0 [sflag:s0], s1  }
0x33d: {  	s1 =	ssub.s32 @!p0 $0x0, s1;
	[sflag:s0] =	ssyncset.done @!p0 $0x0  }
0x33e: {  	[sflag:s0] =	ssyncadd.s32 @!p0 s1  }
0x33f: {  	[bflag:$0x3] =	sbarrier.arrive $0xFFFF  }
0x340: {  	_ =	shalt  }

// kernel: sparse-core-data-format-call.cloned.1.call-start
scs
called_computation_lowered:
.L_overlay_start_0:
0x0: {  	s2 =	sld [smem:$0x3FD9]  }
0x1: {  	s3 =	sld [smem:$0x3FFE];
	_ =	sdelay $0x1  }
0x2: {  	s1 =	srdreg.scid  }
0x3: {  	s0 =	sand.u32 $0x1, s1  }
0x4: {  	s18 =	sshll.u32 s0, $0xA;
	s2 =	sadd.s32 s3, s2  }
0x5: {  	s2 =	sadd.s32 s2, s18  }
0x6: {  	[smem:$0x3FC6] =	sst s2  }
0x7: {  	_ = 	snop  }
0x8: {  	s2 =	sld [smem:$0x3FD0];
	(tm) =	ssettm $0x1  }
0x9: {  	s19 =	sld [smem:$0x3FFB];
	_ =	sdelay $0x3  }
0xa: {  	_ =	strace s19  }
0xb: {  	s3 =	sld [smem:$0x3FFC];
	_ =	sdelay $0x3  }
0xc: {  	_ =	strace s3  }
0xd: {  	s3 =	sld [smem:$0x3FFD];
	_ =	sdelay $0x3  }
0xe: {  	_ =	strace s3  }
0xf: {  	_ =	strace $0x8FFFFFFF  }
0x10: {  	s20 =	sld [smem:$0x3FDB];
	_ =	sdelay $0x1  }
0x11: {  	s4 =	simm.s32 $_scs_section_size  }
0x12: {  	s5 =	simm.s32 $_size__tile_overlayer_lowered;
	s6 =	simm.s32 $_tile_overlayer_lowered  }
0x13: {  	s23 =	simm.s32 $0x1BFF;
	s22 =	sshll.u32 s6, $0x1;
	s3 =	sadd.s32 s4, s20  }
0x14: {  	s7 =	simm.s32 $0x0;
	s21 =	sshll.u32 s5, $0x1;
	s5 =	sadd.s32 s22, s3  }
0x15: {  	[timem:s7], [sflag:s23] =	dma.local [hbm:s5], s21  }
0x16: {  	_ =	swait.ge [sflag:s23], s21  }
0x17: {  	s4 =	ssub.s32 $0x0, s21;
	[sflag:s23] =	ssyncset.done $0x0  }
0x18: {  	[sflag:s23] =	ssyncadd.s32 s4;
	_ =	sdelay $0x1  }
0x19: {  	s24 =	simm.s32 $0x1B8B  }
0x1a: {  	_ =	swait.ge [sflag:s24], $0x1  }
0x1b: {  	[sflag:s24] =	ssyncset.done $0x0  }
0x1c: {  	s26 =	simm.s32 $0x1B8E;
	s25 =	sld [smem:$0x3FFE];
	[sflag:s24] =	ssyncadd.s32 $0xFFFFFFFF  }
0x1d: {  	s27 =	simm.s32 $execute0_lowered;
	[smem:$0x3FD2] =	sst s26  }
0x1e: {  	s5 =	sshll.u32 s27, $0x1;
	_ =	strace $0x80000049;
	[dreg:$0x1] =	wrdreg $0xFFFFFFFF  }
0x1f: {  	s28 =	simm.s32 $_size_execute0_lowered;
	s3 =	sadd.s32 s3, s5;
	[dreg:$0x0] =	wrdreg $0x0  }
0x20: {  	s5 =	sshll.u32 s28, $0x1;
	[dreg:$0x2] =	wrdreg s3  }
0x21: {  	[dreg:$0x3] =	wrdreg s5  }
0x22: {  	[dreg:$0x4] =	wrdreg $0xC0  }
0x23: {  	_ =	task [dreg:s7], $0x5FFFF  }
0x24: {  	[dreg:$0x1] =	wrdreg $0xFFFFFFFF  }
0x25: {  	[dreg:$0x0] =	wrdreg $0x60  }
0x26: {  	[dreg:$0x2] =	wrdreg s25  }
0x27: {  	[dreg:$0x3] =	wrdreg s2  }
0x28: {  	[dreg:$0x4] =	wrdreg $0x9  }
0x29: {  	_ =	task.clear_ibuf [dreg:s7], $0x5FFFF;
	_ =	strace $0x90000049  }
0x2a: {  	s29 =	simm.s32 $0x9;
	_ =	strace $0x8000004B  }
0x2b: {  	_ =	swait.ge [sflag:s29], $0x1  }
0x2c: {  	[sflag:s29] =	ssyncadd.s32 $0xFFFFFFFF  }
0x2d: {  	_ =	strace $0x9000004B  }
0x2e: {  	_ =	sfence  }
0x2f: {  	s30 =	sld [smem:$0x0];
	_ =	sdelay $0x2  }
0x30: {  	s31 =	sshll.u32 s1, $0xD;
	s1 =	sshrl.u32 s1, $0x2  }
0x31: {  	s3 =	sand.u32 $0x4000, s31;
	s1 =	sadd.s32 s1, s30  }
0x32: {  	s0 =	sor.u32 s3, s0;
	s1 =	sshll.u32 s1, $0x11  }
0x33: {  	s0 =	sor.u32 s1, s0  }
0x34: {  	s0 =	sadd.s32 $0x8F2B, s0  }
0x35: {  	[sflag:s0] =	ssyncadd.remote.s32 $0x1  }
0x36: {  	_ =	sfence.sel $0xFFFF  }
0x37: {  	[dreg:$0x0] =	wrdreg $0xFFFFFFFF;
	(pc) =	sbr.abs _section_cstart, $3  }
0x38: {  	[dreg:$0x1] =	wrdreg $0xFFFFFFFF  }
0x39: {  	_ =	task.clear_ibuf [dreg:s7], $0x2FFFF;
	_ =	strace $0x9FFFFFFF  }
0x3a: {  	(tm) =	ssettm $0x7FFFFFFF  }
0x3b: {  	_ =	shalt  }
tec
execute0_lowered:
.L_overlay_start_1:
0x0: {  	(tag) =	ssettag $0x1  }
0x1: {  	s0 =	srdreg.scid  }
0x2: {  	s1 =	sshll.u32 s0, $0x4  }
0x3: {  	s6 =	rddreg [dreg:$0x0];
	s0 =	stileid.u32;
	s1 =	sand.u32 $0x10, s1  }
0x4: {  	s3 =	rddreg [dreg:$0x1];
	s1 =	sor.u32 s0, s1  }
0x5: {  	s5 =	simm.s32 $0x1;
	s31 =	simm.s32 $0x2;
	s2 =	sshll.u32 s1, $0x7  }
0x6: {  	s15 =	simm.s32 $0x0;
	s8 =	simm.s32 $0x20000;
	s4 =	ssub.s32 $0x4000, s2  }
0x7: {  	s14 =	simm.s32 $0x0;
	s9 =	simm.s32 $0x0;
	s30 =	sand.u32 $0xF80, s4  }
0x8: {  	s10 =	simm.s32 $0x0;
	s11 =	simm.s32 $0x0;
	p0 =	sne.s32 s30, $0x0  }
.Ltmp0:
0x9: {  	s7 =	sshrl.u32 s4, $0xC;
	s5 =	simm.s32 @!p0 $0x0;
	(pc) =	sbr.rel .LBB1_1-.Ltmp0, $4  }
0xa: {  	s13 =	simm.s32 $0x0;
	s1 =	rddreg [dreg:$0x2];
	s5 =	sadd.s32 s5, s7  }
0xb: {  	_ =	strace $0x8000004A;
	s4 =	simm.s32 $0x1;
	s5 =	smul.u32 $0x7, s5  }
0xc: {  	s6 =	sadd.s32 $0xA00, s6;
	s12 =	smov.u32 s2;
	[sflag:s4] =	ssyncpa.u1 $0x0  }
0xd: {  	[sflag:s31] =	ssyncpa.u1 $0x0;
	p0 =	por $0x0, $0x0;
	s7 =	sadd.s32 $0x1, s5  }
.LBB1_4:
0xe: {  	s20 =	sshra.s32 s20, $0x2  }
0xf: {  	s28 =	sand.u32 $0x78, s10;
	s21 =	sshll.u32 s9, $0xE;
	s22 =	sshll.u32 s10, $0x3  }
0x10: {  	s24 =	sshll.u32 s9, $0x7;
	p1 =	sgt.s32 s9, $0x2C0;
	s30 =	sshra.s32 s9, $0x1F  }
0x11: {  	s26 =	sshra.s32 s10, $0x1F;
	s19 =	sadd.s32 s20, s19;
	s21 =	sand.u32 $0xFFFE0000, s21  }
0x12: {  	v5 =	vld [tilespmem:s17+$0xFFFFFFD0];
	[tilespmem:s18+$0x2040 ss:$0x81] =	vst.msk $0xffff, v4;
	s23 =	sand.u32 $0xFFFFFC00, s22;
	s29 =	sand.u32 $0x380, s24;
	s22 =	sand.u32 $0x3C00, s22  }
0x13: {  	v58 =	vld [tilespmem:s17+$0xFFFFFFE0];
	[tilespmem:s18+$0x2850 ss:$0x81] =	vst.msk $0xffff, v3;
	s21 =	sadd.s32 s23, s21;
	s20 =	sor.u32 s28, s22;
	s22 =	smov.u32 s9  }
0x14: {  	v59 =	vld [tilespmem:s17+$0xFFFFFFF0];
	[tilespmem:s18+$0x3060 ss:$0x81] =	vst.msk $0xffff, v2;
	s24 =	sand.u32 s30, s9;
	s21 =	sshrl.u32 s21, $0xE;
	s22 =	simm.s32 @!p1 $0x2C0  }
0x15: {  	v60 =	vld [tilespmem:s17+$0x0];
	[tilespmem:s18+$0x0 ss:$0x81] =	vst.msk $0xffff, v1;
	p1 =	sgt.s32 s10, $0x3F80;
	s31 =	ssub.s32 s22, s24;
	s22 =	smov.u32 s10  }
0x16: {  	v61 =	vld [tilespmem:s17+$0x10];
	[tilespmem:s19+$0x3870 ss:$0x81] =	vst.msk $0xffff, v0;
	s25 =	smulhi.u32 $0x4EC4ED, s21;
	s24 =	sand.u32 s26, s10;
	s22 =	simm.s32 @!p1 $0x3F80  }
0x17: {  	v62 =	vld [tilespmem:s17+$0x20];
	s20 =	sor.u32 s29, s20;
	[tilespmem:s19+$0x810 ss:$0x81] =	vst.msk $0xffff, v5;
	s27 =	sadd.s32 $0xFFFFFD40, s31;
	s22 =	ssub.s32 s22, s24  }
0x18: {  	v63 =	vld [tilespmem:s17+$0xFFFFFFC0];
	[tilespmem:s19+$0x1020 ss:$0x81] =	vst.msk $0xffff, v58;
	s18 =	ssub.s32 $0x340, s31;
	s28 =	smul.u32 $0x340, s25;
	s29 =	sadd.s32 $0xFFFFC080, s22  }
0x19: {  	[tilespmem:s19+$0x1830 ss:$0x81] =	vst.msk $0xffff, v59;
	p1 =	sgt.s32 s27, $0x7F;
	s22 =	ssub.s32 $0x4000, s22;
	p2 =	sgt.s32 s29, $0x7F  }
0x1a: {  	s30 =	sand.u32 $0x7, s10;
	[tilespmem:s19+$0x2040 ss:$0x81] =	vst.msk $0xffff, v60;
	s18 =	simm.s32 @p1 $0x0;
	s22 =	simm.s32 @p2 $0x0  }
0x1b: {  	s20 =	sshrl.u32 s20, $0x3;
	[tilespmem:s19+$0x2850 ss:$0x81] =	vst.msk $0xffff, v61;
	s17 =	ssub.s32 s21, s28;
	s18 =	smul.u32 s22, s18  }
0x1c: {  	[tilespmem:s19+$0x3060 ss:$0x81] =	vst.msk $0xffff, v62;
	s20 =	sadd.s32 s3, s20;
	s21 =	sshll.u32 s30, $0x12;
	s17 =	sshll.u32 s17, $0xB  }
0x1d: {  	[tilespmem:s19+$0x0 ss:$0x81] =	vst.msk $0xffff, v63;
	s31 =	sor.u32 $0x400, s21;
	s17 =	sadd.s32 s17, s20;
	s18 =	sand.u32 $0x3FFFFFFF, s18  }
0x1e: {  	[hbm4b:s17+s31] =	stream.strided.scatter [tilespmem:s16], [sflag:$0x2], s18, s8, s31, $0x20;
	[tilespmem:$0x10100] =	vst v63  }
.LBB1_5:
0x1f: {  	p1 =	slt.u32 s13, $0x2  }
0x20: {  	s17 =	smov.u32 s15;
	p2 =	sgt.s32 @!p1 s15, $0x2C0;
	s16 =	sshra.s32 @!p1 s15, $0x1F  }
0x21: {  	p3 =	sgt.s32 @!p1 s14, $0x3F80;
	s18 =	sshra.s32 @!p1 s14, $0x1F;
	p2 =	por !p2, p1  }
0x22: {  	s15 =	sand.u32 @!p1 s16, s15;
	p3 =	por !p3, p1;
	s16 =	smov.u32 s14  }
0x23: {  	s14 =	sand.u32 @!p1 s18, s14;
	s17 =	simm.s32 @p2 $0x2C0;
	s16 =	simm.s32 @p3 $0x3F80  }
0x24: {  	s15 =	ssub.s32 @!p1 s17, s15;
	s14 =	ssub.s32 @!p1 s16, s14  }
0x25: {  	s18 =	smov.u32 s12;
	s16 =	sadd.s32 @!p1 $0xFFFFFD40, s15;
	s17 =	sadd.s32 @!p1 $0xFFFFC080, s14  }
0x26: {  	s15 =	ssub.s32 @!p1 $0x340, s15;
	p2 =	sgt.s32 @!p1 s16, $0x7F;
	p3 =	sgt.s32 @!p1 s17, $0x7F  }
0x27: {  	s14 =	ssub.s32 @!p1 $0x4000, s14;
	p2 =	por !p2, p1;
	p3 =	por !p3, p1  }
0x28: {  	s16 =	sadd.s32 $0x80, s11;
	s15 =	simm.s32 @!p2 $0x0;
	s14 =	simm.s32 @!p3 $0x0  }
0x29: {  	p2 =	sgt.s32 s16, $0x33F;
	s14 =	smul.u32 @!p1 s14, s15;
	s15 =	sadd.s32 $0x1000, s12  }
0x2a: {  	s18 =	smov.u32 @p2 s15  }
0x2b: {  	s16 =	simm.s32 @p2 $0x0;
	p2 =	sgt.s32 s18, $0x3FFF  }
0x2c: {  	s18 =	smov.u32 @p2 s2;
	p2 =	sne.s32 s13, s7  }
.Ltmp1:
0x2d: {  	p0 =	por !p0, !p0;
	s17 =	simm.s32 @!p1 $0x2;
	(pc) =	sbr.rel @!p2 .LBB1_6-.Ltmp1, $4  }
0x2e: {  	s15 =	smov.u32 s9;
	s9 =	smov.u32 s11;
	s14 =	sand.u32 @!p1 $0x3FFFFFFF, s14  }
0x2f: {  	s11 =	smov.u32 s16;
	_ =	swait.ge @!p1 [sflag:s17], s14;
	s19 =	ssub.s32 @!p1 $0x0, s14  }
0x30: {  	s14 =	smov.u32 s10;
	s13 =	sadd.s32 $0x1, s13;
	[sflag:s17] =	ssyncset.done @!p1 $0x0  }
0x31: {  	s10 =	smov.u32 s12;
	s12 =	smov.u32 s18;
	[sflag:s17] =	ssyncadd.s32 @!p1 s19  }
.LBB1_1:
0x32: {  	p1 =	sge.u32 s13, s5  }
0x33: {  	s16 =	sshrl.u32 @!p1 s12, $0x3  }
0x34: {  	s17 =	sshll.u32 @!p1 s11, $0x3;
	s16 =	smul.u32 @!p1 $0x1C00, s16  }
0x35: {  	s18 =	sshll.u32 @!p1 s12, $0x7;
	s17 =	sand.u32 @!p1 $0xFFFFFC00, s17  }
0x36: {  	s16 =	sadd.s32 @!p1 s16, s17;
	s17 =	sand.u32 @!p1 $0x380, s18  }
0x37: {  	s16 =	sor.u32 @!p1 s17, s16  }
0x38: {  	s17 =	sshrl.u32 @!p1 s16, $0x7  }
0x39: {  	s17 =	smulhi.u32 @!p1 $0x24924925, s17;
	_ =	sdelay $0x1  }
0x3a: {  	s18 =	sand.u32 @!p1 $0x7F, s11;
	s19 =	smul.u32 @!p1 $0x380, s17  }
0x3b: {  	s31 =	sadd.s32 $0xFFFFFFFF, s13;
	s16 =	sor.u32 @!p1 s18, s16;
	s18 =	sxor.u32 @!p1 $0xFFFFFFFF, s13  }
0x3c: {  	s18 =	sshll.u32 @!p1 s18, $0xE;
	s17 =	sand.u32 @!p1 $0x3FFF, s17;
	s16 =	ssub.s32 @!p1 s16, s19  }
0x3d: {  	s17 =	smul.u32 @!p1 $0x70, s17;
	s19 =	sshrl.u32 @!p1 s16, $0x3;
	s16 =	sand.u32 @!p1 $0x7, s16  }
0x3e: {  	s18 =	sand.u32 @!p1 $0x4000, s18;
	s19 =	sadd.s32 @!p1 s6, s19;
	s16 =	sshll.u32 @!p1 s16, $0x12  }
0x3f: {  	s17 =	sadd.s32 @!p1 s17, s19;
	s16 =	sor.u32 @!p1 $0x400, s16;
	s19 =	simm.s32 @!p1 $0x1C00  }
0x40: {  	[tilespmem:s18], [sflag:$0x1] =	stream.strided.gather @!p1 [hbm4b:s17+s16], $0x4000, s19, s16, $0x38;
	[tilespmem:$0x10100] =	vst v63  }
0x41: {  	p1 =	sge.u32 s31, s5  }
.Ltmp2:
0x42: {  	_ = 	snop;
	(pc) =	sbr.rel @p1 .LBB1_5-.Ltmp2, $1  }
0x43: {  	_ =	sdelay $0x3  }
0x44: {  	s16 =	simm.s32 $0x1  }
0x45: {  	_ =	swait.ge [sflag:s4], $0x4000;
	s16 =	simm.s32 @!p0 $0x0  }
0x46: {  	[sflag:s4] =	ssyncset.done $0x0;
	s17 =	sshll.u32 s16, $0xE  }
0x47: {  	[sflag:s4] =	ssyncadd.s32 $0xFFFFC000;
	s17 =	sor.u32 $0x40, s17  }
0x48: {  	s16 =	smul.u32 $0x10200, s16;
	v0 =	vld [tilespmem:s17+$0x30]  }
0x49: {  	v1 =	vld [tilespmem:s17+$0xFFFFFFD0]  }
0x4a: {  	s16 =	sshrl.u32 s16, $0x2;
	v5 =	vld [tilespmem:s17+$0xFFFFFFE0]  }
0x4b: {  	v6 =	vld [tilespmem:s17+$0xFFFFFFF0];
	s19 =	sor.u32 $0x8000, s16  }
0x4c: {  	s31 =	sand.u32 $0x1, s13;
	v4 =	vld [tilespmem:s17+$0x0];
	s18 =	sadd.s32 $0x0, s19  }
0x4d: {  	v3 =	vld [tilespmem:s17+$0x10];
	s16 =	smul.u32 $0x10200, s31;
	[tilespmem:s18+$0x3870 ss:$0x81] =	vst.msk $0xffff, v0  }
0x4e: {  	v2 =	vld [tilespmem:s17+$0x20];
	[tilespmem:s18+$0x810 ss:$0x81] =	vst.msk $0xffff, v1  }
0x4f: {  	s16 =	sshrl.u32 s16, $0x2;
	v1 =	vld [tilespmem:s17+$0xFFFFFFC0];
	[tilespmem:s18+$0x1020 ss:$0x81] =	vst.msk $0xffff, v5;
	s17 =	sadd.s32 $0x80, s17  }
0x50: {  	s20 =	simm.s32 $0x4;
	s21 =	simm.s32 $0x8;
	s16 =	sor.u32 $0x8000, s16;
	[tilespmem:s18+$0x1830 ss:$0x81] =	vst.msk $0xffff, v6;
	v0 =	vld [tilespmem:s17+$0x30]  }
.LBB1_3:
0x51: {  	p1 =	sne.s32 s21, $0x1FC;
	v5 =	vld [tilespmem:s17+$0xFFFFFFD0];
	[tilespmem:s18+$0x2040 ss:$0x81] =	vst.msk $0xffff, v4  }
0x52: {  	v6 =	vld [tilespmem:s17+$0xFFFFFFE0];
	[tilespmem:s18+$0x2850 ss:$0x81] =	vst.msk $0xffff, v3  }
0x53: {  	s22 =	sshra.s32 s20, $0x2;
	s20 =	smov.u32 s21;
	v7 =	vld [tilespmem:s17+$0xFFFFFFF0];
	[tilespmem:s18+$0x3060 ss:$0x81] =	vst.msk $0xffff, v2  }
.Ltmp3:
0x54: {  	v4 =	vld [tilespmem:s17+$0x0];
	[tilespmem:s18+$0x0 ss:$0x81] =	vst.msk $0xffff, v1;
	s18 =	sadd.s32 s22, s19;
	(pc) =	sbr.rel @p1 .LBB1_3-.Ltmp3, $4  }
0x55: {  	v3 =	vld [tilespmem:s17+$0x10];
	[tilespmem:s18+$0x3870 ss:$0x81] =	vst.msk $0xffff, v0  }
0x56: {  	[tilespmem:s18+$0x810 ss:$0x81] =	vst.msk $0xffff, v5;
	v2 =	vld [tilespmem:s17+$0x20]  }
0x57: {  	v1 =	vld [tilespmem:s17+$0xFFFFFFC0];
	[tilespmem:s18+$0x1020 ss:$0x81] =	vst.msk $0xffff, v6;
	s17 =	sadd.s32 $0x80, s17  }
0x58: {  	s21 =	sadd.s32 $0x4, s21;
	v0 =	vld [tilespmem:s17+$0x30];
	[tilespmem:s18+$0x1830 ss:$0x81] =	vst.msk $0xffff, v7  }
.Ltmp4:
0x59: {  	_ = 	snop;
	(pc) =	sbr.rel .LBB1_4-.Ltmp4, $1  }
0x5a: {  	_ =	sdelay $0x3  }
.LBB1_6:
0x5b: {  	_ =	sfence.sel $0x180000  }
0x5c: {  	s2 =	simm.s32 $0x1;
	[bflag:$0x0] =	sbarrier.arrive $0xFFFF  }
0x5d: {  	s31 =	simm.s32 $0x2;
	[sflag:s2] =	ssyncpa.u1 $0x1  }
0x5e: {  	[sflag:s31] =	ssyncpa.u1 $0x1  }
0x5f: {  	p0 =	sne.s32 s0, $0x0;
	_ =	strace $0x9000004A  }
0x60: {  	s0 =	sadd.s32 @!p0 $0x100000, s1;
	[bflag:$0x2] =	sbarrier.arrive $0xFFFF  }
0x61: {  	[sflag:s0] =	ssyncadd.tile.s32 @!p0 $0x1;
	_ =	shalt  }
.Lfunc_end1:
_tile_overlayer_lowered:
.L_overlay_start_2:
0x62: {  	(tag) =	ssettag $0x2  }
0x63: {  	s0 =	rddreg [dreg:$0x0];
	s2 =	stileid.u32  }
0x64: {  	s1 =	rddreg [dreg:$0x1];
	p0 =	sne.s32 s2, $0x0  }
0x65: {  	s3 =	rddreg [dreg:$0x2];
	[bflag:$0x3] =	sbarrier.arrive $0xFFFF;
	s2 =	simm.s32 @!p0 $0x1C01  }
0x66: {  	[timem:s3], [sflag:s2] =	dma.local @!p0 [hbm:s0], s1  }
0x67: {  	s0 =	simm.s32 @!p0 $0x1  }
0x68: {  	_ =	swait.ge @!p0 [sflag:s0], s1  }
0x69: {  	s1 =	ssub.s32 @!p0 $0x0, s1;
	[sflag:s0] =	ssyncset.done @!p0 $0x0  }
0x6a: {  	[sflag:s0] =	ssyncadd.s32 @!p0 s1  }
0x6b: {  	[bflag:$0x3] =	sbarrier.arrive $0xFFFF  }
0x6c: {  	_ =	shalt  }

</sc_bundles>
